<compile_context>
chip_gen: v7x
topology: tpu7x:2x2x1
jax: 0.10.2.dev20260603
libtpu: 0.0.44.dev20260713+nightly
codegen_flags: <defaults>
</compile_context>

<pallas_src>
import functools

import jax
import jax.numpy as jnp
from jax import lax
from jax.experimental import pallas as pl
from jax.experimental.pallas import tpu as pltpu
from jax.experimental.pallas import tpu_sc as plsc

ROWS = 16384
COLS = 1024
WCOLS = COLS // 4
NW = 32
ROWS_W = ROWS // NW
BR = 8
NBLK = ROWS_W // BR
CGR = COLS // 64


def _sc_body(yp_hbm, yt_hbm, mk_hbm, out_sum, out_cnt,
             p0, p1, t0, t1, m0, m1, stage, sem0, sem1):
    wid = lax.axis_index("s") * 2 + lax.axis_index("c")
    base = wid * ROWS_W

    pbufs = (p0, p1)
    tbufs = (t0, t1)
    mbufs = (m0, m1)
    sems = (sem0, sem1)

    def copies(blk_idx, slot):
        r0 = pl.multiple_of(base + blk_idx * BR, BR)
        return (
            pltpu.make_async_copy(yp_hbm.at[pl.ds(r0, BR), :], pbufs[slot], sems[slot]),
            pltpu.make_async_copy(yt_hbm.at[pl.ds(r0, BR), :], tbufs[slot], sems[slot]),
            pltpu.make_async_copy(mk_hbm.at[pl.ds(r0, BR), :], mbufs[slot], sems[slot]),
        )

    for c in copies(0, 0):
        c.start()

    lanes = lax.iota(jnp.int32, 16)
    idxc = lanes >> 2
    shl = (3 - (lanes & 3)) << 3

    def make_group_body(slot, r):
        def group_body(g, carry):
            a0, a1, a2, a3, cacc = carry
            w = mbufs[slot][r, pl.ds(g * 16, 16)]
            gb = g * 64
            accs = []
            for v, a in enumerate((a0, a1, a2, a3)):
                wv = jnp.take_along_axis(w, idxc + (4 * v), axis=0)
                t = wv << shl
                d = jnp.abs(pbufs[slot][r, pl.ds(gb + 16 * v, 16)]
                            - tbufs[slot][r, pl.ds(gb + 16 * v, 16)])
                accs.append(a + jnp.where(t > 0x00FFFFFF, d, 0.0))
            cacc = cacc + (w & 0x01010101)
            return accs[0], accs[1], accs[2], accs[3], cacc
        return group_body

    def outer(c2, carry):
        a0, a1, a2, a3, cnt = carry
        for b in (0, 1):
            cur = c2 * 2 + b
            for c in copies(cur, b):
                c.wait()
            nxt = lax.rem(cur + 1, NBLK)
            for c in copies(nxt, 1 - b):
                c.start()
            cacc = jnp.zeros((16,), jnp.int32)
            for r in range(BR):
                a0, a1, a2, a3, cacc = lax.fori_loop(
                    0, CGR, make_group_body(b, r), (a0, a1, a2, a3, cacc))
            cnt = (cnt + (cacc & 0xFF) + ((cacc >> 8) & 0xFF)
                   + ((cacc >> 16) & 0xFF) + ((cacc >> 24) & 0xFF))
        return a0, a1, a2, a3, cnt

    zf = jnp.zeros((16,), jnp.float32)
    a0, a1, a2, a3, cnt = lax.fori_loop(
        0, NBLK // 2, outer, (zf, zf, zf, zf, jnp.zeros((16,), jnp.int32)))

    for c in copies(0, 0):
        c.wait()

    stage[pl.ds(0, 16)] = (a0 + a1) + (a2 + a3)
    stage[pl.ds(16, 16)] = cnt.astype(jnp.float32)
    pltpu.sync_copy(stage.at[pl.ds(0, 16)], out_sum.at[pl.ds(wid * 16, 16)])
    pltpu.sync_copy(stage.at[pl.ds(16, 16)], out_cnt.at[pl.ds(wid * 16, 16)])


_sc_call = functools.partial(
    pl.kernel,
    out_type=[
        jax.ShapeDtypeStruct((NW * 16,), jnp.float32),
        jax.ShapeDtypeStruct((NW * 16,), jnp.float32),
    ],
    mesh=plsc.VectorSubcoreMesh(core_axis_name="c", subcore_axis_name="s"),
    scratch_types=[
        pltpu.VMEM((BR, COLS), jnp.float32),
        pltpu.VMEM((BR, COLS), jnp.float32),
        pltpu.VMEM((BR, COLS), jnp.float32),
        pltpu.VMEM((BR, COLS), jnp.float32),
        pltpu.VMEM((BR, WCOLS), jnp.int32),
        pltpu.VMEM((BR, WCOLS), jnp.int32),
        pltpu.VMEM((32,), jnp.float32),
        pltpu.SemaphoreType.DMA,
        pltpu.SemaphoreType.DMA,
    ],
)(_sc_body)


def kernel(y_pred, y_true, mask):
    yp = y_pred.reshape(ROWS, COLS)
    yt = y_true.reshape(ROWS, COLS)
    mk = mask.reshape(ROWS, COLS).view(jnp.int8).view(jnp.int32)
    sums, cnts = _sc_call(yp, yt, mk)
    return jnp.sqrt(jnp.sum(sums) / jnp.sum(cnts))

# --- scband reference (transcript-rebuilt; emitter-appended) ---
"""Pipeline reference for scband-masked-l1-loss-3410204033201 (READ-ONLY COPY).

The authoritative reference and input builder live on the scoring server;
editing this copy changes nothing except your own understanding.
"""

import jax, jax.numpy as jnp
import numpy as np


def setup_inputs(seed: int = 0) -> dict:
    key = jax.random.key(seed)
    k1, k2, k3 = jax.random.split(key, 3)
    shape = (4, 4096, 1024)
    y_pred = jax.random.normal(k1, shape, dtype=jnp.float32)
    y_true = jax.random.normal(k2, shape, dtype=jnp.float32)
    mask = jax.random.randint(k3, shape, 0, 2).astype(jnp.bool_)
    return {"y_pred": y_pred, "y_true": y_true, "mask": mask}


def reference(y_pred, y_true, mask):
    # torch.masked_select + l1_loss(reduction='none').mean() is mathematically
    # sum(|pred - true| * mask) / sum(mask); then sqrt of that mean.
    m = mask.astype(jnp.float32)
    diff = jnp.abs(y_pred.astype(jnp.float32) - y_true.astype(jnp.float32))
    masked_sum = jnp.sum(diff * m)
    count = jnp.sum(m)
    mean = masked_sum / count
    return jnp.sqrt(mean)

if __name__ == "__main__":
    import jax
    _d = setup_inputs()
    print(jax.jit(kernel)(*tuple(_d.values())))

</pallas_src>

<mosaic_0001>
#map = affine_map<(d0, d1) -> (0, 0)>
#map1 = affine_map<(d0, d1) -> (0)>
module attributes {stable_mosaic.version = 14 : i64} {
  func.func @_sc_body(%arg0: i32, %arg1: i32, %arg2: memref<16384x1024xf32, #tpu.memory_space<hbm>>, %arg3: memref<16384x1024xf32, #tpu.memory_space<hbm>>, %arg4: memref<16384x256xi32, #tpu.memory_space<hbm>>, %arg5: memref<512xf32, #tpu.memory_space<hbm>>, %arg6: memref<512xf32, #tpu.memory_space<hbm>>, %arg7: memref<8x1024xf32, #tpu.memory_space<vmem>>, %arg8: memref<8x1024xf32, #tpu.memory_space<vmem>>, %arg9: memref<8x1024xf32, #tpu.memory_space<vmem>>, %arg10: memref<8x1024xf32, #tpu.memory_space<vmem>>, %arg11: memref<8x256xi32, #tpu.memory_space<vmem>>, %arg12: memref<8x256xi32, #tpu.memory_space<vmem>>, %arg13: memref<32xf32, #tpu.memory_space<vmem>>, %arg14: memref<!tpu.dma_semaphore, #tpu.memory_space<semaphore_mem>>, %arg15: memref<!tpu.dma_semaphore, #tpu.memory_space<semaphore_mem>>) attributes {dimension_semantics = [#tpu.dimension_semantics<core_parallel>, #tpu.dimension_semantics<subcore_parallel>], iteration_bounds = array<i64: 2, 16>, scalar_prefetch = 0 : i64, scratch_operands = 9 : i64, tpu.core_type = #tpu.core_type<sc_vector_subcore>, window_params = [{transform_indices = #map}, {transform_indices = #map}, {transform_indices = #map}, {transform_indices = #map1}, {transform_indices = #map1}]} {
    %mul3A = arith.constant 2 : i32
    %mul3A_0 = arith.muli %arg1, %mul3A : i32
    %add3A = arith.addi %mul3A_0, %arg0 : i32
    %mul3A_1 = arith.constant 512 : i32
    %mul3A_2 = arith.muli %add3A, %mul3A_1 : i32
    %add3A_3 = arith.constant 0 : i32
    %add3A_4 = arith.addi %mul3A_2, %add3A_3 : i32
    %multiple_of3A = tpu.assume_multiple %add3A_4, 8 : i32
    %dma_start3A = arith.constant 0 : i32
    %dma_start3A_5 = tpu.memref_slice %arg2[%multiple_of3A, %dma_start3A] : memref<16384x1024xf32, #tpu.memory_space<hbm>> -> memref<8x1024xf32, #tpu.memory_space<hbm>>
    %dma_start3A_6 = arith.constant 0 : i32
    %dma_start3A_7 = tpu.memref_slice %arg2[%multiple_of3A, %dma_start3A_6] : memref<16384x1024xf32, #tpu.memory_space<hbm>> -> memref<8x1024xf32, #tpu.memory_space<hbm>>
    tpu.enqueue_dma source(%dma_start3A_7 : memref<8x1024xf32, #tpu.memory_space<hbm>>) target(%arg7 : memref<8x1024xf32, #tpu.memory_space<vmem>>) target_semaphore(%arg14 : memref<!tpu.dma_semaphore, #tpu.memory_space<semaphore_mem>>)
    %dma_start3A_8 = arith.constant 0 : i32
    %dma_start3A_9 = tpu.memref_slice %arg3[%multiple_of3A, %dma_start3A_8] : memref<16384x1024xf32, #tpu.memory_space<hbm>> -> memref<8x1024xf32, #tpu.memory_space<hbm>>
    %dma_start3A_10 = arith.constant 0 : i32
    %dma_start3A_11 = tpu.memref_slice %arg3[%multiple_of3A, %dma_start3A_10] : memref<16384x1024xf32, #tpu.memory_space<hbm>> -> memref<8x1024xf32, #tpu.memory_space<hbm>>
    tpu.enqueue_dma source(%dma_start3A_11 : memref<8x1024xf32, #tpu.memory_space<hbm>>) target(%arg9 : memref<8x1024xf32, #tpu.memory_space<vmem>>) target_semaphore(%arg14 : memref<!tpu.dma_semaphore, #tpu.memory_space<semaphore_mem>>)
    %dma_start3A_12 = arith.constant 0 : i32
    %dma_start3A_13 = tpu.memref_slice %arg4[%multiple_of3A, %dma_start3A_12] : memref<16384x256xi32, #tpu.memory_space<hbm>> -> memref<8x256xi32, #tpu.memory_space<hbm>>
    %dma_start3A_14 = arith.constant 0 : i32
    %dma_start3A_15 = tpu.memref_slice %arg4[%multiple_of3A, %dma_start3A_14] : memref<16384x256xi32, #tpu.memory_space<hbm>> -> memref<8x256xi32, #tpu.memory_space<hbm>>
    tpu.enqueue_dma source(%dma_start3A_15 : memref<8x256xi32, #tpu.memory_space<hbm>>) target(%arg11 : memref<8x256xi32, #tpu.memory_space<vmem>>) target_semaphore(%arg14 : memref<!tpu.dma_semaphore, #tpu.memory_space<semaphore_mem>>)
    %iota3A = tpu.iota {dimensions = array<i32: 0>} : vector<16xi32>
    %shift_right_arithmetic3A = arith.constant 2 : i32
    %shift_right_arithmetic3A_16 = vector.broadcast %shift_right_arithmetic3A : i32 to vector<16xi32>
    %shift_right_arithmetic3A_17 = arith.shrsi %iota3A, %shift_right_arithmetic3A_16 : vector<16xi32>
    %and3A = arith.constant 3 : i32
    %and3A_18 = vector.broadcast %and3A : i32 to vector<16xi32>
    %and3A_19 = arith.andi %iota3A, %and3A_18 : vector<16xi32>
    %sub3A = arith.constant 3 : i32
    %sub3A_20 = vector.broadcast %sub3A : i32 to vector<16xi32>
    %sub3A_21 = arith.subi %sub3A_20, %and3A_19 : vector<16xi32>
    %shift_left3A = arith.constant 3 : i32
    %shift_left3A_22 = vector.broadcast %shift_left3A : i32 to vector<16xi32>
    %shift_left3A_23 = arith.shli %sub3A_21, %shift_left3A_22 : vector<16xi32>
    %broadcast_in_dim3A = arith.constant 0.000000e+00 : f32
    %broadcast_in_dim3A_24 = vector.broadcast %broadcast_in_dim3A : f32 to vector<16xf32>
    %broadcast_in_dim3A_25 = arith.constant 0 : i32
    %broadcast_in_dim3A_26 = vector.broadcast %broadcast_in_dim3A_25 : i32 to vector<16xi32>
    %scan3A = arith.constant 0 : i32
    %scan3A_27 = arith.constant 32 : i32
    %scan3A_28 = arith.addi %scan3A, %scan3A_27 : i32
    %scan3A_29 = arith.constant 1 : i32
    %scan3A_30:5 = scf.for %scan3A_60 = %scan3A to %scan3A_28 step %scan3A_29 iter_args(%scan3A_61 = %broadcast_in_dim3A_24, %scan3A_62 = %broadcast_in_dim3A_24, %scan3A_63 = %broadcast_in_dim3A_24, %scan3A_64 = %broadcast_in_dim3A_24, %scan3A_65 = %broadcast_in_dim3A_26) -> (vector<16xf32>, vector<16xf32>, vector<16xf32>, vector<16xf32>, vector<16xi32>)  : i32 {
      %mul3A_66 = arith.constant 2 : i32
      %mul3A_67 = arith.muli %scan3A_60, %mul3A_66 : i32
      %add3A_68 = arith.constant 0 : i32
      %add3A_69 = arith.addi %mul3A_67, %add3A_68 : i32
      %mul3A_70 = arith.constant 8 : i32
      %mul3A_71 = arith.muli %add3A_69, %mul3A_70 : i32
      %add3A_72 = arith.addi %mul3A_2, %mul3A_71 : i32
      %multiple_of3A_73 = tpu.assume_multiple %add3A_72, 8 : i32
      %dma_wait3A_74 = arith.constant 0 : i32
      %dma_wait3A_75 = tpu.memref_slice %arg2[%multiple_of3A_73, %dma_wait3A_74] : memref<16384x1024xf32, #tpu.memory_space<hbm>> -> memref<8x1024xf32, #tpu.memory_space<hbm>>
      %dma_wait3A_76 = arith.constant 0 : i32
      %dma_wait3A_77 = tpu.memref_slice %arg2[%multiple_of3A_73, %dma_wait3A_76] : memref<16384x1024xf32, #tpu.memory_space<hbm>> -> memref<8x1024xf32, #tpu.memory_space<hbm>>
      tpu.wait_dma2 semaphore(%arg14 : memref<!tpu.dma_semaphore, #tpu.memory_space<semaphore_mem>>) src(%dma_wait3A_77 : memref<8x1024xf32, #tpu.memory_space<hbm>>) dst(%arg7 : memref<8x1024xf32, #tpu.memory_space<vmem>>)
      %dma_wait3A_78 = arith.constant 0 : i32
      %dma_wait3A_79 = tpu.memref_slice %arg3[%multiple_of3A_73, %dma_wait3A_78] : memref<16384x1024xf32, #tpu.memory_space<hbm>> -> memref<8x1024xf32, #tpu.memory_space<hbm>>
      %dma_wait3A_80 = arith.constant 0 : i32
      %dma_wait3A_81 = tpu.memref_slice %arg3[%multiple_of3A_73, %dma_wait3A_80] : memref<16384x1024xf32, #tpu.memory_space<hbm>> -> memref<8x1024xf32, #tpu.memory_space<hbm>>
      tpu.wait_dma2 semaphore(%arg14 : memref<!tpu.dma_semaphore, #tpu.memory_space<semaphore_mem>>) src(%dma_wait3A_81 : memref<8x1024xf32, #tpu.memory_space<hbm>>) dst(%arg9 : memref<8x1024xf32, #tpu.memory_space<vmem>>)
      %dma_wait3A_82 = arith.constant 0 : i32
      %dma_wait3A_83 = tpu.memref_slice %arg4[%multiple_of3A_73, %dma_wait3A_82] : memref<16384x256xi32, #tpu.memory_space<hbm>> -> memref<8x256xi32, #tpu.memory_space<hbm>>
      %dma_wait3A_84 = arith.constant 0 : i32
      %dma_wait3A_85 = tpu.memref_slice %arg4[%multiple_of3A_73, %dma_wait3A_84] : memref<16384x256xi32, #tpu.memory_space<hbm>> -> memref<8x256xi32, #tpu.memory_space<hbm>>
      tpu.wait_dma2 semaphore(%arg14 : memref<!tpu.dma_semaphore, #tpu.memory_space<semaphore_mem>>) src(%dma_wait3A_85 : memref<8x256xi32, #tpu.memory_space<hbm>>) dst(%arg11 : memref<8x256xi32, #tpu.memory_space<vmem>>)
      %add3A_86 = arith.constant 1 : i32
      %add3A_87 = arith.addi %add3A_69, %add3A_86 : i32
      %rem3A = arith.constant 64 : i32
      %rem3A_88 = arith.remsi %add3A_87, %rem3A : i32
      %mul3A_89 = arith.constant 8 : i32
      %mul3A_90 = arith.muli %rem3A_88, %mul3A_89 : i32
      %add3A_91 = arith.addi %mul3A_2, %mul3A_90 : i32
      %multiple_of3A_92 = tpu.assume_multiple %add3A_91, 8 : i32
      %dma_start3A_93 = arith.constant 0 : i32
      %dma_start3A_94 = tpu.memref_slice %arg2[%multiple_of3A_92, %dma_start3A_93] : memref<16384x1024xf32, #tpu.memory_space<hbm>> -> memref<8x1024xf32, #tpu.memory_space<hbm>>
      %dma_start3A_95 = arith.constant 0 : i32
      %dma_start3A_96 = tpu.memref_slice %arg2[%multiple_of3A_92, %dma_start3A_95] : memref<16384x1024xf32, #tpu.memory_space<hbm>> -> memref<8x1024xf32, #tpu.memory_space<hbm>>
      tpu.enqueue_dma source(%dma_start3A_96 : memref<8x1024xf32, #tpu.memory_space<hbm>>) target(%arg8 : memref<8x1024xf32, #tpu.memory_space<vmem>>) target_semaphore(%arg15 : memref<!tpu.dma_semaphore, #tpu.memory_space<semaphore_mem>>)
      %dma_start3A_97 = arith.constant 0 : i32
      %dma_start3A_98 = tpu.memref_slice %arg3[%multiple_of3A_92, %dma_start3A_97] : memref<16384x1024xf32, #tpu.memory_space<hbm>> -> memref<8x1024xf32, #tpu.memory_space<hbm>>
      %dma_start3A_99 = arith.constant 0 : i32
      %dma_start3A_100 = tpu.memref_slice %arg3[%multiple_of3A_92, %dma_start3A_99] : memref<16384x1024xf32, #tpu.memory_space<hbm>> -> memref<8x1024xf32, #tpu.memory_space<hbm>>
      tpu.enqueue_dma source(%dma_start3A_100 : memref<8x1024xf32, #tpu.memory_space<hbm>>) target(%arg10 : memref<8x1024xf32, #tpu.memory_space<vmem>>) target_semaphore(%arg15 : memref<!tpu.dma_semaphore, #tpu.memory_space<semaphore_mem>>)
      %dma_start3A_101 = arith.constant 0 : i32
      %dma_start3A_102 = tpu.memref_slice %arg4[%multiple_of3A_92, %dma_start3A_101] : memref<16384x256xi32, #tpu.memory_space<hbm>> -> memref<8x256xi32, #tpu.memory_space<hbm>>
      %dma_start3A_103 = arith.constant 0 : i32
      %dma_start3A_104 = tpu.memref_slice %arg4[%multiple_of3A_92, %dma_start3A_103] : memref<16384x256xi32, #tpu.memory_space<hbm>> -> memref<8x256xi32, #tpu.memory_space<hbm>>
      tpu.enqueue_dma source(%dma_start3A_104 : memref<8x256xi32, #tpu.memory_space<hbm>>) target(%arg12 : memref<8x256xi32, #tpu.memory_space<vmem>>) target_semaphore(%arg15 : memref<!tpu.dma_semaphore, #tpu.memory_space<semaphore_mem>>)
      %broadcast_in_dim3A_105 = arith.constant 0 : i32
      %broadcast_in_dim3A_106 = vector.broadcast %broadcast_in_dim3A_105 : i32 to vector<16xi32>
      %scan3A_107 = arith.constant 0 : i32
      %scan3A_108 = arith.constant 16 : i32
      %scan3A_109 = arith.addi %scan3A_107, %scan3A_108 : i32
      %scan3A_110 = arith.constant 1 : i32
      %scan3A_111:5 = scf.for %scan3A_295 = %scan3A_107 to %scan3A_109 step %scan3A_110 iter_args(%scan3A_296 = %scan3A_61, %scan3A_297 = %scan3A_62, %scan3A_298 = %scan3A_63, %scan3A_299 = %scan3A_64, %scan3A_300 = %broadcast_in_dim3A_106) -> (vector<16xf32>, vector<16xf32>, vector<16xf32>, vector<16xf32>, vector<16xi32>)  : i32 {
        %mul3A_301 = arith.constant 16 : i32
        %mul3A_302 = arith.muli %scan3A_295, %mul3A_301 : i32
        %get3A = arith.constant 0 : i32
        %get3A_303 = arith.index_cast %get3A : i32 to index
        %get3A_304 = arith.index_cast %mul3A_302 : i32 to index
        %get3A_305 = tpu.vector_load %arg11[%get3A_303, %get3A_304] {strides = array<i32>} : memref<8x256xi32, #tpu.memory_space<vmem>>, vector<1x16xi32>,
        %get3A_306 = vector.shape_cast %get3A_305 : vector<1x16xi32> to vector<16xi32>
        %mul3A_307 = arith.constant 64 : i32
        %mul3A_308 = arith.muli %scan3A_295, %mul3A_307 : i32
        %add3A_309 = arith.constant 0 : i32
        %add3A_310 = vector.broadcast %add3A_309 : i32 to vector<16xi32>
        %add3A_311 = arith.addi %shift_right_arithmetic3A_17, %add3A_310 : vector<16xi32>
        %lt3A = arith.constant 0 : i32
        %lt3A_312 = vector.broadcast %lt3A : i32 to vector<16xi32>
        %lt3A_313 = arith.cmpi slt, %add3A_311, %lt3A_312 : vector<16xi32>
        %add3A_314 = arith.constant 16 : i32
        %add3A_315 = vector.broadcast %add3A_314 : i32 to vector<16xi32>
        %add3A_316 = arith.addi %add3A_311, %add3A_315 : vector<16xi32>
        %select_n3A = arith.select %lt3A_313, %add3A_316, %add3A_311 : vector<16xi1>, vector<16xi32>
        %reshape3A = vector.shape_cast %select_n3A : vector<16xi32> to vector<16x1xi32>
        %gather3A = vector.shape_cast %reshape3A : vector<16x1xi32> to vector<16xi32>
        %gather3A_317 = tpu.dynamic_gather %get3A_306[%gather3A] in [0] : vector<16xi32>, vector<16xi32> -> vector<16xi32>
        %shift_left3A_318 = arith.shli %gather3A_317, %shift_left3A_23 : vector<16xi32>
        %add3A_319 = arith.constant 0 : i32
        %add3A_320 = arith.addi %mul3A_308, %add3A_319 : i32
        %get3A_321 = arith.constant 0 : i32
        %get3A_322 = arith.index_cast %get3A_321 : i32 to index
        %get3A_323 = arith.index_cast %add3A_320 : i32 to index
        %get3A_324 = tpu.vector_load %arg7[%get3A_322, %get3A_323] {strides = array<i32>} : memref<8x1024xf32, #tpu.memory_space<vmem>>, vector<1x16xf32>,
        %get3A_325 = vector.shape_cast %get3A_324 : vector<1x16xf32> to vector<16xf32>
        %add3A_326 = arith.constant 0 : i32
        %add3A_327 = arith.addi %mul3A_308, %add3A_326 : i32
        %get3A_328 = arith.constant 0 : i32
        %get3A_329 = arith.index_cast %get3A_328 : i32 to index
        %get3A_330 = arith.index_cast %add3A_327 : i32 to index
        %get3A_331 = tpu.vector_load %arg9[%get3A_329, %get3A_330] {strides = array<i32>} : memref<8x1024xf32, #tpu.memory_space<vmem>>, vector<1x16xf32>,
        %get3A_332 = vector.shape_cast %get3A_331 : vector<1x16xf32> to vector<16xf32>
        %sub3A_333 = arith.subf %get3A_325, %get3A_332 : vector<16xf32>
        %abs3A = math.absf %sub3A_333 : vector<16xf32>
        %gt3A = arith.constant 16777215 : i32
        %gt3A_334 = vector.broadcast %gt3A : i32 to vector<16xi32>
        %gt3A_335 = arith.cmpi sgt, %shift_left3A_318, %gt3A_334 : vector<16xi32>
        %jit3A = arith.constant 0.000000e+00 : f32
        %broadcast_in_dim3A_336 = vector.broadcast %jit3A : f32 to vector<16xf32>
        %select_n3A_337 = arith.select %gt3A_335, %abs3A, %broadcast_in_dim3A_336 : vector<16xi1>, vector<16xf32>
        %add3A_338 = arith.addf %scan3A_296, %select_n3A_337 : vector<16xf32>
        %add3A_339 = arith.constant 4 : i32
        %add3A_340 = vector.broadcast %add3A_339 : i32 to vector<16xi32>
        %add3A_341 = arith.addi %shift_right_arithmetic3A_17, %add3A_340 : vector<16xi32>
        %lt3A_342 = arith.constant 0 : i32
        %lt3A_343 = vector.broadcast %lt3A_342 : i32 to vector<16xi32>
        %lt3A_344 = arith.cmpi slt, %add3A_341, %lt3A_343 : vector<16xi32>
        %add3A_345 = arith.constant 16 : i32
        %add3A_346 = vector.broadcast %add3A_345 : i32 to vector<16xi32>
        %add3A_347 = arith.addi %add3A_341, %add3A_346 : vector<16xi32>
        %select_n3A_348 = arith.select %lt3A_344, %add3A_347, %add3A_341 : vector<16xi1>, vector<16xi32>
        %reshape3A_349 = vector.shape_cast %select_n3A_348 : vector<16xi32> to vector<16x1xi32>
        %gather3A_350 = vector.shape_cast %reshape3A_349 : vector<16x1xi32> to vector<16xi32>
        %gather3A_351 = tpu.dynamic_gather %get3A_306[%gather3A_350] in [0] : vector<16xi32>, vector<16xi32> -> vector<16xi32>
        %shift_left3A_352 = arith.shli %gather3A_351, %shift_left3A_23 : vector<16xi32>
        %add3A_353 = arith.constant 16 : i32
        %add3A_354 = arith.addi %mul3A_308, %add3A_353 : i32
        %get3A_355 = arith.constant 0 : i32
        %get3A_356 = arith.index_cast %get3A_355 : i32 to index
        %get3A_357 = arith.index_cast %add3A_354 : i32 to index
        %get3A_358 = tpu.vector_load %arg7[%get3A_356, %get3A_357] {strides = array<i32>} : memref<8x1024xf32, #tpu.memory_space<vmem>>, vector<1x16xf32>,
        %get3A_359 = vector.shape_cast %get3A_358 : vector<1x16xf32> to vector<16xf32>
        %add3A_360 = arith.constant 16 : i32
        %add3A_361 = arith.addi %mul3A_308, %add3A_360 : i32
        %get3A_362 = arith.constant 0 : i32
        %get3A_363 = arith.index_cast %get3A_362 : i32 to index
        %get3A_364 = arith.index_cast %add3A_361 : i32 to index
        %get3A_365 = tpu.vector_load %arg9[%get3A_363, %get3A_364] {strides = array<i32>} : memref<8x1024xf32, #tpu.memory_space<vmem>>, vector<1x16xf32>,
        %get3A_366 = vector.shape_cast %get3A_365 : vector<1x16xf32> to vector<16xf32>
        %sub3A_367 = arith.subf %get3A_359, %get3A_366 : vector<16xf32>
        %abs3A_368 = math.absf %sub3A_367 : vector<16xf32>
        %gt3A_369 = arith.constant 16777215 : i32
        %gt3A_370 = vector.broadcast %gt3A_369 : i32 to vector<16xi32>
        %gt3A_371 = arith.cmpi sgt, %shift_left3A_352, %gt3A_370 : vector<16xi32>
        %jit3A_372 = arith.constant 0.000000e+00 : f32
        %broadcast_in_dim3A_373 = vector.broadcast %jit3A_372 : f32 to vector<16xf32>
        %select_n3A_374 = arith.select %gt3A_371, %abs3A_368, %broadcast_in_dim3A_373 : vector<16xi1>, vector<16xf32>
        %add3A_375 = arith.addf %scan3A_297, %select_n3A_374 : vector<16xf32>
        %add3A_376 = arith.constant 8 : i32
        %add3A_377 = vector.broadcast %add3A_376 : i32 to vector<16xi32>
        %add3A_378 = arith.addi %shift_right_arithmetic3A_17, %add3A_377 : vector<16xi32>
        %lt3A_379 = arith.constant 0 : i32
        %lt3A_380 = vector.broadcast %lt3A_379 : i32 to vector<16xi32>
        %lt3A_381 = arith.cmpi slt, %add3A_378, %lt3A_380 : vector<16xi32>
        %add3A_382 = arith.constant 16 : i32
        %add3A_383 = vector.broadcast %add3A_382 : i32 to vector<16xi32>
        %add3A_384 = arith.addi %add3A_378, %add3A_383 : vector<16xi32>
        %select_n3A_385 = arith.select %lt3A_381, %add3A_384, %add3A_378 : vector<16xi1>, vector<16xi32>
        %reshape3A_386 = vector.shape_cast %select_n3A_385 : vector<16xi32> to vector<16x1xi32>
        %gather3A_387 = vector.shape_cast %reshape3A_386 : vector<16x1xi32> to vector<16xi32>
        %gather3A_388 = tpu.dynamic_gather %get3A_306[%gather3A_387] in [0] : vector<16xi32>, vector<16xi32> -> vector<16xi32>
        %shift_left3A_389 = arith.shli %gather3A_388, %shift_left3A_23 : vector<16xi32>
        %add3A_390 = arith.constant 32 : i32
        %add3A_391 = arith.addi %mul3A_308, %add3A_390 : i32
        %get3A_392 = arith.constant 0 : i32
        %get3A_393 = arith.index_cast %get3A_392 : i32 to index
        %get3A_394 = arith.index_cast %add3A_391 : i32 to index
        %get3A_395 = tpu.vector_load %arg7[%get3A_393, %get3A_394] {strides = array<i32>} : memref<8x1024xf32, #tpu.memory_space<vmem>>, vector<1x16xf32>,
        %get3A_396 = vector.shape_cast %get3A_395 : vector<1x16xf32> to vector<16xf32>
        %add3A_397 = arith.constant 32 : i32
        %add3A_398 = arith.addi %mul3A_308, %add3A_397 : i32
        %get3A_399 = arith.constant 0 : i32
        %get3A_400 = arith.index_cast %get3A_399 : i32 to index
        %get3A_401 = arith.index_cast %add3A_398 : i32 to index
        %get3A_402 = tpu.vector_load %arg9[%get3A_400, %get3A_401] {strides = array<i32>} : memref<8x1024xf32, #tpu.memory_space<vmem>>, vector<1x16xf32>,
        %get3A_403 = vector.shape_cast %get3A_402 : vector<1x16xf32> to vector<16xf32>
        %sub3A_404 = arith.subf %get3A_396, %get3A_403 : vector<16xf32>
        %abs3A_405 = math.absf %sub3A_404 : vector<16xf32>
        %gt3A_406 = arith.constant 16777215 : i32
        %gt3A_407 = vector.broadcast %gt3A_406 : i32 to vector<16xi32>
        %gt3A_408 = arith.cmpi sgt, %shift_left3A_389, %gt3A_407 : vector<16xi32>
        %jit3A_409 = arith.constant 0.000000e+00 : f32
        %broadcast_in_dim3A_410 = vector.broadcast %jit3A_409 : f32 to vector<16xf32>
        %select_n3A_411 = arith.select %gt3A_408, %abs3A_405, %broadcast_in_dim3A_410 : vector<16xi1>, vector<16xf32>
        %add3A_412 = arith.addf %scan3A_298, %select_n3A_411 : vector<16xf32>
        %add3A_413 = arith.constant 12 : i32
        %add3A_414 = vector.broadcast %add3A_413 : i32 to vector<16xi32>
        %add3A_415 = arith.addi %shift_right_arithmetic3A_17, %add3A_414 : vector<16xi32>
        %lt3A_416 = arith.constant 0 : i32
        %lt3A_417 = vector.broadcast %lt3A_416 : i32 to vector<16xi32>
        %lt3A_418 = arith.cmpi slt, %add3A_415, %lt3A_417 : vector<16xi32>
        %add3A_419 = arith.constant 16 : i32
        %add3A_420 = vector.broadcast %add3A_419 : i32 to vector<16xi32>
        %add3A_421 = arith.addi %add3A_415, %add3A_420 : vector<16xi32>
        %select_n3A_422 = arith.select %lt3A_418, %add3A_421, %add3A_415 : vector<16xi1>, vector<16xi32>
        %reshape3A_423 = vector.shape_cast %select_n3A_422 : vector<16xi32> to vector<16x1xi32>
        %gather3A_424 = vector.shape_cast %reshape3A_423 : vector<16x1xi32> to vector<16xi32>
        %gather3A_425 = tpu.dynamic_gather %get3A_306[%gather3A_424] in [0] : vector<16xi32>, vector<16xi32> -> vector<16xi32>
        %shift_left3A_426 = arith.shli %gather3A_425, %shift_left3A_23 : vector<16xi32>
        %add3A_427 = arith.constant 48 : i32
        %add3A_428 = arith.addi %mul3A_308, %add3A_427 : i32
        %get3A_429 = arith.constant 0 : i32
        %get3A_430 = arith.index_cast %get3A_429 : i32 to index
        %get3A_431 = arith.index_cast %add3A_428 : i32 to index
        %get3A_432 = tpu.vector_load %arg7[%get3A_430, %get3A_431] {strides = array<i32>} : memref<8x1024xf32, #tpu.memory_space<vmem>>, vector<1x16xf32>,
        %get3A_433 = vector.shape_cast %get3A_432 : vector<1x16xf32> to vector<16xf32>
        %add3A_434 = arith.constant 48 : i32
        %add3A_435 = arith.addi %mul3A_308, %add3A_434 : i32
        %get3A_436 = arith.constant 0 : i32
        %get3A_437 = arith.index_cast %get3A_436 : i32 to index
        %get3A_438 = arith.index_cast %add3A_435 : i32 to index
        %get3A_439 = tpu.vector_load %arg9[%get3A_437, %get3A_438] {strides = array<i32>} : memref<8x1024xf32, #tpu.memory_space<vmem>>, vector<1x16xf32>,
        %get3A_440 = vector.shape_cast %get3A_439 : vector<1x16xf32> to vector<16xf32>
        %sub3A_441 = arith.subf %get3A_433, %get3A_440 : vector<16xf32>
        %abs3A_442 = math.absf %sub3A_441 : vector<16xf32>
        %gt3A_443 = arith.constant 16777215 : i32
        %gt3A_444 = vector.broadcast %gt3A_443 : i32 to vector<16xi32>
        %gt3A_445 = arith.cmpi sgt, %shift_left3A_426, %gt3A_444 : vector<16xi32>
        %jit3A_446 = arith.constant 0.000000e+00 : f32
        %broadcast_in_dim3A_447 = vector.broadcast %jit3A_446 : f32 to vector<16xf32>
        %select_n3A_448 = arith.select %gt3A_445, %abs3A_442, %broadcast_in_dim3A_447 : vector<16xi1>, vector<16xf32>
        %add3A_449 = arith.addf %scan3A_299, %select_n3A_448 : vector<16xf32>
        %and3A_450 = arith.constant 16843009 : i32
        %and3A_451 = vector.broadcast %and3A_450 : i32 to vector<16xi32>
        %and3A_452 = arith.andi %get3A_306, %and3A_451 : vector<16xi32>
        %add3A_453 = arith.addi %scan3A_300, %and3A_452 : vector<16xi32>
        scf.yield %add3A_338, %add3A_375, %add3A_412, %add3A_449, %add3A_453 : vector<16xf32>, vector<16xf32>, vector<16xf32>, vector<16xf32>, vector<16xi32>
      }
      %scan3A_112 = arith.constant 16 : i32
      %scan3A_113 = arith.constant 0 : i32
      %scan3A_114 = arith.constant 16 : i32
      %scan3A_115 = arith.addi %scan3A_113, %scan3A_114 : i32
      %scan3A_116 = arith.constant 1 : i32
      %scan3A_117:5 = scf.for %scan3A_295 = %scan3A_113 to %scan3A_115 step %scan3A_116 iter_args(%scan3A_296 = %scan3A_111#0, %scan3A_297 = %scan3A_111#1, %scan3A_298 = %scan3A_111#2, %scan3A_299 = %scan3A_111#3, %scan3A_300 = %scan3A_111#4) -> (vector<16xf32>, vector<16xf32>, vector<16xf32>, vector<16xf32>, vector<16xi32>)  : i32 {
        %mul3A_301 = arith.constant 16 : i32
        %mul3A_302 = arith.muli %scan3A_295, %mul3A_301 : i32
        %get3A = arith.constant 1 : i32
        %get3A_303 = arith.index_cast %get3A : i32 to index
        %get3A_304 = arith.index_cast %mul3A_302 : i32 to index
        %get3A_305 = tpu.vector_load %arg11[%get3A_303, %get3A_304] {strides = array<i32>} : memref<8x256xi32, #tpu.memory_space<vmem>>, vector<1x16xi32>,
        %get3A_306 = vector.shape_cast %get3A_305 : vector<1x16xi32> to vector<16xi32>
        %mul3A_307 = arith.constant 64 : i32
        %mul3A_308 = arith.muli %scan3A_295, %mul3A_307 : i32
        %add3A_309 = arith.constant 0 : i32
        %add3A_310 = vector.broadcast %add3A_309 : i32 to vector<16xi32>
        %add3A_311 = arith.addi %shift_right_arithmetic3A_17, %add3A_310 : vector<16xi32>
        %lt3A = arith.constant 0 : i32
        %lt3A_312 = vector.broadcast %lt3A : i32 to vector<16xi32>
        %lt3A_313 = arith.cmpi slt, %add3A_311, %lt3A_312 : vector<16xi32>
        %add3A_314 = arith.constant 16 : i32
        %add3A_315 = vector.broadcast %add3A_314 : i32 to vector<16xi32>
        %add3A_316 = arith.addi %add3A_311, %add3A_315 : vector<16xi32>
        %select_n3A = arith.select %lt3A_313, %add3A_316, %add3A_311 : vector<16xi1>, vector<16xi32>
        %reshape3A = vector.shape_cast %select_n3A : vector<16xi32> to vector<16x1xi32>
        %gather3A = vector.shape_cast %reshape3A : vector<16x1xi32> to vector<16xi32>
        %gather3A_317 = tpu.dynamic_gather %get3A_306[%gather3A] in [0] : vector<16xi32>, vector<16xi32> -> vector<16xi32>
        %shift_left3A_318 = arith.shli %gather3A_317, %shift_left3A_23 : vector<16xi32>
        %add3A_319 = arith.constant 0 : i32
        %add3A_320 = arith.addi %mul3A_308, %add3A_319 : i32
        %get3A_321 = arith.constant 1 : i32
        %get3A_322 = arith.index_cast %get3A_321 : i32 to index
        %get3A_323 = arith.index_cast %add3A_320 : i32 to index
        %get3A_324 = tpu.vector_load %arg7[%get3A_322, %get3A_323] {strides = array<i32>} : memref<8x1024xf32, #tpu.memory_space<vmem>>, vector<1x16xf32>,
        %get3A_325 = vector.shape_cast %get3A_324 : vector<1x16xf32> to vector<16xf32>
        %add3A_326 = arith.constant 0 : i32
        %add3A_327 = arith.addi %mul3A_308, %add3A_326 : i32
        %get3A_328 = arith.constant 1 : i32
        %get3A_329 = arith.index_cast %get3A_328 : i32 to index
        %get3A_330 = arith.index_cast %add3A_327 : i32 to index
        %get3A_331 = tpu.vector_load %arg9[%get3A_329, %get3A_330] {strides = array<i32>} : memref<8x1024xf32, #tpu.memory_space<vmem>>, vector<1x16xf32>,
        %get3A_332 = vector.shape_cast %get3A_331 : vector<1x16xf32> to vector<16xf32>
        %sub3A_333 = arith.subf %get3A_325, %get3A_332 : vector<16xf32>
        %abs3A = math.absf %sub3A_333 : vector<16xf32>
        %gt3A = arith.constant 16777215 : i32
        %gt3A_334 = vector.broadcast %gt3A : i32 to vector<16xi32>
        %gt3A_335 = arith.cmpi sgt, %shift_left3A_318, %gt3A_334 : vector<16xi32>
        %jit3A = arith.constant 0.000000e+00 : f32
        %broadcast_in_dim3A_336 = vector.broadcast %jit3A : f32 to vector<16xf32>
        %select_n3A_337 = arith.select %gt3A_335, %abs3A, %broadcast_in_dim3A_336 : vector<16xi1>, vector<16xf32>
        %add3A_338 = arith.addf %scan3A_296, %select_n3A_337 : vector<16xf32>
        %add3A_339 = arith.constant 4 : i32
        %add3A_340 = vector.broadcast %add3A_339 : i32 to vector<16xi32>
        %add3A_341 = arith.addi %shift_right_arithmetic3A_17, %add3A_340 : vector<16xi32>
        %lt3A_342 = arith.constant 0 : i32
        %lt3A_343 = vector.broadcast %lt3A_342 : i32 to vector<16xi32>
        %lt3A_344 = arith.cmpi slt, %add3A_341, %lt3A_343 : vector<16xi32>
        %add3A_345 = arith.constant 16 : i32
        %add3A_346 = vector.broadcast %add3A_345 : i32 to vector<16xi32>
        %add3A_347 = arith.addi %add3A_341, %add3A_346 : vector<16xi32>
        %select_n3A_348 = arith.select %lt3A_344, %add3A_347, %add3A_341 : vector<16xi1>, vector<16xi32>
        %reshape3A_349 = vector.shape_cast %select_n3A_348 : vector<16xi32> to vector<16x1xi32>
        %gather3A_350 = vector.shape_cast %reshape3A_349 : vector<16x1xi32> to vector<16xi32>
        %gather3A_351 = tpu.dynamic_gather %get3A_306[%gather3A_350] in [0] : vector<16xi32>, vector<16xi32> -> vector<16xi32>
        %shift_left3A_352 = arith.shli %gather3A_351, %shift_left3A_23 : vector<16xi32>
        %add3A_353 = arith.constant 16 : i32
        %add3A_354 = arith.addi %mul3A_308, %add3A_353 : i32
        %get3A_355 = arith.constant 1 : i32
        %get3A_356 = arith.index_cast %get3A_355 : i32 to index
        %get3A_357 = arith.index_cast %add3A_354 : i32 to index
        %get3A_358 = tpu.vector_load %arg7[%get3A_356, %get3A_357] {strides = array<i32>} : memref<8x1024xf32, #tpu.memory_space<vmem>>, vector<1x16xf32>,
        %get3A_359 = vector.shape_cast %get3A_358 : vector<1x16xf32> to vector<16xf32>
        %add3A_360 = arith.constant 16 : i32
        %add3A_361 = arith.addi %mul3A_308, %add3A_360 : i32
        %get3A_362 = arith.constant 1 : i32
        %get3A_363 = arith.index_cast %get3A_362 : i32 to index
        %get3A_364 = arith.index_cast %add3A_361 : i32 to index
        %get3A_365 = tpu.vector_load %arg9[%get3A_363, %get3A_364] {strides = array<i32>} : memref<8x1024xf32, #tpu.memory_space<vmem>>, vector<1x16xf32>,
        %get3A_366 = vector.shape_cast %get3A_365 : vector<1x16xf32> to vector<16xf32>
        %sub3A_367 = arith.subf %get3A_359, %get3A_366 : vector<16xf32>
        %abs3A_368 = math.absf %sub3A_367 : vector<16xf32>
        %gt3A_369 = arith.constant 16777215 : i32
        %gt3A_370 = vector.broadcast %gt3A_369 : i32 to vector<16xi32>
        %gt3A_371 = arith.cmpi sgt, %shift_left3A_352, %gt3A_370 : vector<16xi32>
        %jit3A_372 = arith.constant 0.000000e+00 : f32
        %broadcast_in_dim3A_373 = vector.broadcast %jit3A_372 : f32 to vector<16xf32>
        %select_n3A_374 = arith.select %gt3A_371, %abs3A_368, %broadcast_in_dim3A_373 : vector<16xi1>, vector<16xf32>
        %add3A_375 = arith.addf %scan3A_297, %select_n3A_374 : vector<16xf32>
        %add3A_376 = arith.constant 8 : i32
        %add3A_377 = vector.broadcast %add3A_376 : i32 to vector<16xi32>
        %add3A_378 = arith.addi %shift_right_arithmetic3A_17, %add3A_377 : vector<16xi32>
        %lt3A_379 = arith.constant 0 : i32
        %lt3A_380 = vector.broadcast %lt3A_379 : i32 to vector<16xi32>
        %lt3A_381 = arith.cmpi slt, %add3A_378, %lt3A_380 : vector<16xi32>
        %add3A_382 = arith.constant 16 : i32
        %add3A_383 = vector.broadcast %add3A_382 : i32 to vector<16xi32>
        %add3A_384 = arith.addi %add3A_378, %add3A_383 : vector<16xi32>
        %select_n3A_385 = arith.select %lt3A_381, %add3A_384, %add3A_378 : vector<16xi1>, vector<16xi32>
        %reshape3A_386 = vector.shape_cast %select_n3A_385 : vector<16xi32> to vector<16x1xi32>
        %gather3A_387 = vector.shape_cast %reshape3A_386 : vector<16x1xi32> to vector<16xi32>
        %gather3A_388 = tpu.dynamic_gather %get3A_306[%gather3A_387] in [0] : vector<16xi32>, vector<16xi32> -> vector<16xi32>
        %shift_left3A_389 = arith.shli %gather3A_388, %shift_left3A_23 : vector<16xi32>
        %add3A_390 = arith.constant 32 : i32
        %add3A_391 = arith.addi %mul3A_308, %add3A_390 : i32
        %get3A_392 = arith.constant 1 : i32
        %get3A_393 = arith.index_cast %get3A_392 : i32 to index
        %get3A_394 = arith.index_cast %add3A_391 : i32 to index
        %get3A_395 = tpu.vector_load %arg7[%get3A_393, %get3A_394] {strides = array<i32>} : memref<8x1024xf32, #tpu.memory_space<vmem>>, vector<1x16xf32>,
        %get3A_396 = vector.shape_cast %get3A_395 : vector<1x16xf32> to vector<16xf32>
        %add3A_397 = arith.constant 32 : i32
        %add3A_398 = arith.addi %mul3A_308, %add3A_397 : i32
        %get3A_399 = arith.constant 1 : i32
        %get3A_400 = arith.index_cast %get3A_399 : i32 to index
        %get3A_401 = arith.index_cast %add3A_398 : i32 to index
        %get3A_402 = tpu.vector_load %arg9[%get3A_400, %get3A_401] {strides = array<i32>} : memref<8x1024xf32, #tpu.memory_space<vmem>>, vector<1x16xf32>,
        %get3A_403 = vector.shape_cast %get3A_402 : vector<1x16xf32> to vector<16xf32>
        %sub3A_404 = arith.subf %get3A_396, %get3A_403 : vector<16xf32>
        %abs3A_405 = math.absf %sub3A_404 : vector<16xf32>
        %gt3A_406 = arith.constant 16777215 : i32
        %gt3A_407 = vector.broadcast %gt3A_406 : i32 to vector<16xi32>
        %gt3A_408 = arith.cmpi sgt, %shift_left3A_389, %gt3A_407 : vector<16xi32>
        %jit3A_409 = arith.constant 0.000000e+00 : f32
        %broadcast_in_dim3A_410 = vector.broadcast %jit3A_409 : f32 to vector<16xf32>
        %select_n3A_411 = arith.select %gt3A_408, %abs3A_405, %broadcast_in_dim3A_410 : vector<16xi1>, vector<16xf32>
        %add3A_412 = arith.addf %scan3A_298, %select_n3A_411 : vector<16xf32>
        %add3A_413 = arith.constant 12 : i32
        %add3A_414 = vector.broadcast %add3A_413 : i32 to vector<16xi32>
        %add3A_415 = arith.addi %shift_right_arithmetic3A_17, %add3A_414 : vector<16xi32>
        %lt3A_416 = arith.constant 0 : i32
        %lt3A_417 = vector.broadcast %lt3A_416 : i32 to vector<16xi32>
        %lt3A_418 = arith.cmpi slt, %add3A_415, %lt3A_417 : vector<16xi32>
        %add3A_419 = arith.constant 16 : i32
        %add3A_420 = vector.broadcast %add3A_419 : i32 to vector<16xi32>
        %add3A_421 = arith.addi %add3A_415, %add3A_420 : vector<16xi32>
        %select_n3A_422 = arith.select %lt3A_418, %add3A_421, %add3A_415 : vector<16xi1>, vector<16xi32>
        %reshape3A_423 = vector.shape_cast %select_n3A_422 : vector<16xi32> to vector<16x1xi32>
        %gather3A_424 = vector.shape_cast %reshape3A_423 : vector<16x1xi32> to vector<16xi32>
        %gather3A_425 = tpu.dynamic_gather %get3A_306[%gather3A_424] in [0] : vector<16xi32>, vector<16xi32> -> vector<16xi32>
        %shift_left3A_426 = arith.shli %gather3A_425, %shift_left3A_23 : vector<16xi32>
        %add3A_427 = arith.constant 48 : i32
        %add3A_428 = arith.addi %mul3A_308, %add3A_427 : i32
        %get3A_429 = arith.constant 1 : i32
        %get3A_430 = arith.index_cast %get3A_429 : i32 to index
        %get3A_431 = arith.index_cast %add3A_428 : i32 to index
        %get3A_432 = tpu.vector_load %arg7[%get3A_430, %get3A_431] {strides = array<i32>} : memref<8x1024xf32, #tpu.memory_space<vmem>>, vector<1x16xf32>,
        %get3A_433 = vector.shape_cast %get3A_432 : vector<1x16xf32> to vector<16xf32>
        %add3A_434 = arith.constant 48 : i32
        %add3A_435 = arith.addi %mul3A_308, %add3A_434 : i32
        %get3A_436 = arith.constant 1 : i32
        %get3A_437 = arith.index_cast %get3A_436 : i32 to index
        %get3A_438 = arith.index_cast %add3A_435 : i32 to index
        %get3A_439 = tpu.vector_load %arg9[%get3A_437, %get3A_438] {strides = array<i32>} : memref<8x1024xf32, #tpu.memory_space<vmem>>, vector<1x16xf32>,
        %get3A_440 = vector.shape_cast %get3A_439 : vector<1x16xf32> to vector<16xf32>
        %sub3A_441 = arith.subf %get3A_433, %get3A_440 : vector<16xf32>
        %abs3A_442 = math.absf %sub3A_441 : vector<16xf32>
        %gt3A_443 = arith.constant 16777215 : i32
        %gt3A_444 = vector.broadcast %gt3A_443 : i32 to vector<16xi32>
        %gt3A_445 = arith.cmpi sgt, %shift_left3A_426, %gt3A_444 : vector<16xi32>
        %jit3A_446 = arith.constant 0.000000e+00 : f32
        %broadcast_in_dim3A_447 = vector.broadcast %jit3A_446 : f32 to vector<16xf32>
        %select_n3A_448 = arith.select %gt3A_445, %abs3A_442, %broadcast_in_dim3A_447 : vector<16xi1>, vector<16xf32>
        %add3A_449 = arith.addf %scan3A_299, %select_n3A_448 : vector<16xf32>
        %and3A_450 = arith.constant 16843009 : i32
        %and3A_451 = vector.broadcast %and3A_450 : i32 to vector<16xi32>
        %and3A_452 = arith.andi %get3A_306, %and3A_451 : vector<16xi32>
        %add3A_453 = arith.addi %scan3A_300, %and3A_452 : vector<16xi32>
        scf.yield %add3A_338, %add3A_375, %add3A_412, %add3A_449, %add3A_453 : vector<16xf32>, vector<16xf32>, vector<16xf32>, vector<16xf32>, vector<16xi32>
      }
      %scan3A_118 = arith.constant 16 : i32
      %scan3A_119 = arith.constant 0 : i32
      %scan3A_120 = arith.constant 16 : i32
      %scan3A_121 = arith.addi %scan3A_119, %scan3A_120 : i32
      %scan3A_122 = arith.constant 1 : i32
      %scan3A_123:5 = scf.for %scan3A_295 = %scan3A_119 to %scan3A_121 step %scan3A_122 iter_args(%scan3A_296 = %scan3A_117#0, %scan3A_297 = %scan3A_117#1, %scan3A_298 = %scan3A_117#2, %scan3A_299 = %scan3A_117#3, %scan3A_300 = %scan3A_117#4) -> (vector<16xf32>, vector<16xf32>, vector<16xf32>, vector<16xf32>, vector<16xi32>)  : i32 {
        %mul3A_301 = arith.constant 16 : i32
        %mul3A_302 = arith.muli %scan3A_295, %mul3A_301 : i32
        %get3A = arith.constant 2 : i32
        %get3A_303 = arith.index_cast %get3A : i32 to index
        %get3A_304 = arith.index_cast %mul3A_302 : i32 to index
        %get3A_305 = tpu.vector_load %arg11[%get3A_303, %get3A_304] {strides = array<i32>} : memref<8x256xi32, #tpu.memory_space<vmem>>, vector<1x16xi32>,
        %get3A_306 = vector.shape_cast %get3A_305 : vector<1x16xi32> to vector<16xi32>
        %mul3A_307 = arith.constant 64 : i32
        %mul3A_308 = arith.muli %scan3A_295, %mul3A_307 : i32
        %add3A_309 = arith.constant 0 : i32
        %add3A_310 = vector.broadcast %add3A_309 : i32 to vector<16xi32>
        %add3A_311 = arith.addi %shift_right_arithmetic3A_17, %add3A_310 : vector<16xi32>
        %lt3A = arith.constant 0 : i32
        %lt3A_312 = vector.broadcast %lt3A : i32 to vector<16xi32>
        %lt3A_313 = arith.cmpi slt, %add3A_311, %lt3A_312 : vector<16xi32>
        %add3A_314 = arith.constant 16 : i32
        %add3A_315 = vector.broadcast %add3A_314 : i32 to vector<16xi32>
        %add3A_316 = arith.addi %add3A_311, %add3A_315 : vector<16xi32>
        %select_n3A = arith.select %lt3A_313, %add3A_316, %add3A_311 : vector<16xi1>, vector<16xi32>
        %reshape3A = vector.shape_cast %select_n3A : vector<16xi32> to vector<16x1xi32>
        %gather3A = vector.shape_cast %reshape3A : vector<16x1xi32> to vector<16xi32>
        %gather3A_317 = tpu.dynamic_gather %get3A_306[%gather3A] in [0] : vector<16xi32>, vector<16xi32> -> vector<16xi32>
        %shift_left3A_318 = arith.shli %gather3A_317, %shift_left3A_23 : vector<16xi32>
        %add3A_319 = arith.constant 0 : i32
        %add3A_320 = arith.addi %mul3A_308, %add3A_319 : i32
        %get3A_321 = arith.constant 2 : i32
        %get3A_322 = arith.index_cast %get3A_321 : i32 to index
        %get3A_323 = arith.index_cast %add3A_320 : i32 to index
        %get3A_324 = tpu.vector_load %arg7[%get3A_322, %get3A_323] {strides = array<i32>} : memref<8x1024xf32, #tpu.memory_space<vmem>>, vector<1x16xf32>,
        %get3A_325 = vector.shape_cast %get3A_324 : vector<1x16xf32> to vector<16xf32>
        %add3A_326 = arith.constant 0 : i32
        %add3A_327 = arith.addi %mul3A_308, %add3A_326 : i32
        %get3A_328 = arith.constant 2 : i32
        %get3A_329 = arith.index_cast %get3A_328 : i32 to index
        %get3A_330 = arith.index_cast %add3A_327 : i32 to index
        %get3A_331 = tpu.vector_load %arg9[%get3A_329, %get3A_330] {strides = array<i32>} : memref<8x1024xf32, #tpu.memory_space<vmem>>, vector<1x16xf32>,
        %get3A_332 = vector.shape_cast %get3A_331 : vector<1x16xf32> to vector<16xf32>
        %sub3A_333 = arith.subf %get3A_325, %get3A_332 : vector<16xf32>
        %abs3A = math.absf %sub3A_333 : vector<16xf32>
        %gt3A = arith.constant 16777215 : i32
        %gt3A_334 = vector.broadcast %gt3A : i32 to vector<16xi32>
        %gt3A_335 = arith.cmpi sgt, %shift_left3A_318, %gt3A_334 : vector<16xi32>
        %jit3A = arith.constant 0.000000e+00 : f32
        %broadcast_in_dim3A_336 = vector.broadcast %jit3A : f32 to vector<16xf32>
        %select_n3A_337 = arith.select %gt3A_335, %abs3A, %broadcast_in_dim3A_336 : vector<16xi1>, vector<16xf32>
        %add3A_338 = arith.addf %scan3A_296, %select_n3A_337 : vector<16xf32>
        %add3A_339 = arith.constant 4 : i32
        %add3A_340 = vector.broadcast %add3A_339 : i32 to vector<16xi32>
        %add3A_341 = arith.addi %shift_right_arithmetic3A_17, %add3A_340 : vector<16xi32>
        %lt3A_342 = arith.constant 0 : i32
        %lt3A_343 = vector.broadcast %lt3A_342 : i32 to vector<16xi32>
        %lt3A_344 = arith.cmpi slt, %add3A_341, %lt3A_343 : vector<16xi32>
        %add3A_345 = arith.constant 16 : i32
        %add3A_346 = vector.broadcast %add3A_345 : i32 to vector<16xi32>
        %add3A_347 = arith.addi %add3A_341, %add3A_346 : vector<16xi32>
        %select_n3A_348 = arith.select %lt3A_344, %add3A_347, %add3A_341 : vector<16xi1>, vector<16xi32>
        %reshape3A_349 = vector.shape_cast %select_n3A_348 : vector<16xi32> to vector<16x1xi32>
        %gather3A_350 = vector.shape_cast %reshape3A_349 : vector<16x1xi32> to vector<16xi32>
        %gather3A_351 = tpu.dynamic_gather %get3A_306[%gather3A_350] in [0] : vector<16xi32>, vector<16xi32> -> vector<16xi32>
        %shift_left3A_352 = arith.shli %gather3A_351, %shift_left3A_23 : vector<16xi32>
        %add3A_353 = arith.constant 16 : i32
        %add3A_354 = arith.addi %mul3A_308, %add3A_353 : i32
        %get3A_355 = arith.constant 2 : i32
        %get3A_356 = arith.index_cast %get3A_355 : i32 to index
        %get3A_357 = arith.index_cast %add3A_354 : i32 to index
        %get3A_358 = tpu.vector_load %arg7[%get3A_356, %get3A_357] {strides = array<i32>} : memref<8x1024xf32, #tpu.memory_space<vmem>>, vector<1x16xf32>,
        %get3A_359 = vector.shape_cast %get3A_358 : vector<1x16xf32> to vector<16xf32>
        %add3A_360 = arith.constant 16 : i32
        %add3A_361 = arith.addi %mul3A_308, %add3A_360 : i32
        %get3A_362 = arith.constant 2 : i32
        %get3A_363 = arith.index_cast %get3A_362 : i32 to index
        %get3A_364 = arith.index_cast %add3A_361 : i32 to index
        %get3A_365 = tpu.vector_load %arg9[%get3A_363, %get3A_364] {strides = array<i32>} : memref<8x1024xf32, #tpu.memory_space<vmem>>, vector<1x16xf32>,
        %get3A_366 = vector.shape_cast %get3A_365 : vector<1x16xf32> to vector<16xf32>
        %sub3A_367 = arith.subf %get3A_359, %get3A_366 : vector<16xf32>
        %abs3A_368 = math.absf %sub3A_367 : vector<16xf32>
        %gt3A_369 = arith.constant 16777215 : i32
        %gt3A_370 = vector.broadcast %gt3A_369 : i32 to vector<16xi32>
        %gt3A_371 = arith.cmpi sgt, %shift_left3A_352, %gt3A_370 : vector<16xi32>
        %jit3A_372 = arith.constant 0.000000e+00 : f32
        %broadcast_in_dim3A_373 = vector.broadcast %jit3A_372 : f32 to vector<16xf32>
        %select_n3A_374 = arith.select %gt3A_371, %abs3A_368, %broadcast_in_dim3A_373 : vector<16xi1>, vector<16xf32>
        %add3A_375 = arith.addf %scan3A_297, %select_n3A_374 : vector<16xf32>
        %add3A_376 = arith.constant 8 : i32
        %add3A_377 = vector.broadcast %add3A_376 : i32 to vector<16xi32>
        %add3A_378 = arith.addi %shift_right_arithmetic3A_17, %add3A_377 : vector<16xi32>
        %lt3A_379 = arith.constant 0 : i32
        %lt3A_380 = vector.broadcast %lt3A_379 : i32 to vector<16xi32>
        %lt3A_381 = arith.cmpi slt, %add3A_378, %lt3A_380 : vector<16xi32>
        %add3A_382 = arith.constant 16 : i32
        %add3A_383 = vector.broadcast %add3A_382 : i32 to vector<16xi32>
        %add3A_384 = arith.addi %add3A_378, %add3A_383 : vector<16xi32>
        %select_n3A_385 = arith.select %lt3A_381, %add3A_384, %add3A_378 : vector<16xi1>, vector<16xi32>
        %reshape3A_386 = vector.shape_cast %select_n3A_385 : vector<16xi32> to vector<16x1xi32>
        %gather3A_387 = vector.shape_cast %reshape3A_386 : vector<16x1xi32> to vector<16xi32>
        %gather3A_388 = tpu.dynamic_gather %get3A_306[%gather3A_387] in [0] : vector<16xi32>, vector<16xi32> -> vector<16xi32>
        %shift_left3A_389 = arith.shli %gather3A_388, %shift_left3A_23 : vector<16xi32>
        %add3A_390 = arith.constant 32 : i32
        %add3A_391 = arith.addi %mul3A_308, %add3A_390 : i32
        %get3A_392 = arith.constant 2 : i32
        %get3A_393 = arith.index_cast %get3A_392 : i32 to index
        %get3A_394 = arith.index_cast %add3A_391 : i32 to index
        %get3A_395 = tpu.vector_load %arg7[%get3A_393, %get3A_394] {strides = array<i32>} : memref<8x1024xf32, #tpu.memory_space<vmem>>, vector<1x16xf32>,
        %get3A_396 = vector.shape_cast %get3A_395 : vector<1x16xf32> to vector<16xf32>
        %add3A_397 = arith.constant 32 : i32
        %add3A_398 = arith.addi %mul3A_308, %add3A_397 : i32
        %get3A_399 = arith.constant 2 : i32
        %get3A_400 = arith.index_cast %get3A_399 : i32 to index
        %get3A_401 = arith.index_cast %add3A_398 : i32 to index
        %get3A_402 = tpu.vector_load %arg9[%get3A_400, %get3A_401] {strides = array<i32>} : memref<8x1024xf32, #tpu.memory_space<vmem>>, vector<1x16xf32>,
        %get3A_403 = vector.shape_cast %get3A_402 : vector<1x16xf32> to vector<16xf32>
        %sub3A_404 = arith.subf %get3A_396, %get3A_403 : vector<16xf32>
        %abs3A_405 = math.absf %sub3A_404 : vector<16xf32>
        %gt3A_406 = arith.constant 16777215 : i32
        %gt3A_407 = vector.broadcast %gt3A_406 : i32 to vector<16xi32>
        %gt3A_408 = arith.cmpi sgt, %shift_left3A_389, %gt3A_407 : vector<16xi32>
        %jit3A_409 = arith.constant 0.000000e+00 : f32
        %broadcast_in_dim3A_410 = vector.broadcast %jit3A_409 : f32 to vector<16xf32>
        %select_n3A_411 = arith.select %gt3A_408, %abs3A_405, %broadcast_in_dim3A_410 : vector<16xi1>, vector<16xf32>
        %add3A_412 = arith.addf %scan3A_298, %select_n3A_411 : vector<16xf32>
        %add3A_413 = arith.constant 12 : i32
        %add3A_414 = vector.broadcast %add3A_413 : i32 to vector<16xi32>
        %add3A_415 = arith.addi %shift_right_arithmetic3A_17, %add3A_414 : vector<16xi32>
        %lt3A_416 = arith.constant 0 : i32
        %lt3A_417 = vector.broadcast %lt3A_416 : i32 to vector<16xi32>
        %lt3A_418 = arith.cmpi slt, %add3A_415, %lt3A_417 : vector<16xi32>
        %add3A_419 = arith.constant 16 : i32
        %add3A_420 = vector.broadcast %add3A_419 : i32 to vector<16xi32>
        %add3A_421 = arith.addi %add3A_415, %add3A_420 : vector<16xi32>
        %select_n3A_422 = arith.select %lt3A_418, %add3A_421, %add3A_415 : vector<16xi1>, vector<16xi32>
        %reshape3A_423 = vector.shape_cast %select_n3A_422 : vector<16xi32> to vector<16x1xi32>
        %gather3A_424 = vector.shape_cast %reshape3A_423 : vector<16x1xi32> to vector<16xi32>
        %gather3A_425 = tpu.dynamic_gather %get3A_306[%gather3A_424] in [0] : vector<16xi32>, vector<16xi32> -> vector<16xi32>
        %shift_left3A_426 = arith.shli %gather3A_425, %shift_left3A_23 : vector<16xi32>
        %add3A_427 = arith.constant 48 : i32
        %add3A_428 = arith.addi %mul3A_308, %add3A_427 : i32
        %get3A_429 = arith.constant 2 : i32
        %get3A_430 = arith.index_cast %get3A_429 : i32 to index
        %get3A_431 = arith.index_cast %add3A_428 : i32 to index
        %get3A_432 = tpu.vector_load %arg7[%get3A_430, %get3A_431] {strides = array<i32>} : memref<8x1024xf32, #tpu.memory_space<vmem>>, vector<1x16xf32>,
        %get3A_433 = vector.shape_cast %get3A_432 : vector<1x16xf32> to vector<16xf32>
        %add3A_434 = arith.constant 48 : i32
        %add3A_435 = arith.addi %mul3A_308, %add3A_434 : i32
        %get3A_436 = arith.constant 2 : i32
        %get3A_437 = arith.index_cast %get3A_436 : i32 to index
        %get3A_438 = arith.index_cast %add3A_435 : i32 to index
        %get3A_439 = tpu.vector_load %arg9[%get3A_437, %get3A_438] {strides = array<i32>} : memref<8x1024xf32, #tpu.memory_space<vmem>>, vector<1x16xf32>,
        %get3A_440 = vector.shape_cast %get3A_439 : vector<1x16xf32> to vector<16xf32>
        %sub3A_441 = arith.subf %get3A_433, %get3A_440 : vector<16xf32>
        %abs3A_442 = math.absf %sub3A_441 : vector<16xf32>
        %gt3A_443 = arith.constant 16777215 : i32
        %gt3A_444 = vector.broadcast %gt3A_443 : i32 to vector<16xi32>
        %gt3A_445 = arith.cmpi sgt, %shift_left3A_426, %gt3A_444 : vector<16xi32>
        %jit3A_446 = arith.constant 0.000000e+00 : f32
        %broadcast_in_dim3A_447 = vector.broadcast %jit3A_446 : f32 to vector<16xf32>
        %select_n3A_448 = arith.select %gt3A_445, %abs3A_442, %broadcast_in_dim3A_447 : vector<16xi1>, vector<16xf32>
        %add3A_449 = arith.addf %scan3A_299, %select_n3A_448 : vector<16xf32>
        %and3A_450 = arith.constant 16843009 : i32
        %and3A_451 = vector.broadcast %and3A_450 : i32 to vector<16xi32>
        %and3A_452 = arith.andi %get3A_306, %and3A_451 : vector<16xi32>
        %add3A_453 = arith.addi %scan3A_300, %and3A_452 : vector<16xi32>
        scf.yield %add3A_338, %add3A_375, %add3A_412, %add3A_449, %add3A_453 : vector<16xf32>, vector<16xf32>, vector<16xf32>, vector<16xf32>, vector<16xi32>
      }
      %scan3A_124 = arith.constant 16 : i32
      %scan3A_125 = arith.constant 0 : i32
      %scan3A_126 = arith.constant 16 : i32
      %scan3A_127 = arith.addi %scan3A_125, %scan3A_126 : i32
      %scan3A_128 = arith.constant 1 : i32
      %scan3A_129:5 = scf.for %scan3A_295 = %scan3A_125 to %scan3A_127 step %scan3A_128 iter_args(%scan3A_296 = %scan3A_123#0, %scan3A_297 = %scan3A_123#1, %scan3A_298 = %scan3A_123#2, %scan3A_299 = %scan3A_123#3, %scan3A_300 = %scan3A_123#4) -> (vector<16xf32>, vector<16xf32>, vector<16xf32>, vector<16xf32>, vector<16xi32>)  : i32 {
        %mul3A_301 = arith.constant 16 : i32
        %mul3A_302 = arith.muli %scan3A_295, %mul3A_301 : i32
        %get3A = arith.constant 3 : i32
        %get3A_303 = arith.index_cast %get3A : i32 to index
        %get3A_304 = arith.index_cast %mul3A_302 : i32 to index
        %get3A_305 = tpu.vector_load %arg11[%get3A_303, %get3A_304] {strides = array<i32>} : memref<8x256xi32, #tpu.memory_space<vmem>>, vector<1x16xi32>,
        %get3A_306 = vector.shape_cast %get3A_305 : vector<1x16xi32> to vector<16xi32>
        %mul3A_307 = arith.constant 64 : i32
        %mul3A_308 = arith.muli %scan3A_295, %mul3A_307 : i32
        %add3A_309 = arith.constant 0 : i32
        %add3A_310 = vector.broadcast %add3A_309 : i32 to vector<16xi32>
        %add3A_311 = arith.addi %shift_right_arithmetic3A_17, %add3A_310 : vector<16xi32>
        %lt3A = arith.constant 0 : i32
        %lt3A_312 = vector.broadcast %lt3A : i32 to vector<16xi32>
        %lt3A_313 = arith.cmpi slt, %add3A_311, %lt3A_312 : vector<16xi32>
        %add3A_314 = arith.constant 16 : i32
        %add3A_315 = vector.broadcast %add3A_314 : i32 to vector<16xi32>
        %add3A_316 = arith.addi %add3A_311, %add3A_315 : vector<16xi32>
        %select_n3A = arith.select %lt3A_313, %add3A_316, %add3A_311 : vector<16xi1>, vector<16xi32>
        %reshape3A = vector.shape_cast %select_n3A : vector<16xi32> to vector<16x1xi32>
        %gather3A = vector.shape_cast %reshape3A : vector<16x1xi32> to vector<16xi32>
        %gather3A_317 = tpu.dynamic_gather %get3A_306[%gather3A] in [0] : vector<16xi32>, vector<16xi32> -> vector<16xi32>
        %shift_left3A_318 = arith.shli %gather3A_317, %shift_left3A_23 : vector<16xi32>
        %add3A_319 = arith.constant 0 : i32
        %add3A_320 = arith.addi %mul3A_308, %add3A_319 : i32
        %get3A_321 = arith.constant 3 : i32
        %get3A_322 = arith.index_cast %get3A_321 : i32 to index
        %get3A_323 = arith.index_cast %add3A_320 : i32 to index
        %get3A_324 = tpu.vector_load %arg7[%get3A_322, %get3A_323] {strides = array<i32>} : memref<8x1024xf32, #tpu.memory_space<vmem>>, vector<1x16xf32>,
        %get3A_325 = vector.shape_cast %get3A_324 : vector<1x16xf32> to vector<16xf32>
        %add3A_326 = arith.constant 0 : i32
        %add3A_327 = arith.addi %mul3A_308, %add3A_326 : i32
        %get3A_328 = arith.constant 3 : i32
        %get3A_329 = arith.index_cast %get3A_328 : i32 to index
        %get3A_330 = arith.index_cast %add3A_327 : i32 to index
        %get3A_331 = tpu.vector_load %arg9[%get3A_329, %get3A_330] {strides = array<i32>} : memref<8x1024xf32, #tpu.memory_space<vmem>>, vector<1x16xf32>,
        %get3A_332 = vector.shape_cast %get3A_331 : vector<1x16xf32> to vector<16xf32>
        %sub3A_333 = arith.subf %get3A_325, %get3A_332 : vector<16xf32>
        %abs3A = math.absf %sub3A_333 : vector<16xf32>
        %gt3A = arith.constant 16777215 : i32
        %gt3A_334 = vector.broadcast %gt3A : i32 to vector<16xi32>
        %gt3A_335 = arith.cmpi sgt, %shift_left3A_318, %gt3A_334 : vector<16xi32>
        %jit3A = arith.constant 0.000000e+00 : f32
        %broadcast_in_dim3A_336 = vector.broadcast %jit3A : f32 to vector<16xf32>
        %select_n3A_337 = arith.select %gt3A_335, %abs3A, %broadcast_in_dim3A_336 : vector<16xi1>, vector<16xf32>
        %add3A_338 = arith.addf %scan3A_296, %select_n3A_337 : vector<16xf32>
        %add3A_339 = arith.constant 4 : i32
        %add3A_340 = vector.broadcast %add3A_339 : i32 to vector<16xi32>
        %add3A_341 = arith.addi %shift_right_arithmetic3A_17, %add3A_340 : vector<16xi32>
        %lt3A_342 = arith.constant 0 : i32
        %lt3A_343 = vector.broadcast %lt3A_342 : i32 to vector<16xi32>
        %lt3A_344 = arith.cmpi slt, %add3A_341, %lt3A_343 : vector<16xi32>
        %add3A_345 = arith.constant 16 : i32
        %add3A_346 = vector.broadcast %add3A_345 : i32 to vector<16xi32>
        %add3A_347 = arith.addi %add3A_341, %add3A_346 : vector<16xi32>
        %select_n3A_348 = arith.select %lt3A_344, %add3A_347, %add3A_341 : vector<16xi1>, vector<16xi32>
        %reshape3A_349 = vector.shape_cast %select_n3A_348 : vector<16xi32> to vector<16x1xi32>
        %gather3A_350 = vector.shape_cast %reshape3A_349 : vector<16x1xi32> to vector<16xi32>
        %gather3A_351 = tpu.dynamic_gather %get3A_306[%gather3A_350] in [0] : vector<16xi32>, vector<16xi32> -> vector<16xi32>
        %shift_left3A_352 = arith.shli %gather3A_351, %shift_left3A_23 : vector<16xi32>
        %add3A_353 = arith.constant 16 : i32
        %add3A_354 = arith.addi %mul3A_308, %add3A_353 : i32
        %get3A_355 = arith.constant 3 : i32
        %get3A_356 = arith.index_cast %get3A_355 : i32 to index
        %get3A_357 = arith.index_cast %add3A_354 : i32 to index
        %get3A_358 = tpu.vector_load %arg7[%get3A_356, %get3A_357] {strides = array<i32>} : memref<8x1024xf32, #tpu.memory_space<vmem>>, vector<1x16xf32>,
        %get3A_359 = vector.shape_cast %get3A_358 : vector<1x16xf32> to vector<16xf32>
        %add3A_360 = arith.constant 16 : i32
        %add3A_361 = arith.addi %mul3A_308, %add3A_360 : i32
        %get3A_362 = arith.constant 3 : i32
        %get3A_363 = arith.index_cast %get3A_362 : i32 to index
        %get3A_364 = arith.index_cast %add3A_361 : i32 to index
        %get3A_365 = tpu.vector_load %arg9[%get3A_363, %get3A_364] {strides = array<i32>} : memref<8x1024xf32, #tpu.memory_space<vmem>>, vector<1x16xf32>,
        %get3A_366 = vector.shape_cast %get3A_365 : vector<1x16xf32> to vector<16xf32>
        %sub3A_367 = arith.subf %get3A_359, %get3A_366 : vector<16xf32>
        %abs3A_368 = math.absf %sub3A_367 : vector<16xf32>
        %gt3A_369 = arith.constant 16777215 : i32
        %gt3A_370 = vector.broadcast %gt3A_369 : i32 to vector<16xi32>
        %gt3A_371 = arith.cmpi sgt, %shift_left3A_352, %gt3A_370 : vector<16xi32>
        %jit3A_372 = arith.constant 0.000000e+00 : f32
        %broadcast_in_dim3A_373 = vector.broadcast %jit3A_372 : f32 to vector<16xf32>
        %select_n3A_374 = arith.select %gt3A_371, %abs3A_368, %broadcast_in_dim3A_373 : vector<16xi1>, vector<16xf32>
        %add3A_375 = arith.addf %scan3A_297, %select_n3A_374 : vector<16xf32>
        %add3A_376 = arith.constant 8 : i32
        %add3A_377 = vector.broadcast %add3A_376 : i32 to vector<16xi32>
        %add3A_378 = arith.addi %shift_right_arithmetic3A_17, %add3A_377 : vector<16xi32>
        %lt3A_379 = arith.constant 0 : i32
        %lt3A_380 = vector.broadcast %lt3A_379 : i32 to vector<16xi32>
        %lt3A_381 = arith.cmpi slt, %add3A_378, %lt3A_380 : vector<16xi32>
        %add3A_382 = arith.constant 16 : i32
        %add3A_383 = vector.broadcast %add3A_382 : i32 to vector<16xi32>
        %add3A_384 = arith.addi %add3A_378, %add3A_383 : vector<16xi32>
        %select_n3A_385 = arith.select %lt3A_381, %add3A_384, %add3A_378 : vector<16xi1>, vector<16xi32>
        %reshape3A_386 = vector.shape_cast %select_n3A_385 : vector<16xi32> to vector<16x1xi32>
        %gather3A_387 = vector.shape_cast %reshape3A_386 : vector<16x1xi32> to vector<16xi32>
        %gather3A_388 = tpu.dynamic_gather %get3A_306[%gather3A_387] in [0] : vector<16xi32>, vector<16xi32> -> vector<16xi32>
        %shift_left3A_389 = arith.shli %gather3A_388, %shift_left3A_23 : vector<16xi32>
        %add3A_390 = arith.constant 32 : i32
        %add3A_391 = arith.addi %mul3A_308, %add3A_390 : i32
        %get3A_392 = arith.constant 3 : i32
        %get3A_393 = arith.index_cast %get3A_392 : i32 to index
        %get3A_394 = arith.index_cast %add3A_391 : i32 to index
        %get3A_395 = tpu.vector_load %arg7[%get3A_393, %get3A_394] {strides = array<i32>} : memref<8x1024xf32, #tpu.memory_space<vmem>>, vector<1x16xf32>,
        %get3A_396 = vector.shape_cast %get3A_395 : vector<1x16xf32> to vector<16xf32>
        %add3A_397 = arith.constant 32 : i32
        %add3A_398 = arith.addi %mul3A_308, %add3A_397 : i32
        %get3A_399 = arith.constant 3 : i32
        %get3A_400 = arith.index_cast %get3A_399 : i32 to index
        %get3A_401 = arith.index_cast %add3A_398 : i32 to index
        %get3A_402 = tpu.vector_load %arg9[%get3A_400, %get3A_401] {strides = array<i32>} : memref<8x1024xf32, #tpu.memory_space<vmem>>, vector<1x16xf32>,
        %get3A_403 = vector.shape_cast %get3A_402 : vector<1x16xf32> to vector<16xf32>
        %sub3A_404 = arith.subf %get3A_396, %get3A_403 : vector<16xf32>
        %abs3A_405 = math.absf %sub3A_404 : vector<16xf32>
        %gt3A_406 = arith.constant 16777215 : i32
        %gt3A_407 = vector.broadcast %gt3A_406 : i32 to vector<16xi32>
        %gt3A_408 = arith.cmpi sgt, %shift_left3A_389, %gt3A_407 : vector<16xi32>
        %jit3A_409 = arith.constant 0.000000e+00 : f32
        %broadcast_in_dim3A_410 = vector.broadcast %jit3A_409 : f32 to vector<16xf32>
        %select_n3A_411 = arith.select %gt3A_408, %abs3A_405, %broadcast_in_dim3A_410 : vector<16xi1>, vector<16xf32>
        %add3A_412 = arith.addf %scan3A_298, %select_n3A_411 : vector<16xf32>
        %add3A_413 = arith.constant 12 : i32
        %add3A_414 = vector.broadcast %add3A_413 : i32 to vector<16xi32>
        %add3A_415 = arith.addi %shift_right_arithmetic3A_17, %add3A_414 : vector<16xi32>
        %lt3A_416 = arith.constant 0 : i32
        %lt3A_417 = vector.broadcast %lt3A_416 : i32 to vector<16xi32>
        %lt3A_418 = arith.cmpi slt, %add3A_415, %lt3A_417 : vector<16xi32>
        %add3A_419 = arith.constant 16 : i32
        %add3A_420 = vector.broadcast %add3A_419 : i32 to vector<16xi32>
        %add3A_421 = arith.addi %add3A_415, %add3A_420 : vector<16xi32>
        %select_n3A_422 = arith.select %lt3A_418, %add3A_421, %add3A_415 : vector<16xi1>, vector<16xi32>
        %reshape3A_423 = vector.shape_cast %select_n3A_422 : vector<16xi32> to vector<16x1xi32>
        %gather3A_424 = vector.shape_cast %reshape3A_423 : vector<16x1xi32> to vector<16xi32>
        %gather3A_425 = tpu.dynamic_gather %get3A_306[%gather3A_424] in [0] : vector<16xi32>, vector<16xi32> -> vector<16xi32>
        %shift_left3A_426 = arith.shli %gather3A_425, %shift_left3A_23 : vector<16xi32>
        %add3A_427 = arith.constant 48 : i32
        %add3A_428 = arith.addi %mul3A_308, %add3A_427 : i32
        %get3A_429 = arith.constant 3 : i32
        %get3A_430 = arith.index_cast %get3A_429 : i32 to index
        %get3A_431 = arith.index_cast %add3A_428 : i32 to index
        %get3A_432 = tpu.vector_load %arg7[%get3A_430, %get3A_431] {strides = array<i32>} : memref<8x1024xf32, #tpu.memory_space<vmem>>, vector<1x16xf32>,
        %get3A_433 = vector.shape_cast %get3A_432 : vector<1x16xf32> to vector<16xf32>
        %add3A_434 = arith.constant 48 : i32
        %add3A_435 = arith.addi %mul3A_308, %add3A_434 : i32
        %get3A_436 = arith.constant 3 : i32
        %get3A_437 = arith.index_cast %get3A_436 : i32 to index
        %get3A_438 = arith.index_cast %add3A_435 : i32 to index
        %get3A_439 = tpu.vector_load %arg9[%get3A_437, %get3A_438] {strides = array<i32>} : memref<8x1024xf32, #tpu.memory_space<vmem>>, vector<1x16xf32>,
        %get3A_440 = vector.shape_cast %get3A_439 : vector<1x16xf32> to vector<16xf32>
        %sub3A_441 = arith.subf %get3A_433, %get3A_440 : vector<16xf32>
        %abs3A_442 = math.absf %sub3A_441 : vector<16xf32>
        %gt3A_443 = arith.constant 16777215 : i32
        %gt3A_444 = vector.broadcast %gt3A_443 : i32 to vector<16xi32>
        %gt3A_445 = arith.cmpi sgt, %shift_left3A_426, %gt3A_444 : vector<16xi32>
        %jit3A_446 = arith.constant 0.000000e+00 : f32
        %broadcast_in_dim3A_447 = vector.broadcast %jit3A_446 : f32 to vector<16xf32>
        %select_n3A_448 = arith.select %gt3A_445, %abs3A_442, %broadcast_in_dim3A_447 : vector<16xi1>, vector<16xf32>
        %add3A_449 = arith.addf %scan3A_299, %select_n3A_448 : vector<16xf32>
        %and3A_450 = arith.constant 16843009 : i32
        %and3A_451 = vector.broadcast %and3A_450 : i32 to vector<16xi32>
        %and3A_452 = arith.andi %get3A_306, %and3A_451 : vector<16xi32>
        %add3A_453 = arith.addi %scan3A_300, %and3A_452 : vector<16xi32>
        scf.yield %add3A_338, %add3A_375, %add3A_412, %add3A_449, %add3A_453 : vector<16xf32>, vector<16xf32>, vector<16xf32>, vector<16xf32>, vector<16xi32>
      }
      %scan3A_130 = arith.constant 16 : i32
      %scan3A_131 = arith.constant 0 : i32
      %scan3A_132 = arith.constant 16 : i32
      %scan3A_133 = arith.addi %scan3A_131, %scan3A_132 : i32
      %scan3A_134 = arith.constant 1 : i32
      %scan3A_135:5 = scf.for %scan3A_295 = %scan3A_131 to %scan3A_133 step %scan3A_134 iter_args(%scan3A_296 = %scan3A_129#0, %scan3A_297 = %scan3A_129#1, %scan3A_298 = %scan3A_129#2, %scan3A_299 = %scan3A_129#3, %scan3A_300 = %scan3A_129#4) -> (vector<16xf32>, vector<16xf32>, vector<16xf32>, vector<16xf32>, vector<16xi32>)  : i32 {
        %mul3A_301 = arith.constant 16 : i32
        %mul3A_302 = arith.muli %scan3A_295, %mul3A_301 : i32
        %get3A = arith.constant 4 : i32
        %get3A_303 = arith.index_cast %get3A : i32 to index
        %get3A_304 = arith.index_cast %mul3A_302 : i32 to index
        %get3A_305 = tpu.vector_load %arg11[%get3A_303, %get3A_304] {strides = array<i32>} : memref<8x256xi32, #tpu.memory_space<vmem>>, vector<1x16xi32>,
        %get3A_306 = vector.shape_cast %get3A_305 : vector<1x16xi32> to vector<16xi32>
        %mul3A_307 = arith.constant 64 : i32
        %mul3A_308 = arith.muli %scan3A_295, %mul3A_307 : i32
        %add3A_309 = arith.constant 0 : i32
        %add3A_310 = vector.broadcast %add3A_309 : i32 to vector<16xi32>
        %add3A_311 = arith.addi %shift_right_arithmetic3A_17, %add3A_310 : vector<16xi32>
        %lt3A = arith.constant 0 : i32
        %lt3A_312 = vector.broadcast %lt3A : i32 to vector<16xi32>
        %lt3A_313 = arith.cmpi slt, %add3A_311, %lt3A_312 : vector<16xi32>
        %add3A_314 = arith.constant 16 : i32
        %add3A_315 = vector.broadcast %add3A_314 : i32 to vector<16xi32>
        %add3A_316 = arith.addi %add3A_311, %add3A_315 : vector<16xi32>
        %select_n3A = arith.select %lt3A_313, %add3A_316, %add3A_311 : vector<16xi1>, vector<16xi32>
        %reshape3A = vector.shape_cast %select_n3A : vector<16xi32> to vector<16x1xi32>
        %gather3A = vector.shape_cast %reshape3A : vector<16x1xi32> to vector<16xi32>
        %gather3A_317 = tpu.dynamic_gather %get3A_306[%gather3A] in [0] : vector<16xi32>, vector<16xi32> -> vector<16xi32>
        %shift_left3A_318 = arith.shli %gather3A_317, %shift_left3A_23 : vector<16xi32>
        %add3A_319 = arith.constant 0 : i32
        %add3A_320 = arith.addi %mul3A_308, %add3A_319 : i32
        %get3A_321 = arith.constant 4 : i32
        %get3A_322 = arith.index_cast %get3A_321 : i32 to index
        %get3A_323 = arith.index_cast %add3A_320 : i32 to index
        %get3A_324 = tpu.vector_load %arg7[%get3A_322, %get3A_323] {strides = array<i32>} : memref<8x1024xf32, #tpu.memory_space<vmem>>, vector<1x16xf32>,
        %get3A_325 = vector.shape_cast %get3A_324 : vector<1x16xf32> to vector<16xf32>
        %add3A_326 = arith.constant 0 : i32
        %add3A_327 = arith.addi %mul3A_308, %add3A_326 : i32
        %get3A_328 = arith.constant 4 : i32
        %get3A_329 = arith.index_cast %get3A_328 : i32 to index
        %get3A_330 = arith.index_cast %add3A_327 : i32 to index
        %get3A_331 = tpu.vector_load %arg9[%get3A_329, %get3A_330] {strides = array<i32>} : memref<8x1024xf32, #tpu.memory_space<vmem>>, vector<1x16xf32>,
        %get3A_332 = vector.shape_cast %get3A_331 : vector<1x16xf32> to vector<16xf32>
        %sub3A_333 = arith.subf %get3A_325, %get3A_332 : vector<16xf32>
        %abs3A = math.absf %sub3A_333 : vector<16xf32>
        %gt3A = arith.constant 16777215 : i32
        %gt3A_334 = vector.broadcast %gt3A : i32 to vector<16xi32>
        %gt3A_335 = arith.cmpi sgt, %shift_left3A_318, %gt3A_334 : vector<16xi32>
        %jit3A = arith.constant 0.000000e+00 : f32
        %broadcast_in_dim3A_336 = vector.broadcast %jit3A : f32 to vector<16xf32>
        %select_n3A_337 = arith.select %gt3A_335, %abs3A, %broadcast_in_dim3A_336 : vector<16xi1>, vector<16xf32>
        %add3A_338 = arith.addf %scan3A_296, %select_n3A_337 : vector<16xf32>
        %add3A_339 = arith.constant 4 : i32
        %add3A_340 = vector.broadcast %add3A_339 : i32 to vector<16xi32>
        %add3A_341 = arith.addi %shift_right_arithmetic3A_17, %add3A_340 : vector<16xi32>
        %lt3A_342 = arith.constant 0 : i32
        %lt3A_343 = vector.broadcast %lt3A_342 : i32 to vector<16xi32>
        %lt3A_344 = arith.cmpi slt, %add3A_341, %lt3A_343 : vector<16xi32>
        %add3A_345 = arith.constant 16 : i32
        %add3A_346 = vector.broadcast %add3A_345 : i32 to vector<16xi32>
        %add3A_347 = arith.addi %add3A_341, %add3A_346 : vector<16xi32>
        %select_n3A_348 = arith.select %lt3A_344, %add3A_347, %add3A_341 : vector<16xi1>, vector<16xi32>
        %reshape3A_349 = vector.shape_cast %select_n3A_348 : vector<16xi32> to vector<16x1xi32>
        %gather3A_350 = vector.shape_cast %reshape3A_349 : vector<16x1xi32> to vector<16xi32>
        %gather3A_351 = tpu.dynamic_gather %get3A_306[%gather3A_350] in [0] : vector<16xi32>, vector<16xi32> -> vector<16xi32>
        %shift_left3A_352 = arith.shli %gather3A_351, %shift_left3A_23 : vector<16xi32>
        %add3A_353 = arith.constant 16 : i32
        %add3A_354 = arith.addi %mul3A_308, %add3A_353 : i32
        %get3A_355 = arith.constant 4 : i32
        %get3A_356 = arith.index_cast %get3A_355 : i32 to index
        %get3A_357 = arith.index_cast %add3A_354 : i32 to index
        %get3A_358 = tpu.vector_load %arg7[%get3A_356, %get3A_357] {strides = array<i32>} : memref<8x1024xf32, #tpu.memory_space<vmem>>, vector<1x16xf32>,
        %get3A_359 = vector.shape_cast %get3A_358 : vector<1x16xf32> to vector<16xf32>
        %add3A_360 = arith.constant 16 : i32
        %add3A_361 = arith.addi %mul3A_308, %add3A_360 : i32
        %get3A_362 = arith.constant 4 : i32
        %get3A_363 = arith.index_cast %get3A_362 : i32 to index
        %get3A_364 = arith.index_cast %add3A_361 : i32 to index
        %get3A_365 = tpu.vector_load %arg9[%get3A_363, %get3A_364] {strides = array<i32>} : memref<8x1024xf32, #tpu.memory_space<vmem>>, vector<1x16xf32>,
        %get3A_366 = vector.shape_cast %get3A_365 : vector<1x16xf32> to vector<16xf32>
        %sub3A_367 = arith.subf %get3A_359, %get3A_366 : vector<16xf32>
        %abs3A_368 = math.absf %sub3A_367 : vector<16xf32>
        %gt3A_369 = arith.constant 16777215 : i32
        %gt3A_370 = vector.broadcast %gt3A_369 : i32 to vector<16xi32>
        %gt3A_371 = arith.cmpi sgt, %shift_left3A_352, %gt3A_370 : vector<16xi32>
        %jit3A_372 = arith.constant 0.000000e+00 : f32
        %broadcast_in_dim3A_373 = vector.broadcast %jit3A_372 : f32 to vector<16xf32>
        %select_n3A_374 = arith.select %gt3A_371, %abs3A_368, %broadcast_in_dim3A_373 : vector<16xi1>, vector<16xf32>
        %add3A_375 = arith.addf %scan3A_297, %select_n3A_374 : vector<16xf32>
        %add3A_376 = arith.constant 8 : i32
        %add3A_377 = vector.broadcast %add3A_376 : i32 to vector<16xi32>
        %add3A_378 = arith.addi %shift_right_arithmetic3A_17, %add3A_377 : vector<16xi32>
        %lt3A_379 = arith.constant 0 : i32
        %lt3A_380 = vector.broadcast %lt3A_379 : i32 to vector<16xi32>
        %lt3A_381 = arith.cmpi slt, %add3A_378, %lt3A_380 : vector<16xi32>
        %add3A_382 = arith.constant 16 : i32
        %add3A_383 = vector.broadcast %add3A_382 : i32 to vector<16xi32>
        %add3A_384 = arith.addi %add3A_378, %add3A_383 : vector<16xi32>
        %select_n3A_385 = arith.select %lt3A_381, %add3A_384, %add3A_378 : vector<16xi1>, vector<16xi32>
        %reshape3A_386 = vector.shape_cast %select_n3A_385 : vector<16xi32> to vector<16x1xi32>
        %gather3A_387 = vector.shape_cast %reshape3A_386 : vector<16x1xi32> to vector<16xi32>
        %gather3A_388 = tpu.dynamic_gather %get3A_306[%gather3A_387] in [0] : vector<16xi32>, vector<16xi32> -> vector<16xi32>
        %shift_left3A_389 = arith.shli %gather3A_388, %shift_left3A_23 : vector<16xi32>
        %add3A_390 = arith.constant 32 : i32
        %add3A_391 = arith.addi %mul3A_308, %add3A_390 : i32
        %get3A_392 = arith.constant 4 : i32
        %get3A_393 = arith.index_cast %get3A_392 : i32 to index
        %get3A_394 = arith.index_cast %add3A_391 : i32 to index
        %get3A_395 = tpu.vector_load %arg7[%get3A_393, %get3A_394] {strides = array<i32>} : memref<8x1024xf32, #tpu.memory_space<vmem>>, vector<1x16xf32>,
        %get3A_396 = vector.shape_cast %get3A_395 : vector<1x16xf32> to vector<16xf32>
        %add3A_397 = arith.constant 32 : i32
        %add3A_398 = arith.addi %mul3A_308, %add3A_397 : i32
        %get3A_399 = arith.constant 4 : i32
        %get3A_400 = arith.index_cast %get3A_399 : i32 to index
        %get3A_401 = arith.index_cast %add3A_398 : i32 to index
        %get3A_402 = tpu.vector_load %arg9[%get3A_400, %get3A_401] {strides = array<i32>} : memref<8x1024xf32, #tpu.memory_space<vmem>>, vector<1x16xf32>,
        %get3A_403 = vector.shape_cast %get3A_402 : vector<1x16xf32> to vector<16xf32>
        %sub3A_404 = arith.subf %get3A_396, %get3A_403 : vector<16xf32>
        %abs3A_405 = math.absf %sub3A_404 : vector<16xf32>
        %gt3A_406 = arith.constant 16777215 : i32
        %gt3A_407 = vector.broadcast %gt3A_406 : i32 to vector<16xi32>
        %gt3A_408 = arith.cmpi sgt, %shift_left3A_389, %gt3A_407 : vector<16xi32>
        %jit3A_409 = arith.constant 0.000000e+00 : f32
        %broadcast_in_dim3A_410 = vector.broadcast %jit3A_409 : f32 to vector<16xf32>
        %select_n3A_411 = arith.select %gt3A_408, %abs3A_405, %broadcast_in_dim3A_410 : vector<16xi1>, vector<16xf32>
        %add3A_412 = arith.addf %scan3A_298, %select_n3A_411 : vector<16xf32>
        %add3A_413 = arith.constant 12 : i32
        %add3A_414 = vector.broadcast %add3A_413 : i32 to vector<16xi32>
        %add3A_415 = arith.addi %shift_right_arithmetic3A_17, %add3A_414 : vector<16xi32>
        %lt3A_416 = arith.constant 0 : i32
        %lt3A_417 = vector.broadcast %lt3A_416 : i32 to vector<16xi32>
        %lt3A_418 = arith.cmpi slt, %add3A_415, %lt3A_417 : vector<16xi32>
        %add3A_419 = arith.constant 16 : i32
        %add3A_420 = vector.broadcast %add3A_419 : i32 to vector<16xi32>
        %add3A_421 = arith.addi %add3A_415, %add3A_420 : vector<16xi32>
        %select_n3A_422 = arith.select %lt3A_418, %add3A_421, %add3A_415 : vector<16xi1>, vector<16xi32>
        %reshape3A_423 = vector.shape_cast %select_n3A_422 : vector<16xi32> to vector<16x1xi32>
        %gather3A_424 = vector.shape_cast %reshape3A_423 : vector<16x1xi32> to vector<16xi32>
        %gather3A_425 = tpu.dynamic_gather %get3A_306[%gather3A_424] in [0] : vector<16xi32>, vector<16xi32> -> vector<16xi32>
        %shift_left3A_426 = arith.shli %gather3A_425, %shift_left3A_23 : vector<16xi32>
        %add3A_427 = arith.constant 48 : i32
        %add3A_428 = arith.addi %mul3A_308, %add3A_427 : i32
        %get3A_429 = arith.constant 4 : i32
        %get3A_430 = arith.index_cast %get3A_429 : i32 to index
        %get3A_431 = arith.index_cast %add3A_428 : i32 to index
        %get3A_432 = tpu.vector_load %arg7[%get3A_430, %get3A_431] {strides = array<i32>} : memref<8x1024xf32, #tpu.memory_space<vmem>>, vector<1x16xf32>,
        %get3A_433 = vector.shape_cast %get3A_432 : vector<1x16xf32> to vector<16xf32>
        %add3A_434 = arith.constant 48 : i32
        %add3A_435 = arith.addi %mul3A_308, %add3A_434 : i32
        %get3A_436 = arith.constant 4 : i32
        %get3A_437 = arith.index_cast %get3A_436 : i32 to index
        %get3A_438 = arith.index_cast %add3A_435 : i32 to index
        %get3A_439 = tpu.vector_load %arg9[%get3A_437, %get3A_438] {strides = array<i32>} : memref<8x1024xf32, #tpu.memory_space<vmem>>, vector<1x16xf32>,
        %get3A_440 = vector.shape_cast %get3A_439 : vector<1x16xf32> to vector<16xf32>
        %sub3A_441 = arith.subf %get3A_433, %get3A_440 : vector<16xf32>
        %abs3A_442 = math.absf %sub3A_441 : vector<16xf32>
        %gt3A_443 = arith.constant 16777215 : i32
        %gt3A_444 = vector.broadcast %gt3A_443 : i32 to vector<16xi32>
        %gt3A_445 = arith.cmpi sgt, %shift_left3A_426, %gt3A_444 : vector<16xi32>
        %jit3A_446 = arith.constant 0.000000e+00 : f32
        %broadcast_in_dim3A_447 = vector.broadcast %jit3A_446 : f32 to vector<16xf32>
        %select_n3A_448 = arith.select %gt3A_445, %abs3A_442, %broadcast_in_dim3A_447 : vector<16xi1>, vector<16xf32>
        %add3A_449 = arith.addf %scan3A_299, %select_n3A_448 : vector<16xf32>
        %and3A_450 = arith.constant 16843009 : i32
        %and3A_451 = vector.broadcast %and3A_450 : i32 to vector<16xi32>
        %and3A_452 = arith.andi %get3A_306, %and3A_451 : vector<16xi32>
        %add3A_453 = arith.addi %scan3A_300, %and3A_452 : vector<16xi32>
        scf.yield %add3A_338, %add3A_375, %add3A_412, %add3A_449, %add3A_453 : vector<16xf32>, vector<16xf32>, vector<16xf32>, vector<16xf32>, vector<16xi32>
      }
      %scan3A_136 = arith.constant 16 : i32
      %scan3A_137 = arith.constant 0 : i32
      %scan3A_138 = arith.constant 16 : i32
      %scan3A_139 = arith.addi %scan3A_137, %scan3A_138 : i32
      %scan3A_140 = arith.constant 1 : i32
      %scan3A_141:5 = scf.for %scan3A_295 = %scan3A_137 to %scan3A_139 step %scan3A_140 iter_args(%scan3A_296 = %scan3A_135#0, %scan3A_297 = %scan3A_135#1, %scan3A_298 = %scan3A_135#2, %scan3A_299 = %scan3A_135#3, %scan3A_300 = %scan3A_135#4) -> (vector<16xf32>, vector<16xf32>, vector<16xf32>, vector<16xf32>, vector<16xi32>)  : i32 {
        %mul3A_301 = arith.constant 16 : i32
        %mul3A_302 = arith.muli %scan3A_295, %mul3A_301 : i32
        %get3A = arith.constant 5 : i32
        %get3A_303 = arith.index_cast %get3A : i32 to index
        %get3A_304 = arith.index_cast %mul3A_302 : i32 to index
        %get3A_305 = tpu.vector_load %arg11[%get3A_303, %get3A_304] {strides = array<i32>} : memref<8x256xi32, #tpu.memory_space<vmem>>, vector<1x16xi32>,
        %get3A_306 = vector.shape_cast %get3A_305 : vector<1x16xi32> to vector<16xi32>
        %mul3A_307 = arith.constant 64 : i32
        %mul3A_308 = arith.muli %scan3A_295, %mul3A_307 : i32
        %add3A_309 = arith.constant 0 : i32
        %add3A_310 = vector.broadcast %add3A_309 : i32 to vector<16xi32>
        %add3A_311 = arith.addi %shift_right_arithmetic3A_17, %add3A_310 : vector<16xi32>
        %lt3A = arith.constant 0 : i32
        %lt3A_312 = vector.broadcast %lt3A : i32 to vector<16xi32>
        %lt3A_313 = arith.cmpi slt, %add3A_311, %lt3A_312 : vector<16xi32>
        %add3A_314 = arith.constant 16 : i32
        %add3A_315 = vector.broadcast %add3A_314 : i32 to vector<16xi32>
        %add3A_316 = arith.addi %add3A_311, %add3A_315 : vector<16xi32>
        %select_n3A = arith.select %lt3A_313, %add3A_316, %add3A_311 : vector<16xi1>, vector<16xi32>
        %reshape3A = vector.shape_cast %select_n3A : vector<16xi32> to vector<16x1xi32>
        %gather3A = vector.shape_cast %reshape3A : vector<16x1xi32> to vector<16xi32>
        %gather3A_317 = tpu.dynamic_gather %get3A_306[%gather3A] in [0] : vector<16xi32>, vector<16xi32> -> vector<16xi32>
        %shift_left3A_318 = arith.shli %gather3A_317, %shift_left3A_23 : vector<16xi32>
        %add3A_319 = arith.constant 0 : i32
        %add3A_320 = arith.addi %mul3A_308, %add3A_319 : i32
        %get3A_321 = arith.constant 5 : i32
        %get3A_322 = arith.index_cast %get3A_321 : i32 to index
        %get3A_323 = arith.index_cast %add3A_320 : i32 to index
        %get3A_324 = tpu.vector_load %arg7[%get3A_322, %get3A_323] {strides = array<i32>} : memref<8x1024xf32, #tpu.memory_space<vmem>>, vector<1x16xf32>,
        %get3A_325 = vector.shape_cast %get3A_324 : vector<1x16xf32> to vector<16xf32>
        %add3A_326 = arith.constant 0 : i32
        %add3A_327 = arith.addi %mul3A_308, %add3A_326 : i32
        %get3A_328 = arith.constant 5 : i32
        %get3A_329 = arith.index_cast %get3A_328 : i32 to index
        %get3A_330 = arith.index_cast %add3A_327 : i32 to index
        %get3A_331 = tpu.vector_load %arg9[%get3A_329, %get3A_330] {strides = array<i32>} : memref<8x1024xf32, #tpu.memory_space<vmem>>, vector<1x16xf32>,
        %get3A_332 = vector.shape_cast %get3A_331 : vector<1x16xf32> to vector<16xf32>
        %sub3A_333 = arith.subf %get3A_325, %get3A_332 : vector<16xf32>
        %abs3A = math.absf %sub3A_333 : vector<16xf32>
        %gt3A = arith.constant 16777215 : i32
        %gt3A_334 = vector.broadcast %gt3A : i32 to vector<16xi32>
        %gt3A_335 = arith.cmpi sgt, %shift_left3A_318, %gt3A_334 : vector<16xi32>
        %jit3A = arith.constant 0.000000e+00 : f32
        %broadcast_in_dim3A_336 = vector.broadcast %jit3A : f32 to vector<16xf32>
        %select_n3A_337 = arith.select %gt3A_335, %abs3A, %broadcast_in_dim3A_336 : vector<16xi1>, vector<16xf32>
        %add3A_338 = arith.addf %scan3A_296, %select_n3A_337 : vector<16xf32>
        %add3A_339 = arith.constant 4 : i32
        %add3A_340 = vector.broadcast %add3A_339 : i32 to vector<16xi32>
        %add3A_341 = arith.addi %shift_right_arithmetic3A_17, %add3A_340 : vector<16xi32>
        %lt3A_342 = arith.constant 0 : i32
        %lt3A_343 = vector.broadcast %lt3A_342 : i32 to vector<16xi32>
        %lt3A_344 = arith.cmpi slt, %add3A_341, %lt3A_343 : vector<16xi32>
        %add3A_345 = arith.constant 16 : i32
        %add3A_346 = vector.broadcast %add3A_345 : i32 to vector<16xi32>
        %add3A_347 = arith.addi %add3A_341, %add3A_346 : vector<16xi32>
        %select_n3A_348 = arith.select %lt3A_344, %add3A_347, %add3A_341 : vector<16xi1>, vector<16xi32>
        %reshape3A_349 = vector.shape_cast %select_n3A_348 : vector<16xi32> to vector<16x1xi32>
        %gather3A_350 = vector.shape_cast %reshape3A_349 : vector<16x1xi32> to vector<16xi32>
        %gather3A_351 = tpu.dynamic_gather %get3A_306[%gather3A_350] in [0] : vector<16xi32>, vector<16xi32> -> vector<16xi32>
        %shift_left3A_352 = arith.shli %gather3A_351, %shift_left3A_23 : vector<16xi32>
        %add3A_353 = arith.constant 16 : i32
        %add3A_354 = arith.addi %mul3A_308, %add3A_353 : i32
        %get3A_355 = arith.constant 5 : i32
        %get3A_356 = arith.index_cast %get3A_355 : i32 to index
        %get3A_357 = arith.index_cast %add3A_354 : i32 to index
        %get3A_358 = tpu.vector_load %arg7[%get3A_356, %get3A_357] {strides = array<i32>} : memref<8x1024xf32, #tpu.memory_space<vmem>>, vector<1x16xf32>,
        %get3A_359 = vector.shape_cast %get3A_358 : vector<1x16xf32> to vector<16xf32>
        %add3A_360 = arith.constant 16 : i32
        %add3A_361 = arith.addi %mul3A_308, %add3A_360 : i32
        %get3A_362 = arith.constant 5 : i32
        %get3A_363 = arith.index_cast %get3A_362 : i32 to index
        %get3A_364 = arith.index_cast %add3A_361 : i32 to index
        %get3A_365 = tpu.vector_load %arg9[%get3A_363, %get3A_364] {strides = array<i32>} : memref<8x1024xf32, #tpu.memory_space<vmem>>, vector<1x16xf32>,
        %get3A_366 = vector.shape_cast %get3A_365 : vector<1x16xf32> to vector<16xf32>
        %sub3A_367 = arith.subf %get3A_359, %get3A_366 : vector<16xf32>
        %abs3A_368 = math.absf %sub3A_367 : vector<16xf32>
        %gt3A_369 = arith.constant 16777215 : i32
        %gt3A_370 = vector.broadcast %gt3A_369 : i32 to vector<16xi32>
        %gt3A_371 = arith.cmpi sgt, %shift_left3A_352, %gt3A_370 : vector<16xi32>
        %jit3A_372 = arith.constant 0.000000e+00 : f32
        %broadcast_in_dim3A_373 = vector.broadcast %jit3A_372 : f32 to vector<16xf32>
        %select_n3A_374 = arith.select %gt3A_371, %abs3A_368, %broadcast_in_dim3A_373 : vector<16xi1>, vector<16xf32>
        %add3A_375 = arith.addf %scan3A_297, %select_n3A_374 : vector<16xf32>
        %add3A_376 = arith.constant 8 : i32
        %add3A_377 = vector.broadcast %add3A_376 : i32 to vector<16xi32>
        %add3A_378 = arith.addi %shift_right_arithmetic3A_17, %add3A_377 : vector<16xi32>
        %lt3A_379 = arith.constant 0 : i32
        %lt3A_380 = vector.broadcast %lt3A_379 : i32 to vector<16xi32>
        %lt3A_381 = arith.cmpi slt, %add3A_378, %lt3A_380 : vector<16xi32>
        %add3A_382 = arith.constant 16 : i32
        %add3A_383 = vector.broadcast %add3A_382 : i32 to vector<16xi32>
        %add3A_384 = arith.addi %add3A_378, %add3A_383 : vector<16xi32>
        %select_n3A_385 = arith.select %lt3A_381, %add3A_384, %add3A_378 : vector<16xi1>, vector<16xi32>
        %reshape3A_386 = vector.shape_cast %select_n3A_385 : vector<16xi32> to vector<16x1xi32>
        %gather3A_387 = vector.shape_cast %reshape3A_386 : vector<16x1xi32> to vector<16xi32>
        %gather3A_388 = tpu.dynamic_gather %get3A_306[%gather3A_387] in [0] : vector<16xi32>, vector<16xi32> -> vector<16xi32>
        %shift_left3A_389 = arith.shli %gather3A_388, %shift_left3A_23 : vector<16xi32>
        %add3A_390 = arith.constant 32 : i32
        %add3A_391 = arith.addi %mul3A_308, %add3A_390 : i32
        %get3A_392 = arith.constant 5 : i32
        %get3A_393 = arith.index_cast %get3A_392 : i32 to index
        %get3A_394 = arith.index_cast %add3A_391 : i32 to index
        %get3A_395 = tpu.vector_load %arg7[%get3A_393, %get3A_394] {strides = array<i32>} : memref<8x1024xf32, #tpu.memory_space<vmem>>, vector<1x16xf32>,
        %get3A_396 = vector.shape_cast %get3A_395 : vector<1x16xf32> to vector<16xf32>
        %add3A_397 = arith.constant 32 : i32
        %add3A_398 = arith.addi %mul3A_308, %add3A_397 : i32
        %get3A_399 = arith.constant 5 : i32
        %get3A_400 = arith.index_cast %get3A_399 : i32 to index
        %get3A_401 = arith.index_cast %add3A_398 : i32 to index
        %get3A_402 = tpu.vector_load %arg9[%get3A_400, %get3A_401] {strides = array<i32>} : memref<8x1024xf32, #tpu.memory_space<vmem>>, vector<1x16xf32>,
        %get3A_403 = vector.shape_cast %get3A_402 : vector<1x16xf32> to vector<16xf32>
        %sub3A_404 = arith.subf %get3A_396, %get3A_403 : vector<16xf32>
        %abs3A_405 = math.absf %sub3A_404 : vector<16xf32>
        %gt3A_406 = arith.constant 16777215 : i32
        %gt3A_407 = vector.broadcast %gt3A_406 : i32 to vector<16xi32>
        %gt3A_408 = arith.cmpi sgt, %shift_left3A_389, %gt3A_407 : vector<16xi32>
        %jit3A_409 = arith.constant 0.000000e+00 : f32
        %broadcast_in_dim3A_410 = vector.broadcast %jit3A_409 : f32 to vector<16xf32>
        %select_n3A_411 = arith.select %gt3A_408, %abs3A_405, %broadcast_in_dim3A_410 : vector<16xi1>, vector<16xf32>
        %add3A_412 = arith.addf %scan3A_298, %select_n3A_411 : vector<16xf32>
        %add3A_413 = arith.constant 12 : i32
        %add3A_414 = vector.broadcast %add3A_413 : i32 to vector<16xi32>
        %add3A_415 = arith.addi %shift_right_arithmetic3A_17, %add3A_414 : vector<16xi32>
        %lt3A_416 = arith.constant 0 : i32
        %lt3A_417 = vector.broadcast %lt3A_416 : i32 to vector<16xi32>
        %lt3A_418 = arith.cmpi slt, %add3A_415, %lt3A_417 : vector<16xi32>
        %add3A_419 = arith.constant 16 : i32
        %add3A_420 = vector.broadcast %add3A_419 : i32 to vector<16xi32>
        %add3A_421 = arith.addi %add3A_415, %add3A_420 : vector<16xi32>
        %select_n3A_422 = arith.select %lt3A_418, %add3A_421, %add3A_415 : vector<16xi1>, vector<16xi32>
        %reshape3A_423 = vector.shape_cast %select_n3A_422 : vector<16xi32> to vector<16x1xi32>
        %gather3A_424 = vector.shape_cast %reshape3A_423 : vector<16x1xi32> to vector<16xi32>
        %gather3A_425 = tpu.dynamic_gather %get3A_306[%gather3A_424] in [0] : vector<16xi32>, vector<16xi32> -> vector<16xi32>
        %shift_left3A_426 = arith.shli %gather3A_425, %shift_left3A_23 : vector<16xi32>
        %add3A_427 = arith.constant 48 : i32
        %add3A_428 = arith.addi %mul3A_308, %add3A_427 : i32
        %get3A_429 = arith.constant 5 : i32
        %get3A_430 = arith.index_cast %get3A_429 : i32 to index
        %get3A_431 = arith.index_cast %add3A_428 : i32 to index
        %get3A_432 = tpu.vector_load %arg7[%get3A_430, %get3A_431] {strides = array<i32>} : memref<8x1024xf32, #tpu.memory_space<vmem>>, vector<1x16xf32>,
        %get3A_433 = vector.shape_cast %get3A_432 : vector<1x16xf32> to vector<16xf32>
        %add3A_434 = arith.constant 48 : i32
        %add3A_435 = arith.addi %mul3A_308, %add3A_434 : i32
        %get3A_436 = arith.constant 5 : i32
        %get3A_437 = arith.index_cast %get3A_436 : i32 to index
        %get3A_438 = arith.index_cast %add3A_435 : i32 to index
        %get3A_439 = tpu.vector_load %arg9[%get3A_437, %get3A_438] {strides = array<i32>} : memref<8x1024xf32, #tpu.memory_space<vmem>>, vector<1x16xf32>,
        %get3A_440 = vector.shape_cast %get3A_439 : vector<1x16xf32> to vector<16xf32>
        %sub3A_441 = arith.subf %get3A_433, %get3A_440 : vector<16xf32>
        %abs3A_442 = math.absf %sub3A_441 : vector<16xf32>
        %gt3A_443 = arith.constant 16777215 : i32
        %gt3A_444 = vector.broadcast %gt3A_443 : i32 to vector<16xi32>
        %gt3A_445 = arith.cmpi sgt, %shift_left3A_426, %gt3A_444 : vector<16xi32>
        %jit3A_446 = arith.constant 0.000000e+00 : f32
        %broadcast_in_dim3A_447 = vector.broadcast %jit3A_446 : f32 to vector<16xf32>
        %select_n3A_448 = arith.select %gt3A_445, %abs3A_442, %broadcast_in_dim3A_447 : vector<16xi1>, vector<16xf32>
        %add3A_449 = arith.addf %scan3A_299, %select_n3A_448 : vector<16xf32>
        %and3A_450 = arith.constant 16843009 : i32
        %and3A_451 = vector.broadcast %and3A_450 : i32 to vector<16xi32>
        %and3A_452 = arith.andi %get3A_306, %and3A_451 : vector<16xi32>
        %add3A_453 = arith.addi %scan3A_300, %and3A_452 : vector<16xi32>
        scf.yield %add3A_338, %add3A_375, %add3A_412, %add3A_449, %add3A_453 : vector<16xf32>, vector<16xf32>, vector<16xf32>, vector<16xf32>, vector<16xi32>
      }
      %scan3A_142 = arith.constant 16 : i32
      %scan3A_143 = arith.constant 0 : i32
      %scan3A_144 = arith.constant 16 : i32
      %scan3A_145 = arith.addi %scan3A_143, %scan3A_144 : i32
      %scan3A_146 = arith.constant 1 : i32
      %scan3A_147:5 = scf.for %scan3A_295 = %scan3A_143 to %scan3A_145 step %scan3A_146 iter_args(%scan3A_296 = %scan3A_141#0, %scan3A_297 = %scan3A_141#1, %scan3A_298 = %scan3A_141#2, %scan3A_299 = %scan3A_141#3, %scan3A_300 = %scan3A_141#4) -> (vector<16xf32>, vector<16xf32>, vector<16xf32>, vector<16xf32>, vector<16xi32>)  : i32 {
        %mul3A_301 = arith.constant 16 : i32
        %mul3A_302 = arith.muli %scan3A_295, %mul3A_301 : i32
        %get3A = arith.constant 6 : i32
        %get3A_303 = arith.index_cast %get3A : i32 to index
        %get3A_304 = arith.index_cast %mul3A_302 : i32 to index
        %get3A_305 = tpu.vector_load %arg11[%get3A_303, %get3A_304] {strides = array<i32>} : memref<8x256xi32, #tpu.memory_space<vmem>>, vector<1x16xi32>,
        %get3A_306 = vector.shape_cast %get3A_305 : vector<1x16xi32> to vector<16xi32>
        %mul3A_307 = arith.constant 64 : i32
        %mul3A_308 = arith.muli %scan3A_295, %mul3A_307 : i32
        %add3A_309 = arith.constant 0 : i32
        %add3A_310 = vector.broadcast %add3A_309 : i32 to vector<16xi32>
        %add3A_311 = arith.addi %shift_right_arithmetic3A_17, %add3A_310 : vector<16xi32>
        %lt3A = arith.constant 0 : i32
        %lt3A_312 = vector.broadcast %lt3A : i32 to vector<16xi32>
        %lt3A_313 = arith.cmpi slt, %add3A_311, %lt3A_312 : vector<16xi32>
        %add3A_314 = arith.constant 16 : i32
        %add3A_315 = vector.broadcast %add3A_314 : i32 to vector<16xi32>
        %add3A_316 = arith.addi %add3A_311, %add3A_315 : vector<16xi32>
        %select_n3A = arith.select %lt3A_313, %add3A_316, %add3A_311 : vector<16xi1>, vector<16xi32>
        %reshape3A = vector.shape_cast %select_n3A : vector<16xi32> to vector<16x1xi32>
        %gather3A = vector.shape_cast %reshape3A : vector<16x1xi32> to vector<16xi32>
        %gather3A_317 = tpu.dynamic_gather %get3A_306[%gather3A] in [0] : vector<16xi32>, vector<16xi32> -> vector<16xi32>
        %shift_left3A_318 = arith.shli %gather3A_317, %shift_left3A_23 : vector<16xi32>
        %add3A_319 = arith.constant 0 : i32
        %add3A_320 = arith.addi %mul3A_308, %add3A_319 : i32
        %get3A_321 = arith.constant 6 : i32
        %get3A_322 = arith.index_cast %get3A_321 : i32 to index
        %get3A_323 = arith.index_cast %add3A_320 : i32 to index
        %get3A_324 = tpu.vector_load %arg7[%get3A_322, %get3A_323] {strides = array<i32>} : memref<8x1024xf32, #tpu.memory_space<vmem>>, vector<1x16xf32>,
        %get3A_325 = vector.shape_cast %get3A_324 : vector<1x16xf32> to vector<16xf32>
        %add3A_326 = arith.constant 0 : i32
        %add3A_327 = arith.addi %mul3A_308, %add3A_326 : i32
        %get3A_328 = arith.constant 6 : i32
        %get3A_329 = arith.index_cast %get3A_328 : i32 to index
        %get3A_330 = arith.index_cast %add3A_327 : i32 to index
        %get3A_331 = tpu.vector_load %arg9[%get3A_329, %get3A_330] {strides = array<i32>} : memref<8x1024xf32, #tpu.memory_space<vmem>>, vector<1x16xf32>,
        %get3A_332 = vector.shape_cast %get3A_331 : vector<1x16xf32> to vector<16xf32>
        %sub3A_333 = arith.subf %get3A_325, %get3A_332 : vector<16xf32>
        %abs3A = math.absf %sub3A_333 : vector<16xf32>
        %gt3A = arith.constant 16777215 : i32
        %gt3A_334 = vector.broadcast %gt3A : i32 to vector<16xi32>
        %gt3A_335 = arith.cmpi sgt, %shift_left3A_318, %gt3A_334 : vector<16xi32>
        %jit3A = arith.constant 0.000000e+00 : f32
        %broadcast_in_dim3A_336 = vector.broadcast %jit3A : f32 to vector<16xf32>
        %select_n3A_337 = arith.select %gt3A_335, %abs3A, %broadcast_in_dim3A_336 : vector<16xi1>, vector<16xf32>
        %add3A_338 = arith.addf %scan3A_296, %select_n3A_337 : vector<16xf32>
        %add3A_339 = arith.constant 4 : i32
        %add3A_340 = vector.broadcast %add3A_339 : i32 to vector<16xi32>
        %add3A_341 = arith.addi %shift_right_arithmetic3A_17, %add3A_340 : vector<16xi32>
        %lt3A_342 = arith.constant 0 : i32
        %lt3A_343 = vector.broadcast %lt3A_342 : i32 to vector<16xi32>
        %lt3A_344 = arith.cmpi slt, %add3A_341, %lt3A_343 : vector<16xi32>
        %add3A_345 = arith.constant 16 : i32
        %add3A_346 = vector.broadcast %add3A_345 : i32 to vector<16xi32>
        %add3A_347 = arith.addi %add3A_341, %add3A_346 : vector<16xi32>
        %select_n3A_348 = arith.select %lt3A_344, %add3A_347, %add3A_341 : vector<16xi1>, vector<16xi32>
        %reshape3A_349 = vector.shape_cast %select_n3A_348 : vector<16xi32> to vector<16x1xi32>
        %gather3A_350 = vector.shape_cast %reshape3A_349 : vector<16x1xi32> to vector<16xi32>
        %gather3A_351 = tpu.dynamic_gather %get3A_306[%gather3A_350] in [0] : vector<16xi32>, vector<16xi32> -> vector<16xi32>
        %shift_left3A_352 = arith.shli %gather3A_351, %shift_left3A_23 : vector<16xi32>
        %add3A_353 = arith.constant 16 : i32
        %add3A_354 = arith.addi %mul3A_308, %add3A_353 : i32
        %get3A_355 = arith.constant 6 : i32
        %get3A_356 = arith.index_cast %get3A_355 : i32 to index
        %get3A_357 = arith.index_cast %add3A_354 : i32 to index
        %get3A_358 = tpu.vector_load %arg7[%get3A_356, %get3A_357] {strides = array<i32>} : memref<8x1024xf32, #tpu.memory_space<vmem>>, vector<1x16xf32>,
        %get3A_359 = vector.shape_cast %get3A_358 : vector<1x16xf32> to vector<16xf32>
        %add3A_360 = arith.constant 16 : i32
        %add3A_361 = arith.addi %mul3A_308, %add3A_360 : i32
        %get3A_362 = arith.constant 6 : i32
        %get3A_363 = arith.index_cast %get3A_362 : i32 to index
        %get3A_364 = arith.index_cast %add3A_361 : i32 to index
        %get3A_365 = tpu.vector_load %arg9[%get3A_363, %get3A_364] {strides = array<i32>} : memref<8x1024xf32, #tpu.memory_space<vmem>>, vector<1x16xf32>,
        %get3A_366 = vector.shape_cast %get3A_365 : vector<1x16xf32> to vector<16xf32>
        %sub3A_367 = arith.subf %get3A_359, %get3A_366 : vector<16xf32>
        %abs3A_368 = math.absf %sub3A_367 : vector<16xf32>
        %gt3A_369 = arith.constant 16777215 : i32
        %gt3A_370 = vector.broadcast %gt3A_369 : i32 to vector<16xi32>
        %gt3A_371 = arith.cmpi sgt, %shift_left3A_352, %gt3A_370 : vector<16xi32>
        %jit3A_372 = arith.constant 0.000000e+00 : f32
        %broadcast_in_dim3A_373 = vector.broadcast %jit3A_372 : f32 to vector<16xf32>
        %select_n3A_374 = arith.select %gt3A_371, %abs3A_368, %broadcast_in_dim3A_373 : vector<16xi1>, vector<16xf32>
        %add3A_375 = arith.addf %scan3A_297, %select_n3A_374 : vector<16xf32>
        %add3A_376 = arith.constant 8 : i32
        %add3A_377 = vector.broadcast %add3A_376 : i32 to vector<16xi32>
        %add3A_378 = arith.addi %shift_right_arithmetic3A_17, %add3A_377 : vector<16xi32>
        %lt3A_379 = arith.constant 0 : i32
        %lt3A_380 = vector.broadcast %lt3A_379 : i32 to vector<16xi32>
        %lt3A_381 = arith.cmpi slt, %add3A_378, %lt3A_380 : vector<16xi32>
        %add3A_382 = arith.constant 16 : i32
        %add3A_383 = vector.broadcast %add3A_382 : i32 to vector<16xi32>
        %add3A_384 = arith.addi %add3A_378, %add3A_383 : vector<16xi32>
        %select_n3A_385 = arith.select %lt3A_381, %add3A_384, %add3A_378 : vector<16xi1>, vector<16xi32>
        %reshape3A_386 = vector.shape_cast %select_n3A_385 : vector<16xi32> to vector<16x1xi32>
        %gather3A_387 = vector.shape_cast %reshape3A_386 : vector<16x1xi32> to vector<16xi32>
        %gather3A_388 = tpu.dynamic_gather %get3A_306[%gather3A_387] in [0] : vector<16xi32>, vector<16xi32> -> vector<16xi32>
        %shift_left3A_389 = arith.shli %gather3A_388, %shift_left3A_23 : vector<16xi32>
        %add3A_390 = arith.constant 32 : i32
        %add3A_391 = arith.addi %mul3A_308, %add3A_390 : i32
        %get3A_392 = arith.constant 6 : i32
        %get3A_393 = arith.index_cast %get3A_392 : i32 to index
        %get3A_394 = arith.index_cast %add3A_391 : i32 to index
        %get3A_395 = tpu.vector_load %arg7[%get3A_393, %get3A_394] {strides = array<i32>} : memref<8x1024xf32, #tpu.memory_space<vmem>>, vector<1x16xf32>,
        %get3A_396 = vector.shape_cast %get3A_395 : vector<1x16xf32> to vector<16xf32>
        %add3A_397 = arith.constant 32 : i32
        %add3A_398 = arith.addi %mul3A_308, %add3A_397 : i32
        %get3A_399 = arith.constant 6 : i32
        %get3A_400 = arith.index_cast %get3A_399 : i32 to index
        %get3A_401 = arith.index_cast %add3A_398 : i32 to index
        %get3A_402 = tpu.vector_load %arg9[%get3A_400, %get3A_401] {strides = array<i32>} : memref<8x1024xf32, #tpu.memory_space<vmem>>, vector<1x16xf32>,
        %get3A_403 = vector.shape_cast %get3A_402 : vector<1x16xf32> to vector<16xf32>
        %sub3A_404 = arith.subf %get3A_396, %get3A_403 : vector<16xf32>
        %abs3A_405 = math.absf %sub3A_404 : vector<16xf32>
        %gt3A_406 = arith.constant 16777215 : i32
        %gt3A_407 = vector.broadcast %gt3A_406 : i32 to vector<16xi32>
        %gt3A_408 = arith.cmpi sgt, %shift_left3A_389, %gt3A_407 : vector<16xi32>
        %jit3A_409 = arith.constant 0.000000e+00 : f32
        %broadcast_in_dim3A_410 = vector.broadcast %jit3A_409 : f32 to vector<16xf32>
        %select_n3A_411 = arith.select %gt3A_408, %abs3A_405, %broadcast_in_dim3A_410 : vector<16xi1>, vector<16xf32>
        %add3A_412 = arith.addf %scan3A_298, %select_n3A_411 : vector<16xf32>
        %add3A_413 = arith.constant 12 : i32
        %add3A_414 = vector.broadcast %add3A_413 : i32 to vector<16xi32>
        %add3A_415 = arith.addi %shift_right_arithmetic3A_17, %add3A_414 : vector<16xi32>
        %lt3A_416 = arith.constant 0 : i32
        %lt3A_417 = vector.broadcast %lt3A_416 : i32 to vector<16xi32>
        %lt3A_418 = arith.cmpi slt, %add3A_415, %lt3A_417 : vector<16xi32>
        %add3A_419 = arith.constant 16 : i32
        %add3A_420 = vector.broadcast %add3A_419 : i32 to vector<16xi32>
        %add3A_421 = arith.addi %add3A_415, %add3A_420 : vector<16xi32>
        %select_n3A_422 = arith.select %lt3A_418, %add3A_421, %add3A_415 : vector<16xi1>, vector<16xi32>
        %reshape3A_423 = vector.shape_cast %select_n3A_422 : vector<16xi32> to vector<16x1xi32>
        %gather3A_424 = vector.shape_cast %reshape3A_423 : vector<16x1xi32> to vector<16xi32>
        %gather3A_425 = tpu.dynamic_gather %get3A_306[%gather3A_424] in [0] : vector<16xi32>, vector<16xi32> -> vector<16xi32>
        %shift_left3A_426 = arith.shli %gather3A_425, %shift_left3A_23 : vector<16xi32>
        %add3A_427 = arith.constant 48 : i32
        %add3A_428 = arith.addi %mul3A_308, %add3A_427 : i32
        %get3A_429 = arith.constant 6 : i32
        %get3A_430 = arith.index_cast %get3A_429 : i32 to index
        %get3A_431 = arith.index_cast %add3A_428 : i32 to index
        %get3A_432 = tpu.vector_load %arg7[%get3A_430, %get3A_431] {strides = array<i32>} : memref<8x1024xf32, #tpu.memory_space<vmem>>, vector<1x16xf32>,
        %get3A_433 = vector.shape_cast %get3A_432 : vector<1x16xf32> to vector<16xf32>
        %add3A_434 = arith.constant 48 : i32
        %add3A_435 = arith.addi %mul3A_308, %add3A_434 : i32
        %get3A_436 = arith.constant 6 : i32
        %get3A_437 = arith.index_cast %get3A_436 : i32 to index
        %get3A_438 = arith.index_cast %add3A_435 : i32 to index
        %get3A_439 = tpu.vector_load %arg9[%get3A_437, %get3A_438] {strides = array<i32>} : memref<8x1024xf32, #tpu.memory_space<vmem>>, vector<1x16xf32>,
        %get3A_440 = vector.shape_cast %get3A_439 : vector<1x16xf32> to vector<16xf32>
        %sub3A_441 = arith.subf %get3A_433, %get3A_440 : vector<16xf32>
        %abs3A_442 = math.absf %sub3A_441 : vector<16xf32>
        %gt3A_443 = arith.constant 16777215 : i32
        %gt3A_444 = vector.broadcast %gt3A_443 : i32 to vector<16xi32>
        %gt3A_445 = arith.cmpi sgt, %shift_left3A_426, %gt3A_444 : vector<16xi32>
        %jit3A_446 = arith.constant 0.000000e+00 : f32
        %broadcast_in_dim3A_447 = vector.broadcast %jit3A_446 : f32 to vector<16xf32>
        %select_n3A_448 = arith.select %gt3A_445, %abs3A_442, %broadcast_in_dim3A_447 : vector<16xi1>, vector<16xf32>
        %add3A_449 = arith.addf %scan3A_299, %select_n3A_448 : vector<16xf32>
        %and3A_450 = arith.constant 16843009 : i32
        %and3A_451 = vector.broadcast %and3A_450 : i32 to vector<16xi32>
        %and3A_452 = arith.andi %get3A_306, %and3A_451 : vector<16xi32>
        %add3A_453 = arith.addi %scan3A_300, %and3A_452 : vector<16xi32>
        scf.yield %add3A_338, %add3A_375, %add3A_412, %add3A_449, %add3A_453 : vector<16xf32>, vector<16xf32>, vector<16xf32>, vector<16xf32>, vector<16xi32>
      }
      %scan3A_148 = arith.constant 16 : i32
      %scan3A_149 = arith.constant 0 : i32
      %scan3A_150 = arith.constant 16 : i32
      %scan3A_151 = arith.addi %scan3A_149, %scan3A_150 : i32
      %scan3A_152 = arith.constant 1 : i32
      %scan3A_153:5 = scf.for %scan3A_295 = %scan3A_149 to %scan3A_151 step %scan3A_152 iter_args(%scan3A_296 = %scan3A_147#0, %scan3A_297 = %scan3A_147#1, %scan3A_298 = %scan3A_147#2, %scan3A_299 = %scan3A_147#3, %scan3A_300 = %scan3A_147#4) -> (vector<16xf32>, vector<16xf32>, vector<16xf32>, vector<16xf32>, vector<16xi32>)  : i32 {
        %mul3A_301 = arith.constant 16 : i32
        %mul3A_302 = arith.muli %scan3A_295, %mul3A_301 : i32
        %get3A = arith.constant 7 : i32
        %get3A_303 = arith.index_cast %get3A : i32 to index
        %get3A_304 = arith.index_cast %mul3A_302 : i32 to index
        %get3A_305 = tpu.vector_load %arg11[%get3A_303, %get3A_304] {strides = array<i32>} : memref<8x256xi32, #tpu.memory_space<vmem>>, vector<1x16xi32>,
        %get3A_306 = vector.shape_cast %get3A_305 : vector<1x16xi32> to vector<16xi32>
        %mul3A_307 = arith.constant 64 : i32
        %mul3A_308 = arith.muli %scan3A_295, %mul3A_307 : i32
        %add3A_309 = arith.constant 0 : i32
        %add3A_310 = vector.broadcast %add3A_309 : i32 to vector<16xi32>
        %add3A_311 = arith.addi %shift_right_arithmetic3A_17, %add3A_310 : vector<16xi32>
        %lt3A = arith.constant 0 : i32
        %lt3A_312 = vector.broadcast %lt3A : i32 to vector<16xi32>
        %lt3A_313 = arith.cmpi slt, %add3A_311, %lt3A_312 : vector<16xi32>
        %add3A_314 = arith.constant 16 : i32
        %add3A_315 = vector.broadcast %add3A_314 : i32 to vector<16xi32>
        %add3A_316 = arith.addi %add3A_311, %add3A_315 : vector<16xi32>
        %select_n3A = arith.select %lt3A_313, %add3A_316, %add3A_311 : vector<16xi1>, vector<16xi32>
        %reshape3A = vector.shape_cast %select_n3A : vector<16xi32> to vector<16x1xi32>
        %gather3A = vector.shape_cast %reshape3A : vector<16x1xi32> to vector<16xi32>
        %gather3A_317 = tpu.dynamic_gather %get3A_306[%gather3A] in [0] : vector<16xi32>, vector<16xi32> -> vector<16xi32>
        %shift_left3A_318 = arith.shli %gather3A_317, %shift_left3A_23 : vector<16xi32>
        %add3A_319 = arith.constant 0 : i32
        %add3A_320 = arith.addi %mul3A_308, %add3A_319 : i32
        %get3A_321 = arith.constant 7 : i32
        %get3A_322 = arith.index_cast %get3A_321 : i32 to index
        %get3A_323 = arith.index_cast %add3A_320 : i32 to index
        %get3A_324 = tpu.vector_load %arg7[%get3A_322, %get3A_323] {strides = array<i32>} : memref<8x1024xf32, #tpu.memory_space<vmem>>, vector<1x16xf32>,
        %get3A_325 = vector.shape_cast %get3A_324 : vector<1x16xf32> to vector<16xf32>
        %add3A_326 = arith.constant 0 : i32
        %add3A_327 = arith.addi %mul3A_308, %add3A_326 : i32
        %get3A_328 = arith.constant 7 : i32
        %get3A_329 = arith.index_cast %get3A_328 : i32 to index
        %get3A_330 = arith.index_cast %add3A_327 : i32 to index
        %get3A_331 = tpu.vector_load %arg9[%get3A_329, %get3A_330] {strides = array<i32>} : memref<8x1024xf32, #tpu.memory_space<vmem>>, vector<1x16xf32>,
        %get3A_332 = vector.shape_cast %get3A_331 : vector<1x16xf32> to vector<16xf32>
        %sub3A_333 = arith.subf %get3A_325, %get3A_332 : vector<16xf32>
        %abs3A = math.absf %sub3A_333 : vector<16xf32>
        %gt3A = arith.constant 16777215 : i32
        %gt3A_334 = vector.broadcast %gt3A : i32 to vector<16xi32>
        %gt3A_335 = arith.cmpi sgt, %shift_left3A_318, %gt3A_334 : vector<16xi32>
        %jit3A = arith.constant 0.000000e+00 : f32
        %broadcast_in_dim3A_336 = vector.broadcast %jit3A : f32 to vector<16xf32>
        %select_n3A_337 = arith.select %gt3A_335, %abs3A, %broadcast_in_dim3A_336 : vector<16xi1>, vector<16xf32>
        %add3A_338 = arith.addf %scan3A_296, %select_n3A_337 : vector<16xf32>
        %add3A_339 = arith.constant 4 : i32
        %add3A_340 = vector.broadcast %add3A_339 : i32 to vector<16xi32>
        %add3A_341 = arith.addi %shift_right_arithmetic3A_17, %add3A_340 : vector<16xi32>
        %lt3A_342 = arith.constant 0 : i32
        %lt3A_343 = vector.broadcast %lt3A_342 : i32 to vector<16xi32>
        %lt3A_344 = arith.cmpi slt, %add3A_341, %lt3A_343 : vector<16xi32>
        %add3A_345 = arith.constant 16 : i32
        %add3A_346 = vector.broadcast %add3A_345 : i32 to vector<16xi32>
        %add3A_347 = arith.addi %add3A_341, %add3A_346 : vector<16xi32>
        %select_n3A_348 = arith.select %lt3A_344, %add3A_347, %add3A_341 : vector<16xi1>, vector<16xi32>
        %reshape3A_349 = vector.shape_cast %select_n3A_348 : vector<16xi32> to vector<16x1xi32>
        %gather3A_350 = vector.shape_cast %reshape3A_349 : vector<16x1xi32> to vector<16xi32>
        %gather3A_351 = tpu.dynamic_gather %get3A_306[%gather3A_350] in [0] : vector<16xi32>, vector<16xi32> -> vector<16xi32>
        %shift_left3A_352 = arith.shli %gather3A_351, %shift_left3A_23 : vector<16xi32>
        %add3A_353 = arith.constant 16 : i32
        %add3A_354 = arith.addi %mul3A_308, %add3A_353 : i32
        %get3A_355 = arith.constant 7 : i32
        %get3A_356 = arith.index_cast %get3A_355 : i32 to index
        %get3A_357 = arith.index_cast %add3A_354 : i32 to index
        %get3A_358 = tpu.vector_load %arg7[%get3A_356, %get3A_357] {strides = array<i32>} : memref<8x1024xf32, #tpu.memory_space<vmem>>, vector<1x16xf32>,
        %get3A_359 = vector.shape_cast %get3A_358 : vector<1x16xf32> to vector<16xf32>
        %add3A_360 = arith.constant 16 : i32
        %add3A_361 = arith.addi %mul3A_308, %add3A_360 : i32
        %get3A_362 = arith.constant 7 : i32
        %get3A_363 = arith.index_cast %get3A_362 : i32 to index
        %get3A_364 = arith.index_cast %add3A_361 : i32 to index
        %get3A_365 = tpu.vector_load %arg9[%get3A_363, %get3A_364] {strides = array<i32>} : memref<8x1024xf32, #tpu.memory_space<vmem>>, vector<1x16xf32>,
        %get3A_366 = vector.shape_cast %get3A_365 : vector<1x16xf32> to vector<16xf32>
        %sub3A_367 = arith.subf %get3A_359, %get3A_366 : vector<16xf32>
        %abs3A_368 = math.absf %sub3A_367 : vector<16xf32>
        %gt3A_369 = arith.constant 16777215 : i32
        %gt3A_370 = vector.broadcast %gt3A_369 : i32 to vector<16xi32>
        %gt3A_371 = arith.cmpi sgt, %shift_left3A_352, %gt3A_370 : vector<16xi32>
        %jit3A_372 = arith.constant 0.000000e+00 : f32
        %broadcast_in_dim3A_373 = vector.broadcast %jit3A_372 : f32 to vector<16xf32>
        %select_n3A_374 = arith.select %gt3A_371, %abs3A_368, %broadcast_in_dim3A_373 : vector<16xi1>, vector<16xf32>
        %add3A_375 = arith.addf %scan3A_297, %select_n3A_374 : vector<16xf32>
        %add3A_376 = arith.constant 8 : i32
        %add3A_377 = vector.broadcast %add3A_376 : i32 to vector<16xi32>
        %add3A_378 = arith.addi %shift_right_arithmetic3A_17, %add3A_377 : vector<16xi32>
        %lt3A_379 = arith.constant 0 : i32
        %lt3A_380 = vector.broadcast %lt3A_379 : i32 to vector<16xi32>
        %lt3A_381 = arith.cmpi slt, %add3A_378, %lt3A_380 : vector<16xi32>
        %add3A_382 = arith.constant 16 : i32
        %add3A_383 = vector.broadcast %add3A_382 : i32 to vector<16xi32>
        %add3A_384 = arith.addi %add3A_378, %add3A_383 : vector<16xi32>
        %select_n3A_385 = arith.select %lt3A_381, %add3A_384, %add3A_378 : vector<16xi1>, vector<16xi32>
        %reshape3A_386 = vector.shape_cast %select_n3A_385 : vector<16xi32> to vector<16x1xi32>
        %gather3A_387 = vector.shape_cast %reshape3A_386 : vector<16x1xi32> to vector<16xi32>
        %gather3A_388 = tpu.dynamic_gather %get3A_306[%gather3A_387] in [0] : vector<16xi32>, vector<16xi32> -> vector<16xi32>
        %shift_left3A_389 = arith.shli %gather3A_388, %shift_left3A_23 : vector<16xi32>
        %add3A_390 = arith.constant 32 : i32
        %add3A_391 = arith.addi %mul3A_308, %add3A_390 : i32
        %get3A_392 = arith.constant 7 : i32
        %get3A_393 = arith.index_cast %get3A_392 : i32 to index
        %get3A_394 = arith.index_cast %add3A_391 : i32 to index
        %get3A_395 = tpu.vector_load %arg7[%get3A_393, %get3A_394] {strides = array<i32>} : memref<8x1024xf32, #tpu.memory_space<vmem>>, vector<1x16xf32>,
        %get3A_396 = vector.shape_cast %get3A_395 : vector<1x16xf32> to vector<16xf32>
        %add3A_397 = arith.constant 32 : i32
        %add3A_398 = arith.addi %mul3A_308, %add3A_397 : i32
        %get3A_399 = arith.constant 7 : i32
        %get3A_400 = arith.index_cast %get3A_399 : i32 to index
        %get3A_401 = arith.index_cast %add3A_398 : i32 to index
        %get3A_402 = tpu.vector_load %arg9[%get3A_400, %get3A_401] {strides = array<i32>} : memref<8x1024xf32, #tpu.memory_space<vmem>>, vector<1x16xf32>,
        %get3A_403 = vector.shape_cast %get3A_402 : vector<1x16xf32> to vector<16xf32>
        %sub3A_404 = arith.subf %get3A_396, %get3A_403 : vector<16xf32>
        %abs3A_405 = math.absf %sub3A_404 : vector<16xf32>
        %gt3A_406 = arith.constant 16777215 : i32
        %gt3A_407 = vector.broadcast %gt3A_406 : i32 to vector<16xi32>
        %gt3A_408 = arith.cmpi sgt, %shift_left3A_389, %gt3A_407 : vector<16xi32>
        %jit3A_409 = arith.constant 0.000000e+00 : f32
        %broadcast_in_dim3A_410 = vector.broadcast %jit3A_409 : f32 to vector<16xf32>
        %select_n3A_411 = arith.select %gt3A_408, %abs3A_405, %broadcast_in_dim3A_410 : vector<16xi1>, vector<16xf32>
        %add3A_412 = arith.addf %scan3A_298, %select_n3A_411 : vector<16xf32>
        %add3A_413 = arith.constant 12 : i32
        %add3A_414 = vector.broadcast %add3A_413 : i32 to vector<16xi32>
        %add3A_415 = arith.addi %shift_right_arithmetic3A_17, %add3A_414 : vector<16xi32>
        %lt3A_416 = arith.constant 0 : i32
        %lt3A_417 = vector.broadcast %lt3A_416 : i32 to vector<16xi32>
        %lt3A_418 = arith.cmpi slt, %add3A_415, %lt3A_417 : vector<16xi32>
        %add3A_419 = arith.constant 16 : i32
        %add3A_420 = vector.broadcast %add3A_419 : i32 to vector<16xi32>
        %add3A_421 = arith.addi %add3A_415, %add3A_420 : vector<16xi32>
        %select_n3A_422 = arith.select %lt3A_418, %add3A_421, %add3A_415 : vector<16xi1>, vector<16xi32>
        %reshape3A_423 = vector.shape_cast %select_n3A_422 : vector<16xi32> to vector<16x1xi32>
        %gather3A_424 = vector.shape_cast %reshape3A_423 : vector<16x1xi32> to vector<16xi32>
        %gather3A_425 = tpu.dynamic_gather %get3A_306[%gather3A_424] in [0] : vector<16xi32>, vector<16xi32> -> vector<16xi32>
        %shift_left3A_426 = arith.shli %gather3A_425, %shift_left3A_23 : vector<16xi32>
        %add3A_427 = arith.constant 48 : i32
        %add3A_428 = arith.addi %mul3A_308, %add3A_427 : i32
        %get3A_429 = arith.constant 7 : i32
        %get3A_430 = arith.index_cast %get3A_429 : i32 to index
        %get3A_431 = arith.index_cast %add3A_428 : i32 to index
        %get3A_432 = tpu.vector_load %arg7[%get3A_430, %get3A_431] {strides = array<i32>} : memref<8x1024xf32, #tpu.memory_space<vmem>>, vector<1x16xf32>,
        %get3A_433 = vector.shape_cast %get3A_432 : vector<1x16xf32> to vector<16xf32>
        %add3A_434 = arith.constant 48 : i32
        %add3A_435 = arith.addi %mul3A_308, %add3A_434 : i32
        %get3A_436 = arith.constant 7 : i32
        %get3A_437 = arith.index_cast %get3A_436 : i32 to index
        %get3A_438 = arith.index_cast %add3A_435 : i32 to index
        %get3A_439 = tpu.vector_load %arg9[%get3A_437, %get3A_438] {strides = array<i32>} : memref<8x1024xf32, #tpu.memory_space<vmem>>, vector<1x16xf32>,
        %get3A_440 = vector.shape_cast %get3A_439 : vector<1x16xf32> to vector<16xf32>
        %sub3A_441 = arith.subf %get3A_433, %get3A_440 : vector<16xf32>
        %abs3A_442 = math.absf %sub3A_441 : vector<16xf32>
        %gt3A_443 = arith.constant 16777215 : i32
        %gt3A_444 = vector.broadcast %gt3A_443 : i32 to vector<16xi32>
        %gt3A_445 = arith.cmpi sgt, %shift_left3A_426, %gt3A_444 : vector<16xi32>
        %jit3A_446 = arith.constant 0.000000e+00 : f32
        %broadcast_in_dim3A_447 = vector.broadcast %jit3A_446 : f32 to vector<16xf32>
        %select_n3A_448 = arith.select %gt3A_445, %abs3A_442, %broadcast_in_dim3A_447 : vector<16xi1>, vector<16xf32>
        %add3A_449 = arith.addf %scan3A_299, %select_n3A_448 : vector<16xf32>
        %and3A_450 = arith.constant 16843009 : i32
        %and3A_451 = vector.broadcast %and3A_450 : i32 to vector<16xi32>
        %and3A_452 = arith.andi %get3A_306, %and3A_451 : vector<16xi32>
        %add3A_453 = arith.addi %scan3A_300, %and3A_452 : vector<16xi32>
        scf.yield %add3A_338, %add3A_375, %add3A_412, %add3A_449, %add3A_453 : vector<16xf32>, vector<16xf32>, vector<16xf32>, vector<16xf32>, vector<16xi32>
      }
      %scan3A_154 = arith.constant 16 : i32
      %and3A_155 = arith.constant 255 : i32
      %and3A_156 = vector.broadcast %and3A_155 : i32 to vector<16xi32>
      %and3A_157 = arith.andi %scan3A_153#4, %and3A_156 : vector<16xi32>
      %add3A_158 = arith.addi %scan3A_65, %and3A_157 : vector<16xi32>
      %shift_right_arithmetic3A_159 = arith.constant 8 : i32
      %shift_right_arithmetic3A_160 = vector.broadcast %shift_right_arithmetic3A_159 : i32 to vector<16xi32>
      %shift_right_arithmetic3A_161 = arith.shrsi %scan3A_153#4, %shift_right_arithmetic3A_160 : vector<16xi32>
      %and3A_162 = arith.constant 255 : i32
      %and3A_163 = vector.broadcast %and3A_162 : i32 to vector<16xi32>
      %and3A_164 = arith.andi %shift_right_arithmetic3A_161, %and3A_163 : vector<16xi32>
      %add3A_165 = arith.addi %add3A_158, %and3A_164 : vector<16xi32>
      %shift_right_arithmetic3A_166 = arith.constant 16 : i32
      %shift_right_arithmetic3A_167 = vector.broadcast %shift_right_arithmetic3A_166 : i32 to vector<16xi32>
      %shift_right_arithmetic3A_168 = arith.shrsi %scan3A_153#4, %shift_right_arithmetic3A_167 : vector<16xi32>
      %and3A_169 = arith.constant 255 : i32
      %and3A_170 = vector.broadcast %and3A_169 : i32 to vector<16xi32>
      %and3A_171 = arith.andi %shift_right_arithmetic3A_168, %and3A_170 : vector<16xi32>
      %add3A_172 = arith.addi %add3A_165, %and3A_171 : vector<16xi32>
      %shift_right_arithmetic3A_173 = arith.constant 24 : i32
      %shift_right_arithmetic3A_174 = vector.broadcast %shift_right_arithmetic3A_173 : i32 to vector<16xi32>
      %shift_right_arithmetic3A_175 = arith.shrsi %scan3A_153#4, %shift_right_arithmetic3A_174 : vector<16xi32>
      %and3A_176 = arith.constant 255 : i32
      %and3A_177 = vector.broadcast %and3A_176 : i32 to vector<16xi32>
      %and3A_178 = arith.andi %shift_right_arithmetic3A_175, %and3A_177 : vector<16xi32>
      %add3A_179 = arith.addi %add3A_172, %and3A_178 : vector<16xi32>
      %mul3A_180 = arith.constant 2 : i32
      %mul3A_181 = arith.muli %scan3A_60, %mul3A_180 : i32
      %add3A_182 = arith.constant 1 : i32
      %add3A_183 = arith.addi %mul3A_181, %add3A_182 : i32
      %mul3A_184 = arith.constant 8 : i32
      %mul3A_185 = arith.muli %add3A_183, %mul3A_184 : i32
      %add3A_186 = arith.addi %mul3A_2, %mul3A_185 : i32
      %multiple_of3A_187 = tpu.assume_multiple %add3A_186, 8 : i32
      %dma_wait3A_188 = arith.constant 0 : i32
      %dma_wait3A_189 = tpu.memref_slice %arg2[%multiple_of3A_187, %dma_wait3A_188] : memref<16384x1024xf32, #tpu.memory_space<hbm>> -> memref<8x1024xf32, #tpu.memory_space<hbm>>
      %dma_wait3A_190 = arith.constant 0 : i32
      %dma_wait3A_191 = tpu.memref_slice %arg2[%multiple_of3A_187, %dma_wait3A_190] : memref<16384x1024xf32, #tpu.memory_space<hbm>> -> memref<8x1024xf32, #tpu.memory_space<hbm>>
      tpu.wait_dma2 semaphore(%arg15 : memref<!tpu.dma_semaphore, #tpu.memory_space<semaphore_mem>>) src(%dma_wait3A_191 : memref<8x1024xf32, #tpu.memory_space<hbm>>) dst(%arg8 : memref<8x1024xf32, #tpu.memory_space<vmem>>)
      %dma_wait3A_192 = arith.constant 0 : i32
      %dma_wait3A_193 = tpu.memref_slice %arg3[%multiple_of3A_187, %dma_wait3A_192] : memref<16384x1024xf32, #tpu.memory_space<hbm>> -> memref<8x1024xf32, #tpu.memory_space<hbm>>
      %dma_wait3A_194 = arith.constant 0 : i32
      %dma_wait3A_195 = tpu.memref_slice %arg3[%multiple_of3A_187, %dma_wait3A_194] : memref<16384x1024xf32, #tpu.memory_space<hbm>> -> memref<8x1024xf32, #tpu.memory_space<hbm>>
      tpu.wait_dma2 semaphore(%arg15 : memref<!tpu.dma_semaphore, #tpu.memory_space<semaphore_mem>>) src(%dma_wait3A_195 : memref<8x1024xf32, #tpu.memory_space<hbm>>) dst(%arg10 : memref<8x1024xf32, #tpu.memory_space<vmem>>)
      %dma_wait3A_196 = arith.constant 0 : i32
      %dma_wait3A_197 = tpu.memref_slice %arg4[%multiple_of3A_187, %dma_wait3A_196] : memref<16384x256xi32, #tpu.memory_space<hbm>> -> memref<8x256xi32, #tpu.memory_space<hbm>>
      %dma_wait3A_198 = arith.constant 0 : i32
      %dma_wait3A_199 = tpu.memref_slice %arg4[%multiple_of3A_187, %dma_wait3A_198] : memref<16384x256xi32, #tpu.memory_space<hbm>> -> memref<8x256xi32, #tpu.memory_space<hbm>>
      tpu.wait_dma2 semaphore(%arg15 : memref<!tpu.dma_semaphore, #tpu.memory_space<semaphore_mem>>) src(%dma_wait3A_199 : memref<8x256xi32, #tpu.memory_space<hbm>>) dst(%arg12 : memref<8x256xi32, #tpu.memory_space<vmem>>)
      %add3A_200 = arith.constant 1 : i32
      %add3A_201 = arith.addi %add3A_183, %add3A_200 : i32
      %rem3A_202 = arith.constant 64 : i32
      %rem3A_203 = arith.remsi %add3A_201, %rem3A_202 : i32
      %mul3A_204 = arith.constant 8 : i32
      %mul3A_205 = arith.muli %rem3A_203, %mul3A_204 : i32
      %add3A_206 = arith.addi %mul3A_2, %mul3A_205 : i32
      %multiple_of3A_207 = tpu.assume_multiple %add3A_206, 8 : i32
      %dma_start3A_208 = arith.constant 0 : i32
      %dma_start3A_209 = tpu.memref_slice %arg2[%multiple_of3A_207, %dma_start3A_208] : memref<16384x1024xf32, #tpu.memory_space<hbm>> -> memref<8x1024xf32, #tpu.memory_space<hbm>>
      %dma_start3A_210 = arith.constant 0 : i32
      %dma_start3A_211 = tpu.memref_slice %arg2[%multiple_of3A_207, %dma_start3A_210] : memref<16384x1024xf32, #tpu.memory_space<hbm>> -> memref<8x1024xf32, #tpu.memory_space<hbm>>
      tpu.enqueue_dma source(%dma_start3A_211 : memref<8x1024xf32, #tpu.memory_space<hbm>>) target(%arg7 : memref<8x1024xf32, #tpu.memory_space<vmem>>) target_semaphore(%arg14 : memref<!tpu.dma_semaphore, #tpu.memory_space<semaphore_mem>>)
      %dma_start3A_212 = arith.constant 0 : i32
      %dma_start3A_213 = tpu.memref_slice %arg3[%multiple_of3A_207, %dma_start3A_212] : memref<16384x1024xf32, #tpu.memory_space<hbm>> -> memref<8x1024xf32, #tpu.memory_space<hbm>>
      %dma_start3A_214 = arith.constant 0 : i32
      %dma_start3A_215 = tpu.memref_slice %arg3[%multiple_of3A_207, %dma_start3A_214] : memref<16384x1024xf32, #tpu.memory_space<hbm>> -> memref<8x1024xf32, #tpu.memory_space<hbm>>
      tpu.enqueue_dma source(%dma_start3A_215 : memref<8x1024xf32, #tpu.memory_space<hbm>>) target(%arg9 : memref<8x1024xf32, #tpu.memory_space<vmem>>) target_semaphore(%arg14 : memref<!tpu.dma_semaphore, #tpu.memory_space<semaphore_mem>>)
      %dma_start3A_216 = arith.constant 0 : i32
      %dma_start3A_217 = tpu.memref_slice %arg4[%multiple_of3A_207, %dma_start3A_216] : memref<16384x256xi32, #tpu.memory_space<hbm>> -> memref<8x256xi32, #tpu.memory_space<hbm>>
      %dma_start3A_218 = arith.constant 0 : i32
      %dma_start3A_219 = tpu.memref_slice %arg4[%multiple_of3A_207, %dma_start3A_218] : memref<16384x256xi32, #tpu.memory_space<hbm>> -> memref<8x256xi32, #tpu.memory_space<hbm>>
      tpu.enqueue_dma source(%dma_start3A_219 : memref<8x256xi32, #tpu.memory_space<hbm>>) target(%arg11 : memref<8x256xi32, #tpu.memory_space<vmem>>) target_semaphore(%arg14 : memref<!tpu.dma_semaphore, #tpu.memory_space<semaphore_mem>>)
      %broadcast_in_dim3A_220 = arith.constant 0 : i32
      %broadcast_in_dim3A_221 = vector.broadcast %broadcast_in_dim3A_220 : i32 to vector<16xi32>
      %scan3A_222 = arith.constant 0 : i32
      %scan3A_223 = arith.constant 16 : i32
      %scan3A_224 = arith.addi %scan3A_222, %scan3A_223 : i32
      %scan3A_225 = arith.constant 1 : i32
      %scan3A_226:5 = scf.for %scan3A_295 = %scan3A_222 to %scan3A_224 step %scan3A_225 iter_args(%scan3A_296 = %scan3A_153#0, %scan3A_297 = %scan3A_153#1, %scan3A_298 = %scan3A_153#2, %scan3A_299 = %scan3A_153#3, %scan3A_300 = %broadcast_in_dim3A_221) -> (vector<16xf32>, vector<16xf32>, vector<16xf32>, vector<16xf32>, vector<16xi32>)  : i32 {
        %mul3A_301 = arith.constant 16 : i32
        %mul3A_302 = arith.muli %scan3A_295, %mul3A_301 : i32
        %get3A = arith.constant 0 : i32
        %get3A_303 = arith.index_cast %get3A : i32 to index
        %get3A_304 = arith.index_cast %mul3A_302 : i32 to index
        %get3A_305 = tpu.vector_load %arg12[%get3A_303, %get3A_304] {strides = array<i32>} : memref<8x256xi32, #tpu.memory_space<vmem>>, vector<1x16xi32>,
        %get3A_306 = vector.shape_cast %get3A_305 : vector<1x16xi32> to vector<16xi32>
        %mul3A_307 = arith.constant 64 : i32
        %mul3A_308 = arith.muli %scan3A_295, %mul3A_307 : i32
        %add3A_309 = arith.constant 0 : i32
        %add3A_310 = vector.broadcast %add3A_309 : i32 to vector<16xi32>
        %add3A_311 = arith.addi %shift_right_arithmetic3A_17, %add3A_310 : vector<16xi32>
        %lt3A = arith.constant 0 : i32
        %lt3A_312 = vector.broadcast %lt3A : i32 to vector<16xi32>
        %lt3A_313 = arith.cmpi slt, %add3A_311, %lt3A_312 : vector<16xi32>
        %add3A_314 = arith.constant 16 : i32
        %add3A_315 = vector.broadcast %add3A_314 : i32 to vector<16xi32>
        %add3A_316 = arith.addi %add3A_311, %add3A_315 : vector<16xi32>
        %select_n3A = arith.select %lt3A_313, %add3A_316, %add3A_311 : vector<16xi1>, vector<16xi32>
        %reshape3A = vector.shape_cast %select_n3A : vector<16xi32> to vector<16x1xi32>
        %gather3A = vector.shape_cast %reshape3A : vector<16x1xi32> to vector<16xi32>
        %gather3A_317 = tpu.dynamic_gather %get3A_306[%gather3A] in [0] : vector<16xi32>, vector<16xi32> -> vector<16xi32>
        %shift_left3A_318 = arith.shli %gather3A_317, %shift_left3A_23 : vector<16xi32>
        %add3A_319 = arith.constant 0 : i32
        %add3A_320 = arith.addi %mul3A_308, %add3A_319 : i32
        %get3A_321 = arith.constant 0 : i32
        %get3A_322 = arith.index_cast %get3A_321 : i32 to index
        %get3A_323 = arith.index_cast %add3A_320 : i32 to index
        %get3A_324 = tpu.vector_load %arg8[%get3A_322, %get3A_323] {strides = array<i32>} : memref<8x1024xf32, #tpu.memory_space<vmem>>, vector<1x16xf32>,
        %get3A_325 = vector.shape_cast %get3A_324 : vector<1x16xf32> to vector<16xf32>
        %add3A_326 = arith.constant 0 : i32
        %add3A_327 = arith.addi %mul3A_308, %add3A_326 : i32
        %get3A_328 = arith.constant 0 : i32
        %get3A_329 = arith.index_cast %get3A_328 : i32 to index
        %get3A_330 = arith.index_cast %add3A_327 : i32 to index
        %get3A_331 = tpu.vector_load %arg10[%get3A_329, %get3A_330] {strides = array<i32>} : memref<8x1024xf32, #tpu.memory_space<vmem>>, vector<1x16xf32>,
        %get3A_332 = vector.shape_cast %get3A_331 : vector<1x16xf32> to vector<16xf32>
        %sub3A_333 = arith.subf %get3A_325, %get3A_332 : vector<16xf32>
        %abs3A = math.absf %sub3A_333 : vector<16xf32>
        %gt3A = arith.constant 16777215 : i32
        %gt3A_334 = vector.broadcast %gt3A : i32 to vector<16xi32>
        %gt3A_335 = arith.cmpi sgt, %shift_left3A_318, %gt3A_334 : vector<16xi32>
        %jit3A = arith.constant 0.000000e+00 : f32
        %broadcast_in_dim3A_336 = vector.broadcast %jit3A : f32 to vector<16xf32>
        %select_n3A_337 = arith.select %gt3A_335, %abs3A, %broadcast_in_dim3A_336 : vector<16xi1>, vector<16xf32>
        %add3A_338 = arith.addf %scan3A_296, %select_n3A_337 : vector<16xf32>
        %add3A_339 = arith.constant 4 : i32
        %add3A_340 = vector.broadcast %add3A_339 : i32 to vector<16xi32>
        %add3A_341 = arith.addi %shift_right_arithmetic3A_17, %add3A_340 : vector<16xi32>
        %lt3A_342 = arith.constant 0 : i32
        %lt3A_343 = vector.broadcast %lt3A_342 : i32 to vector<16xi32>
        %lt3A_344 = arith.cmpi slt, %add3A_341, %lt3A_343 : vector<16xi32>
        %add3A_345 = arith.constant 16 : i32
        %add3A_346 = vector.broadcast %add3A_345 : i32 to vector<16xi32>
        %add3A_347 = arith.addi %add3A_341, %add3A_346 : vector<16xi32>
        %select_n3A_348 = arith.select %lt3A_344, %add3A_347, %add3A_341 : vector<16xi1>, vector<16xi32>
        %reshape3A_349 = vector.shape_cast %select_n3A_348 : vector<16xi32> to vector<16x1xi32>
        %gather3A_350 = vector.shape_cast %reshape3A_349 : vector<16x1xi32> to vector<16xi32>
        %gather3A_351 = tpu.dynamic_gather %get3A_306[%gather3A_350] in [0] : vector<16xi32>, vector<16xi32> -> vector<16xi32>
        %shift_left3A_352 = arith.shli %gather3A_351, %shift_left3A_23 : vector<16xi32>
        %add3A_353 = arith.constant 16 : i32
        %add3A_354 = arith.addi %mul3A_308, %add3A_353 : i32
        %get3A_355 = arith.constant 0 : i32
        %get3A_356 = arith.index_cast %get3A_355 : i32 to index
        %get3A_357 = arith.index_cast %add3A_354 : i32 to index
        %get3A_358 = tpu.vector_load %arg8[%get3A_356, %get3A_357] {strides = array<i32>} : memref<8x1024xf32, #tpu.memory_space<vmem>>, vector<1x16xf32>,
        %get3A_359 = vector.shape_cast %get3A_358 : vector<1x16xf32> to vector<16xf32>
        %add3A_360 = arith.constant 16 : i32
        %add3A_361 = arith.addi %mul3A_308, %add3A_360 : i32
        %get3A_362 = arith.constant 0 : i32
        %get3A_363 = arith.index_cast %get3A_362 : i32 to index
        %get3A_364 = arith.index_cast %add3A_361 : i32 to index
        %get3A_365 = tpu.vector_load %arg10[%get3A_363, %get3A_364] {strides = array<i32>} : memref<8x1024xf32, #tpu.memory_space<vmem>>, vector<1x16xf32>,
        %get3A_366 = vector.shape_cast %get3A_365 : vector<1x16xf32> to vector<16xf32>
        %sub3A_367 = arith.subf %get3A_359, %get3A_366 : vector<16xf32>
        %abs3A_368 = math.absf %sub3A_367 : vector<16xf32>
        %gt3A_369 = arith.constant 16777215 : i32
        %gt3A_370 = vector.broadcast %gt3A_369 : i32 to vector<16xi32>
        %gt3A_371 = arith.cmpi sgt, %shift_left3A_352, %gt3A_370 : vector<16xi32>
        %jit3A_372 = arith.constant 0.000000e+00 : f32
        %broadcast_in_dim3A_373 = vector.broadcast %jit3A_372 : f32 to vector<16xf32>
        %select_n3A_374 = arith.select %gt3A_371, %abs3A_368, %broadcast_in_dim3A_373 : vector<16xi1>, vector<16xf32>
        %add3A_375 = arith.addf %scan3A_297, %select_n3A_374 : vector<16xf32>
        %add3A_376 = arith.constant 8 : i32
        %add3A_377 = vector.broadcast %add3A_376 : i32 to vector<16xi32>
        %add3A_378 = arith.addi %shift_right_arithmetic3A_17, %add3A_377 : vector<16xi32>
        %lt3A_379 = arith.constant 0 : i32
        %lt3A_380 = vector.broadcast %lt3A_379 : i32 to vector<16xi32>
        %lt3A_381 = arith.cmpi slt, %add3A_378, %lt3A_380 : vector<16xi32>
        %add3A_382 = arith.constant 16 : i32
        %add3A_383 = vector.broadcast %add3A_382 : i32 to vector<16xi32>
        %add3A_384 = arith.addi %add3A_378, %add3A_383 : vector<16xi32>
        %select_n3A_385 = arith.select %lt3A_381, %add3A_384, %add3A_378 : vector<16xi1>, vector<16xi32>
        %reshape3A_386 = vector.shape_cast %select_n3A_385 : vector<16xi32> to vector<16x1xi32>
        %gather3A_387 = vector.shape_cast %reshape3A_386 : vector<16x1xi32> to vector<16xi32>
        %gather3A_388 = tpu.dynamic_gather %get3A_306[%gather3A_387] in [0] : vector<16xi32>, vector<16xi32> -> vector<16xi32>
        %shift_left3A_389 = arith.shli %gather3A_388, %shift_left3A_23 : vector<16xi32>
        %add3A_390 = arith.constant 32 : i32
        %add3A_391 = arith.addi %mul3A_308, %add3A_390 : i32
        %get3A_392 = arith.constant 0 : i32
        %get3A_393 = arith.index_cast %get3A_392 : i32 to index
        %get3A_394 = arith.index_cast %add3A_391 : i32 to index
        %get3A_395 = tpu.vector_load %arg8[%get3A_393, %get3A_394] {strides = array<i32>} : memref<8x1024xf32, #tpu.memory_space<vmem>>, vector<1x16xf32>,
        %get3A_396 = vector.shape_cast %get3A_395 : vector<1x16xf32> to vector<16xf32>
        %add3A_397 = arith.constant 32 : i32
        %add3A_398 = arith.addi %mul3A_308, %add3A_397 : i32
        %get3A_399 = arith.constant 0 : i32
        %get3A_400 = arith.index_cast %get3A_399 : i32 to index
        %get3A_401 = arith.index_cast %add3A_398 : i32 to index
        %get3A_402 = tpu.vector_load %arg10[%get3A_400, %get3A_401] {strides = array<i32>} : memref<8x1024xf32, #tpu.memory_space<vmem>>, vector<1x16xf32>,
        %get3A_403 = vector.shape_cast %get3A_402 : vector<1x16xf32> to vector<16xf32>
        %sub3A_404 = arith.subf %get3A_396, %get3A_403 : vector<16xf32>
        %abs3A_405 = math.absf %sub3A_404 : vector<16xf32>
        %gt3A_406 = arith.constant 16777215 : i32
        %gt3A_407 = vector.broadcast %gt3A_406 : i32 to vector<16xi32>
        %gt3A_408 = arith.cmpi sgt, %shift_left3A_389, %gt3A_407 : vector<16xi32>
        %jit3A_409 = arith.constant 0.000000e+00 : f32
        %broadcast_in_dim3A_410 = vector.broadcast %jit3A_409 : f32 to vector<16xf32>
        %select_n3A_411 = arith.select %gt3A_408, %abs3A_405, %broadcast_in_dim3A_410 : vector<16xi1>, vector<16xf32>
        %add3A_412 = arith.addf %scan3A_298, %select_n3A_411 : vector<16xf32>
        %add3A_413 = arith.constant 12 : i32
        %add3A_414 = vector.broadcast %add3A_413 : i32 to vector<16xi32>
        %add3A_415 = arith.addi %shift_right_arithmetic3A_17, %add3A_414 : vector<16xi32>
        %lt3A_416 = arith.constant 0 : i32
        %lt3A_417 = vector.broadcast %lt3A_416 : i32 to vector<16xi32>
        %lt3A_418 = arith.cmpi slt, %add3A_415, %lt3A_417 : vector<16xi32>
        %add3A_419 = arith.constant 16 : i32
        %add3A_420 = vector.broadcast %add3A_419 : i32 to vector<16xi32>
        %add3A_421 = arith.addi %add3A_415, %add3A_420 : vector<16xi32>
        %select_n3A_422 = arith.select %lt3A_418, %add3A_421, %add3A_415 : vector<16xi1>, vector<16xi32>
        %reshape3A_423 = vector.shape_cast %select_n3A_422 : vector<16xi32> to vector<16x1xi32>
        %gather3A_424 = vector.shape_cast %reshape3A_423 : vector<16x1xi32> to vector<16xi32>
        %gather3A_425 = tpu.dynamic_gather %get3A_306[%gather3A_424] in [0] : vector<16xi32>, vector<16xi32> -> vector<16xi32>
        %shift_left3A_426 = arith.shli %gather3A_425, %shift_left3A_23 : vector<16xi32>
        %add3A_427 = arith.constant 48 : i32
        %add3A_428 = arith.addi %mul3A_308, %add3A_427 : i32
        %get3A_429 = arith.constant 0 : i32
        %get3A_430 = arith.index_cast %get3A_429 : i32 to index
        %get3A_431 = arith.index_cast %add3A_428 : i32 to index
        %get3A_432 = tpu.vector_load %arg8[%get3A_430, %get3A_431] {strides = array<i32>} : memref<8x1024xf32, #tpu.memory_space<vmem>>, vector<1x16xf32>,
        %get3A_433 = vector.shape_cast %get3A_432 : vector<1x16xf32> to vector<16xf32>
        %add3A_434 = arith.constant 48 : i32
        %add3A_435 = arith.addi %mul3A_308, %add3A_434 : i32
        %get3A_436 = arith.constant 0 : i32
        %get3A_437 = arith.index_cast %get3A_436 : i32 to index
        %get3A_438 = arith.index_cast %add3A_435 : i32 to index
        %get3A_439 = tpu.vector_load %arg10[%get3A_437, %get3A_438] {strides = array<i32>} : memref<8x1024xf32, #tpu.memory_space<vmem>>, vector<1x16xf32>,
        %get3A_440 = vector.shape_cast %get3A_439 : vector<1x16xf32> to vector<16xf32>
        %sub3A_441 = arith.subf %get3A_433, %get3A_440 : vector<16xf32>
        %abs3A_442 = math.absf %sub3A_441 : vector<16xf32>
        %gt3A_443 = arith.constant 16777215 : i32
        %gt3A_444 = vector.broadcast %gt3A_443 : i32 to vector<16xi32>
        %gt3A_445 = arith.cmpi sgt, %shift_left3A_426, %gt3A_444 : vector<16xi32>
        %jit3A_446 = arith.constant 0.000000e+00 : f32
        %broadcast_in_dim3A_447 = vector.broadcast %jit3A_446 : f32 to vector<16xf32>
        %select_n3A_448 = arith.select %gt3A_445, %abs3A_442, %broadcast_in_dim3A_447 : vector<16xi1>, vector<16xf32>
        %add3A_449 = arith.addf %scan3A_299, %select_n3A_448 : vector<16xf32>
        %and3A_450 = arith.constant 16843009 : i32
        %and3A_451 = vector.broadcast %and3A_450 : i32 to vector<16xi32>
        %and3A_452 = arith.andi %get3A_306, %and3A_451 : vector<16xi32>
        %add3A_453 = arith.addi %scan3A_300, %and3A_452 : vector<16xi32>
        scf.yield %add3A_338, %add3A_375, %add3A_412, %add3A_449, %add3A_453 : vector<16xf32>, vector<16xf32>, vector<16xf32>, vector<16xf32>, vector<16xi32>
      }
      %scan3A_227 = arith.constant 16 : i32
      %scan3A_228 = arith.constant 0 : i32
      %scan3A_229 = arith.constant 16 : i32
      %scan3A_230 = arith.addi %scan3A_228, %scan3A_229 : i32
      %scan3A_231 = arith.constant 1 : i32
      %scan3A_232:5 = scf.for %scan3A_295 = %scan3A_228 to %scan3A_230 step %scan3A_231 iter_args(%scan3A_296 = %scan3A_226#0, %scan3A_297 = %scan3A_226#1, %scan3A_298 = %scan3A_226#2, %scan3A_299 = %scan3A_226#3, %scan3A_300 = %scan3A_226#4) -> (vector<16xf32>, vector<16xf32>, vector<16xf32>, vector<16xf32>, vector<16xi32>)  : i32 {
        %mul3A_301 = arith.constant 16 : i32
        %mul3A_302 = arith.muli %scan3A_295, %mul3A_301 : i32
        %get3A = arith.constant 1 : i32
        %get3A_303 = arith.index_cast %get3A : i32 to index
        %get3A_304 = arith.index_cast %mul3A_302 : i32 to index
        %get3A_305 = tpu.vector_load %arg12[%get3A_303, %get3A_304] {strides = array<i32>} : memref<8x256xi32, #tpu.memory_space<vmem>>, vector<1x16xi32>,
        %get3A_306 = vector.shape_cast %get3A_305 : vector<1x16xi32> to vector<16xi32>
        %mul3A_307 = arith.constant 64 : i32
        %mul3A_308 = arith.muli %scan3A_295, %mul3A_307 : i32
        %add3A_309 = arith.constant 0 : i32
        %add3A_310 = vector.broadcast %add3A_309 : i32 to vector<16xi32>
        %add3A_311 = arith.addi %shift_right_arithmetic3A_17, %add3A_310 : vector<16xi32>
        %lt3A = arith.constant 0 : i32
        %lt3A_312 = vector.broadcast %lt3A : i32 to vector<16xi32>
        %lt3A_313 = arith.cmpi slt, %add3A_311, %lt3A_312 : vector<16xi32>
        %add3A_314 = arith.constant 16 : i32
        %add3A_315 = vector.broadcast %add3A_314 : i32 to vector<16xi32>
        %add3A_316 = arith.addi %add3A_311, %add3A_315 : vector<16xi32>
        %select_n3A = arith.select %lt3A_313, %add3A_316, %add3A_311 : vector<16xi1>, vector<16xi32>
        %reshape3A = vector.shape_cast %select_n3A : vector<16xi32> to vector<16x1xi32>
        %gather3A = vector.shape_cast %reshape3A : vector<16x1xi32> to vector<16xi32>
        %gather3A_317 = tpu.dynamic_gather %get3A_306[%gather3A] in [0] : vector<16xi32>, vector<16xi32> -> vector<16xi32>
        %shift_left3A_318 = arith.shli %gather3A_317, %shift_left3A_23 : vector<16xi32>
        %add3A_319 = arith.constant 0 : i32
        %add3A_320 = arith.addi %mul3A_308, %add3A_319 : i32
        %get3A_321 = arith.constant 1 : i32
        %get3A_322 = arith.index_cast %get3A_321 : i32 to index
        %get3A_323 = arith.index_cast %add3A_320 : i32 to index
        %get3A_324 = tpu.vector_load %arg8[%get3A_322, %get3A_323] {strides = array<i32>} : memref<8x1024xf32, #tpu.memory_space<vmem>>, vector<1x16xf32>,
        %get3A_325 = vector.shape_cast %get3A_324 : vector<1x16xf32> to vector<16xf32>
        %add3A_326 = arith.constant 0 : i32
        %add3A_327 = arith.addi %mul3A_308, %add3A_326 : i32
        %get3A_328 = arith.constant 1 : i32
        %get3A_329 = arith.index_cast %get3A_328 : i32 to index
        %get3A_330 = arith.index_cast %add3A_327 : i32 to index
        %get3A_331 = tpu.vector_load %arg10[%get3A_329, %get3A_330] {strides = array<i32>} : memref<8x1024xf32, #tpu.memory_space<vmem>>, vector<1x16xf32>,
        %get3A_332 = vector.shape_cast %get3A_331 : vector<1x16xf32> to vector<16xf32>
        %sub3A_333 = arith.subf %get3A_325, %get3A_332 : vector<16xf32>
        %abs3A = math.absf %sub3A_333 : vector<16xf32>
        %gt3A = arith.constant 16777215 : i32
        %gt3A_334 = vector.broadcast %gt3A : i32 to vector<16xi32>
        %gt3A_335 = arith.cmpi sgt, %shift_left3A_318, %gt3A_334 : vector<16xi32>
        %jit3A = arith.constant 0.000000e+00 : f32
        %broadcast_in_dim3A_336 = vector.broadcast %jit3A : f32 to vector<16xf32>
        %select_n3A_337 = arith.select %gt3A_335, %abs3A, %broadcast_in_dim3A_336 : vector<16xi1>, vector<16xf32>
        %add3A_338 = arith.addf %scan3A_296, %select_n3A_337 : vector<16xf32>
        %add3A_339 = arith.constant 4 : i32
        %add3A_340 = vector.broadcast %add3A_339 : i32 to vector<16xi32>
        %add3A_341 = arith.addi %shift_right_arithmetic3A_17, %add3A_340 : vector<16xi32>
        %lt3A_342 = arith.constant 0 : i32
        %lt3A_343 = vector.broadcast %lt3A_342 : i32 to vector<16xi32>
        %lt3A_344 = arith.cmpi slt, %add3A_341, %lt3A_343 : vector<16xi32>
        %add3A_345 = arith.constant 16 : i32
        %add3A_346 = vector.broadcast %add3A_345 : i32 to vector<16xi32>
        %add3A_347 = arith.addi %add3A_341, %add3A_346 : vector<16xi32>
        %select_n3A_348 = arith.select %lt3A_344, %add3A_347, %add3A_341 : vector<16xi1>, vector<16xi32>
        %reshape3A_349 = vector.shape_cast %select_n3A_348 : vector<16xi32> to vector<16x1xi32>
        %gather3A_350 = vector.shape_cast %reshape3A_349 : vector<16x1xi32> to vector<16xi32>
        %gather3A_351 = tpu.dynamic_gather %get3A_306[%gather3A_350] in [0] : vector<16xi32>, vector<16xi32> -> vector<16xi32>
        %shift_left3A_352 = arith.shli %gather3A_351, %shift_left3A_23 : vector<16xi32>
        %add3A_353 = arith.constant 16 : i32
        %add3A_354 = arith.addi %mul3A_308, %add3A_353 : i32
        %get3A_355 = arith.constant 1 : i32
        %get3A_356 = arith.index_cast %get3A_355 : i32 to index
        %get3A_357 = arith.index_cast %add3A_354 : i32 to index
        %get3A_358 = tpu.vector_load %arg8[%get3A_356, %get3A_357] {strides = array<i32>} : memref<8x1024xf32, #tpu.memory_space<vmem>>, vector<1x16xf32>,
        %get3A_359 = vector.shape_cast %get3A_358 : vector<1x16xf32> to vector<16xf32>
        %add3A_360 = arith.constant 16 : i32
        %add3A_361 = arith.addi %mul3A_308, %add3A_360 : i32
        %get3A_362 = arith.constant 1 : i32
        %get3A_363 = arith.index_cast %get3A_362 : i32 to index
        %get3A_364 = arith.index_cast %add3A_361 : i32 to index
        %get3A_365 = tpu.vector_load %arg10[%get3A_363, %get3A_364] {strides = array<i32>} : memref<8x1024xf32, #tpu.memory_space<vmem>>, vector<1x16xf32>,
        %get3A_366 = vector.shape_cast %get3A_365 : vector<1x16xf32> to vector<16xf32>
        %sub3A_367 = arith.subf %get3A_359, %get3A_366 : vector<16xf32>
        %abs3A_368 = math.absf %sub3A_367 : vector<16xf32>
        %gt3A_369 = arith.constant 16777215 : i32
        %gt3A_370 = vector.broadcast %gt3A_369 : i32 to vector<16xi32>
        %gt3A_371 = arith.cmpi sgt, %shift_left3A_352, %gt3A_370 : vector<16xi32>
        %jit3A_372 = arith.constant 0.000000e+00 : f32
        %broadcast_in_dim3A_373 = vector.broadcast %jit3A_372 : f32 to vector<16xf32>
        %select_n3A_374 = arith.select %gt3A_371, %abs3A_368, %broadcast_in_dim3A_373 : vector<16xi1>, vector<16xf32>
        %add3A_375 = arith.addf %scan3A_297, %select_n3A_374 : vector<16xf32>
        %add3A_376 = arith.constant 8 : i32
        %add3A_377 = vector.broadcast %add3A_376 : i32 to vector<16xi32>
        %add3A_378 = arith.addi %shift_right_arithmetic3A_17, %add3A_377 : vector<16xi32>
        %lt3A_379 = arith.constant 0 : i32
        %lt3A_380 = vector.broadcast %lt3A_379 : i32 to vector<16xi32>
        %lt3A_381 = arith.cmpi slt, %add3A_378, %lt3A_380 : vector<16xi32>
        %add3A_382 = arith.constant 16 : i32
        %add3A_383 = vector.broadcast %add3A_382 : i32 to vector<16xi32>
        %add3A_384 = arith.addi %add3A_378, %add3A_383 : vector<16xi32>
        %select_n3A_385 = arith.select %lt3A_381, %add3A_384, %add3A_378 : vector<16xi1>, vector<16xi32>
        %reshape3A_386 = vector.shape_cast %select_n3A_385 : vector<16xi32> to vector<16x1xi32>
        %gather3A_387 = vector.shape_cast %reshape3A_386 : vector<16x1xi32> to vector<16xi32>
        %gather3A_388 = tpu.dynamic_gather %get3A_306[%gather3A_387] in [0] : vector<16xi32>, vector<16xi32> -> vector<16xi32>
        %shift_left3A_389 = arith.shli %gather3A_388, %shift_left3A_23 : vector<16xi32>
        %add3A_390 = arith.constant 32 : i32
        %add3A_391 = arith.addi %mul3A_308, %add3A_390 : i32
        %get3A_392 = arith.constant 1 : i32
        %get3A_393 = arith.index_cast %get3A_392 : i32 to index
        %get3A_394 = arith.index_cast %add3A_391 : i32 to index
        %get3A_395 = tpu.vector_load %arg8[%get3A_393, %get3A_394] {strides = array<i32>} : memref<8x1024xf32, #tpu.memory_space<vmem>>, vector<1x16xf32>,
        %get3A_396 = vector.shape_cast %get3A_395 : vector<1x16xf32> to vector<16xf32>
        %add3A_397 = arith.constant 32 : i32
        %add3A_398 = arith.addi %mul3A_308, %add3A_397 : i32
        %get3A_399 = arith.constant 1 : i32
        %get3A_400 = arith.index_cast %get3A_399 : i32 to index
        %get3A_401 = arith.index_cast %add3A_398 : i32 to index
        %get3A_402 = tpu.vector_load %arg10[%get3A_400, %get3A_401] {strides = array<i32>} : memref<8x1024xf32, #tpu.memory_space<vmem>>, vector<1x16xf32>,
        %get3A_403 = vector.shape_cast %get3A_402 : vector<1x16xf32> to vector<16xf32>
        %sub3A_404 = arith.subf %get3A_396, %get3A_403 : vector<16xf32>
        %abs3A_405 = math.absf %sub3A_404 : vector<16xf32>
        %gt3A_406 = arith.constant 16777215 : i32
        %gt3A_407 = vector.broadcast %gt3A_406 : i32 to vector<16xi32>
        %gt3A_408 = arith.cmpi sgt, %shift_left3A_389, %gt3A_407 : vector<16xi32>
        %jit3A_409 = arith.constant 0.000000e+00 : f32
        %broadcast_in_dim3A_410 = vector.broadcast %jit3A_409 : f32 to vector<16xf32>
        %select_n3A_411 = arith.select %gt3A_408, %abs3A_405, %broadcast_in_dim3A_410 : vector<16xi1>, vector<16xf32>
        %add3A_412 = arith.addf %scan3A_298, %select_n3A_411 : vector<16xf32>
        %add3A_413 = arith.constant 12 : i32
        %add3A_414 = vector.broadcast %add3A_413 : i32 to vector<16xi32>
        %add3A_415 = arith.addi %shift_right_arithmetic3A_17, %add3A_414 : vector<16xi32>
        %lt3A_416 = arith.constant 0 : i32
        %lt3A_417 = vector.broadcast %lt3A_416 : i32 to vector<16xi32>
        %lt3A_418 = arith.cmpi slt, %add3A_415, %lt3A_417 : vector<16xi32>
        %add3A_419 = arith.constant 16 : i32
        %add3A_420 = vector.broadcast %add3A_419 : i32 to vector<16xi32>
        %add3A_421 = arith.addi %add3A_415, %add3A_420 : vector<16xi32>
        %select_n3A_422 = arith.select %lt3A_418, %add3A_421, %add3A_415 : vector<16xi1>, vector<16xi32>
        %reshape3A_423 = vector.shape_cast %select_n3A_422 : vector<16xi32> to vector<16x1xi32>
        %gather3A_424 = vector.shape_cast %reshape3A_423 : vector<16x1xi32> to vector<16xi32>
        %gather3A_425 = tpu.dynamic_gather %get3A_306[%gather3A_424] in [0] : vector<16xi32>, vector<16xi32> -> vector<16xi32>
        %shift_left3A_426 = arith.shli %gather3A_425, %shift_left3A_23 : vector<16xi32>
        %add3A_427 = arith.constant 48 : i32
        %add3A_428 = arith.addi %mul3A_308, %add3A_427 : i32
        %get3A_429 = arith.constant 1 : i32
        %get3A_430 = arith.index_cast %get3A_429 : i32 to index
        %get3A_431 = arith.index_cast %add3A_428 : i32 to index
        %get3A_432 = tpu.vector_load %arg8[%get3A_430, %get3A_431] {strides = array<i32>} : memref<8x1024xf32, #tpu.memory_space<vmem>>, vector<1x16xf32>,
        %get3A_433 = vector.shape_cast %get3A_432 : vector<1x16xf32> to vector<16xf32>
        %add3A_434 = arith.constant 48 : i32
        %add3A_435 = arith.addi %mul3A_308, %add3A_434 : i32
        %get3A_436 = arith.constant 1 : i32
        %get3A_437 = arith.index_cast %get3A_436 : i32 to index
        %get3A_438 = arith.index_cast %add3A_435 : i32 to index
        %get3A_439 = tpu.vector_load %arg10[%get3A_437, %get3A_438] {strides = array<i32>} : memref<8x1024xf32, #tpu.memory_space<vmem>>, vector<1x16xf32>,
        %get3A_440 = vector.shape_cast %get3A_439 : vector<1x16xf32> to vector<16xf32>
        %sub3A_441 = arith.subf %get3A_433, %get3A_440 : vector<16xf32>
        %abs3A_442 = math.absf %sub3A_441 : vector<16xf32>
        %gt3A_443 = arith.constant 16777215 : i32
        %gt3A_444 = vector.broadcast %gt3A_443 : i32 to vector<16xi32>
        %gt3A_445 = arith.cmpi sgt, %shift_left3A_426, %gt3A_444 : vector<16xi32>
        %jit3A_446 = arith.constant 0.000000e+00 : f32
        %broadcast_in_dim3A_447 = vector.broadcast %jit3A_446 : f32 to vector<16xf32>
        %select_n3A_448 = arith.select %gt3A_445, %abs3A_442, %broadcast_in_dim3A_447 : vector<16xi1>, vector<16xf32>
        %add3A_449 = arith.addf %scan3A_299, %select_n3A_448 : vector<16xf32>
        %and3A_450 = arith.constant 16843009 : i32
        %and3A_451 = vector.broadcast %and3A_450 : i32 to vector<16xi32>
        %and3A_452 = arith.andi %get3A_306, %and3A_451 : vector<16xi32>
        %add3A_453 = arith.addi %scan3A_300, %and3A_452 : vector<16xi32>
        scf.yield %add3A_338, %add3A_375, %add3A_412, %add3A_449, %add3A_453 : vector<16xf32>, vector<16xf32>, vector<16xf32>, vector<16xf32>, vector<16xi32>
      }
      %scan3A_233 = arith.constant 16 : i32
      %scan3A_234 = arith.constant 0 : i32
      %scan3A_235 = arith.constant 16 : i32
      %scan3A_236 = arith.addi %scan3A_234, %scan3A_235 : i32
      %scan3A_237 = arith.constant 1 : i32
      %scan3A_238:5 = scf.for %scan3A_295 = %scan3A_234 to %scan3A_236 step %scan3A_237 iter_args(%scan3A_296 = %scan3A_232#0, %scan3A_297 = %scan3A_232#1, %scan3A_298 = %scan3A_232#2, %scan3A_299 = %scan3A_232#3, %scan3A_300 = %scan3A_232#4) -> (vector<16xf32>, vector<16xf32>, vector<16xf32>, vector<16xf32>, vector<16xi32>)  : i32 {
        %mul3A_301 = arith.constant 16 : i32
        %mul3A_302 = arith.muli %scan3A_295, %mul3A_301 : i32
        %get3A = arith.constant 2 : i32
        %get3A_303 = arith.index_cast %get3A : i32 to index
        %get3A_304 = arith.index_cast %mul3A_302 : i32 to index
        %get3A_305 = tpu.vector_load %arg12[%get3A_303, %get3A_304] {strides = array<i32>} : memref<8x256xi32, #tpu.memory_space<vmem>>, vector<1x16xi32>,
        %get3A_306 = vector.shape_cast %get3A_305 : vector<1x16xi32> to vector<16xi32>
        %mul3A_307 = arith.constant 64 : i32
        %mul3A_308 = arith.muli %scan3A_295, %mul3A_307 : i32
        %add3A_309 = arith.constant 0 : i32
        %add3A_310 = vector.broadcast %add3A_309 : i32 to vector<16xi32>
        %add3A_311 = arith.addi %shift_right_arithmetic3A_17, %add3A_310 : vector<16xi32>
        %lt3A = arith.constant 0 : i32
        %lt3A_312 = vector.broadcast %lt3A : i32 to vector<16xi32>
        %lt3A_313 = arith.cmpi slt, %add3A_311, %lt3A_312 : vector<16xi32>
        %add3A_314 = arith.constant 16 : i32
        %add3A_315 = vector.broadcast %add3A_314 : i32 to vector<16xi32>
        %add3A_316 = arith.addi %add3A_311, %add3A_315 : vector<16xi32>
        %select_n3A = arith.select %lt3A_313, %add3A_316, %add3A_311 : vector<16xi1>, vector<16xi32>
        %reshape3A = vector.shape_cast %select_n3A : vector<16xi32> to vector<16x1xi32>
        %gather3A = vector.shape_cast %reshape3A : vector<16x1xi32> to vector<16xi32>
        %gather3A_317 = tpu.dynamic_gather %get3A_306[%gather3A] in [0] : vector<16xi32>, vector<16xi32> -> vector<16xi32>
        %shift_left3A_318 = arith.shli %gather3A_317, %shift_left3A_23 : vector<16xi32>
        %add3A_319 = arith.constant 0 : i32
        %add3A_320 = arith.addi %mul3A_308, %add3A_319 : i32
        %get3A_321 = arith.constant 2 : i32
        %get3A_322 = arith.index_cast %get3A_321 : i32 to index
        %get3A_323 = arith.index_cast %add3A_320 : i32 to index
        %get3A_324 = tpu.vector_load %arg8[%get3A_322, %get3A_323] {strides = array<i32>} : memref<8x1024xf32, #tpu.memory_space<vmem>>, vector<1x16xf32>,
        %get3A_325 = vector.shape_cast %get3A_324 : vector<1x16xf32> to vector<16xf32>
        %add3A_326 = arith.constant 0 : i32
        %add3A_327 = arith.addi %mul3A_308, %add3A_326 : i32
        %get3A_328 = arith.constant 2 : i32
        %get3A_329 = arith.index_cast %get3A_328 : i32 to index
        %get3A_330 = arith.index_cast %add3A_327 : i32 to index
        %get3A_331 = tpu.vector_load %arg10[%get3A_329, %get3A_330] {strides = array<i32>} : memref<8x1024xf32, #tpu.memory_space<vmem>>, vector<1x16xf32>,
        %get3A_332 = vector.shape_cast %get3A_331 : vector<1x16xf32> to vector<16xf32>
        %sub3A_333 = arith.subf %get3A_325, %get3A_332 : vector<16xf32>
        %abs3A = math.absf %sub3A_333 : vector<16xf32>
        %gt3A = arith.constant 16777215 : i32
        %gt3A_334 = vector.broadcast %gt3A : i32 to vector<16xi32>
        %gt3A_335 = arith.cmpi sgt, %shift_left3A_318, %gt3A_334 : vector<16xi32>
        %jit3A = arith.constant 0.000000e+00 : f32
        %broadcast_in_dim3A_336 = vector.broadcast %jit3A : f32 to vector<16xf32>
        %select_n3A_337 = arith.select %gt3A_335, %abs3A, %broadcast_in_dim3A_336 : vector<16xi1>, vector<16xf32>
        %add3A_338 = arith.addf %scan3A_296, %select_n3A_337 : vector<16xf32>
        %add3A_339 = arith.constant 4 : i32
        %add3A_340 = vector.broadcast %add3A_339 : i32 to vector<16xi32>
        %add3A_341 = arith.addi %shift_right_arithmetic3A_17, %add3A_340 : vector<16xi32>
        %lt3A_342 = arith.constant 0 : i32
        %lt3A_343 = vector.broadcast %lt3A_342 : i32 to vector<16xi32>
        %lt3A_344 = arith.cmpi slt, %add3A_341, %lt3A_343 : vector<16xi32>
        %add3A_345 = arith.constant 16 : i32
        %add3A_346 = vector.broadcast %add3A_345 : i32 to vector<16xi32>
        %add3A_347 = arith.addi %add3A_341, %add3A_346 : vector<16xi32>
        %select_n3A_348 = arith.select %lt3A_344, %add3A_347, %add3A_341 : vector<16xi1>, vector<16xi32>
        %reshape3A_349 = vector.shape_cast %select_n3A_348 : vector<16xi32> to vector<16x1xi32>
        %gather3A_350 = vector.shape_cast %reshape3A_349 : vector<16x1xi32> to vector<16xi32>
        %gather3A_351 = tpu.dynamic_gather %get3A_306[%gather3A_350] in [0] : vector<16xi32>, vector<16xi32> -> vector<16xi32>
        %shift_left3A_352 = arith.shli %gather3A_351, %shift_left3A_23 : vector<16xi32>
        %add3A_353 = arith.constant 16 : i32
        %add3A_354 = arith.addi %mul3A_308, %add3A_353 : i32
        %get3A_355 = arith.constant 2 : i32
        %get3A_356 = arith.index_cast %get3A_355 : i32 to index
        %get3A_357 = arith.index_cast %add3A_354 : i32 to index
        %get3A_358 = tpu.vector_load %arg8[%get3A_356, %get3A_357] {strides = array<i32>} : memref<8x1024xf32, #tpu.memory_space<vmem>>, vector<1x16xf32>,
        %get3A_359 = vector.shape_cast %get3A_358 : vector<1x16xf32> to vector<16xf32>
        %add3A_360 = arith.constant 16 : i32
        %add3A_361 = arith.addi %mul3A_308, %add3A_360 : i32
        %get3A_362 = arith.constant 2 : i32
        %get3A_363 = arith.index_cast %get3A_362 : i32 to index
        %get3A_364 = arith.index_cast %add3A_361 : i32 to index
        %get3A_365 = tpu.vector_load %arg10[%get3A_363, %get3A_364] {strides = array<i32>} : memref<8x1024xf32, #tpu.memory_space<vmem>>, vector<1x16xf32>,
        %get3A_366 = vector.shape_cast %get3A_365 : vector<1x16xf32> to vector<16xf32>
        %sub3A_367 = arith.subf %get3A_359, %get3A_366 : vector<16xf32>
        %abs3A_368 = math.absf %sub3A_367 : vector<16xf32>
        %gt3A_369 = arith.constant 16777215 : i32
        %gt3A_370 = vector.broadcast %gt3A_369 : i32 to vector<16xi32>
        %gt3A_371 = arith.cmpi sgt, %shift_left3A_352, %gt3A_370 : vector<16xi32>
        %jit3A_372 = arith.constant 0.000000e+00 : f32
        %broadcast_in_dim3A_373 = vector.broadcast %jit3A_372 : f32 to vector<16xf32>
        %select_n3A_374 = arith.select %gt3A_371, %abs3A_368, %broadcast_in_dim3A_373 : vector<16xi1>, vector<16xf32>
        %add3A_375 = arith.addf %scan3A_297, %select_n3A_374 : vector<16xf32>
        %add3A_376 = arith.constant 8 : i32
        %add3A_377 = vector.broadcast %add3A_376 : i32 to vector<16xi32>
        %add3A_378 = arith.addi %shift_right_arithmetic3A_17, %add3A_377 : vector<16xi32>
        %lt3A_379 = arith.constant 0 : i32
        %lt3A_380 = vector.broadcast %lt3A_379 : i32 to vector<16xi32>
        %lt3A_381 = arith.cmpi slt, %add3A_378, %lt3A_380 : vector<16xi32>
        %add3A_382 = arith.constant 16 : i32
        %add3A_383 = vector.broadcast %add3A_382 : i32 to vector<16xi32>
        %add3A_384 = arith.addi %add3A_378, %add3A_383 : vector<16xi32>
        %select_n3A_385 = arith.select %lt3A_381, %add3A_384, %add3A_378 : vector<16xi1>, vector<16xi32>
        %reshape3A_386 = vector.shape_cast %select_n3A_385 : vector<16xi32> to vector<16x1xi32>
        %gather3A_387 = vector.shape_cast %reshape3A_386 : vector<16x1xi32> to vector<16xi32>
        %gather3A_388 = tpu.dynamic_gather %get3A_306[%gather3A_387] in [0] : vector<16xi32>, vector<16xi32> -> vector<16xi32>
        %shift_left3A_389 = arith.shli %gather3A_388, %shift_left3A_23 : vector<16xi32>
        %add3A_390 = arith.constant 32 : i32
        %add3A_391 = arith.addi %mul3A_308, %add3A_390 : i32
        %get3A_392 = arith.constant 2 : i32
        %get3A_393 = arith.index_cast %get3A_392 : i32 to index
        %get3A_394 = arith.index_cast %add3A_391 : i32 to index
        %get3A_395 = tpu.vector_load %arg8[%get3A_393, %get3A_394] {strides = array<i32>} : memref<8x1024xf32, #tpu.memory_space<vmem>>, vector<1x16xf32>,
        %get3A_396 = vector.shape_cast %get3A_395 : vector<1x16xf32> to vector<16xf32>
        %add3A_397 = arith.constant 32 : i32
        %add3A_398 = arith.addi %mul3A_308, %add3A_397 : i32
        %get3A_399 = arith.constant 2 : i32
        %get3A_400 = arith.index_cast %get3A_399 : i32 to index
        %get3A_401 = arith.index_cast %add3A_398 : i32 to index
        %get3A_402 = tpu.vector_load %arg10[%get3A_400, %get3A_401] {strides = array<i32>} : memref<8x1024xf32, #tpu.memory_space<vmem>>, vector<1x16xf32>,
        %get3A_403 = vector.shape_cast %get3A_402 : vector<1x16xf32> to vector<16xf32>
        %sub3A_404 = arith.subf %get3A_396, %get3A_403 : vector<16xf32>
        %abs3A_405 = math.absf %sub3A_404 : vector<16xf32>
        %gt3A_406 = arith.constant 16777215 : i32
        %gt3A_407 = vector.broadcast %gt3A_406 : i32 to vector<16xi32>
        %gt3A_408 = arith.cmpi sgt, %shift_left3A_389, %gt3A_407 : vector<16xi32>
        %jit3A_409 = arith.constant 0.000000e+00 : f32
        %broadcast_in_dim3A_410 = vector.broadcast %jit3A_409 : f32 to vector<16xf32>
        %select_n3A_411 = arith.select %gt3A_408, %abs3A_405, %broadcast_in_dim3A_410 : vector<16xi1>, vector<16xf32>
        %add3A_412 = arith.addf %scan3A_298, %select_n3A_411 : vector<16xf32>
        %add3A_413 = arith.constant 12 : i32
        %add3A_414 = vector.broadcast %add3A_413 : i32 to vector<16xi32>
        %add3A_415 = arith.addi %shift_right_arithmetic3A_17, %add3A_414 : vector<16xi32>
        %lt3A_416 = arith.constant 0 : i32
        %lt3A_417 = vector.broadcast %lt3A_416 : i32 to vector<16xi32>
        %lt3A_418 = arith.cmpi slt, %add3A_415, %lt3A_417 : vector<16xi32>
        %add3A_419 = arith.constant 16 : i32
        %add3A_420 = vector.broadcast %add3A_419 : i32 to vector<16xi32>
        %add3A_421 = arith.addi %add3A_415, %add3A_420 : vector<16xi32>
        %select_n3A_422 = arith.select %lt3A_418, %add3A_421, %add3A_415 : vector<16xi1>, vector<16xi32>
        %reshape3A_423 = vector.shape_cast %select_n3A_422 : vector<16xi32> to vector<16x1xi32>
        %gather3A_424 = vector.shape_cast %reshape3A_423 : vector<16x1xi32> to vector<16xi32>
        %gather3A_425 = tpu.dynamic_gather %get3A_306[%gather3A_424] in [0] : vector<16xi32>, vector<16xi32> -> vector<16xi32>
        %shift_left3A_426 = arith.shli %gather3A_425, %shift_left3A_23 : vector<16xi32>
        %add3A_427 = arith.constant 48 : i32
        %add3A_428 = arith.addi %mul3A_308, %add3A_427 : i32
        %get3A_429 = arith.constant 2 : i32
        %get3A_430 = arith.index_cast %get3A_429 : i32 to index
        %get3A_431 = arith.index_cast %add3A_428 : i32 to index
        %get3A_432 = tpu.vector_load %arg8[%get3A_430, %get3A_431] {strides = array<i32>} : memref<8x1024xf32, #tpu.memory_space<vmem>>, vector<1x16xf32>,
        %get3A_433 = vector.shape_cast %get3A_432 : vector<1x16xf32> to vector<16xf32>
        %add3A_434 = arith.constant 48 : i32
        %add3A_435 = arith.addi %mul3A_308, %add3A_434 : i32
        %get3A_436 = arith.constant 2 : i32
        %get3A_437 = arith.index_cast %get3A_436 : i32 to index
        %get3A_438 = arith.index_cast %add3A_435 : i32 to index
        %get3A_439 = tpu.vector_load %arg10[%get3A_437, %get3A_438] {strides = array<i32>} : memref<8x1024xf32, #tpu.memory_space<vmem>>, vector<1x16xf32>,
        %get3A_440 = vector.shape_cast %get3A_439 : vector<1x16xf32> to vector<16xf32>
        %sub3A_441 = arith.subf %get3A_433, %get3A_440 : vector<16xf32>
        %abs3A_442 = math.absf %sub3A_441 : vector<16xf32>
        %gt3A_443 = arith.constant 16777215 : i32
        %gt3A_444 = vector.broadcast %gt3A_443 : i32 to vector<16xi32>
        %gt3A_445 = arith.cmpi sgt, %shift_left3A_426, %gt3A_444 : vector<16xi32>
        %jit3A_446 = arith.constant 0.000000e+00 : f32
        %broadcast_in_dim3A_447 = vector.broadcast %jit3A_446 : f32 to vector<16xf32>
        %select_n3A_448 = arith.select %gt3A_445, %abs3A_442, %broadcast_in_dim3A_447 : vector<16xi1>, vector<16xf32>
        %add3A_449 = arith.addf %scan3A_299, %select_n3A_448 : vector<16xf32>
        %and3A_450 = arith.constant 16843009 : i32
        %and3A_451 = vector.broadcast %and3A_450 : i32 to vector<16xi32>
        %and3A_452 = arith.andi %get3A_306, %and3A_451 : vector<16xi32>
        %add3A_453 = arith.addi %scan3A_300, %and3A_452 : vector<16xi32>
        scf.yield %add3A_338, %add3A_375, %add3A_412, %add3A_449, %add3A_453 : vector<16xf32>, vector<16xf32>, vector<16xf32>, vector<16xf32>, vector<16xi32>
      }
      %scan3A_239 = arith.constant 16 : i32
      %scan3A_240 = arith.constant 0 : i32
      %scan3A_241 = arith.constant 16 : i32
      %scan3A_242 = arith.addi %scan3A_240, %scan3A_241 : i32
      %scan3A_243 = arith.constant 1 : i32
      %scan3A_244:5 = scf.for %scan3A_295 = %scan3A_240 to %scan3A_242 step %scan3A_243 iter_args(%scan3A_296 = %scan3A_238#0, %scan3A_297 = %scan3A_238#1, %scan3A_298 = %scan3A_238#2, %scan3A_299 = %scan3A_238#3, %scan3A_300 = %scan3A_238#4) -> (vector<16xf32>, vector<16xf32>, vector<16xf32>, vector<16xf32>, vector<16xi32>)  : i32 {
        %mul3A_301 = arith.constant 16 : i32
        %mul3A_302 = arith.muli %scan3A_295, %mul3A_301 : i32
        %get3A = arith.constant 3 : i32
        %get3A_303 = arith.index_cast %get3A : i32 to index
        %get3A_304 = arith.index_cast %mul3A_302 : i32 to index
        %get3A_305 = tpu.vector_load %arg12[%get3A_303, %get3A_304] {strides = array<i32>} : memref<8x256xi32, #tpu.memory_space<vmem>>, vector<1x16xi32>,
        %get3A_306 = vector.shape_cast %get3A_305 : vector<1x16xi32> to vector<16xi32>
        %mul3A_307 = arith.constant 64 : i32
        %mul3A_308 = arith.muli %scan3A_295, %mul3A_307 : i32
        %add3A_309 = arith.constant 0 : i32
        %add3A_310 = vector.broadcast %add3A_309 : i32 to vector<16xi32>
        %add3A_311 = arith.addi %shift_right_arithmetic3A_17, %add3A_310 : vector<16xi32>
        %lt3A = arith.constant 0 : i32
        %lt3A_312 = vector.broadcast %lt3A : i32 to vector<16xi32>
        %lt3A_313 = arith.cmpi slt, %add3A_311, %lt3A_312 : vector<16xi32>
        %add3A_314 = arith.constant 16 : i32
        %add3A_315 = vector.broadcast %add3A_314 : i32 to vector<16xi32>
        %add3A_316 = arith.addi %add3A_311, %add3A_315 : vector<16xi32>
        %select_n3A = arith.select %lt3A_313, %add3A_316, %add3A_311 : vector<16xi1>, vector<16xi32>
        %reshape3A = vector.shape_cast %select_n3A : vector<16xi32> to vector<16x1xi32>
        %gather3A = vector.shape_cast %reshape3A : vector<16x1xi32> to vector<16xi32>
        %gather3A_317 = tpu.dynamic_gather %get3A_306[%gather3A] in [0] : vector<16xi32>, vector<16xi32> -> vector<16xi32>
        %shift_left3A_318 = arith.shli %gather3A_317, %shift_left3A_23 : vector<16xi32>
        %add3A_319 = arith.constant 0 : i32
        %add3A_320 = arith.addi %mul3A_308, %add3A_319 : i32
        %get3A_321 = arith.constant 3 : i32
        %get3A_322 = arith.index_cast %get3A_321 : i32 to index
        %get3A_323 = arith.index_cast %add3A_320 : i32 to index
        %get3A_324 = tpu.vector_load %arg8[%get3A_322, %get3A_323] {strides = array<i32>} : memref<8x1024xf32, #tpu.memory_space<vmem>>, vector<1x16xf32>,
        %get3A_325 = vector.shape_cast %get3A_324 : vector<1x16xf32> to vector<16xf32>
        %add3A_326 = arith.constant 0 : i32
        %add3A_327 = arith.addi %mul3A_308, %add3A_326 : i32
        %get3A_328 = arith.constant 3 : i32
        %get3A_329 = arith.index_cast %get3A_328 : i32 to index
        %get3A_330 = arith.index_cast %add3A_327 : i32 to index
        %get3A_331 = tpu.vector_load %arg10[%get3A_329, %get3A_330] {strides = array<i32>} : memref<8x1024xf32, #tpu.memory_space<vmem>>, vector<1x16xf32>,
        %get3A_332 = vector.shape_cast %get3A_331 : vector<1x16xf32> to vector<16xf32>
        %sub3A_333 = arith.subf %get3A_325, %get3A_332 : vector<16xf32>
        %abs3A = math.absf %sub3A_333 : vector<16xf32>
        %gt3A = arith.constant 16777215 : i32
        %gt3A_334 = vector.broadcast %gt3A : i32 to vector<16xi32>
        %gt3A_335 = arith.cmpi sgt, %shift_left3A_318, %gt3A_334 : vector<16xi32>
        %jit3A = arith.constant 0.000000e+00 : f32
        %broadcast_in_dim3A_336 = vector.broadcast %jit3A : f32 to vector<16xf32>
        %select_n3A_337 = arith.select %gt3A_335, %abs3A, %broadcast_in_dim3A_336 : vector<16xi1>, vector<16xf32>
        %add3A_338 = arith.addf %scan3A_296, %select_n3A_337 : vector<16xf32>
        %add3A_339 = arith.constant 4 : i32
        %add3A_340 = vector.broadcast %add3A_339 : i32 to vector<16xi32>
        %add3A_341 = arith.addi %shift_right_arithmetic3A_17, %add3A_340 : vector<16xi32>
        %lt3A_342 = arith.constant 0 : i32
        %lt3A_343 = vector.broadcast %lt3A_342 : i32 to vector<16xi32>
        %lt3A_344 = arith.cmpi slt, %add3A_341, %lt3A_343 : vector<16xi32>
        %add3A_345 = arith.constant 16 : i32
        %add3A_346 = vector.broadcast %add3A_345 : i32 to vector<16xi32>
        %add3A_347 = arith.addi %add3A_341, %add3A_346 : vector<16xi32>
        %select_n3A_348 = arith.select %lt3A_344, %add3A_347, %add3A_341 : vector<16xi1>, vector<16xi32>
        %reshape3A_349 = vector.shape_cast %select_n3A_348 : vector<16xi32> to vector<16x1xi32>
        %gather3A_350 = vector.shape_cast %reshape3A_349 : vector<16x1xi32> to vector<16xi32>
        %gather3A_351 = tpu.dynamic_gather %get3A_306[%gather3A_350] in [0] : vector<16xi32>, vector<16xi32> -> vector<16xi32>
        %shift_left3A_352 = arith.shli %gather3A_351, %shift_left3A_23 : vector<16xi32>
        %add3A_353 = arith.constant 16 : i32
        %add3A_354 = arith.addi %mul3A_308, %add3A_353 : i32
        %get3A_355 = arith.constant 3 : i32
        %get3A_356 = arith.index_cast %get3A_355 : i32 to index
        %get3A_357 = arith.index_cast %add3A_354 : i32 to index
        %get3A_358 = tpu.vector_load %arg8[%get3A_356, %get3A_357] {strides = array<i32>} : memref<8x1024xf32, #tpu.memory_space<vmem>>, vector<1x16xf32>,
        %get3A_359 = vector.shape_cast %get3A_358 : vector<1x16xf32> to vector<16xf32>
        %add3A_360 = arith.constant 16 : i32
        %add3A_361 = arith.addi %mul3A_308, %add3A_360 : i32
        %get3A_362 = arith.constant 3 : i32
        %get3A_363 = arith.index_cast %get3A_362 : i32 to index
        %get3A_364 = arith.index_cast %add3A_361 : i32 to index
        %get3A_365 = tpu.vector_load %arg10[%get3A_363, %get3A_364] {strides = array<i32>} : memref<8x1024xf32, #tpu.memory_space<vmem>>, vector<1x16xf32>,
        %get3A_366 = vector.shape_cast %get3A_365 : vector<1x16xf32> to vector<16xf32>
        %sub3A_367 = arith.subf %get3A_359, %get3A_366 : vector<16xf32>
        %abs3A_368 = math.absf %sub3A_367 : vector<16xf32>
        %gt3A_369 = arith.constant 16777215 : i32
        %gt3A_370 = vector.broadcast %gt3A_369 : i32 to vector<16xi32>
        %gt3A_371 = arith.cmpi sgt, %shift_left3A_352, %gt3A_370 : vector<16xi32>
        %jit3A_372 = arith.constant 0.000000e+00 : f32
        %broadcast_in_dim3A_373 = vector.broadcast %jit3A_372 : f32 to vector<16xf32>
        %select_n3A_374 = arith.select %gt3A_371, %abs3A_368, %broadcast_in_dim3A_373 : vector<16xi1>, vector<16xf32>
        %add3A_375 = arith.addf %scan3A_297, %select_n3A_374 : vector<16xf32>
        %add3A_376 = arith.constant 8 : i32
        %add3A_377 = vector.broadcast %add3A_376 : i32 to vector<16xi32>
        %add3A_378 = arith.addi %shift_right_arithmetic3A_17, %add3A_377 : vector<16xi32>
        %lt3A_379 = arith.constant 0 : i32
        %lt3A_380 = vector.broadcast %lt3A_379 : i32 to vector<16xi32>
        %lt3A_381 = arith.cmpi slt, %add3A_378, %lt3A_380 : vector<16xi32>
        %add3A_382 = arith.constant 16 : i32
        %add3A_383 = vector.broadcast %add3A_382 : i32 to vector<16xi32>
        %add3A_384 = arith.addi %add3A_378, %add3A_383 : vector<16xi32>
        %select_n3A_385 = arith.select %lt3A_381, %add3A_384, %add3A_378 : vector<16xi1>, vector<16xi32>
        %reshape3A_386 = vector.shape_cast %select_n3A_385 : vector<16xi32> to vector<16x1xi32>
        %gather3A_387 = vector.shape_cast %reshape3A_386 : vector<16x1xi32> to vector<16xi32>
        %gather3A_388 = tpu.dynamic_gather %get3A_306[%gather3A_387] in [0] : vector<16xi32>, vector<16xi32> -> vector<16xi32>
        %shift_left3A_389 = arith.shli %gather3A_388, %shift_left3A_23 : vector<16xi32>
        %add3A_390 = arith.constant 32 : i32
        %add3A_391 = arith.addi %mul3A_308, %add3A_390 : i32
        %get3A_392 = arith.constant 3 : i32
        %get3A_393 = arith.index_cast %get3A_392 : i32 to index
        %get3A_394 = arith.index_cast %add3A_391 : i32 to index
        %get3A_395 = tpu.vector_load %arg8[%get3A_393, %get3A_394] {strides = array<i32>} : memref<8x1024xf32, #tpu.memory_space<vmem>>, vector<1x16xf32>,
        %get3A_396 = vector.shape_cast %get3A_395 : vector<1x16xf32> to vector<16xf32>
        %add3A_397 = arith.constant 32 : i32
        %add3A_398 = arith.addi %mul3A_308, %add3A_397 : i32
        %get3A_399 = arith.constant 3 : i32
        %get3A_400 = arith.index_cast %get3A_399 : i32 to index
        %get3A_401 = arith.index_cast %add3A_398 : i32 to index
        %get3A_402 = tpu.vector_load %arg10[%get3A_400, %get3A_401] {strides = array<i32>} : memref<8x1024xf32, #tpu.memory_space<vmem>>, vector<1x16xf32>,
        %get3A_403 = vector.shape_cast %get3A_402 : vector<1x16xf32> to vector<16xf32>
        %sub3A_404 = arith.subf %get3A_396, %get3A_403 : vector<16xf32>
        %abs3A_405 = math.absf %sub3A_404 : vector<16xf32>
        %gt3A_406 = arith.constant 16777215 : i32
        %gt3A_407 = vector.broadcast %gt3A_406 : i32 to vector<16xi32>
        %gt3A_408 = arith.cmpi sgt, %shift_left3A_389, %gt3A_407 : vector<16xi32>
        %jit3A_409 = arith.constant 0.000000e+00 : f32
        %broadcast_in_dim3A_410 = vector.broadcast %jit3A_409 : f32 to vector<16xf32>
        %select_n3A_411 = arith.select %gt3A_408, %abs3A_405, %broadcast_in_dim3A_410 : vector<16xi1>, vector<16xf32>
        %add3A_412 = arith.addf %scan3A_298, %select_n3A_411 : vector<16xf32>
        %add3A_413 = arith.constant 12 : i32
        %add3A_414 = vector.broadcast %add3A_413 : i32 to vector<16xi32>
        %add3A_415 = arith.addi %shift_right_arithmetic3A_17, %add3A_414 : vector<16xi32>
        %lt3A_416 = arith.constant 0 : i32
        %lt3A_417 = vector.broadcast %lt3A_416 : i32 to vector<16xi32>
        %lt3A_418 = arith.cmpi slt, %add3A_415, %lt3A_417 : vector<16xi32>
        %add3A_419 = arith.constant 16 : i32
        %add3A_420 = vector.broadcast %add3A_419 : i32 to vector<16xi32>
        %add3A_421 = arith.addi %add3A_415, %add3A_420 : vector<16xi32>
        %select_n3A_422 = arith.select %lt3A_418, %add3A_421, %add3A_415 : vector<16xi1>, vector<16xi32>
        %reshape3A_423 = vector.shape_cast %select_n3A_422 : vector<16xi32> to vector<16x1xi32>
        %gather3A_424 = vector.shape_cast %reshape3A_423 : vector<16x1xi32> to vector<16xi32>
        %gather3A_425 = tpu.dynamic_gather %get3A_306[%gather3A_424] in [0] : vector<16xi32>, vector<16xi32> -> vector<16xi32>
        %shift_left3A_426 = arith.shli %gather3A_425, %shift_left3A_23 : vector<16xi32>
        %add3A_427 = arith.constant 48 : i32
        %add3A_428 = arith.addi %mul3A_308, %add3A_427 : i32
        %get3A_429 = arith.constant 3 : i32
        %get3A_430 = arith.index_cast %get3A_429 : i32 to index
        %get3A_431 = arith.index_cast %add3A_428 : i32 to index
        %get3A_432 = tpu.vector_load %arg8[%get3A_430, %get3A_431] {strides = array<i32>} : memref<8x1024xf32, #tpu.memory_space<vmem>>, vector<1x16xf32>,
        %get3A_433 = vector.shape_cast %get3A_432 : vector<1x16xf32> to vector<16xf32>
        %add3A_434 = arith.constant 48 : i32
        %add3A_435 = arith.addi %mul3A_308, %add3A_434 : i32
        %get3A_436 = arith.constant 3 : i32
        %get3A_437 = arith.index_cast %get3A_436 : i32 to index
        %get3A_438 = arith.index_cast %add3A_435 : i32 to index
        %get3A_439 = tpu.vector_load %arg10[%get3A_437, %get3A_438] {strides = array<i32>} : memref<8x1024xf32, #tpu.memory_space<vmem>>, vector<1x16xf32>,
        %get3A_440 = vector.shape_cast %get3A_439 : vector<1x16xf32> to vector<16xf32>
        %sub3A_441 = arith.subf %get3A_433, %get3A_440 : vector<16xf32>
        %abs3A_442 = math.absf %sub3A_441 : vector<16xf32>
        %gt3A_443 = arith.constant 16777215 : i32
        %gt3A_444 = vector.broadcast %gt3A_443 : i32 to vector<16xi32>
        %gt3A_445 = arith.cmpi sgt, %shift_left3A_426, %gt3A_444 : vector<16xi32>
        %jit3A_446 = arith.constant 0.000000e+00 : f32
        %broadcast_in_dim3A_447 = vector.broadcast %jit3A_446 : f32 to vector<16xf32>
        %select_n3A_448 = arith.select %gt3A_445, %abs3A_442, %broadcast_in_dim3A_447 : vector<16xi1>, vector<16xf32>
        %add3A_449 = arith.addf %scan3A_299, %select_n3A_448 : vector<16xf32>
        %and3A_450 = arith.constant 16843009 : i32
        %and3A_451 = vector.broadcast %and3A_450 : i32 to vector<16xi32>
        %and3A_452 = arith.andi %get3A_306, %and3A_451 : vector<16xi32>
        %add3A_453 = arith.addi %scan3A_300, %and3A_452 : vector<16xi32>
        scf.yield %add3A_338, %add3A_375, %add3A_412, %add3A_449, %add3A_453 : vector<16xf32>, vector<16xf32>, vector<16xf32>, vector<16xf32>, vector<16xi32>
      }
      %scan3A_245 = arith.constant 16 : i32
      %scan3A_246 = arith.constant 0 : i32
      %scan3A_247 = arith.constant 16 : i32
      %scan3A_248 = arith.addi %scan3A_246, %scan3A_247 : i32
      %scan3A_249 = arith.constant 1 : i32
      %scan3A_250:5 = scf.for %scan3A_295 = %scan3A_246 to %scan3A_248 step %scan3A_249 iter_args(%scan3A_296 = %scan3A_244#0, %scan3A_297 = %scan3A_244#1, %scan3A_298 = %scan3A_244#2, %scan3A_299 = %scan3A_244#3, %scan3A_300 = %scan3A_244#4) -> (vector<16xf32>, vector<16xf32>, vector<16xf32>, vector<16xf32>, vector<16xi32>)  : i32 {
        %mul3A_301 = arith.constant 16 : i32
        %mul3A_302 = arith.muli %scan3A_295, %mul3A_301 : i32
        %get3A = arith.constant 4 : i32
        %get3A_303 = arith.index_cast %get3A : i32 to index
        %get3A_304 = arith.index_cast %mul3A_302 : i32 to index
        %get3A_305 = tpu.vector_load %arg12[%get3A_303, %get3A_304] {strides = array<i32>} : memref<8x256xi32, #tpu.memory_space<vmem>>, vector<1x16xi32>,
        %get3A_306 = vector.shape_cast %get3A_305 : vector<1x16xi32> to vector<16xi32>
        %mul3A_307 = arith.constant 64 : i32
        %mul3A_308 = arith.muli %scan3A_295, %mul3A_307 : i32
        %add3A_309 = arith.constant 0 : i32
        %add3A_310 = vector.broadcast %add3A_309 : i32 to vector<16xi32>
        %add3A_311 = arith.addi %shift_right_arithmetic3A_17, %add3A_310 : vector<16xi32>
        %lt3A = arith.constant 0 : i32
        %lt3A_312 = vector.broadcast %lt3A : i32 to vector<16xi32>
        %lt3A_313 = arith.cmpi slt, %add3A_311, %lt3A_312 : vector<16xi32>
        %add3A_314 = arith.constant 16 : i32
        %add3A_315 = vector.broadcast %add3A_314 : i32 to vector<16xi32>
        %add3A_316 = arith.addi %add3A_311, %add3A_315 : vector<16xi32>
        %select_n3A = arith.select %lt3A_313, %add3A_316, %add3A_311 : vector<16xi1>, vector<16xi32>
        %reshape3A = vector.shape_cast %select_n3A : vector<16xi32> to vector<16x1xi32>
        %gather3A = vector.shape_cast %reshape3A : vector<16x1xi32> to vector<16xi32>
        %gather3A_317 = tpu.dynamic_gather %get3A_306[%gather3A] in [0] : vector<16xi32>, vector<16xi32> -> vector<16xi32>
        %shift_left3A_318 = arith.shli %gather3A_317, %shift_left3A_23 : vector<16xi32>
        %add3A_319 = arith.constant 0 : i32
        %add3A_320 = arith.addi %mul3A_308, %add3A_319 : i32
        %get3A_321 = arith.constant 4 : i32
        %get3A_322 = arith.index_cast %get3A_321 : i32 to index
        %get3A_323 = arith.index_cast %add3A_320 : i32 to index
        %get3A_324 = tpu.vector_load %arg8[%get3A_322, %get3A_323] {strides = array<i32>} : memref<8x1024xf32, #tpu.memory_space<vmem>>, vector<1x16xf32>,
        %get3A_325 = vector.shape_cast %get3A_324 : vector<1x16xf32> to vector<16xf32>
        %add3A_326 = arith.constant 0 : i32
        %add3A_327 = arith.addi %mul3A_308, %add3A_326 : i32
        %get3A_328 = arith.constant 4 : i32
        %get3A_329 = arith.index_cast %get3A_328 : i32 to index
        %get3A_330 = arith.index_cast %add3A_327 : i32 to index
        %get3A_331 = tpu.vector_load %arg10[%get3A_329, %get3A_330] {strides = array<i32>} : memref<8x1024xf32, #tpu.memory_space<vmem>>, vector<1x16xf32>,
        %get3A_332 = vector.shape_cast %get3A_331 : vector<1x16xf32> to vector<16xf32>
        %sub3A_333 = arith.subf %get3A_325, %get3A_332 : vector<16xf32>
        %abs3A = math.absf %sub3A_333 : vector<16xf32>
        %gt3A = arith.constant 16777215 : i32
        %gt3A_334 = vector.broadcast %gt3A : i32 to vector<16xi32>
        %gt3A_335 = arith.cmpi sgt, %shift_left3A_318, %gt3A_334 : vector<16xi32>
        %jit3A = arith.constant 0.000000e+00 : f32
        %broadcast_in_dim3A_336 = vector.broadcast %jit3A : f32 to vector<16xf32>
        %select_n3A_337 = arith.select %gt3A_335, %abs3A, %broadcast_in_dim3A_336 : vector<16xi1>, vector<16xf32>
        %add3A_338 = arith.addf %scan3A_296, %select_n3A_337 : vector<16xf32>
        %add3A_339 = arith.constant 4 : i32
        %add3A_340 = vector.broadcast %add3A_339 : i32 to vector<16xi32>
        %add3A_341 = arith.addi %shift_right_arithmetic3A_17, %add3A_340 : vector<16xi32>
        %lt3A_342 = arith.constant 0 : i32
        %lt3A_343 = vector.broadcast %lt3A_342 : i32 to vector<16xi32>
        %lt3A_344 = arith.cmpi slt, %add3A_341, %lt3A_343 : vector<16xi32>
        %add3A_345 = arith.constant 16 : i32
        %add3A_346 = vector.broadcast %add3A_345 : i32 to vector<16xi32>
        %add3A_347 = arith.addi %add3A_341, %add3A_346 : vector<16xi32>
        %select_n3A_348 = arith.select %lt3A_344, %add3A_347, %add3A_341 : vector<16xi1>, vector<16xi32>
        %reshape3A_349 = vector.shape_cast %select_n3A_348 : vector<16xi32> to vector<16x1xi32>
        %gather3A_350 = vector.shape_cast %reshape3A_349 : vector<16x1xi32> to vector<16xi32>
        %gather3A_351 = tpu.dynamic_gather %get3A_306[%gather3A_350] in [0] : vector<16xi32>, vector<16xi32> -> vector<16xi32>
        %shift_left3A_352 = arith.shli %gather3A_351, %shift_left3A_23 : vector<16xi32>
        %add3A_353 = arith.constant 16 : i32
        %add3A_354 = arith.addi %mul3A_308, %add3A_353 : i32
        %get3A_355 = arith.constant 4 : i32
        %get3A_356 = arith.index_cast %get3A_355 : i32 to index
        %get3A_357 = arith.index_cast %add3A_354 : i32 to index
        %get3A_358 = tpu.vector_load %arg8[%get3A_356, %get3A_357] {strides = array<i32>} : memref<8x1024xf32, #tpu.memory_space<vmem>>, vector<1x16xf32>,
        %get3A_359 = vector.shape_cast %get3A_358 : vector<1x16xf32> to vector<16xf32>
        %add3A_360 = arith.constant 16 : i32
        %add3A_361 = arith.addi %mul3A_308, %add3A_360 : i32
        %get3A_362 = arith.constant 4 : i32
        %get3A_363 = arith.index_cast %get3A_362 : i32 to index
        %get3A_364 = arith.index_cast %add3A_361 : i32 to index
        %get3A_365 = tpu.vector_load %arg10[%get3A_363, %get3A_364] {strides = array<i32>} : memref<8x1024xf32, #tpu.memory_space<vmem>>, vector<1x16xf32>,
        %get3A_366 = vector.shape_cast %get3A_365 : vector<1x16xf32> to vector<16xf32>
        %sub3A_367 = arith.subf %get3A_359, %get3A_366 : vector<16xf32>
        %abs3A_368 = math.absf %sub3A_367 : vector<16xf32>
        %gt3A_369 = arith.constant 16777215 : i32
        %gt3A_370 = vector.broadcast %gt3A_369 : i32 to vector<16xi32>
        %gt3A_371 = arith.cmpi sgt, %shift_left3A_352, %gt3A_370 : vector<16xi32>
        %jit3A_372 = arith.constant 0.000000e+00 : f32
        %broadcast_in_dim3A_373 = vector.broadcast %jit3A_372 : f32 to vector<16xf32>
        %select_n3A_374 = arith.select %gt3A_371, %abs3A_368, %broadcast_in_dim3A_373 : vector<16xi1>, vector<16xf32>
        %add3A_375 = arith.addf %scan3A_297, %select_n3A_374 : vector<16xf32>
        %add3A_376 = arith.constant 8 : i32
        %add3A_377 = vector.broadcast %add3A_376 : i32 to vector<16xi32>
        %add3A_378 = arith.addi %shift_right_arithmetic3A_17, %add3A_377 : vector<16xi32>
        %lt3A_379 = arith.constant 0 : i32
        %lt3A_380 = vector.broadcast %lt3A_379 : i32 to vector<16xi32>
        %lt3A_381 = arith.cmpi slt, %add3A_378, %lt3A_380 : vector<16xi32>
        %add3A_382 = arith.constant 16 : i32
        %add3A_383 = vector.broadcast %add3A_382 : i32 to vector<16xi32>
        %add3A_384 = arith.addi %add3A_378, %add3A_383 : vector<16xi32>
        %select_n3A_385 = arith.select %lt3A_381, %add3A_384, %add3A_378 : vector<16xi1>, vector<16xi32>
        %reshape3A_386 = vector.shape_cast %select_n3A_385 : vector<16xi32> to vector<16x1xi32>
        %gather3A_387 = vector.shape_cast %reshape3A_386 : vector<16x1xi32> to vector<16xi32>
        %gather3A_388 = tpu.dynamic_gather %get3A_306[%gather3A_387] in [0] : vector<16xi32>, vector<16xi32> -> vector<16xi32>
        %shift_left3A_389 = arith.shli %gather3A_388, %shift_left3A_23 : vector<16xi32>
        %add3A_390 = arith.constant 32 : i32
        %add3A_391 = arith.addi %mul3A_308, %add3A_390 : i32
        %get3A_392 = arith.constant 4 : i32
        %get3A_393 = arith.index_cast %get3A_392 : i32 to index
        %get3A_394 = arith.index_cast %add3A_391 : i32 to index
        %get3A_395 = tpu.vector_load %arg8[%get3A_393, %get3A_394] {strides = array<i32>} : memref<8x1024xf32, #tpu.memory_space<vmem>>, vector<1x16xf32>,
        %get3A_396 = vector.shape_cast %get3A_395 : vector<1x16xf32> to vector<16xf32>
        %add3A_397 = arith.constant 32 : i32
        %add3A_398 = arith.addi %mul3A_308, %add3A_397 : i32
        %get3A_399 = arith.constant 4 : i32
        %get3A_400 = arith.index_cast %get3A_399 : i32 to index
        %get3A_401 = arith.index_cast %add3A_398 : i32 to index
        %get3A_402 = tpu.vector_load %arg10[%get3A_400, %get3A_401] {strides = array<i32>} : memref<8x1024xf32, #tpu.memory_space<vmem>>, vector<1x16xf32>,
        %get3A_403 = vector.shape_cast %get3A_402 : vector<1x16xf32> to vector<16xf32>
        %sub3A_404 = arith.subf %get3A_396, %get3A_403 : vector<16xf32>
        %abs3A_405 = math.absf %sub3A_404 : vector<16xf32>
        %gt3A_406 = arith.constant 16777215 : i32
        %gt3A_407 = vector.broadcast %gt3A_406 : i32 to vector<16xi32>
        %gt3A_408 = arith.cmpi sgt, %shift_left3A_389, %gt3A_407 : vector<16xi32>
        %jit3A_409 = arith.constant 0.000000e+00 : f32
        %broadcast_in_dim3A_410 = vector.broadcast %jit3A_409 : f32 to vector<16xf32>
        %select_n3A_411 = arith.select %gt3A_408, %abs3A_405, %broadcast_in_dim3A_410 : vector<16xi1>, vector<16xf32>
        %add3A_412 = arith.addf %scan3A_298, %select_n3A_411 : vector<16xf32>
        %add3A_413 = arith.constant 12 : i32
        %add3A_414 = vector.broadcast %add3A_413 : i32 to vector<16xi32>
        %add3A_415 = arith.addi %shift_right_arithmetic3A_17, %add3A_414 : vector<16xi32>
        %lt3A_416 = arith.constant 0 : i32
        %lt3A_417 = vector.broadcast %lt3A_416 : i32 to vector<16xi32>
        %lt3A_418 = arith.cmpi slt, %add3A_415, %lt3A_417 : vector<16xi32>
        %add3A_419 = arith.constant 16 : i32
        %add3A_420 = vector.broadcast %add3A_419 : i32 to vector<16xi32>
        %add3A_421 = arith.addi %add3A_415, %add3A_420 : vector<16xi32>
        %select_n3A_422 = arith.select %lt3A_418, %add3A_421, %add3A_415 : vector<16xi1>, vector<16xi32>
        %reshape3A_423 = vector.shape_cast %select_n3A_422 : vector<16xi32> to vector<16x1xi32>
        %gather3A_424 = vector.shape_cast %reshape3A_423 : vector<16x1xi32> to vector<16xi32>
        %gather3A_425 = tpu.dynamic_gather %get3A_306[%gather3A_424] in [0] : vector<16xi32>, vector<16xi32> -> vector<16xi32>
        %shift_left3A_426 = arith.shli %gather3A_425, %shift_left3A_23 : vector<16xi32>
        %add3A_427 = arith.constant 48 : i32
        %add3A_428 = arith.addi %mul3A_308, %add3A_427 : i32
        %get3A_429 = arith.constant 4 : i32
        %get3A_430 = arith.index_cast %get3A_429 : i32 to index
        %get3A_431 = arith.index_cast %add3A_428 : i32 to index
        %get3A_432 = tpu.vector_load %arg8[%get3A_430, %get3A_431] {strides = array<i32>} : memref<8x1024xf32, #tpu.memory_space<vmem>>, vector<1x16xf32>,
        %get3A_433 = vector.shape_cast %get3A_432 : vector<1x16xf32> to vector<16xf32>
        %add3A_434 = arith.constant 48 : i32
        %add3A_435 = arith.addi %mul3A_308, %add3A_434 : i32
        %get3A_436 = arith.constant 4 : i32
        %get3A_437 = arith.index_cast %get3A_436 : i32 to index
        %get3A_438 = arith.index_cast %add3A_435 : i32 to index
        %get3A_439 = tpu.vector_load %arg10[%get3A_437, %get3A_438] {strides = array<i32>} : memref<8x1024xf32, #tpu.memory_space<vmem>>, vector<1x16xf32>,
        %get3A_440 = vector.shape_cast %get3A_439 : vector<1x16xf32> to vector<16xf32>
        %sub3A_441 = arith.subf %get3A_433, %get3A_440 : vector<16xf32>
        %abs3A_442 = math.absf %sub3A_441 : vector<16xf32>
        %gt3A_443 = arith.constant 16777215 : i32
        %gt3A_444 = vector.broadcast %gt3A_443 : i32 to vector<16xi32>
        %gt3A_445 = arith.cmpi sgt, %shift_left3A_426, %gt3A_444 : vector<16xi32>
        %jit3A_446 = arith.constant 0.000000e+00 : f32
        %broadcast_in_dim3A_447 = vector.broadcast %jit3A_446 : f32 to vector<16xf32>
        %select_n3A_448 = arith.select %gt3A_445, %abs3A_442, %broadcast_in_dim3A_447 : vector<16xi1>, vector<16xf32>
        %add3A_449 = arith.addf %scan3A_299, %select_n3A_448 : vector<16xf32>
        %and3A_450 = arith.constant 16843009 : i32
        %and3A_451 = vector.broadcast %and3A_450 : i32 to vector<16xi32>
        %and3A_452 = arith.andi %get3A_306, %and3A_451 : vector<16xi32>
        %add3A_453 = arith.addi %scan3A_300, %and3A_452 : vector<16xi32>
        scf.yield %add3A_338, %add3A_375, %add3A_412, %add3A_449, %add3A_453 : vector<16xf32>, vector<16xf32>, vector<16xf32>, vector<16xf32>, vector<16xi32>
      }
      %scan3A_251 = arith.constant 16 : i32
      %scan3A_252 = arith.constant 0 : i32
      %scan3A_253 = arith.constant 16 : i32
      %scan3A_254 = arith.addi %scan3A_252, %scan3A_253 : i32
      %scan3A_255 = arith.constant 1 : i32
      %scan3A_256:5 = scf.for %scan3A_295 = %scan3A_252 to %scan3A_254 step %scan3A_255 iter_args(%scan3A_296 = %scan3A_250#0, %scan3A_297 = %scan3A_250#1, %scan3A_298 = %scan3A_250#2, %scan3A_299 = %scan3A_250#3, %scan3A_300 = %scan3A_250#4) -> (vector<16xf32>, vector<16xf32>, vector<16xf32>, vector<16xf32>, vector<16xi32>)  : i32 {
        %mul3A_301 = arith.constant 16 : i32
        %mul3A_302 = arith.muli %scan3A_295, %mul3A_301 : i32
        %get3A = arith.constant 5 : i32
        %get3A_303 = arith.index_cast %get3A : i32 to index
        %get3A_304 = arith.index_cast %mul3A_302 : i32 to index
        %get3A_305 = tpu.vector_load %arg12[%get3A_303, %get3A_304] {strides = array<i32>} : memref<8x256xi32, #tpu.memory_space<vmem>>, vector<1x16xi32>,
        %get3A_306 = vector.shape_cast %get3A_305 : vector<1x16xi32> to vector<16xi32>
        %mul3A_307 = arith.constant 64 : i32
        %mul3A_308 = arith.muli %scan3A_295, %mul3A_307 : i32
        %add3A_309 = arith.constant 0 : i32
        %add3A_310 = vector.broadcast %add3A_309 : i32 to vector<16xi32>
        %add3A_311 = arith.addi %shift_right_arithmetic3A_17, %add3A_310 : vector<16xi32>
        %lt3A = arith.constant 0 : i32
        %lt3A_312 = vector.broadcast %lt3A : i32 to vector<16xi32>
        %lt3A_313 = arith.cmpi slt, %add3A_311, %lt3A_312 : vector<16xi32>
        %add3A_314 = arith.constant 16 : i32
        %add3A_315 = vector.broadcast %add3A_314 : i32 to vector<16xi32>
        %add3A_316 = arith.addi %add3A_311, %add3A_315 : vector<16xi32>
        %select_n3A = arith.select %lt3A_313, %add3A_316, %add3A_311 : vector<16xi1>, vector<16xi32>
        %reshape3A = vector.shape_cast %select_n3A : vector<16xi32> to vector<16x1xi32>
        %gather3A = vector.shape_cast %reshape3A : vector<16x1xi32> to vector<16xi32>
        %gather3A_317 = tpu.dynamic_gather %get3A_306[%gather3A] in [0] : vector<16xi32>, vector<16xi32> -> vector<16xi32>
        %shift_left3A_318 = arith.shli %gather3A_317, %shift_left3A_23 : vector<16xi32>
        %add3A_319 = arith.constant 0 : i32
        %add3A_320 = arith.addi %mul3A_308, %add3A_319 : i32
        %get3A_321 = arith.constant 5 : i32
        %get3A_322 = arith.index_cast %get3A_321 : i32 to index
        %get3A_323 = arith.index_cast %add3A_320 : i32 to index
        %get3A_324 = tpu.vector_load %arg8[%get3A_322, %get3A_323] {strides = array<i32>} : memref<8x1024xf32, #tpu.memory_space<vmem>>, vector<1x16xf32>,
        %get3A_325 = vector.shape_cast %get3A_324 : vector<1x16xf32> to vector<16xf32>
        %add3A_326 = arith.constant 0 : i32
        %add3A_327 = arith.addi %mul3A_308, %add3A_326 : i32
        %get3A_328 = arith.constant 5 : i32
        %get3A_329 = arith.index_cast %get3A_328 : i32 to index
        %get3A_330 = arith.index_cast %add3A_327 : i32 to index
        %get3A_331 = tpu.vector_load %arg10[%get3A_329, %get3A_330] {strides = array<i32>} : memref<8x1024xf32, #tpu.memory_space<vmem>>, vector<1x16xf32>,
        %get3A_332 = vector.shape_cast %get3A_331 : vector<1x16xf32> to vector<16xf32>
        %sub3A_333 = arith.subf %get3A_325, %get3A_332 : vector<16xf32>
        %abs3A = math.absf %sub3A_333 : vector<16xf32>
        %gt3A = arith.constant 16777215 : i32
        %gt3A_334 = vector.broadcast %gt3A : i32 to vector<16xi32>
        %gt3A_335 = arith.cmpi sgt, %shift_left3A_318, %gt3A_334 : vector<16xi32>
        %jit3A = arith.constant 0.000000e+00 : f32
        %broadcast_in_dim3A_336 = vector.broadcast %jit3A : f32 to vector<16xf32>
        %select_n3A_337 = arith.select %gt3A_335, %abs3A, %broadcast_in_dim3A_336 : vector<16xi1>, vector<16xf32>
        %add3A_338 = arith.addf %scan3A_296, %select_n3A_337 : vector<16xf32>
        %add3A_339 = arith.constant 4 : i32
        %add3A_340 = vector.broadcast %add3A_339 : i32 to vector<16xi32>
        %add3A_341 = arith.addi %shift_right_arithmetic3A_17, %add3A_340 : vector<16xi32>
        %lt3A_342 = arith.constant 0 : i32
        %lt3A_343 = vector.broadcast %lt3A_342 : i32 to vector<16xi32>
        %lt3A_344 = arith.cmpi slt, %add3A_341, %lt3A_343 : vector<16xi32>
        %add3A_345 = arith.constant 16 : i32
        %add3A_346 = vector.broadcast %add3A_345 : i32 to vector<16xi32>
        %add3A_347 = arith.addi %add3A_341, %add3A_346 : vector<16xi32>
        %select_n3A_348 = arith.select %lt3A_344, %add3A_347, %add3A_341 : vector<16xi1>, vector<16xi32>
        %reshape3A_349 = vector.shape_cast %select_n3A_348 : vector<16xi32> to vector<16x1xi32>
        %gather3A_350 = vector.shape_cast %reshape3A_349 : vector<16x1xi32> to vector<16xi32>
        %gather3A_351 = tpu.dynamic_gather %get3A_306[%gather3A_350] in [0] : vector<16xi32>, vector<16xi32> -> vector<16xi32>
        %shift_left3A_352 = arith.shli %gather3A_351, %shift_left3A_23 : vector<16xi32>
        %add3A_353 = arith.constant 16 : i32
        %add3A_354 = arith.addi %mul3A_308, %add3A_353 : i32
        %get3A_355 = arith.constant 5 : i32
        %get3A_356 = arith.index_cast %get3A_355 : i32 to index
        %get3A_357 = arith.index_cast %add3A_354 : i32 to index
        %get3A_358 = tpu.vector_load %arg8[%get3A_356, %get3A_357] {strides = array<i32>} : memref<8x1024xf32, #tpu.memory_space<vmem>>, vector<1x16xf32>,
        %get3A_359 = vector.shape_cast %get3A_358 : vector<1x16xf32> to vector<16xf32>
        %add3A_360 = arith.constant 16 : i32
        %add3A_361 = arith.addi %mul3A_308, %add3A_360 : i32
        %get3A_362 = arith.constant 5 : i32
        %get3A_363 = arith.index_cast %get3A_362 : i32 to index
        %get3A_364 = arith.index_cast %add3A_361 : i32 to index
        %get3A_365 = tpu.vector_load %arg10[%get3A_363, %get3A_364] {strides = array<i32>} : memref<8x1024xf32, #tpu.memory_space<vmem>>, vector<1x16xf32>,
        %get3A_366 = vector.shape_cast %get3A_365 : vector<1x16xf32> to vector<16xf32>
        %sub3A_367 = arith.subf %get3A_359, %get3A_366 : vector<16xf32>
        %abs3A_368 = math.absf %sub3A_367 : vector<16xf32>
        %gt3A_369 = arith.constant 16777215 : i32
        %gt3A_370 = vector.broadcast %gt3A_369 : i32 to vector<16xi32>
        %gt3A_371 = arith.cmpi sgt, %shift_left3A_352, %gt3A_370 : vector<16xi32>
        %jit3A_372 = arith.constant 0.000000e+00 : f32
        %broadcast_in_dim3A_373 = vector.broadcast %jit3A_372 : f32 to vector<16xf32>
        %select_n3A_374 = arith.select %gt3A_371, %abs3A_368, %broadcast_in_dim3A_373 : vector<16xi1>, vector<16xf32>
        %add3A_375 = arith.addf %scan3A_297, %select_n3A_374 : vector<16xf32>
        %add3A_376 = arith.constant 8 : i32
        %add3A_377 = vector.broadcast %add3A_376 : i32 to vector<16xi32>
        %add3A_378 = arith.addi %shift_right_arithmetic3A_17, %add3A_377 : vector<16xi32>
        %lt3A_379 = arith.constant 0 : i32
        %lt3A_380 = vector.broadcast %lt3A_379 : i32 to vector<16xi32>
        %lt3A_381 = arith.cmpi slt, %add3A_378, %lt3A_380 : vector<16xi32>
        %add3A_382 = arith.constant 16 : i32
        %add3A_383 = vector.broadcast %add3A_382 : i32 to vector<16xi32>
        %add3A_384 = arith.addi %add3A_378, %add3A_383 : vector<16xi32>
        %select_n3A_385 = arith.select %lt3A_381, %add3A_384, %add3A_378 : vector<16xi1>, vector<16xi32>
        %reshape3A_386 = vector.shape_cast %select_n3A_385 : vector<16xi32> to vector<16x1xi32>
        %gather3A_387 = vector.shape_cast %reshape3A_386 : vector<16x1xi32> to vector<16xi32>
        %gather3A_388 = tpu.dynamic_gather %get3A_306[%gather3A_387] in [0] : vector<16xi32>, vector<16xi32> -> vector<16xi32>
        %shift_left3A_389 = arith.shli %gather3A_388, %shift_left3A_23 : vector<16xi32>
        %add3A_390 = arith.constant 32 : i32
        %add3A_391 = arith.addi %mul3A_308, %add3A_390 : i32
        %get3A_392 = arith.constant 5 : i32
        %get3A_393 = arith.index_cast %get3A_392 : i32 to index
        %get3A_394 = arith.index_cast %add3A_391 : i32 to index
        %get3A_395 = tpu.vector_load %arg8[%get3A_393, %get3A_394] {strides = array<i32>} : memref<8x1024xf32, #tpu.memory_space<vmem>>, vector<1x16xf32>,
        %get3A_396 = vector.shape_cast %get3A_395 : vector<1x16xf32> to vector<16xf32>
        %add3A_397 = arith.constant 32 : i32
        %add3A_398 = arith.addi %mul3A_308, %add3A_397 : i32
        %get3A_399 = arith.constant 5 : i32
        %get3A_400 = arith.index_cast %get3A_399 : i32 to index
        %get3A_401 = arith.index_cast %add3A_398 : i32 to index
        %get3A_402 = tpu.vector_load %arg10[%get3A_400, %get3A_401] {strides = array<i32>} : memref<8x1024xf32, #tpu.memory_space<vmem>>, vector<1x16xf32>,
        %get3A_403 = vector.shape_cast %get3A_402 : vector<1x16xf32> to vector<16xf32>
        %sub3A_404 = arith.subf %get3A_396, %get3A_403 : vector<16xf32>
        %abs3A_405 = math.absf %sub3A_404 : vector<16xf32>
        %gt3A_406 = arith.constant 16777215 : i32
        %gt3A_407 = vector.broadcast %gt3A_406 : i32 to vector<16xi32>
        %gt3A_408 = arith.cmpi sgt, %shift_left3A_389, %gt3A_407 : vector<16xi32>
        %jit3A_409 = arith.constant 0.000000e+00 : f32
        %broadcast_in_dim3A_410 = vector.broadcast %jit3A_409 : f32 to vector<16xf32>
        %select_n3A_411 = arith.select %gt3A_408, %abs3A_405, %broadcast_in_dim3A_410 : vector<16xi1>, vector<16xf32>
        %add3A_412 = arith.addf %scan3A_298, %select_n3A_411 : vector<16xf32>
        %add3A_413 = arith.constant 12 : i32
        %add3A_414 = vector.broadcast %add3A_413 : i32 to vector<16xi32>
        %add3A_415 = arith.addi %shift_right_arithmetic3A_17, %add3A_414 : vector<16xi32>
        %lt3A_416 = arith.constant 0 : i32
        %lt3A_417 = vector.broadcast %lt3A_416 : i32 to vector<16xi32>
        %lt3A_418 = arith.cmpi slt, %add3A_415, %lt3A_417 : vector<16xi32>
        %add3A_419 = arith.constant 16 : i32
        %add3A_420 = vector.broadcast %add3A_419 : i32 to vector<16xi32>
        %add3A_421 = arith.addi %add3A_415, %add3A_420 : vector<16xi32>
        %select_n3A_422 = arith.select %lt3A_418, %add3A_421, %add3A_415 : vector<16xi1>, vector<16xi32>
        %reshape3A_423 = vector.shape_cast %select_n3A_422 : vector<16xi32> to vector<16x1xi32>
        %gather3A_424 = vector.shape_cast %reshape3A_423 : vector<16x1xi32> to vector<16xi32>
        %gather3A_425 = tpu.dynamic_gather %get3A_306[%gather3A_424] in [0] : vector<16xi32>, vector<16xi32> -> vector<16xi32>
        %shift_left3A_426 = arith.shli %gather3A_425, %shift_left3A_23 : vector<16xi32>
        %add3A_427 = arith.constant 48 : i32
        %add3A_428 = arith.addi %mul3A_308, %add3A_427 : i32
        %get3A_429 = arith.constant 5 : i32
        %get3A_430 = arith.index_cast %get3A_429 : i32 to index
        %get3A_431 = arith.index_cast %add3A_428 : i32 to index
        %get3A_432 = tpu.vector_load %arg8[%get3A_430, %get3A_431] {strides = array<i32>} : memref<8x1024xf32, #tpu.memory_space<vmem>>, vector<1x16xf32>,
        %get3A_433 = vector.shape_cast %get3A_432 : vector<1x16xf32> to vector<16xf32>
        %add3A_434 = arith.constant 48 : i32
        %add3A_435 = arith.addi %mul3A_308, %add3A_434 : i32
        %get3A_436 = arith.constant 5 : i32
        %get3A_437 = arith.index_cast %get3A_436 : i32 to index
        %get3A_438 = arith.index_cast %add3A_435 : i32 to index
        %get3A_439 = tpu.vector_load %arg10[%get3A_437, %get3A_438] {strides = array<i32>} : memref<8x1024xf32, #tpu.memory_space<vmem>>, vector<1x16xf32>,
        %get3A_440 = vector.shape_cast %get3A_439 : vector<1x16xf32> to vector<16xf32>
        %sub3A_441 = arith.subf %get3A_433, %get3A_440 : vector<16xf32>
        %abs3A_442 = math.absf %sub3A_441 : vector<16xf32>
        %gt3A_443 = arith.constant 16777215 : i32
        %gt3A_444 = vector.broadcast %gt3A_443 : i32 to vector<16xi32>
        %gt3A_445 = arith.cmpi sgt, %shift_left3A_426, %gt3A_444 : vector<16xi32>
        %jit3A_446 = arith.constant 0.000000e+00 : f32
        %broadcast_in_dim3A_447 = vector.broadcast %jit3A_446 : f32 to vector<16xf32>
        %select_n3A_448 = arith.select %gt3A_445, %abs3A_442, %broadcast_in_dim3A_447 : vector<16xi1>, vector<16xf32>
        %add3A_449 = arith.addf %scan3A_299, %select_n3A_448 : vector<16xf32>
        %and3A_450 = arith.constant 16843009 : i32
        %and3A_451 = vector.broadcast %and3A_450 : i32 to vector<16xi32>
        %and3A_452 = arith.andi %get3A_306, %and3A_451 : vector<16xi32>
        %add3A_453 = arith.addi %scan3A_300, %and3A_452 : vector<16xi32>
        scf.yield %add3A_338, %add3A_375, %add3A_412, %add3A_449, %add3A_453 : vector<16xf32>, vector<16xf32>, vector<16xf32>, vector<16xf32>, vector<16xi32>
      }
      %scan3A_257 = arith.constant 16 : i32
      %scan3A_258 = arith.constant 0 : i32
      %scan3A_259 = arith.constant 16 : i32
      %scan3A_260 = arith.addi %scan3A_258, %scan3A_259 : i32
      %scan3A_261 = arith.constant 1 : i32
      %scan3A_262:5 = scf.for %scan3A_295 = %scan3A_258 to %scan3A_260 step %scan3A_261 iter_args(%scan3A_296 = %scan3A_256#0, %scan3A_297 = %scan3A_256#1, %scan3A_298 = %scan3A_256#2, %scan3A_299 = %scan3A_256#3, %scan3A_300 = %scan3A_256#4) -> (vector<16xf32>, vector<16xf32>, vector<16xf32>, vector<16xf32>, vector<16xi32>)  : i32 {
        %mul3A_301 = arith.constant 16 : i32
        %mul3A_302 = arith.muli %scan3A_295, %mul3A_301 : i32
        %get3A = arith.constant 6 : i32
        %get3A_303 = arith.index_cast %get3A : i32 to index
        %get3A_304 = arith.index_cast %mul3A_302 : i32 to index
        %get3A_305 = tpu.vector_load %arg12[%get3A_303, %get3A_304] {strides = array<i32>} : memref<8x256xi32, #tpu.memory_space<vmem>>, vector<1x16xi32>,
        %get3A_306 = vector.shape_cast %get3A_305 : vector<1x16xi32> to vector<16xi32>
        %mul3A_307 = arith.constant 64 : i32
        %mul3A_308 = arith.muli %scan3A_295, %mul3A_307 : i32
        %add3A_309 = arith.constant 0 : i32
        %add3A_310 = vector.broadcast %add3A_309 : i32 to vector<16xi32>
        %add3A_311 = arith.addi %shift_right_arithmetic3A_17, %add3A_310 : vector<16xi32>
        %lt3A = arith.constant 0 : i32
        %lt3A_312 = vector.broadcast %lt3A : i32 to vector<16xi32>
        %lt3A_313 = arith.cmpi slt, %add3A_311, %lt3A_312 : vector<16xi32>
        %add3A_314 = arith.constant 16 : i32
        %add3A_315 = vector.broadcast %add3A_314 : i32 to vector<16xi32>
        %add3A_316 = arith.addi %add3A_311, %add3A_315 : vector<16xi32>
        %select_n3A = arith.select %lt3A_313, %add3A_316, %add3A_311 : vector<16xi1>, vector<16xi32>
        %reshape3A = vector.shape_cast %select_n3A : vector<16xi32> to vector<16x1xi32>
        %gather3A = vector.shape_cast %reshape3A : vector<16x1xi32> to vector<16xi32>
        %gather3A_317 = tpu.dynamic_gather %get3A_306[%gather3A] in [0] : vector<16xi32>, vector<16xi32> -> vector<16xi32>
        %shift_left3A_318 = arith.shli %gather3A_317, %shift_left3A_23 : vector<16xi32>
        %add3A_319 = arith.constant 0 : i32
        %add3A_320 = arith.addi %mul3A_308, %add3A_319 : i32
        %get3A_321 = arith.constant 6 : i32
        %get3A_322 = arith.index_cast %get3A_321 : i32 to index
        %get3A_323 = arith.index_cast %add3A_320 : i32 to index
        %get3A_324 = tpu.vector_load %arg8[%get3A_322, %get3A_323] {strides = array<i32>} : memref<8x1024xf32, #tpu.memory_space<vmem>>, vector<1x16xf32>,
        %get3A_325 = vector.shape_cast %get3A_324 : vector<1x16xf32> to vector<16xf32>
        %add3A_326 = arith.constant 0 : i32
        %add3A_327 = arith.addi %mul3A_308, %add3A_326 : i32
        %get3A_328 = arith.constant 6 : i32
        %get3A_329 = arith.index_cast %get3A_328 : i32 to index
        %get3A_330 = arith.index_cast %add3A_327 : i32 to index
        %get3A_331 = tpu.vector_load %arg10[%get3A_329, %get3A_330] {strides = array<i32>} : memref<8x1024xf32, #tpu.memory_space<vmem>>, vector<1x16xf32>,
        %get3A_332 = vector.shape_cast %get3A_331 : vector<1x16xf32> to vector<16xf32>
        %sub3A_333 = arith.subf %get3A_325, %get3A_332 : vector<16xf32>
        %abs3A = math.absf %sub3A_333 : vector<16xf32>
        %gt3A = arith.constant 16777215 : i32
        %gt3A_334 = vector.broadcast %gt3A : i32 to vector<16xi32>
        %gt3A_335 = arith.cmpi sgt, %shift_left3A_318, %gt3A_334 : vector<16xi32>
        %jit3A = arith.constant 0.000000e+00 : f32
        %broadcast_in_dim3A_336 = vector.broadcast %jit3A : f32 to vector<16xf32>
        %select_n3A_337 = arith.select %gt3A_335, %abs3A, %broadcast_in_dim3A_336 : vector<16xi1>, vector<16xf32>
        %add3A_338 = arith.addf %scan3A_296, %select_n3A_337 : vector<16xf32>
        %add3A_339 = arith.constant 4 : i32
        %add3A_340 = vector.broadcast %add3A_339 : i32 to vector<16xi32>
        %add3A_341 = arith.addi %shift_right_arithmetic3A_17, %add3A_340 : vector<16xi32>
        %lt3A_342 = arith.constant 0 : i32
        %lt3A_343 = vector.broadcast %lt3A_342 : i32 to vector<16xi32>
        %lt3A_344 = arith.cmpi slt, %add3A_341, %lt3A_343 : vector<16xi32>
        %add3A_345 = arith.constant 16 : i32
        %add3A_346 = vector.broadcast %add3A_345 : i32 to vector<16xi32>
        %add3A_347 = arith.addi %add3A_341, %add3A_346 : vector<16xi32>
        %select_n3A_348 = arith.select %lt3A_344, %add3A_347, %add3A_341 : vector<16xi1>, vector<16xi32>
        %reshape3A_349 = vector.shape_cast %select_n3A_348 : vector<16xi32> to vector<16x1xi32>
        %gather3A_350 = vector.shape_cast %reshape3A_349 : vector<16x1xi32> to vector<16xi32>
        %gather3A_351 = tpu.dynamic_gather %get3A_306[%gather3A_350] in [0] : vector<16xi32>, vector<16xi32> -> vector<16xi32>
        %shift_left3A_352 = arith.shli %gather3A_351, %shift_left3A_23 : vector<16xi32>
        %add3A_353 = arith.constant 16 : i32
        %add3A_354 = arith.addi %mul3A_308, %add3A_353 : i32
        %get3A_355 = arith.constant 6 : i32
        %get3A_356 = arith.index_cast %get3A_355 : i32 to index
        %get3A_357 = arith.index_cast %add3A_354 : i32 to index
        %get3A_358 = tpu.vector_load %arg8[%get3A_356, %get3A_357] {strides = array<i32>} : memref<8x1024xf32, #tpu.memory_space<vmem>>, vector<1x16xf32>,
        %get3A_359 = vector.shape_cast %get3A_358 : vector<1x16xf32> to vector<16xf32>
        %add3A_360 = arith.constant 16 : i32
        %add3A_361 = arith.addi %mul3A_308, %add3A_360 : i32
        %get3A_362 = arith.constant 6 : i32
        %get3A_363 = arith.index_cast %get3A_362 : i32 to index
        %get3A_364 = arith.index_cast %add3A_361 : i32 to index
        %get3A_365 = tpu.vector_load %arg10[%get3A_363, %get3A_364] {strides = array<i32>} : memref<8x1024xf32, #tpu.memory_space<vmem>>, vector<1x16xf32>,
        %get3A_366 = vector.shape_cast %get3A_365 : vector<1x16xf32> to vector<16xf32>
        %sub3A_367 = arith.subf %get3A_359, %get3A_366 : vector<16xf32>
        %abs3A_368 = math.absf %sub3A_367 : vector<16xf32>
        %gt3A_369 = arith.constant 16777215 : i32
        %gt3A_370 = vector.broadcast %gt3A_369 : i32 to vector<16xi32>
        %gt3A_371 = arith.cmpi sgt, %shift_left3A_352, %gt3A_370 : vector<16xi32>
        %jit3A_372 = arith.constant 0.000000e+00 : f32
        %broadcast_in_dim3A_373 = vector.broadcast %jit3A_372 : f32 to vector<16xf32>
        %select_n3A_374 = arith.select %gt3A_371, %abs3A_368, %broadcast_in_dim3A_373 : vector<16xi1>, vector<16xf32>
        %add3A_375 = arith.addf %scan3A_297, %select_n3A_374 : vector<16xf32>
        %add3A_376 = arith.constant 8 : i32
        %add3A_377 = vector.broadcast %add3A_376 : i32 to vector<16xi32>
        %add3A_378 = arith.addi %shift_right_arithmetic3A_17, %add3A_377 : vector<16xi32>
        %lt3A_379 = arith.constant 0 : i32
        %lt3A_380 = vector.broadcast %lt3A_379 : i32 to vector<16xi32>
        %lt3A_381 = arith.cmpi slt, %add3A_378, %lt3A_380 : vector<16xi32>
        %add3A_382 = arith.constant 16 : i32
        %add3A_383 = vector.broadcast %add3A_382 : i32 to vector<16xi32>
        %add3A_384 = arith.addi %add3A_378, %add3A_383 : vector<16xi32>
        %select_n3A_385 = arith.select %lt3A_381, %add3A_384, %add3A_378 : vector<16xi1>, vector<16xi32>
        %reshape3A_386 = vector.shape_cast %select_n3A_385 : vector<16xi32> to vector<16x1xi32>
        %gather3A_387 = vector.shape_cast %reshape3A_386 : vector<16x1xi32> to vector<16xi32>
        %gather3A_388 = tpu.dynamic_gather %get3A_306[%gather3A_387] in [0] : vector<16xi32>, vector<16xi32> -> vector<16xi32>
        %shift_left3A_389 = arith.shli %gather3A_388, %shift_left3A_23 : vector<16xi32>
        %add3A_390 = arith.constant 32 : i32
        %add3A_391 = arith.addi %mul3A_308, %add3A_390 : i32
        %get3A_392 = arith.constant 6 : i32
        %get3A_393 = arith.index_cast %get3A_392 : i32 to index
        %get3A_394 = arith.index_cast %add3A_391 : i32 to index
        %get3A_395 = tpu.vector_load %arg8[%get3A_393, %get3A_394] {strides = array<i32>} : memref<8x1024xf32, #tpu.memory_space<vmem>>, vector<1x16xf32>,
        %get3A_396 = vector.shape_cast %get3A_395 : vector<1x16xf32> to vector<16xf32>
        %add3A_397 = arith.constant 32 : i32
        %add3A_398 = arith.addi %mul3A_308, %add3A_397 : i32
        %get3A_399 = arith.constant 6 : i32
        %get3A_400 = arith.index_cast %get3A_399 : i32 to index
        %get3A_401 = arith.index_cast %add3A_398 : i32 to index
        %get3A_402 = tpu.vector_load %arg10[%get3A_400, %get3A_401] {strides = array<i32>} : memref<8x1024xf32, #tpu.memory_space<vmem>>, vector<1x16xf32>,
        %get3A_403 = vector.shape_cast %get3A_402 : vector<1x16xf32> to vector<16xf32>
        %sub3A_404 = arith.subf %get3A_396, %get3A_403 : vector<16xf32>
        %abs3A_405 = math.absf %sub3A_404 : vector<16xf32>
        %gt3A_406 = arith.constant 16777215 : i32
        %gt3A_407 = vector.broadcast %gt3A_406 : i32 to vector<16xi32>
        %gt3A_408 = arith.cmpi sgt, %shift_left3A_389, %gt3A_407 : vector<16xi32>
        %jit3A_409 = arith.constant 0.000000e+00 : f32
        %broadcast_in_dim3A_410 = vector.broadcast %jit3A_409 : f32 to vector<16xf32>
        %select_n3A_411 = arith.select %gt3A_408, %abs3A_405, %broadcast_in_dim3A_410 : vector<16xi1>, vector<16xf32>
        %add3A_412 = arith.addf %scan3A_298, %select_n3A_411 : vector<16xf32>
        %add3A_413 = arith.constant 12 : i32
        %add3A_414 = vector.broadcast %add3A_413 : i32 to vector<16xi32>
        %add3A_415 = arith.addi %shift_right_arithmetic3A_17, %add3A_414 : vector<16xi32>
        %lt3A_416 = arith.constant 0 : i32
        %lt3A_417 = vector.broadcast %lt3A_416 : i32 to vector<16xi32>
        %lt3A_418 = arith.cmpi slt, %add3A_415, %lt3A_417 : vector<16xi32>
        %add3A_419 = arith.constant 16 : i32
        %add3A_420 = vector.broadcast %add3A_419 : i32 to vector<16xi32>
        %add3A_421 = arith.addi %add3A_415, %add3A_420 : vector<16xi32>
        %select_n3A_422 = arith.select %lt3A_418, %add3A_421, %add3A_415 : vector<16xi1>, vector<16xi32>
        %reshape3A_423 = vector.shape_cast %select_n3A_422 : vector<16xi32> to vector<16x1xi32>
        %gather3A_424 = vector.shape_cast %reshape3A_423 : vector<16x1xi32> to vector<16xi32>
        %gather3A_425 = tpu.dynamic_gather %get3A_306[%gather3A_424] in [0] : vector<16xi32>, vector<16xi32> -> vector<16xi32>
        %shift_left3A_426 = arith.shli %gather3A_425, %shift_left3A_23 : vector<16xi32>
        %add3A_427 = arith.constant 48 : i32
        %add3A_428 = arith.addi %mul3A_308, %add3A_427 : i32
        %get3A_429 = arith.constant 6 : i32
        %get3A_430 = arith.index_cast %get3A_429 : i32 to index
        %get3A_431 = arith.index_cast %add3A_428 : i32 to index
        %get3A_432 = tpu.vector_load %arg8[%get3A_430, %get3A_431] {strides = array<i32>} : memref<8x1024xf32, #tpu.memory_space<vmem>>, vector<1x16xf32>,
        %get3A_433 = vector.shape_cast %get3A_432 : vector<1x16xf32> to vector<16xf32>
        %add3A_434 = arith.constant 48 : i32
        %add3A_435 = arith.addi %mul3A_308, %add3A_434 : i32
        %get3A_436 = arith.constant 6 : i32
        %get3A_437 = arith.index_cast %get3A_436 : i32 to index
        %get3A_438 = arith.index_cast %add3A_435 : i32 to index
        %get3A_439 = tpu.vector_load %arg10[%get3A_437, %get3A_438] {strides = array<i32>} : memref<8x1024xf32, #tpu.memory_space<vmem>>, vector<1x16xf32>,
        %get3A_440 = vector.shape_cast %get3A_439 : vector<1x16xf32> to vector<16xf32>
        %sub3A_441 = arith.subf %get3A_433, %get3A_440 : vector<16xf32>
        %abs3A_442 = math.absf %sub3A_441 : vector<16xf32>
        %gt3A_443 = arith.constant 16777215 : i32
        %gt3A_444 = vector.broadcast %gt3A_443 : i32 to vector<16xi32>
        %gt3A_445 = arith.cmpi sgt, %shift_left3A_426, %gt3A_444 : vector<16xi32>
        %jit3A_446 = arith.constant 0.000000e+00 : f32
        %broadcast_in_dim3A_447 = vector.broadcast %jit3A_446 : f32 to vector<16xf32>
        %select_n3A_448 = arith.select %gt3A_445, %abs3A_442, %broadcast_in_dim3A_447 : vector<16xi1>, vector<16xf32>
        %add3A_449 = arith.addf %scan3A_299, %select_n3A_448 : vector<16xf32>
        %and3A_450 = arith.constant 16843009 : i32
        %and3A_451 = vector.broadcast %and3A_450 : i32 to vector<16xi32>
        %and3A_452 = arith.andi %get3A_306, %and3A_451 : vector<16xi32>
        %add3A_453 = arith.addi %scan3A_300, %and3A_452 : vector<16xi32>
        scf.yield %add3A_338, %add3A_375, %add3A_412, %add3A_449, %add3A_453 : vector<16xf32>, vector<16xf32>, vector<16xf32>, vector<16xf32>, vector<16xi32>
      }
      %scan3A_263 = arith.constant 16 : i32
      %scan3A_264 = arith.constant 0 : i32
      %scan3A_265 = arith.constant 16 : i32
      %scan3A_266 = arith.addi %scan3A_264, %scan3A_265 : i32
      %scan3A_267 = arith.constant 1 : i32
      %scan3A_268:5 = scf.for %scan3A_295 = %scan3A_264 to %scan3A_266 step %scan3A_267 iter_args(%scan3A_296 = %scan3A_262#0, %scan3A_297 = %scan3A_262#1, %scan3A_298 = %scan3A_262#2, %scan3A_299 = %scan3A_262#3, %scan3A_300 = %scan3A_262#4) -> (vector<16xf32>, vector<16xf32>, vector<16xf32>, vector<16xf32>, vector<16xi32>)  : i32 {
        %mul3A_301 = arith.constant 16 : i32
        %mul3A_302 = arith.muli %scan3A_295, %mul3A_301 : i32
        %get3A = arith.constant 7 : i32
        %get3A_303 = arith.index_cast %get3A : i32 to index
        %get3A_304 = arith.index_cast %mul3A_302 : i32 to index
        %get3A_305 = tpu.vector_load %arg12[%get3A_303, %get3A_304] {strides = array<i32>} : memref<8x256xi32, #tpu.memory_space<vmem>>, vector<1x16xi32>,
        %get3A_306 = vector.shape_cast %get3A_305 : vector<1x16xi32> to vector<16xi32>
        %mul3A_307 = arith.constant 64 : i32
        %mul3A_308 = arith.muli %scan3A_295, %mul3A_307 : i32
        %add3A_309 = arith.constant 0 : i32
        %add3A_310 = vector.broadcast %add3A_309 : i32 to vector<16xi32>
        %add3A_311 = arith.addi %shift_right_arithmetic3A_17, %add3A_310 : vector<16xi32>
        %lt3A = arith.constant 0 : i32
        %lt3A_312 = vector.broadcast %lt3A : i32 to vector<16xi32>
        %lt3A_313 = arith.cmpi slt, %add3A_311, %lt3A_312 : vector<16xi32>
        %add3A_314 = arith.constant 16 : i32
        %add3A_315 = vector.broadcast %add3A_314 : i32 to vector<16xi32>
        %add3A_316 = arith.addi %add3A_311, %add3A_315 : vector<16xi32>
        %select_n3A = arith.select %lt3A_313, %add3A_316, %add3A_311 : vector<16xi1>, vector<16xi32>
        %reshape3A = vector.shape_cast %select_n3A : vector<16xi32> to vector<16x1xi32>
        %gather3A = vector.shape_cast %reshape3A : vector<16x1xi32> to vector<16xi32>
        %gather3A_317 = tpu.dynamic_gather %get3A_306[%gather3A] in [0] : vector<16xi32>, vector<16xi32> -> vector<16xi32>
        %shift_left3A_318 = arith.shli %gather3A_317, %shift_left3A_23 : vector<16xi32>
        %add3A_319 = arith.constant 0 : i32
        %add3A_320 = arith.addi %mul3A_308, %add3A_319 : i32
        %get3A_321 = arith.constant 7 : i32
        %get3A_322 = arith.index_cast %get3A_321 : i32 to index
        %get3A_323 = arith.index_cast %add3A_320 : i32 to index
        %get3A_324 = tpu.vector_load %arg8[%get3A_322, %get3A_323] {strides = array<i32>} : memref<8x1024xf32, #tpu.memory_space<vmem>>, vector<1x16xf32>,
        %get3A_325 = vector.shape_cast %get3A_324 : vector<1x16xf32> to vector<16xf32>
        %add3A_326 = arith.constant 0 : i32
        %add3A_327 = arith.addi %mul3A_308, %add3A_326 : i32
        %get3A_328 = arith.constant 7 : i32
        %get3A_329 = arith.index_cast %get3A_328 : i32 to index
        %get3A_330 = arith.index_cast %add3A_327 : i32 to index
        %get3A_331 = tpu.vector_load %arg10[%get3A_329, %get3A_330] {strides = array<i32>} : memref<8x1024xf32, #tpu.memory_space<vmem>>, vector<1x16xf32>,
        %get3A_332 = vector.shape_cast %get3A_331 : vector<1x16xf32> to vector<16xf32>
        %sub3A_333 = arith.subf %get3A_325, %get3A_332 : vector<16xf32>
        %abs3A = math.absf %sub3A_333 : vector<16xf32>
        %gt3A = arith.constant 16777215 : i32
        %gt3A_334 = vector.broadcast %gt3A : i32 to vector<16xi32>
        %gt3A_335 = arith.cmpi sgt, %shift_left3A_318, %gt3A_334 : vector<16xi32>
        %jit3A = arith.constant 0.000000e+00 : f32
        %broadcast_in_dim3A_336 = vector.broadcast %jit3A : f32 to vector<16xf32>
        %select_n3A_337 = arith.select %gt3A_335, %abs3A, %broadcast_in_dim3A_336 : vector<16xi1>, vector<16xf32>
        %add3A_338 = arith.addf %scan3A_296, %select_n3A_337 : vector<16xf32>
        %add3A_339 = arith.constant 4 : i32
        %add3A_340 = vector.broadcast %add3A_339 : i32 to vector<16xi32>
        %add3A_341 = arith.addi %shift_right_arithmetic3A_17, %add3A_340 : vector<16xi32>
        %lt3A_342 = arith.constant 0 : i32
        %lt3A_343 = vector.broadcast %lt3A_342 : i32 to vector<16xi32>
        %lt3A_344 = arith.cmpi slt, %add3A_341, %lt3A_343 : vector<16xi32>
        %add3A_345 = arith.constant 16 : i32
        %add3A_346 = vector.broadcast %add3A_345 : i32 to vector<16xi32>
        %add3A_347 = arith.addi %add3A_341, %add3A_346 : vector<16xi32>
        %select_n3A_348 = arith.select %lt3A_344, %add3A_347, %add3A_341 : vector<16xi1>, vector<16xi32>
        %reshape3A_349 = vector.shape_cast %select_n3A_348 : vector<16xi32> to vector<16x1xi32>
        %gather3A_350 = vector.shape_cast %reshape3A_349 : vector<16x1xi32> to vector<16xi32>
        %gather3A_351 = tpu.dynamic_gather %get3A_306[%gather3A_350] in [0] : vector<16xi32>, vector<16xi32> -> vector<16xi32>
        %shift_left3A_352 = arith.shli %gather3A_351, %shift_left3A_23 : vector<16xi32>
        %add3A_353 = arith.constant 16 : i32
        %add3A_354 = arith.addi %mul3A_308, %add3A_353 : i32
        %get3A_355 = arith.constant 7 : i32
        %get3A_356 = arith.index_cast %get3A_355 : i32 to index
        %get3A_357 = arith.index_cast %add3A_354 : i32 to index
        %get3A_358 = tpu.vector_load %arg8[%get3A_356, %get3A_357] {strides = array<i32>} : memref<8x1024xf32, #tpu.memory_space<vmem>>, vector<1x16xf32>,
        %get3A_359 = vector.shape_cast %get3A_358 : vector<1x16xf32> to vector<16xf32>
        %add3A_360 = arith.constant 16 : i32
        %add3A_361 = arith.addi %mul3A_308, %add3A_360 : i32
        %get3A_362 = arith.constant 7 : i32
        %get3A_363 = arith.index_cast %get3A_362 : i32 to index
        %get3A_364 = arith.index_cast %add3A_361 : i32 to index
        %get3A_365 = tpu.vector_load %arg10[%get3A_363, %get3A_364] {strides = array<i32>} : memref<8x1024xf32, #tpu.memory_space<vmem>>, vector<1x16xf32>,
        %get3A_366 = vector.shape_cast %get3A_365 : vector<1x16xf32> to vector<16xf32>
        %sub3A_367 = arith.subf %get3A_359, %get3A_366 : vector<16xf32>
        %abs3A_368 = math.absf %sub3A_367 : vector<16xf32>
        %gt3A_369 = arith.constant 16777215 : i32
        %gt3A_370 = vector.broadcast %gt3A_369 : i32 to vector<16xi32>
        %gt3A_371 = arith.cmpi sgt, %shift_left3A_352, %gt3A_370 : vector<16xi32>
        %jit3A_372 = arith.constant 0.000000e+00 : f32
        %broadcast_in_dim3A_373 = vector.broadcast %jit3A_372 : f32 to vector<16xf32>
        %select_n3A_374 = arith.select %gt3A_371, %abs3A_368, %broadcast_in_dim3A_373 : vector<16xi1>, vector<16xf32>
        %add3A_375 = arith.addf %scan3A_297, %select_n3A_374 : vector<16xf32>
        %add3A_376 = arith.constant 8 : i32
        %add3A_377 = vector.broadcast %add3A_376 : i32 to vector<16xi32>
        %add3A_378 = arith.addi %shift_right_arithmetic3A_17, %add3A_377 : vector<16xi32>
        %lt3A_379 = arith.constant 0 : i32
        %lt3A_380 = vector.broadcast %lt3A_379 : i32 to vector<16xi32>
        %lt3A_381 = arith.cmpi slt, %add3A_378, %lt3A_380 : vector<16xi32>
        %add3A_382 = arith.constant 16 : i32
        %add3A_383 = vector.broadcast %add3A_382 : i32 to vector<16xi32>
        %add3A_384 = arith.addi %add3A_378, %add3A_383 : vector<16xi32>
        %select_n3A_385 = arith.select %lt3A_381, %add3A_384, %add3A_378 : vector<16xi1>, vector<16xi32>
        %reshape3A_386 = vector.shape_cast %select_n3A_385 : vector<16xi32> to vector<16x1xi32>
        %gather3A_387 = vector.shape_cast %reshape3A_386 : vector<16x1xi32> to vector<16xi32>
        %gather3A_388 = tpu.dynamic_gather %get3A_306[%gather3A_387] in [0] : vector<16xi32>, vector<16xi32> -> vector<16xi32>
        %shift_left3A_389 = arith.shli %gather3A_388, %shift_left3A_23 : vector<16xi32>
        %add3A_390 = arith.constant 32 : i32
        %add3A_391 = arith.addi %mul3A_308, %add3A_390 : i32
        %get3A_392 = arith.constant 7 : i32
        %get3A_393 = arith.index_cast %get3A_392 : i32 to index
        %get3A_394 = arith.index_cast %add3A_391 : i32 to index
        %get3A_395 = tpu.vector_load %arg8[%get3A_393, %get3A_394] {strides = array<i32>} : memref<8x1024xf32, #tpu.memory_space<vmem>>, vector<1x16xf32>,
        %get3A_396 = vector.shape_cast %get3A_395 : vector<1x16xf32> to vector<16xf32>
        %add3A_397 = arith.constant 32 : i32
        %add3A_398 = arith.addi %mul3A_308, %add3A_397 : i32
        %get3A_399 = arith.constant 7 : i32
        %get3A_400 = arith.index_cast %get3A_399 : i32 to index
        %get3A_401 = arith.index_cast %add3A_398 : i32 to index
        %get3A_402 = tpu.vector_load %arg10[%get3A_400, %get3A_401] {strides = array<i32>} : memref<8x1024xf32, #tpu.memory_space<vmem>>, vector<1x16xf32>,
        %get3A_403 = vector.shape_cast %get3A_402 : vector<1x16xf32> to vector<16xf32>
        %sub3A_404 = arith.subf %get3A_396, %get3A_403 : vector<16xf32>
        %abs3A_405 = math.absf %sub3A_404 : vector<16xf32>
        %gt3A_406 = arith.constant 16777215 : i32
        %gt3A_407 = vector.broadcast %gt3A_406 : i32 to vector<16xi32>
        %gt3A_408 = arith.cmpi sgt, %shift_left3A_389, %gt3A_407 : vector<16xi32>
        %jit3A_409 = arith.constant 0.000000e+00 : f32
        %broadcast_in_dim3A_410 = vector.broadcast %jit3A_409 : f32 to vector<16xf32>
        %select_n3A_411 = arith.select %gt3A_408, %abs3A_405, %broadcast_in_dim3A_410 : vector<16xi1>, vector<16xf32>
        %add3A_412 = arith.addf %scan3A_298, %select_n3A_411 : vector<16xf32>
        %add3A_413 = arith.constant 12 : i32
        %add3A_414 = vector.broadcast %add3A_413 : i32 to vector<16xi32>
        %add3A_415 = arith.addi %shift_right_arithmetic3A_17, %add3A_414 : vector<16xi32>
        %lt3A_416 = arith.constant 0 : i32
        %lt3A_417 = vector.broadcast %lt3A_416 : i32 to vector<16xi32>
        %lt3A_418 = arith.cmpi slt, %add3A_415, %lt3A_417 : vector<16xi32>
        %add3A_419 = arith.constant 16 : i32
        %add3A_420 = vector.broadcast %add3A_419 : i32 to vector<16xi32>
        %add3A_421 = arith.addi %add3A_415, %add3A_420 : vector<16xi32>
        %select_n3A_422 = arith.select %lt3A_418, %add3A_421, %add3A_415 : vector<16xi1>, vector<16xi32>
        %reshape3A_423 = vector.shape_cast %select_n3A_422 : vector<16xi32> to vector<16x1xi32>
        %gather3A_424 = vector.shape_cast %reshape3A_423 : vector<16x1xi32> to vector<16xi32>
        %gather3A_425 = tpu.dynamic_gather %get3A_306[%gather3A_424] in [0] : vector<16xi32>, vector<16xi32> -> vector<16xi32>
        %shift_left3A_426 = arith.shli %gather3A_425, %shift_left3A_23 : vector<16xi32>
        %add3A_427 = arith.constant 48 : i32
        %add3A_428 = arith.addi %mul3A_308, %add3A_427 : i32
        %get3A_429 = arith.constant 7 : i32
        %get3A_430 = arith.index_cast %get3A_429 : i32 to index
        %get3A_431 = arith.index_cast %add3A_428 : i32 to index
        %get3A_432 = tpu.vector_load %arg8[%get3A_430, %get3A_431] {strides = array<i32>} : memref<8x1024xf32, #tpu.memory_space<vmem>>, vector<1x16xf32>,
        %get3A_433 = vector.shape_cast %get3A_432 : vector<1x16xf32> to vector<16xf32>
        %add3A_434 = arith.constant 48 : i32
        %add3A_435 = arith.addi %mul3A_308, %add3A_434 : i32
        %get3A_436 = arith.constant 7 : i32
        %get3A_437 = arith.index_cast %get3A_436 : i32 to index
        %get3A_438 = arith.index_cast %add3A_435 : i32 to index
        %get3A_439 = tpu.vector_load %arg10[%get3A_437, %get3A_438] {strides = array<i32>} : memref<8x1024xf32, #tpu.memory_space<vmem>>, vector<1x16xf32>,
        %get3A_440 = vector.shape_cast %get3A_439 : vector<1x16xf32> to vector<16xf32>
        %sub3A_441 = arith.subf %get3A_433, %get3A_440 : vector<16xf32>
        %abs3A_442 = math.absf %sub3A_441 : vector<16xf32>
        %gt3A_443 = arith.constant 16777215 : i32
        %gt3A_444 = vector.broadcast %gt3A_443 : i32 to vector<16xi32>
        %gt3A_445 = arith.cmpi sgt, %shift_left3A_426, %gt3A_444 : vector<16xi32>
        %jit3A_446 = arith.constant 0.000000e+00 : f32
        %broadcast_in_dim3A_447 = vector.broadcast %jit3A_446 : f32 to vector<16xf32>
        %select_n3A_448 = arith.select %gt3A_445, %abs3A_442, %broadcast_in_dim3A_447 : vector<16xi1>, vector<16xf32>
        %add3A_449 = arith.addf %scan3A_299, %select_n3A_448 : vector<16xf32>
        %and3A_450 = arith.constant 16843009 : i32
        %and3A_451 = vector.broadcast %and3A_450 : i32 to vector<16xi32>
        %and3A_452 = arith.andi %get3A_306, %and3A_451 : vector<16xi32>
        %add3A_453 = arith.addi %scan3A_300, %and3A_452 : vector<16xi32>
        scf.yield %add3A_338, %add3A_375, %add3A_412, %add3A_449, %add3A_453 : vector<16xf32>, vector<16xf32>, vector<16xf32>, vector<16xf32>, vector<16xi32>
      }
      %scan3A_269 = arith.constant 16 : i32
      %and3A_270 = arith.constant 255 : i32
      %and3A_271 = vector.broadcast %and3A_270 : i32 to vector<16xi32>
      %and3A_272 = arith.andi %scan3A_268#4, %and3A_271 : vector<16xi32>
      %add3A_273 = arith.addi %add3A_179, %and3A_272 : vector<16xi32>
      %shift_right_arithmetic3A_274 = arith.constant 8 : i32
      %shift_right_arithmetic3A_275 = vector.broadcast %shift_right_arithmetic3A_274 : i32 to vector<16xi32>
      %shift_right_arithmetic3A_276 = arith.shrsi %scan3A_268#4, %shift_right_arithmetic3A_275 : vector<16xi32>
      %and3A_277 = arith.constant 255 : i32
      %and3A_278 = vector.broadcast %and3A_277 : i32 to vector<16xi32>
      %and3A_279 = arith.andi %shift_right_arithmetic3A_276, %and3A_278 : vector<16xi32>
      %add3A_280 = arith.addi %add3A_273, %and3A_279 : vector<16xi32>
      %shift_right_arithmetic3A_281 = arith.constant 16 : i32
      %shift_right_arithmetic3A_282 = vector.broadcast %shift_right_arithmetic3A_281 : i32 to vector<16xi32>
      %shift_right_arithmetic3A_283 = arith.shrsi %scan3A_268#4, %shift_right_arithmetic3A_282 : vector<16xi32>
      %and3A_284 = arith.constant 255 : i32
      %and3A_285 = vector.broadcast %and3A_284 : i32 to vector<16xi32>
      %and3A_286 = arith.andi %shift_right_arithmetic3A_283, %and3A_285 : vector<16xi32>
      %add3A_287 = arith.addi %add3A_280, %and3A_286 : vector<16xi32>
      %shift_right_arithmetic3A_288 = arith.constant 24 : i32
      %shift_right_arithmetic3A_289 = vector.broadcast %shift_right_arithmetic3A_288 : i32 to vector<16xi32>
      %shift_right_arithmetic3A_290 = arith.shrsi %scan3A_268#4, %shift_right_arithmetic3A_289 : vector<16xi32>
      %and3A_291 = arith.constant 255 : i32
      %and3A_292 = vector.broadcast %and3A_291 : i32 to vector<16xi32>
      %and3A_293 = arith.andi %shift_right_arithmetic3A_290, %and3A_292 : vector<16xi32>
      %add3A_294 = arith.addi %add3A_287, %and3A_293 : vector<16xi32>
      scf.yield %scan3A_268#0, %scan3A_268#1, %scan3A_268#2, %scan3A_268#3, %add3A_294 : vector<16xf32>, vector<16xf32>, vector<16xf32>, vector<16xf32>, vector<16xi32>
    }
    %scan3A_31 = arith.constant 32 : i32
    %add3A_32 = arith.constant 0 : i32
    %add3A_33 = arith.addi %mul3A_2, %add3A_32 : i32
    %multiple_of3A_34 = tpu.assume_multiple %add3A_33, 8 : i32
    %dma_wait3A = arith.constant 0 : i32
    %dma_wait3A_35 = tpu.memref_slice %arg2[%multiple_of3A_34, %dma_wait3A] : memref<16384x1024xf32, #tpu.memory_space<hbm>> -> memref<8x1024xf32, #tpu.memory_space<hbm>>
    %dma_wait3A_36 = arith.constant 0 : i32
    %dma_wait3A_37 = tpu.memref_slice %arg2[%multiple_of3A_34, %dma_wait3A_36] : memref<16384x1024xf32, #tpu.memory_space<hbm>> -> memref<8x1024xf32, #tpu.memory_space<hbm>>
    tpu.wait_dma2 semaphore(%arg14 : memref<!tpu.dma_semaphore, #tpu.memory_space<semaphore_mem>>) src(%dma_wait3A_37 : memref<8x1024xf32, #tpu.memory_space<hbm>>) dst(%arg7 : memref<8x1024xf32, #tpu.memory_space<vmem>>)
    %dma_wait3A_38 = arith.constant 0 : i32
    %dma_wait3A_39 = tpu.memref_slice %arg3[%multiple_of3A_34, %dma_wait3A_38] : memref<16384x1024xf32, #tpu.memory_space<hbm>> -> memref<8x1024xf32, #tpu.memory_space<hbm>>
    %dma_wait3A_40 = arith.constant 0 : i32
    %dma_wait3A_41 = tpu.memref_slice %arg3[%multiple_of3A_34, %dma_wait3A_40] : memref<16384x1024xf32, #tpu.memory_space<hbm>> -> memref<8x1024xf32, #tpu.memory_space<hbm>>
    tpu.wait_dma2 semaphore(%arg14 : memref<!tpu.dma_semaphore, #tpu.memory_space<semaphore_mem>>) src(%dma_wait3A_41 : memref<8x1024xf32, #tpu.memory_space<hbm>>) dst(%arg9 : memref<8x1024xf32, #tpu.memory_space<vmem>>)
    %dma_wait3A_42 = arith.constant 0 : i32
    %dma_wait3A_43 = tpu.memref_slice %arg4[%multiple_of3A_34, %dma_wait3A_42] : memref<16384x256xi32, #tpu.memory_space<hbm>> -> memref<8x256xi32, #tpu.memory_space<hbm>>
    %dma_wait3A_44 = arith.constant 0 : i32
    %dma_wait3A_45 = tpu.memref_slice %arg4[%multiple_of3A_34, %dma_wait3A_44] : memref<16384x256xi32, #tpu.memory_space<hbm>> -> memref<8x256xi32, #tpu.memory_space<hbm>>
    tpu.wait_dma2 semaphore(%arg14 : memref<!tpu.dma_semaphore, #tpu.memory_space<semaphore_mem>>) src(%dma_wait3A_45 : memref<8x256xi32, #tpu.memory_space<hbm>>) dst(%arg11 : memref<8x256xi32, #tpu.memory_space<vmem>>)
    %add3A_46 = arith.addf %scan3A_30#0, %scan3A_30#1 : vector<16xf32>
    %add3A_47 = arith.addf %scan3A_30#2, %scan3A_30#3 : vector<16xf32>
    %add3A_48 = arith.addf %add3A_46, %add3A_47 : vector<16xf32>
    %swap3A = arith.constant 0 : index
    %swap3A_49 = tpu.vector_load %arg13[%swap3A] {strides = array<i32>} : memref<32xf32, #tpu.memory_space<vmem>>, vector<16xf32>,
    %swap3A_50 = vector.shape_cast %swap3A_49 : vector<16xf32> to vector<16xf32>
    %swap3A_51 = vector.shape_cast %add3A_48 : vector<16xf32> to vector<16xf32>
    tpu.vector_store %arg13[%swap3A], %swap3A_51 {strides = array<i32>} : memref<32xf32, #tpu.memory_space<vmem>>, vector<16xf32>,
    %convert_element_type3A = arith.sitofp %scan3A_30#4 : vector<16xi32> to vector<16xf32>
    %swap3A_52 = arith.constant 16 : index
    %swap3A_53 = tpu.vector_load %arg13[%swap3A_52] {strides = array<i32>} : memref<32xf32, #tpu.memory_space<vmem>>, vector<16xf32>,
    %swap3A_54 = vector.shape_cast %swap3A_53 : vector<16xf32> to vector<16xf32>
    %swap3A_55 = vector.shape_cast %convert_element_type3A : vector<16xf32> to vector<16xf32>
    tpu.vector_store %arg13[%swap3A_52], %swap3A_55 {strides = array<i32>} : memref<32xf32, #tpu.memory_space<vmem>>, vector<16xf32>,
    %mul3A_56 = arith.constant 16 : i32
    %mul3A_57 = arith.muli %add3A, %mul3A_56 : i32
    "tpu.region"() ({
      %run_scoped3A = tpu.sem_alloc : memref<!tpu.dma_semaphore, #tpu.memory_space<semaphore_mem>>
      %dma_start3A_60 = arith.constant 0 : i32
      %dma_start3A_61 = tpu.memref_slice %arg13[%dma_start3A_60] : memref<32xf32, #tpu.memory_space<vmem>> -> memref<16xf32, #tpu.memory_space<vmem>>
      %dma_start3A_62 = tpu.memref_slice %arg5[%mul3A_57] : memref<512xf32, #tpu.memory_space<hbm>> -> memref<16xf32, #tpu.memory_space<hbm>>
      %dma_start3A_63 = tpu.memref_slice %arg5[%mul3A_57] : memref<512xf32, #tpu.memory_space<hbm>> -> memref<16xf32, #tpu.memory_space<hbm>>
      %dma_start3A_64 = arith.constant 0 : i32
      %dma_start3A_65 = tpu.memref_slice %arg13[%dma_start3A_64] : memref<32xf32, #tpu.memory_space<vmem>> -> memref<16xf32, #tpu.memory_space<vmem>>
      tpu.enqueue_dma source(%dma_start3A_65 : memref<16xf32, #tpu.memory_space<vmem>>) target(%dma_start3A_63 : memref<16xf32, #tpu.memory_space<hbm>>) target_semaphore(%run_scoped3A : memref<!tpu.dma_semaphore, #tpu.memory_space<semaphore_mem>>)
      %dma_wait3A_66 = arith.constant 0 : i32
      %dma_wait3A_67 = tpu.memref_slice %arg13[%dma_wait3A_66] : memref<32xf32, #tpu.memory_space<vmem>> -> memref<16xf32, #tpu.memory_space<vmem>>
      %dma_wait3A_68 = tpu.memref_slice %arg5[%mul3A_57] : memref<512xf32, #tpu.memory_space<hbm>> -> memref<16xf32, #tpu.memory_space<hbm>>
      %dma_wait3A_69 = tpu.memref_slice %arg5[%mul3A_57] : memref<512xf32, #tpu.memory_space<hbm>> -> memref<16xf32, #tpu.memory_space<hbm>>
      %dma_wait3A_70 = arith.constant 0 : i32
      %dma_wait3A_71 = tpu.memref_slice %arg13[%dma_wait3A_70] : memref<32xf32, #tpu.memory_space<vmem>> -> memref<16xf32, #tpu.memory_space<vmem>>
      tpu.wait_dma2 semaphore(%run_scoped3A : memref<!tpu.dma_semaphore, #tpu.memory_space<semaphore_mem>>) src(%dma_wait3A_71 : memref<16xf32, #tpu.memory_space<vmem>>) dst(%dma_wait3A_69 : memref<16xf32, #tpu.memory_space<hbm>>)
      tpu.yield
    }) : () -> ()
    %mul3A_58 = arith.constant 16 : i32
    %mul3A_59 = arith.muli %add3A, %mul3A_58 : i32
    "tpu.region"() ({
      %run_scoped3A = tpu.sem_alloc : memref<!tpu.dma_semaphore, #tpu.memory_space<semaphore_mem>>
      %dma_start3A_60 = arith.constant 16 : i32
      %dma_start3A_61 = tpu.memref_slice %arg13[%dma_start3A_60] : memref<32xf32, #tpu.memory_space<vmem>> -> memref<16xf32, #tpu.memory_space<vmem>>
      %dma_start3A_62 = tpu.memref_slice %arg6[%mul3A_59] : memref<512xf32, #tpu.memory_space<hbm>> -> memref<16xf32, #tpu.memory_space<hbm>>
      %dma_start3A_63 = tpu.memref_slice %arg6[%mul3A_59] : memref<512xf32, #tpu.memory_space<hbm>> -> memref<16xf32, #tpu.memory_space<hbm>>
      %dma_start3A_64 = arith.constant 16 : i32
      %dma_start3A_65 = tpu.memref_slice %arg13[%dma_start3A_64] : memref<32xf32, #tpu.memory_space<vmem>> -> memref<16xf32, #tpu.memory_space<vmem>>
      tpu.enqueue_dma source(%dma_start3A_65 : memref<16xf32, #tpu.memory_space<vmem>>) target(%dma_start3A_63 : memref<16xf32, #tpu.memory_space<hbm>>) target_semaphore(%run_scoped3A : memref<!tpu.dma_semaphore, #tpu.memory_space<semaphore_mem>>)
      %dma_wait3A_66 = arith.constant 16 : i32
      %dma_wait3A_67 = tpu.memref_slice %arg13[%dma_wait3A_66] : memref<32xf32, #tpu.memory_space<vmem>> -> memref<16xf32, #tpu.memory_space<vmem>>
      %dma_wait3A_68 = tpu.memref_slice %arg6[%mul3A_59] : memref<512xf32, #tpu.memory_space<hbm>> -> memref<16xf32, #tpu.memory_space<hbm>>
      %dma_wait3A_69 = tpu.memref_slice %arg6[%mul3A_59] : memref<512xf32, #tpu.memory_space<hbm>> -> memref<16xf32, #tpu.memory_space<hbm>>
      %dma_wait3A_70 = arith.constant 16 : i32
      %dma_wait3A_71 = tpu.memref_slice %arg13[%dma_wait3A_70] : memref<32xf32, #tpu.memory_space<vmem>> -> memref<16xf32, #tpu.memory_space<vmem>>
      tpu.wait_dma2 semaphore(%run_scoped3A : memref<!tpu.dma_semaphore, #tpu.memory_space<semaphore_mem>>) src(%dma_wait3A_71 : memref<16xf32, #tpu.memory_space<vmem>>) dst(%dma_wait3A_69 : memref<16xf32, #tpu.memory_space<hbm>>)
      tpu.yield
    }) : () -> ()
    return
  }
}

</mosaic_0001>

<sc_bundles>
// kernel: kernel.3.cloned.1.call-start
scs
__scs_entry_jumppad:
0x0: {  	(pc) =	sbr.rel $0x88, $3  }
0x1: {  	(tag) =	ssettag $0x0;
	lr =	simm.s32 $0x1  }
0x2: {  	[smem:$0x3F9E] =	sst lr;
	_ =	strace $0xD0000000  }
0x3: {  	_ = 	snop  }
0x4: {  	_ = 	snop  }
0x5: {  	_ = 	snop  }
0x6: {  	_ = 	snop  }
0x7: {  	_ = 	snop  }
__scs_overlays_trampoline_lowered:
0x8: {  	[smem:$0x3FAD] =	sst s0  }
0x9: {  	[smem:$0x3FAE] =	sst s1  }
0xa: {  	[smem:$0x3FAF] =	sst s2  }
0xb: {  	[smem:$0x3FB0] =	sst s3  }
0xc: {  	[smem:$0x3FB1] =	sst s4  }
0xd: {  	[smem:$0x3FB2] =	sst s5  }
0xe: {  	[smem:$0x3FB3] =	sst s6  }
0xf: {  	[smem:$0x3FB4] =	sst s7  }
0x10: {  	[smem:$0x3FB5] =	sst s8  }
0x11: {  	[smem:$0x3FB6] =	sst s9;
	s0 =	simm.s32 @!p0 $0x0  }
0x12: {  	s1 =	sld [smem:$0x3F9C];
	s0 =	simm.s32 @p0 $0x1  }
0x13: {  	[smem:$0x3FB7] =	sst s0;
	s0 =	simm.s32 @!p1 $0x0  }
0x14: {  	s2 =	sld [smem:$0x3F9B];
	s0 =	simm.s32 @p1 $0x1  }
0x15: {  	[smem:$0x3FB8] =	sst s0;
	s0 =	simm.s32 @!p2 $0x0  }
0x16: {  	s3 =	sld [smem:$0x3FDB];
	s0 =	simm.s32 @p2 $0x1  }
0x17: {  	s4 =	simm.s32 $0x1BF5;
	[smem:$0x3FBA] =	sst s0  }
0x18: {  	s0 =	sld [smem:$0x3F9D];
	_ =	swait.ge [sflag:s4], $0x0  }
0x19: {  	s7 =	sld [smem:$0x3F9E]  }
0x1a: {  	s8 =	sadd.s32 $0xFFFFE003, lr  }
0x1b: {  	s9 =	sadd.s32 $0xFFFFFEF7, lr;
	s5 =	simm.s32 $0xFFFFFFFF;
	p2 =	slt.u32 s8, $0xFFFFF086  }
0x1c: {  	p1 =	slt.u32 s9, $0xF7A;
	s5 =	simm.s32 @!p2 $0x0  }
0x1d: {  	s5 =	simm.s32 @p1 $0x1;
	p0 =	seq.s32 s7, s2  }
0x1e: {  	s7 =	smul.u32 @!p0 $0xF7A, s2;
	p2 =	seq.s32 @!p0 s5, $0x0  }
0x1f: {  	s9 =	smul.u32 $0xF7A, s1;
	s8 =	simm.s32 @!p0 $0x1BF5;
	p2 =	por !p2, p0  }
0x20: {  	[sflag:s8] =	ssyncset.s32 @!p0 $0xFFFFF086;
	s6 =	sadd.s32 @!p0 s3, s7;
	s7 =	simm.s32 @!p0 $0x108  }
0x21: {  	s3 =	sadd.s32 s3, s9;
	s6 =	sadd.s32 @!p0 $0x88, s6;
	s7 =	simm.s32 @p2 $0x1082  }
0x22: {  	[simem:s7], [sflag:s8] =	dma.local @!p0 [hbm:s6], $0xF7A  }
0x23: {  	s9 =	sor.u32 $0xD0000000, s2;
	s6 =	simm.s32 $0x108;
	_ =	swait.ge @!p0 [sflag:s8], $0x0  }
0x24: {  	s3 =	sadd.s32 $0x88, s3;
	s6 =	simm.s32 @!p1 $0x1082;
	[sflag:s4] =	ssyncset.s32 $0xFFFFF086  }
0x25: {  	[simem:s6], [sflag:s4] =	dma.local [hbm:s3], $0xF7A  }
0x26: {  	[smem:$0x3F9E] =	sst s1;
	(tag) =	ssettag s2;
	_ =	strace s9  }
0x27: {  	s1 =	sld [smem:$0x3FAE]  }
0x28: {  	s2 =	sld [smem:$0x3FAF]  }
0x29: {  	s4 =	sld [smem:$0x3FB1]  }
0x2a: {  	p0 =	seq.s32 s5, $0x0;
	s5 =	sld [smem:$0x3FB2]  }
0x2b: {  	s6 =	sld [smem:$0x3FB3]  }
0x2c: {  	s7 =	sld [smem:$0x3FB4]  }
0x2d: {  	s3 =	simm.s32 $0x108;
	s8 =	sld [smem:$0x3FB5]  }
0x2e: {  	s3 =	simm.s32 @!p0 $0x1082;
	s9 =	sld [smem:$0x3FB6]  }
0x2f: {  	lr =	sadd.s32 s0, s3;
	s0 =	sld [smem:$0x3FAD]  }
0x30: {  	s3 =	sld [smem:$0x3FB0]  }
0x31: {  	[smem:$0x3FB9] =	sst s10  }
0x32: {  	s10 =	sld [smem:$0x3FB7];
	_ =	sdelay $0x3  }
0x33: {  	p0 =	seq.s32 s10, $0x1;
	s10 =	sld [smem:$0x3FB9];
	_ =	sdelay $0x3  }
0x34: {  	[smem:$0x3FB9] =	sst s10  }
0x35: {  	s10 =	sld [smem:$0x3FB8];
	_ =	sdelay $0x3  }
0x36: {  	p1 =	seq.s32 s10, $0x1;
	s10 =	sld [smem:$0x3FB9];
	_ =	sdelay $0x3  }
0x37: {  	[smem:$0x3FB9] =	sst s10  }
0x38: {  	s10 =	sld [smem:$0x3FBA]  }
0x39: {  	_ = 	snop;
	(pc) =	sbr.ind lr, $3  }
0x3a: {  	_ = 	snop  }
0x3b: {  	_ = 	snop  }
0x3c: {  	p2 =	seq.s32 s10, $0x1;
	s10 =	sld [smem:$0x3FB9]  }
0x3d: {  	_ =	shalt  }
0x3e: {  	_ =	shalt  }
0x3f: {  	_ =	shalt  }
0x40: {  	_ =	shalt  }
0x41: {  	_ =	shalt  }
0x42: {  	_ =	shalt  }
0x43: {  	_ =	shalt  }
0x44: {  	_ =	shalt  }
0x45: {  	_ =	shalt  }
0x46: {  	_ =	shalt  }
0x47: {  	_ =	shalt  }
0x48: {  	_ =	shalt  }
0x49: {  	_ =	shalt  }
0x4a: {  	_ =	shalt  }
0x4b: {  	_ =	shalt  }
0x4c: {  	_ =	shalt  }
0x4d: {  	_ =	shalt  }
0x4e: {  	_ =	shalt  }
0x4f: {  	_ =	shalt  }
0x50: {  	_ =	shalt  }
0x51: {  	_ =	shalt  }
0x52: {  	_ =	shalt  }
0x53: {  	_ =	shalt  }
0x54: {  	_ =	shalt  }
0x55: {  	_ =	shalt  }
0x56: {  	_ =	shalt  }
0x57: {  	_ =	shalt  }
0x58: {  	_ =	shalt  }
0x59: {  	_ =	shalt  }
0x5a: {  	_ =	shalt  }
0x5b: {  	_ =	shalt  }
0x5c: {  	_ =	shalt  }
0x5d: {  	_ =	shalt  }
0x5e: {  	_ =	shalt  }
0x5f: {  	_ =	shalt  }
0x60: {  	_ =	shalt  }
0x61: {  	_ =	shalt  }
0x62: {  	_ =	shalt  }
0x63: {  	_ =	shalt  }
0x64: {  	_ =	shalt  }
0x65: {  	_ =	shalt  }
0x66: {  	_ =	shalt  }
0x67: {  	_ =	shalt  }
0x68: {  	_ =	shalt  }
0x69: {  	_ =	shalt  }
0x6a: {  	_ =	shalt  }
0x6b: {  	_ =	shalt  }
0x6c: {  	_ =	shalt  }
0x6d: {  	_ =	shalt  }
0x6e: {  	_ =	shalt  }
0x6f: {  	_ =	shalt  }
0x70: {  	_ =	shalt  }
0x71: {  	_ =	shalt  }
0x72: {  	_ =	shalt  }
0x73: {  	_ =	shalt  }
0x74: {  	_ =	shalt  }
0x75: {  	_ =	shalt  }
0x76: {  	_ =	shalt  }
0x77: {  	_ =	shalt  }
0x78: {  	_ =	shalt  }
0x79: {  	_ =	shalt  }
0x7a: {  	_ =	shalt  }
0x7b: {  	_ =	shalt  }
0x7c: {  	_ =	shalt  }
0x7d: {  	_ =	shalt  }
0x7e: {  	_ =	shalt  }
0x7f: {  	_ =	shalt  }
0x80: {  	_ =	shalt  }
0x81: {  	_ =	shalt  }
0x82: {  	_ =	shalt  }
0x83: {  	_ =	shalt  }
0x84: {  	_ =	shalt  }
0x85: {  	_ =	shalt  }
0x86: {  	_ =	shalt  }
0x87: {  	_ =	shalt  }
.Lfunc_end0:
.L_simem_size_0:
called_computation.1_lowered:
.L_overlay_start_0:
0x88: {  	s2 =	sld [smem:$0x3FD9]  }
0x89: {  	s3 =	sld [smem:$0x3FFE];
	_ =	sdelay $0x1  }
0x8a: {  	s1 =	srdreg.scid  }
0x8b: {  	s0 =	sand.u32 $0x1, s1  }
0x8c: {  	s17 =	sshll.u32 s0, $0xA;
	s2 =	sadd.s32 s3, s2  }
0x8d: {  	s2 =	sadd.s32 s2, s17  }
0x8e: {  	[smem:$0x3FC5] =	sst s2  }
0x8f: {  	_ = 	snop  }
0x90: {  	s2 =	sld [smem:$0x3FC9]  }
0x91: {  	s18 =	sld [smem:$0x3FC8];
	(tm) =	ssettm $0x1  }
0x92: {  	s4 =	sld [smem:$0x3FFB];
	_ =	sdelay $0x3  }
0x93: {  	_ =	strace s4  }
0x94: {  	s4 =	sld [smem:$0x3FFC];
	_ =	sdelay $0x3  }
0x95: {  	_ =	strace s4  }
0x96: {  	s4 =	sld [smem:$0x3FFD];
	_ =	sdelay $0x3  }
0x97: {  	_ =	strace s4  }
0x98: {  	_ =	strace $0x8FFFFFFF  }
0x99: {  	s19 =	sld [smem:$0x3FDB];
	_ =	sdelay $0x1  }
0x9a: {  	s5 =	simm.s32 $_scs_section_size  }
0x9b: {  	s6 =	simm.s32 $_size__tile_overlayer_lowered;
	s7 =	simm.s32 $_tile_overlayer_lowered  }
0x9c: {  	s22 =	simm.s32 $0x1BFF;
	s21 =	sshll.u32 s7, $0x1;
	s4 =	sadd.s32 s5, s19  }
0x9d: {  	s8 =	simm.s32 $0x0;
	s20 =	sshll.u32 s6, $0x1;
	s6 =	sadd.s32 s21, s4  }
0x9e: {  	[timem:s8], [sflag:s22] =	dma.local [hbm:s6], s20  }
0x9f: {  	_ =	swait.ge [sflag:s22], s20  }
0xa0: {  	s5 =	ssub.s32 $0x0, s20;
	[sflag:s22] =	ssyncset.done $0x0  }
0xa1: {  	[sflag:s22] =	ssyncadd.s32 s5;
	_ =	sdelay $0x1  }
0xa2: {  	s23 =	simm.s32 $0x1B8B  }
0xa3: {  	_ =	swait.ge [sflag:s23], $0x1  }
0xa4: {  	[sflag:s23] =	ssyncset.done $0x0  }
0xa5: {  	s25 =	simm.s32 $0x1B8E;
	s24 =	sld [smem:$0x3FFE];
	[sflag:s23] =	ssyncadd.s32 $0xFFFFFFFF  }
0xa6: {  	s26 =	simm.s32 $execute0_lowered;
	[smem:$0x3FD2] =	sst s25  }
0xa7: {  	s6 =	sshll.u32 s26, $0x1;
	_ =	strace $0x80000049;
	[dreg:$0x1] =	wrdreg $0xFFFFFFFF  }
0xa8: {  	s28 =	simm.s32 $_size_execute0_lowered;
	s4 =	sadd.s32 s4, s6;
	[dreg:$0x0] =	wrdreg $0x0  }
0xa9: {  	s6 =	sshll.u32 s28, $0x1;
	[dreg:$0x2] =	wrdreg s4  }
0xaa: {  	[dreg:$0x3] =	wrdreg s6  }
0xab: {  	[dreg:$0x4] =	wrdreg $0xC0  }
0xac: {  	_ =	task [dreg:s8], $0x5FFFF  }
0xad: {  	[dreg:$0x1] =	wrdreg $0xFFFFFFFF  }
0xae: {  	[dreg:$0x0] =	wrdreg $0x60  }
0xaf: {  	[dreg:$0x2] =	wrdreg s2  }
0xb0: {  	[dreg:$0x3] =	wrdreg s18  }
0xb1: {  	[dreg:$0x4] =	wrdreg s24  }
0xb2: {  	[dreg:$0x5] =	wrdreg $0x9  }
0xb3: {  	_ =	task.clear_ibuf [dreg:s8], $0x6FFFF;
	_ =	strace $0x90000049  }
0xb4: {  	s29 =	simm.s32 $0x9;
	_ =	strace $0x8000004B  }
0xb5: {  	_ =	swait.ge [sflag:s29], $0x1  }
0xb6: {  	[sflag:s29] =	ssyncadd.s32 $0xFFFFFFFF  }
0xb7: {  	_ =	strace $0x9000004B  }
0xb8: {  	_ =	sfence  }
0xb9: {  	s30 =	sld [smem:$0x0];
	_ =	sdelay $0x2  }
0xba: {  	s31 =	sshll.u32 s1, $0xD;
	s1 =	sshrl.u32 s1, $0x2  }
0xbb: {  	s3 =	sand.u32 $0x4000, s31;
	s1 =	sadd.s32 s1, s30  }
0xbc: {  	s0 =	sor.u32 s3, s0;
	s1 =	sshll.u32 s1, $0x11  }
0xbd: {  	s0 =	sor.u32 s1, s0  }
0xbe: {  	s0 =	sadd.s32 $0x8F2B, s0  }
0xbf: {  	[sflag:s0] =	ssyncadd.remote.s32 $0x1  }
0xc0: {  	_ =	sfence.sel $0xFFFF  }
0xc1: {  	[dreg:$0x0] =	wrdreg $0xFFFFFFFF;
	(pc) =	sbr.abs _section_cstart, $3  }
0xc2: {  	[dreg:$0x1] =	wrdreg $0xFFFFFFFF  }
0xc3: {  	_ =	task.clear_ibuf [dreg:s8], $0x2FFFF;
	_ =	strace $0x9FFFFFFF  }
0xc4: {  	(tm) =	ssettm $0x7FFFFFFF  }
0xc5: {  	_ =	shalt  }
tec
execute0_lowered:
.L_overlay_start_1:
0x0: {  	(tag) =	ssettag $0x1  }
0x1: {  	s1 =	rddreg [dreg:$0x0]  }
0x2: {  	s2 =	rddreg [dreg:$0x1]  }
0x3: {  	s0 =	rddreg [dreg:$0x2]  }
0x4: {  	s3 =	srdreg.scid;
	s4 =	simm.s32 $0x0;
	s5 =	stileid.u32  }
0x5: {  	s14 =	simm.s32 $0x4000;
	s15 =	simm.s32 $0x8000;
	s16 =	simm.s32 $0x1  }
0x6: {  	s17 =	simm.s32 $0x2000;
	s18 =	simm.s32 $0x6000;
	s3 =	sand.u32 $0x1, s3  }
0x7: {  	[smem:$0x7FF] =	sst s4;
	s5 =	sshll.u32 s5, $0x1;
	s6 =	ssub.s32 $0x2, s3  }
0x8: {  	_ =	strace $0x8000004A;
	s3 =	sor.u32 s3, s5;
	s5 =	sadd.s32 $0x80000, s0  }
0x9: {  	s7 =	sshrl.u32 s6, $0x1;
	s8 =	sshll.u32 s3, $0x10;
	s30 =	sshll.u32 s3, $0x1  }
0xa: {  	s7 =	ssub.s32 s6, s7;
	s6 =	sshll.u32 s3, $0x6;
	s9 =	sadd.s32 s1, s8  }
0xb: {  	s8 =	sadd.s32 s2, s8;
	s3 =	sshll.u32 s3, $0xE;
	[dreg:$0x4] =	wrdreg s9  }
.Ltmp0:
0xc: {  	v0 =	vlaneseq.u32;
	s0 =	sadd.s32 s0, s30;
	[dreg:$0x5] =	wrdreg s8;
	(pc) =	sbr.rel .LBB2_1-.Ltmp0, $4  }
0xd: {  	s19 =	simm.s32 $0x8800;
	v1 =	vand.u32 $0x3, v0;
	s3 =	sadd.s32 s5, s3;
	[dreg:$0x6] =	wrdreg s0  }
0xe: {  	s20 =	simm.s32 $0x2;
	v0 =	vshrl.u32 v0, $0x2;
	v1 =	vmul.u32 $0xFFFFFFF8, v1;
	s0 =	sadd.s32 $0x200, s0;
	[dreg:$0x7] =	wrdreg s3  }
0xf: {  	s22 =	simm.s32 $0x3;
	v2 =	vor.u32 $0x4, v0;
	s31 =	smax.u32 s7, $0x1;
	[dreg:$0x8] =	wrdreg s0  }
0x10: {  	s24 =	simm.s32 $0x0;
	v3 =	vor.u32 $0x8, v0;
	v4 =	vor.u32 $0xC, v0;
	v1 =	vadd.s32 $0x18, v1;
	s13 =	sor.u32 $0x1, s6;
	[dreg:$0x9] =	wrdreg s31  }
.LBB2_75:
0x11: {  	_ =	swait.ge [sflag:s16], $0x2000  }
0x12: {  	[sflag:s16] =	ssyncset.done $0x0  }
0x13: {  	[sflag:s16] =	ssyncadd.s32 $0xFFFFE000  }
0x14: {  	_ =	swait.ge [sflag:s16], $0x2000  }
0x15: {  	[sflag:s16] =	ssyncset.done $0x0  }
0x16: {  	v5 =	vadd.f32 v12, v9;
	v7 =	vadd.f32 v8, v7;
	[sflag:s16] =	ssyncadd.s32 $0xFFFFE000  }
0x17: {  	_ =	swait.ge [sflag:s16], $0x800  }
0x18: {  	v5 =	vadd.f32 v7, v5;
	[sflag:s16] =	ssyncset.done $0x0  }
0x19: {  	v6 =	vcvt.s32.f32 v6;
	[sflag:s16] =	ssyncadd.s32 $0xFFFFF800  }
0x1a: {  	[tilespmem:$0x9000] =	vst v5  }
0x1b: {  	s3 =	simm.s32 $0x9000;
	s0 =	rddreg [dreg:$0x8];
	[tilespmem:$0x9010] =	vst v6  }
0x1c: {  	[hbm4b:s0+s4] =	stream.linear.scatter [tilespmem:s3], [sflag:$0x3], $0x10, $0x38;
	[tilespmem:$0x9080] =	vst v63  }
0x1d: {  	_ =	swait.ge [sflag:s22], $0x10  }
0x1e: {  	[sflag:s22] =	ssyncset.done $0x0  }
0x1f: {  	s30 =	simm.s32 $0x9010;
	s29 =	rddreg [dreg:$0x6];
	[sflag:s22] =	ssyncadd.s32 $0xFFFFFFF0  }
0x20: {  	[hbm4b:s29+s4] =	stream.linear.scatter [tilespmem:s30], [sflag:$0x3], $0x10, $0x38;
	[tilespmem:$0x9080] =	vst v63  }
0x21: {  	_ =	swait.ge [sflag:s22], $0x10  }
0x22: {  	s24 =	sadd.s32 $0x1, s24;
	s31 =	rddreg [dreg:$0x9]  }
0x23: {  	p0 =	sne.s32 s24, s31  }
.Ltmp1:
0x24: {  	_ = 	snop;
	(pc) =	sbr.rel @!p0 .LBB2_76-.Ltmp1, $3  }
0x25: {  	_ =	sdelay $0x1  }
0x26: {  	[sflag:s22] =	ssyncset.done $0x0  }
0x27: {  	[sflag:s22] =	ssyncadd.s32 $0xFFFFFFF0  }
.LBB2_1:
0x28: {  	s0 =	rddreg [dreg:$0x4]  }
0x29: {  	[tilespmem:s4], [sflag:$0x1] =	stream.linear.gather [hbm4b:s0+s4], $0x2000, $0x38;
	[tilespmem:$0x9080] =	vst v63  }
0x2a: {  	s30 =	rddreg [dreg:$0x5]  }
0x2b: {  	[tilespmem:s14], [sflag:$0x1] =	stream.linear.gather [hbm4b:s30+s4], $0x2000, $0x38;
	[tilespmem:$0x9080] =	vst v63  }
0x2c: {  	s31 =	rddreg [dreg:$0x7];
	v8 =	vimm.f32 $0.0e+00;
	v5 =	vimm.s32 $0x0;
	v6 =	vimm.s32 $0x0;
	s25 =	simm.s32 $0x0  }
0x2d: {  	v7 =	vimm.f32 $0.0e+00;
	v12 =	vimm.f32 $0.0e+00;
	v9 =	vimm.f32 $0.0e+00;
	[tilespmem:s15], [sflag:$0x1] =	stream.linear.gather [hbm4b:s31+s4], $0x800, $0x38;
	[tilespmem:$0x9080] =	vst v63  }
.LBB2_2:
0x2e: {  	_ =	swait.ge [sflag:s16], $0x2000  }
0x2f: {  	[sflag:s16] =	ssyncset.done $0x0  }
0x30: {  	[sflag:s16] =	ssyncadd.s32 $0xFFFFE000  }
0x31: {  	_ =	swait.ge [sflag:s16], $0x2000  }
0x32: {  	s26 =	sshll.u32 s25, $0x1;
	[sflag:s16] =	ssyncset.done $0x0  }
0x33: {  	s0 =	sor.u32 s13, s26;
	[sflag:s16] =	ssyncadd.s32 $0xFFFFE000  }
0x34: {  	s8 =	simm.s32 $0x0;
	s3 =	sshll.u32 s0, $0xA;
	_ =	swait.ge [sflag:s16], $0x800  }
0x35: {  	s9 =	sand.u32 $0x1C00, s8;
	s3 =	sand.u32 $0x1FFFFC00, s3;
	[sflag:s16] =	ssyncset.done $0x0  }
0x36: {  	s0 =	sshll.u32 s0, $0x8;
	s7 =	sadd.s32 s1, s3;
	[sflag:s16] =	ssyncadd.s32 $0xFFFFF800  }
0x37: {  	[tilespmem:s17], [sflag:$0x2] =	stream.linear.gather [hbm4b:s7+s8], $0x2000, $0x38;
	[tilespmem:$0x9080] =	vst v63  }
0x38: {  	s0 =	sand.u32 $0x1FFFFF00, s0;
	s3 =	sadd.s32 s2, s3;
	s7 =	sand.u32 $0x40, s8  }
0x39: {  	[tilespmem:s18], [sflag:$0x2] =	stream.linear.gather [hbm4b:s3+s8], $0x2000, $0x38;
	[tilespmem:$0x9080] =	vst v63  }
0x3a: {  	s0 =	sadd.s32 s5, s0;
	s28 =	sor.u32 s7, s9  }
0x3b: {  	[tilespmem:s19], [sflag:$0x2] =	stream.linear.gather [hbm4b:s0+s8], $0x800, $0x38;
	[tilespmem:$0x9080] =	vst v63  }
0x3c: {  	v10 =	vld [tilespmem:s28+$0x30]  }
0x3d: {  	v13 =	vld [tilespmem:s28+$0x4030]  }
0x3e: {  	v14 =	vld [tilespmem:s28+$0x0]  }
0x3f: {  	s10 =	sand.u32 $0x70, s8;
	s8 =	sand.u32 $0x400, s8;
	v16 =	vld [tilespmem:s28+$0x10]  }
0x40: {  	s11 =	simm.s32 $0x10;
	s23 =	simm.s32 $0x80;
	s31 =	sor.u32 s10, s8;
	v18 =	vld [tilespmem:s28+$0x4010]  }
0x41: {  	s10 =	sand.u32 $0x70, s11;
	s8 =	sand.u32 $0x400, s23;
	v11 =	vld [tilespmem:s31+$0x8000]  }
0x42: {  	v15 =	vld [tilespmem:s28+$0x4000];
	s30 =	sor.u32 s10, s8  }
0x43: {  	v24 =	vld [tilespmem:s30+$0x8000];
	_ =	sdelay $0x1  }
0x44: {  	v10 =	vsub.f32 v10, v13  }
0x45: {  	s12 =	simm.s32 $0x200;
	s21 =	simm.s32 $0x40;
	v21 =	vld [tilespmem:s28+$0x20];
	v16 =	vsub.f32 v16, v18;
	v17 =	vperm.xlane v11, v0;
	v19 =	vperm.xlane v11, v4  }
0x46: {  	s7 =	sand.u32 $0x40, s21;
	s3 =	sand.u32 $0x1C00, s12;
	v22 =	vld [tilespmem:s28+$0x4020];
	v20 =	vperm.xlane v11, v2;
	v13 =	vperm.xlane v11, v3;
	v23 =	vand.u32 $0x1010101, v11  }
0x47: {  	s0 =	sor.u32 s7, s3;
	v11 =	vsub.f32 v14, v15;
	v10 =	vand.u32 $0x7FFFFFFF, v10;
	v18 =	vperm.xlane v24, v2  }
0x48: {  	v25 =	vld [tilespmem:s0+$0x0];
	v17 =	vshll.u32 v17, v1;
	v19 =	vshll.u32 v19, v1;
	v15 =	vshll.u32 v20, v1  }
0x49: {  	v14 =	vld [tilespmem:s0+$0x30];
	v13 =	vshll.u32 v13, v1;
	vm0 =	vgt.s32 v19, $0xFFFFFF;
	vm1 =	vgt.s32 v15, $0xFFFFFF  }
0x4a: {  	v15 =	vand.u32 $0x7FFFFFFF, v16;
	v10 =	vnsel vm0, $0x0, v10;
	vm0 =	vgt.s32 v17, $0xFFFFFF;
	v17 =	vld [tilespmem:s0+$0x4030]  }
0x4b: {  	v16 =	vsub.f32 v21, v22;
	v21 =	vld [tilespmem:s0+$0x4000];
	v10 =	vadd.f32 v10, v8;
	v8 =	vand.u32 $0x7FFFFFFF, v11  }
0x4c: {  	v22 =	vperm.xlane v24, v4;
	v19 =	vperm.xlane v24, v3;
	v8 =	vnsel vm0, $0x0, v8  }
0x4d: {  	vm0 =	vgt.s32 v13, $0xFFFFFF;
	v13 =	vld [tilespmem:s0+$0x10];
	v11 =	vadd.f32 v8, v9;
	v8 =	vnsel vm1, $0x0, v15  }
0x4e: {  	s29 =	simm.s32 $0x20;
	s21 =	simm.s32 $0x400;
	v15 =	vperm.xlane v24, v0;
	v8 =	vadd.f32 v8, v12;
	v12 =	vand.u32 $0x7FFFFFFF, v16;
	v16 =	vld [tilespmem:s0+$0x4010]  }
0x4f: {  	s12 =	sand.u32 $0x1C00, s21;
	s7 =	simm.s32 $0x80;
	s23 =	simm.s32 $0x100;
	v26 =	vshll.u32 v22, v1;
	v9 =	vadd.s32 v5, v23;
	v23 =	vsub.f32 v14, v17;
	v14 =	vld [tilespmem:s0+$0x20]  }
0x50: {  	s9 =	sand.u32 $0x40, s7;
	s10 =	sand.u32 $0x70, s29;
	s11 =	sand.u32 $0x400, s23;
	v21 =	vsub.f32 v25, v21;
	v12 =	vnsel vm0, $0x0, v12;
	v20 =	vshll.u32 v15, v1;
	v17 =	vld [tilespmem:s0+$0x4020]  }
0x51: {  	s3 =	sor.u32 s9, s12;
	s8 =	simm.s32 $0x30;
	v15 =	vand.u32 $0x1010101, v24;
	vm0 =	vgt.s32 v26, $0xFFFFFF;
	v22 =	vand.u32 $0x7FFFFFFF, v23  }
.LBB2_3:
0x52: {  	p0 =	sne.s32 s8, $0xF0;
	s10 =	sor.u32 s10, s11;
	v23 =	vld [tilespmem:s3+$0x30];
	v18 =	vshll.u32 v18, v1;
	v19 =	vshll.u32 v19, v1;
	v22 =	vnsel vm0, $0x0, v22  }
0x53: {  	vm0 =	vgt.s32 v20, $0xFFFFFF;
	v24 =	vld [tilespmem:s10+$0x8000];
	v13 =	vsub.f32 v13, v16;
	v10 =	vadd.f32 v22, v10  }
0x54: {  	v16 =	vand.u32 $0x7FFFFFFF, v21;
	vm1 =	vgt.s32 v18, $0xFFFFFF;
	vm2 =	vgt.s32 v19, $0xFFFFFF;
	v20 =	vld [tilespmem:s3+$0x4030]  }
0x55: {  	v16 =	vnsel vm0, $0x0, v16;
	v21 =	vld [tilespmem:s3+$0x0];
	v13 =	vand.u32 $0x7FFFFFFF, v13;
	v14 =	vsub.f32 v14, v17  }
0x56: {  	v7 =	vadd.f32 v12, v7;
	v11 =	vadd.f32 v16, v11;
	v22 =	vld [tilespmem:s3+$0x4000];
	v16 =	vnsel vm1, $0x0, v13  }
.Ltmp2:
0x57: {  	v9 =	vadd.s32 v9, v15;
	v13 =	vld [tilespmem:s3+$0x10];
	v8 =	vadd.f32 v16, v8;
	v12 =	vand.u32 $0x7FFFFFFF, v14;
	(pc) =	sbr.rel @p0 .LBB2_3-.Ltmp2, $4  }
0x58: {  	v15 =	vperm.xlane v24, v0;
	v16 =	vld [tilespmem:s3+$0x4010];
	v25 =	vperm.xlane v24, v4;
	v12 =	vnsel vm2, $0x0, v12  }
0x59: {  	s21 =	sadd.s32 $0x200, s21;
	s7 =	sadd.s32 $0x40, s7;
	s23 =	sadd.s32 $0x80, s23;
	v18 =	vperm.xlane v24, v2;
	v19 =	vperm.xlane v24, v3;
	v14 =	vld [tilespmem:s3+$0x20];
	v23 =	vsub.f32 v23, v20  }
0x5a: {  	s10 =	sand.u32 $0x70, s8;
	s12 =	sand.u32 $0x40, s7;
	s9 =	sand.u32 $0x1C00, s21;
	v20 =	vshll.u32 v15, v1;
	v17 =	vld [tilespmem:s3+$0x4020];
	v25 =	vshll.u32 v25, v1;
	v15 =	vand.u32 $0x1010101, v24  }
0x5b: {  	s11 =	sand.u32 $0x400, s23;
	s8 =	sadd.s32 $0x10, s8;
	s3 =	sor.u32 s12, s9;
	v21 =	vsub.f32 v21, v22;
	v22 =	vand.u32 $0x7FFFFFFF, v23;
	vm0 =	vgt.s32 v25, $0xFFFFFF  }
0x5c: {  	v23 =	vld [tilespmem:s3+$0x30]  }
0x5d: {  	v7 =	vadd.f32 v12, v7;
	v12 =	vld [tilespmem:s3+$0x10]  }
0x5e: {  	s7 =	sor.u32 s10, s11;
	v18 =	vshll.u32 v18, v1;
	v9 =	vadd.s32 v9, v15;
	v15 =	vld [tilespmem:s3+$0x4010]  }
0x5f: {  	v19 =	vshll.u32 v19, v1;
	v22 =	vnsel vm0, $0x0, v22;
	v24 =	vld [tilespmem:s7+$0x8000];
	v13 =	vsub.f32 v13, v16  }
0x60: {  	vm0 =	vgt.s32 v20, $0xFFFFFF;
	v10 =	vadd.f32 v22, v10;
	v16 =	vld [tilespmem:s3+$0x4030];
	v20 =	vand.u32 $0x7FFFFFFF, v21  }
0x61: {  	vm1 =	vgt.s32 v18, $0xFFFFFF;
	v18 =	vld [tilespmem:s3+$0x0];
	v13 =	vand.u32 $0x7FFFFFFF, v13;
	v14 =	vsub.f32 v14, v17  }
0x62: {  	vm2 =	vgt.s32 v19, $0xFFFFFF;
	v19 =	vnsel vm0, $0x0, v20;
	v17 =	vld [tilespmem:s3+$0x4000];
	v13 =	vnsel vm1, $0x0, v13  }
0x63: {  	v11 =	vadd.f32 v19, v11;
	v8 =	vadd.f32 v13, v8;
	v13 =	vand.u32 $0x7FFFFFFF, v14  }
0x64: {  	v63 =	vld [tilespmem:s30+$0x8080];
	v12 =	vsub.f32 v12, v15;
	v14 =	vperm.xlane v24, v0;
	v19 =	vperm.xlane v24, v4  }
0x65: {  	v22 =	vld [tilespmem:s3+$0x20];
	v13 =	vnsel vm2, $0x0, v13;
	v20 =	vperm.xlane v24, v2;
	v21 =	vperm.xlane v24, v3  }
0x66: {  	v16 =	vsub.f32 v23, v16;
	v23 =	vld [tilespmem:s3+$0x4020];
	v7 =	vadd.f32 v13, v7;
	v14 =	vshll.u32 v14, v1  }
0x67: {  	v13 =	vld [tilespmem:s28+$0x4080];
	v19 =	vshll.u32 v19, v1;
	v17 =	vsub.f32 v18, v17;
	v18 =	vshll.u32 v20, v1  }
0x68: {  	v16 =	vand.u32 $0x7FFFFFFF, v16;
	vm0 =	vgt.s32 v19, $0xFFFFFF;
	vm1 =	vgt.s32 v18, $0xFFFFFF;
	v18 =	vld [tilespmem:s28+$0x80]  }
0x69: {  	v24 =	vand.u32 $0x1010101, v24;
	v16 =	vnsel vm0, $0x0, v16;
	vm0 =	vgt.s32 v14, $0xFFFFFF;
	v14 =	vld [tilespmem:s31+$0x8080]  }
0x6a: {  	v12 =	vand.u32 $0x7FFFFFFF, v12;
	v20 =	vld [tilespmem:s28+$0xB0];
	v19 =	vshll.u32 v21, v1;
	v15 =	vand.u32 $0x7FFFFFFF, v17  }
0x6b: {  	v12 =	vnsel vm1, $0x0, v12;
	v10 =	vadd.f32 v16, v10;
	v16 =	vld [tilespmem:s28+$0x40B0];
	v17 =	vsub.f32 v22, v23  }
0x6c: {  	vm2 =	vgt.s32 v19, $0xFFFFFF;
	v19 =	vld [tilespmem:s28+$0x4090];
	v15 =	vnsel vm0, $0x0, v15;
	v8 =	vadd.f32 v12, v8  }
0x6d: {  	v11 =	vadd.f32 v15, v11;
	v15 =	vadd.s32 v9, v24;
	v9 =	vld [tilespmem:s28+$0x90];
	v12 =	vand.u32 $0x7FFFFFFF, v17  }
0x6e: {  	v12 =	vnsel vm2, $0x0, v12;
	v13 =	vsub.f32 v18, v13;
	v17 =	vperm.xlane v14, v0  }
0x6f: {  	v21 =	vperm.xlane v14, v4;
	v7 =	vadd.f32 v12, v7;
	v12 =	vperm.xlane v14, v2  }
0x70: {  	v22 =	vld [tilespmem:s28+$0xA0];
	v16 =	vsub.f32 v20, v16;
	v20 =	vperm.xlane v14, v3;
	v14 =	vand.u32 $0x1010101, v14  }
0x71: {  	v23 =	vld [tilespmem:s28+$0x40A0];
	v13 =	vand.u32 $0x7FFFFFFF, v13;
	v17 =	vshll.u32 v17, v1;
	v21 =	vshll.u32 v21, v1  }
0x72: {  	v12 =	vshll.u32 v12, v1;
	v9 =	vsub.f32 v9, v19;
	v19 =	vperm.xlane v63, v2  }
0x73: {  	v16 =	vand.u32 $0x7FFFFFFF, v16;
	vm0 =	vgt.s32 v21, $0xFFFFFF;
	v21 =	vld [tilespmem:s0+$0xB0];
	v18 =	vshll.u32 v20, v1  }
0x74: {  	vm1 =	vgt.s32 v12, $0xFFFFFF;
	v16 =	vnsel vm0, $0x0, v16;
	vm0 =	vgt.s32 v17, $0xFFFFFF;
	v17 =	vld [tilespmem:s0+$0x40B0]  }
0x75: {  	v25 =	vld [tilespmem:s0+$0x80];
	v9 =	vand.u32 $0x7FFFFFFF, v9;
	v10 =	vadd.f32 v16, v10;
	v12 =	vnsel vm0, $0x0, v13  }
0x76: {  	v13 =	vsub.f32 v22, v23;
	vm0 =	vgt.s32 v18, $0xFFFFFF;
	v22 =	vld [tilespmem:s0+$0x4080];
	v9 =	vnsel vm1, $0x0, v9  }
0x77: {  	v23 =	vperm.xlane v63, v4;
	v16 =	vld [tilespmem:s0+$0x4090];
	v11 =	vadd.f32 v12, v11;
	v9 =	vadd.f32 v9, v8  }
0x78: {  	v8 =	vadd.s32 v15, v14;
	v14 =	vperm.xlane v63, v0;
	v12 =	vand.u32 $0x7FFFFFFF, v13;
	v13 =	vld [tilespmem:s0+$0x90]  }
0x79: {  	s21 =	simm.s32 $0x100;
	s7 =	simm.s32 $0x80;
	s3 =	simm.s32 $0x400;
	v18 =	vperm.xlane v63, v3;
	v15 =	vld [tilespmem:s0+$0xA0];
	v23 =	vshll.u32 v23, v1;
	v26 =	vsub.f32 v21, v17  }
0x7a: {  	s10 =	sand.u32 $0x70, s29;
	s8 =	sand.u32 $0x40, s7;
	s9 =	sand.u32 $0x1C00, s3;
	v12 =	vnsel vm0, $0x0, v12;
	v20 =	vshll.u32 v14, v1;
	v14 =	vand.u32 $0x1010101, v63;
	v17 =	vld [tilespmem:s0+$0x40A0]  }
0x7b: {  	s11 =	sand.u32 $0x400, s21;
	vm0 =	vgt.s32 v23, $0xFFFFFF;
	s0 =	sor.u32 s8, s9;
	s8 =	simm.s32 $0x30;
	v21 =	vsub.f32 v25, v22;
	v22 =	vand.u32 $0x7FFFFFFF, v26  }
.LBB2_5:
0x7c: {  	p0 =	sne.s32 s8, $0xF0;
	s9 =	sor.u32 s10, s11;
	v23 =	vld [tilespmem:s0+$0xB0];
	v19 =	vshll.u32 v19, v1;
	v18 =	vshll.u32 v18, v1;
	v22 =	vnsel vm0, $0x0, v22  }
0x7d: {  	vm0 =	vgt.s32 v20, $0xFFFFFF;
	v24 =	vld [tilespmem:s9+$0x8080];
	v13 =	vsub.f32 v13, v16;
	v10 =	vadd.f32 v22, v10  }
0x7e: {  	v16 =	vand.u32 $0x7FFFFFFF, v21;
	vm1 =	vgt.s32 v19, $0xFFFFFF;
	vm2 =	vgt.s32 v18, $0xFFFFFF;
	v20 =	vld [tilespmem:s0+$0x40B0]  }
0x7f: {  	v16 =	vnsel vm0, $0x0, v16;
	v21 =	vld [tilespmem:s0+$0x80];
	v13 =	vand.u32 $0x7FFFFFFF, v13;
	v15 =	vsub.f32 v15, v17  }
0x80: {  	v7 =	vadd.f32 v12, v7;
	v11 =	vadd.f32 v16, v11;
	v22 =	vld [tilespmem:s0+$0x4080];
	v16 =	vnsel vm1, $0x0, v13  }
.Ltmp3:
0x81: {  	v8 =	vadd.s32 v8, v14;
	v13 =	vld [tilespmem:s0+$0x90];
	v9 =	vadd.f32 v16, v9;
	v12 =	vand.u32 $0x7FFFFFFF, v15;
	(pc) =	sbr.rel @p0 .LBB2_5-.Ltmp3, $4  }
0x82: {  	v14 =	vperm.xlane v24, v0;
	v16 =	vld [tilespmem:s0+$0x4090];
	v25 =	vperm.xlane v24, v4;
	v12 =	vnsel vm2, $0x0, v12  }
0x83: {  	s3 =	sadd.s32 $0x200, s3;
	s7 =	sadd.s32 $0x40, s7;
	s21 =	sadd.s32 $0x80, s21;
	v19 =	vperm.xlane v24, v2;
	v18 =	vperm.xlane v24, v3;
	v15 =	vld [tilespmem:s0+$0xA0];
	v23 =	vsub.f32 v23, v20  }
0x84: {  	s10 =	sand.u32 $0x70, s8;
	s9 =	sand.u32 $0x40, s7;
	s12 =	sand.u32 $0x1C00, s3;
	v20 =	vshll.u32 v14, v1;
	v17 =	vld [tilespmem:s0+$0x40A0];
	v25 =	vshll.u32 v25, v1;
	v14 =	vand.u32 $0x1010101, v24  }
0x85: {  	s8 =	sadd.s32 $0x10, s8;
	s11 =	sand.u32 $0x400, s21;
	s0 =	sor.u32 s9, s12;
	v21 =	vsub.f32 v21, v22;
	v22 =	vand.u32 $0x7FFFFFFF, v23;
	vm0 =	vgt.s32 v25, $0xFFFFFF  }
0x86: {  	s3 =	sor.u32 s10, s11;
	v23 =	vld [tilespmem:s0+$0xB0]  }
0x87: {  	v19 =	vshll.u32 v19, v1;
	v18 =	vshll.u32 v18, v1;
	v24 =	vld [tilespmem:s3+$0x8080]  }
0x88: {  	v22 =	vnsel vm0, $0x0, v22;
	vm0 =	vgt.s32 v20, $0xFFFFFF;
	v13 =	vsub.f32 v13, v16;
	v16 =	vld [tilespmem:s0+$0x40B0]  }
0x89: {  	v7 =	vadd.f32 v12, v7;
	v14 =	vadd.s32 v8, v14;
	v20 =	vand.u32 $0x7FFFFFFF, v21;
	v21 =	vld [tilespmem:s0+$0x80]  }
0x8a: {  	vm1 =	vgt.s32 v19, $0xFFFFFF;
	v19 =	vnsel vm0, $0x0, v20;
	v20 =	vld [tilespmem:s0+$0x4080];
	v13 =	vand.u32 $0x7FFFFFFF, v13  }
0x8b: {  	v10 =	vadd.f32 v22, v10;
	v15 =	vsub.f32 v15, v17;
	v17 =	vld [tilespmem:s0+$0x90];
	v13 =	vnsel vm1, $0x0, v13  }
0x8c: {  	vm0 =	vgt.s32 v18, $0xFFFFFF;
	v11 =	vadd.f32 v19, v11;
	v19 =	vld [tilespmem:s0+$0x40A0];
	v12 =	vadd.f32 v13, v9  }
0x8d: {  	v9 =	vld [tilespmem:s0+$0x4090];
	v13 =	vand.u32 $0x7FFFFFFF, v15;
	v8 =	vperm.xlane v24, v0;
	v18 =	vperm.xlane v24, v4  }
0x8e: {  	v15 =	vld [tilespmem:s0+$0xA0];
	v13 =	vnsel vm0, $0x0, v13;
	v16 =	vsub.f32 v23, v16;
	v22 =	vperm.xlane v24, v2  }
0x8f: {  	v23 =	vperm.xlane v24, v3;
	v20 =	vsub.f32 v21, v20;
	v7 =	vadd.f32 v13, v7  }
0x90: {  	v8 =	vshll.u32 v8, v1;
	v18 =	vshll.u32 v18, v1;
	v16 =	vand.u32 $0x7FFFFFFF, v16  }
0x91: {  	v21 =	vshll.u32 v23, v1;
	vm0 =	vgt.s32 v18, $0xFFFFFF;
	v18 =	vshll.u32 v22, v1  }
0x92: {  	v16 =	vnsel vm0, $0x0, v16;
	vm0 =	vgt.s32 v8, $0xFFFFFF;
	v9 =	vsub.f32 v17, v9  }
0x93: {  	v15 =	vsub.f32 v15, v19;
	v8 =	vadd.f32 v16, v10;
	v10 =	vand.u32 $0x7FFFFFFF, v20  }
0x94: {  	p1 =	por $0x1, $0x1;
	vm2 =	vgt.s32 v21, $0xFFFFFF;
	vm1 =	vgt.s32 v18, $0xFFFFFF;
	v10 =	vnsel vm0, $0x0, v10  }
.Ltmp4:
0x95: {  	s21 =	simm.s32 $0x0;
	v16 =	vand.u32 $0x7FFFFFFF, v9;
	v13 =	vand.u32 $0x7FFFFFFF, v15;
	v9 =	vadd.f32 v10, v11;
	(pc) =	sbr.rel @!p1 .LBB2_12-.Ltmp4, $4  }
0x96: {  	p2 =	por $0x0, $0x0;
	p0 =	por $0x0, $0x0;
	p3 =	por $0x0, $0x0;
	v10 =	vnsel vm1, $0x0, v16;
	v11 =	vnsel vm2, $0x0, v13;
	v13 =	vand.u32 $0x1010101, v24  }
0x97: {  	s23 =	sand.u32 $0x40, s21;
	s7 =	sand.u32 $0x1C00, s21;
	s30 =	sand.u32 $0x400, s21;
	v10 =	vadd.f32 v10, v12;
	v7 =	vadd.f32 v11, v7  }
0x98: {  	s29 =	sand.u32 $0x70, s21;
	s28 =	sor.u32 s23, s7;
	s10 =	smov.u32 s30;
	v11 =	vadd.s32 v14, v13  }
0x99: {  	s3 =	smov.u32 s29;
	s31 =	smov.u32 s28;
	s0 =	simm.s32 $0x10;
	v15 =	vmovc v9;
	v19 =	vmovc v11;
	v13 =	vmov v8;
	v24 =	vmov v7;
	v17 =	vmov v10  }
0x9a: {  	v13 =	vld [tilespmem:s28+$0x130]  }
0x9b: {  	v14 =	vld [tilespmem:s28+$0x4130]  }
0x9c: {  	s3 =	sor.u32 s29, s30;
	v17 =	vld [tilespmem:s28+$0x100]  }
0x9d: {  	v15 =	vld [tilespmem:s3+$0x8100]  }
0x9e: {  	v19 =	vld [tilespmem:s28+$0x4100];
	_ =	sdelay $0x1  }
0x9f: {  	p3 =	por $0x1, $0x1  }
.Ltmp5:
0xa0: {  	_ = 	snop;
	(pc) =	sbr.rel @!p3 .LBB2_8-.Ltmp5, $4  }
0xa1: {  	v12 =	vld [tilespmem:s28+$0x110];
	s7 =	simm.s32 $0x200;
	v13 =	vsub.f32 v13, v14;
	v20 =	vperm.xlane v15, v4  }
0xa2: {  	v16 =	vld [tilespmem:s28+$0x4110];
	s8 =	simm.s32 $0x40;
	s9 =	simm.s32 $0x80;
	p2 =	por $0x1, $0x1;
	v26 =	vsub.f32 v17, v19;
	v18 =	vperm.xlane v15, v0;
	v21 =	vperm.xlane v15, v2  }
0xa3: {  	v23 =	vld [tilespmem:s28+$0x4120];
	s3 =	sand.u32 $0x70, s0;
	s8 =	sand.u32 $0x40, s8;
	s7 =	sand.u32 $0x1C00, s7;
	v22 =	vperm.xlane v15, v3;
	v27 =	vand.u32 $0x7FFFFFFF, v13;
	v20 =	vshll.u32 v20, v1  }
0xa4: {  	s10 =	sand.u32 $0x400, s9;
	s31 =	sor.u32 s8, s7;
	s8 =	simm.s32 $0x20;
	v14 =	vld [tilespmem:s28+$0x120];
	v25 =	vshll.u32 v18, v1;
	v18 =	vand.u32 $0x1010101, v15;
	vm0 =	vgt.s32 v20, $0xFFFFFF  }
0xa5: {  	v24 =	vld [tilespmem:s31+$0x130]  }
0xa6: {  	s3 =	sor.u32 s3, s10;
	v13 =	vnsel vm0, $0x0, v27;
	vm0 =	vgt.s32 v25, $0xFFFFFF;
	v25 =	vld [tilespmem:s31+$0x4130]  }
0xa7: {  	v15 =	vshll.u32 v21, v1;
	v17 =	vshll.u32 v22, v1;
	v27 =	vld [tilespmem:s3+$0x8100];
	v12 =	vsub.f32 v12, v16  }
0xa8: {  	v28 =	vld [tilespmem:s31+$0x4100];
	v19 =	vadd.s32 v11, v18;
	v13 =	vadd.f32 v13, v8;
	v16 =	vand.u32 $0x7FFFFFFF, v26  }
0xa9: {  	vm1 =	vgt.s32 v15, $0xFFFFFF;
	v26 =	vld [tilespmem:s31+$0x100];
	v15 =	vnsel vm0, $0x0, v16;
	v12 =	vand.u32 $0x7FFFFFFF, v12  }
0xaa: {  	p4 =	por $0x1, $0x1;
	v14 =	vsub.f32 v14, v23;
	v15 =	vadd.f32 v15, v9;
	v16 =	vnsel vm1, $0x0, v12  }
.Ltmp6:
0xab: {  	vm0 =	vgt.s32 v17, $0xFFFFFF;
	v12 =	vld [tilespmem:s31+$0x110];
	v24 =	vsub.f32 v24, v25;
	v17 =	vadd.f32 v16, v10;
	(pc) =	sbr.rel @!p4 .LBB2_10-.Ltmp6, $4  }
0xac: {  	s21 =	simm.s32 $0x400;
	v14 =	vand.u32 $0x7FFFFFFF, v14;
	v18 =	vperm.xlane v27, v0;
	v16 =	vld [tilespmem:s31+$0x4110];
	v29 =	vperm.xlane v27, v4  }
0xad: {  	s23 =	simm.s32 $0x80;
	s7 =	simm.s32 $0x100;
	s3 =	sand.u32 $0x70, s8;
	v23 =	vld [tilespmem:s31+$0x4120];
	v21 =	vperm.xlane v27, v2;
	v22 =	vperm.xlane v27, v3;
	v20 =	vnsel vm0, $0x0, v14  }
0xae: {  	s12 =	sand.u32 $0x40, s23;
	s9 =	sand.u32 $0x1C00, s21;
	s10 =	sand.u32 $0x400, s7;
	v14 =	vld [tilespmem:s31+$0x120];
	v26 =	vsub.f32 v26, v28;
	v25 =	vshll.u32 v18, v1;
	v29 =	vshll.u32 v29, v1  }
0xaf: {  	p3 =	por $0x1, $0x1;
	s8 =	simm.s32 $0x30;
	s31 =	sor.u32 s12, s9;
	v18 =	vand.u32 $0x1010101, v27;
	v27 =	vand.u32 $0x7FFFFFFF, v24;
	vm0 =	vgt.s32 v29, $0xFFFFFF;
	v24 =	vmovc v7  }
.LBB2_11:
0xb0: {  	p4 =	sne.s32 s8, $0xF0;
	s3 =	sor.u32 s3, s10;
	v28 =	vld [tilespmem:s31+$0x130];
	v21 =	vshll.u32 v21, v1;
	v22 =	vshll.u32 v22, v1;
	v27 =	vnsel vm0, $0x0, v27  }
0xb1: {  	vm0 =	vgt.s32 v25, $0xFFFFFF;
	v29 =	vld [tilespmem:s3+$0x8100];
	v12 =	vsub.f32 v12, v16;
	v13 =	vadd.f32 v27, v13  }
0xb2: {  	v16 =	vand.u32 $0x7FFFFFFF, v26;
	vm1 =	vgt.s32 v21, $0xFFFFFF;
	vm2 =	vgt.s32 v22, $0xFFFFFF;
	v25 =	vld [tilespmem:s31+$0x4130]  }
0xb3: {  	v16 =	vnsel vm0, $0x0, v16;
	v26 =	vld [tilespmem:s31+$0x100];
	v12 =	vand.u32 $0x7FFFFFFF, v12;
	v14 =	vsub.f32 v14, v23  }
0xb4: {  	v24 =	vadd.f32 v20, v24;
	v15 =	vadd.f32 v16, v15;
	v27 =	vld [tilespmem:s31+$0x4100];
	v16 =	vnsel vm1, $0x0, v12  }
.Ltmp7:
0xb5: {  	v19 =	vadd.s32 v19, v18;
	v12 =	vld [tilespmem:s31+$0x110];
	v17 =	vadd.f32 v16, v17;
	v14 =	vand.u32 $0x7FFFFFFF, v14;
	(pc) =	sbr.rel @p4 .LBB2_11-.Ltmp7, $4  }
0xb6: {  	v18 =	vperm.xlane v29, v0;
	v16 =	vld [tilespmem:s31+$0x4110];
	v30 =	vperm.xlane v29, v4;
	v20 =	vnsel vm2, $0x0, v14  }
0xb7: {  	s21 =	sadd.s32 $0x200, s21;
	s23 =	sadd.s32 $0x40, s23;
	s7 =	sadd.s32 $0x80, s7;
	v21 =	vperm.xlane v29, v2;
	v22 =	vperm.xlane v29, v3;
	v14 =	vld [tilespmem:s31+$0x120];
	v28 =	vsub.f32 v28, v25  }
0xb8: {  	s3 =	sand.u32 $0x70, s8;
	s9 =	sand.u32 $0x40, s23;
	s11 =	sand.u32 $0x1C00, s21;
	v25 =	vshll.u32 v18, v1;
	v23 =	vld [tilespmem:s31+$0x4120];
	v30 =	vshll.u32 v30, v1;
	v18 =	vand.u32 $0x1010101, v29  }
0xb9: {  	s10 =	sand.u32 $0x400, s7;
	s8 =	sadd.s32 $0x10, s8;
	s31 =	sor.u32 s9, s11;
	v26 =	vsub.f32 v26, v27;
	v27 =	vand.u32 $0x7FFFFFFF, v28;
	vm0 =	vgt.s32 v30, $0xFFFFFF  }
.LBB2_12:
0xba: {  	v28 =	vld [tilespmem:s31+$0x130]  }
0xbb: {  	v46 =	vld [tilespmem:s31+$0x4130]  }
0xbc: {  	v47 =	vld [tilespmem:s31+$0x100]  }
0xbd: {  	v48 =	vld [tilespmem:s31+$0x4100]  }
0xbe: {  	v49 =	vld [tilespmem:s31+$0x110]  }
0xbf: {  	v21 =	vshll.u32 @p2 v21, v1;
	v22 =	vshll.u32 @p2 v22, v1;
	v27 =	vnsel @p2 vm0, $0x0, v27;
	v52 =	vld [tilespmem:s31+$0x4110]  }
0xc0: {  	vm0 =	vgt.s32 @p2 v25, $0xFFFFFF;
	v55 =	vld [tilespmem:s31+$0x120];
	v12 =	vsub.f32 @p2 v12, v16;
	v13 =	vadd.f32 @p2 v27, v13  }
0xc1: {  	s3 =	sor.u32 s3, s10;
	v57 =	vld [tilespmem:s31+$0x4120];
	v25 =	vand.u32 @p2 $0x7FFFFFFF, v26;
	vm1 =	vgt.s32 @p2 v21, $0xFFFFFF;
	vm2 =	vgt.s32 @p2 v22, $0xFFFFFF  }
0xc2: {  	v29 =	vld [tilespmem:s3+$0x8100];
	v22 =	vnsel @p2 vm0, $0x0, v25;
	v12 =	vand.u32 @p2 $0x7FFFFFFF, v12;
	v14 =	vsub.f32 @p2 v14, v23  }
0xc3: {  	v20 =	vadd.f32 @p3 v20, v24;
	v15 =	vadd.f32 @p2 v22, v15;
	v12 =	vnsel @p2 vm1, $0x0, v12  }
0xc4: {  	v8 =	vpsel p2, v13, v8;
	v12 =	vadd.f32 @p2 v12, v17;
	v14 =	vand.u32 @p2 $0x7FFFFFFF, v14  }
0xc5: {  	v17 =	vadd.s32 @p2 v19, v18;
	v16 =	vsub.f32 v28, v46;
	v21 =	vsub.f32 v47, v48  }
0xc6: {  	v58 =	vpsel p2, v15, v9;
	v15 =	vpsel p3, v20, v7;
	v59 =	vsub.f32 v49, v52  }
0xc7: {  	v60 =	vsub.f32 v55, v57;
	v50 =	vperm.xlane v29, v0;
	v51 =	vperm.xlane v29, v4  }
0xc8: {  	v14 =	vnsel @p2 vm2, $0x0, v14;
	v53 =	vperm.xlane v29, v2;
	v54 =	vperm.xlane v29, v3  }
0xc9: {  	v56 =	vand.u32 $0x1010101, v29;
	v17 =	vpsel p2, v17, v11;
	v16 =	vand.u32 $0x7FFFFFFF, v16  }
0xca: {  	v14 =	vpsel p2, v14, v0;
	v12 =	vpsel p2, v12, v10;
	v22 =	vshll.u32 v51, v1  }
0xcb: {  	v61 =	vand.u32 $0x7FFFFFFF, v59;
	v19 =	vshll.u32 v50, v1;
	vm12 =	vgt.s32 v22, $0xFFFFFF  }
0xcc: {  	v10 =	vshll.u32 v53, v1;
	v11 =	vshll.u32 v54, v1;
	v9 =	vnsel vm12, $0x0, v16  }
.Ltmp8:
0xcd: {  	vm13 =	vgt.s32 v19, $0xFFFFFF;
	v9 =	vadd.f32 v9, v8;
	v8 =	vand.u32 $0x7FFFFFFF, v21;
	(pc) =	sbr.rel @!p1 .LBB2_13-.Ltmp8, $4  }
0xce: {  	vm15 =	vgt.s32 v11, $0xFFFFFF;
	v11 =	vadd.f32 @p2 v14, v15;
	v8 =	vnsel vm13, $0x0, v8  }
0xcf: {  	vm14 =	vgt.s32 v10, $0xFFFFFF;
	v10 =	vadd.f32 v8, v58;
	v8 =	vand.u32 $0x7FFFFFFF, v60  }
0xd0: {  	v62 =	vnsel vm14, $0x0, v61;
	v63 =	vpsel p2, v11, v7;
	v8 =	vnsel vm15, $0x0, v8  }
0xd1: {  	v11 =	vadd.f32 v62, v12;
	v7 =	vadd.s32 v17, v56;
	v8 =	vadd.f32 v8, v63  }
0xd2: {  	v13 =	vld [tilespmem:s28+$0x1B0]  }
0xd3: {  	v17 =	vld [tilespmem:s28+$0x41B0]  }
0xd4: {  	s3 =	sor.u32 s29, s30;
	v19 =	vld [tilespmem:s28+$0x180]  }
0xd5: {  	v15 =	vld [tilespmem:s3+$0x8180]  }
0xd6: {  	v20 =	vld [tilespmem:s28+$0x4180];
	_ =	sdelay $0x1  }
0xd7: {  	p2 =	por $0x1, $0x1  }
.Ltmp9:
0xd8: {  	_ = 	snop;
	(pc) =	sbr.rel @!p2 .LBB2_15-.Ltmp9, $4  }
0xd9: {  	v12 =	vld [tilespmem:s28+$0x190];
	s23 =	simm.s32 $0x200;
	v13 =	vsub.f32 v13, v17;
	v24 =	vperm.xlane v15, v4  }
0xda: {  	v16 =	vld [tilespmem:s28+$0x4190];
	s7 =	simm.s32 $0x40;
	s8 =	simm.s32 $0x80;
	s29 =	sand.u32 $0x70, s0;
	v26 =	vsub.f32 v19, v20;
	v18 =	vperm.xlane v15, v0;
	v22 =	vperm.xlane v15, v2  }
0xdb: {  	v14 =	vld [tilespmem:s28+$0x1A0];
	p1 =	por $0x1, $0x1;
	s31 =	sand.u32 $0x40, s7;
	s3 =	sand.u32 $0x1C00, s23;
	v23 =	vperm.xlane v15, v3;
	v27 =	vand.u32 $0x7FFFFFFF, v13;
	v17 =	vshll.u32 v24, v1  }
0xdc: {  	v21 =	vld [tilespmem:s28+$0x41A0];
	s30 =	sand.u32 $0x400, s8;
	s8 =	simm.s32 $0x20;
	s28 =	sor.u32 s31, s3;
	v25 =	vshll.u32 v18, v1;
	v18 =	vand.u32 $0x1010101, v15;
	vm0 =	vgt.s32 v17, $0xFFFFFF  }
0xdd: {  	v24 =	vld [tilespmem:s28+$0x1B0]  }
0xde: {  	s0 =	sor.u32 s29, s30;
	v13 =	vnsel vm0, $0x0, v27;
	vm0 =	vgt.s32 v25, $0xFFFFFF;
	v25 =	vld [tilespmem:s28+$0x41B0]  }
0xdf: {  	v15 =	vshll.u32 v22, v1;
	v17 =	vshll.u32 v23, v1;
	v27 =	vld [tilespmem:s0+$0x8180];
	v12 =	vsub.f32 v12, v16  }
0xe0: {  	v28 =	vld [tilespmem:s28+$0x4180];
	v19 =	vadd.s32 v7, v18;
	v13 =	vadd.f32 v13, v9;
	v16 =	vand.u32 $0x7FFFFFFF, v26  }
0xe1: {  	vm1 =	vgt.s32 v15, $0xFFFFFF;
	v26 =	vld [tilespmem:s28+$0x180];
	v15 =	vnsel vm0, $0x0, v16;
	v12 =	vand.u32 $0x7FFFFFFF, v12  }
0xe2: {  	p2 =	por $0x1, $0x1;
	v14 =	vsub.f32 v14, v21;
	v15 =	vadd.f32 v15, v10;
	v16 =	vnsel vm1, $0x0, v12  }
.Ltmp10:
0xe3: {  	vm0 =	vgt.s32 v17, $0xFFFFFF;
	v12 =	vld [tilespmem:s28+$0x190];
	v24 =	vsub.f32 v24, v25;
	v17 =	vadd.f32 v16, v11;
	(pc) =	sbr.rel @!p2 .LBB2_17-.Ltmp10, $4  }
0xe4: {  	s3 =	simm.s32 $0x80;
	v14 =	vand.u32 $0x7FFFFFFF, v14;
	v18 =	vperm.xlane v27, v0;
	v16 =	vld [tilespmem:s28+$0x4190];
	v29 =	vperm.xlane v27, v4  }
0xe5: {  	s7 =	simm.s32 $0x100;
	s29 =	sand.u32 $0x70, s8;
	s0 =	simm.s32 $0x400;
	v21 =	vld [tilespmem:s28+$0x41A0];
	v22 =	vperm.xlane v27, v2;
	v23 =	vperm.xlane v27, v3;
	v20 =	vnsel vm0, $0x0, v14  }
0xe6: {  	s31 =	sand.u32 $0x40, s3;
	s30 =	sand.u32 $0x400, s7;
	s9 =	sand.u32 $0x1C00, s0;
	v14 =	vld [tilespmem:s28+$0x1A0];
	v26 =	vsub.f32 v26, v28;
	v25 =	vshll.u32 v18, v1;
	v29 =	vshll.u32 v29, v1  }
0xe7: {  	s8 =	simm.s32 $0x30;
	p0 =	por $0x1, $0x1;
	s28 =	sor.u32 s31, s9;
	v18 =	vand.u32 $0x1010101, v27;
	v27 =	vand.u32 $0x7FFFFFFF, v24;
	vm0 =	vgt.s32 v29, $0xFFFFFF;
	v24 =	vmovc v8  }
.LBB2_18:
0xe8: {  	p2 =	sne.s32 s8, $0xF0;
	s9 =	sor.u32 s29, s30;
	v28 =	vld [tilespmem:s28+$0x1B0];
	v22 =	vshll.u32 v22, v1;
	v23 =	vshll.u32 v23, v1;
	v27 =	vnsel vm0, $0x0, v27  }
0xe9: {  	vm0 =	vgt.s32 v25, $0xFFFFFF;
	v29 =	vld [tilespmem:s9+$0x8180];
	v12 =	vsub.f32 v12, v16;
	v13 =	vadd.f32 v27, v13  }
0xea: {  	v16 =	vand.u32 $0x7FFFFFFF, v26;
	vm1 =	vgt.s32 v22, $0xFFFFFF;
	vm2 =	vgt.s32 v23, $0xFFFFFF;
	v25 =	vld [tilespmem:s28+$0x41B0]  }
0xeb: {  	v16 =	vnsel vm0, $0x0, v16;
	v26 =	vld [tilespmem:s28+$0x180];
	v12 =	vand.u32 $0x7FFFFFFF, v12;
	v14 =	vsub.f32 v14, v21  }
0xec: {  	v24 =	vadd.f32 v20, v24;
	v15 =	vadd.f32 v16, v15;
	v27 =	vld [tilespmem:s28+$0x4180];
	v16 =	vnsel vm1, $0x0, v12  }
.Ltmp11:
0xed: {  	v19 =	vadd.s32 v19, v18;
	v12 =	vld [tilespmem:s28+$0x190];
	v17 =	vadd.f32 v16, v17;
	v14 =	vand.u32 $0x7FFFFFFF, v14;
	(pc) =	sbr.rel @p2 .LBB2_18-.Ltmp11, $4  }
0xee: {  	v18 =	vperm.xlane v29, v0;
	v16 =	vld [tilespmem:s28+$0x4190];
	v30 =	vperm.xlane v29, v4;
	v20 =	vnsel vm2, $0x0, v14  }
0xef: {  	s0 =	sadd.s32 $0x200, s0;
	s3 =	sadd.s32 $0x40, s3;
	s7 =	sadd.s32 $0x80, s7;
	v22 =	vperm.xlane v29, v2;
	v23 =	vperm.xlane v29, v3;
	v14 =	vld [tilespmem:s28+$0x1A0];
	v28 =	vsub.f32 v28, v25  }
0xf0: {  	s29 =	sand.u32 $0x70, s8;
	s9 =	sand.u32 $0x40, s3;
	s10 =	sand.u32 $0x1C00, s0;
	v25 =	vshll.u32 v18, v1;
	v21 =	vld [tilespmem:s28+$0x41A0];
	v30 =	vshll.u32 v30, v1;
	v18 =	vand.u32 $0x1010101, v29  }
0xf1: {  	s8 =	sadd.s32 $0x10, s8;
	s30 =	sand.u32 $0x400, s7;
	s28 =	sor.u32 s9, s10;
	v26 =	vsub.f32 v26, v27;
	v27 =	vand.u32 $0x7FFFFFFF, v28;
	vm0 =	vgt.s32 v30, $0xFFFFFF  }
.LBB2_19:
0xf2: {  	v22 =	vshll.u32 @p1 v22, v1  }
0xf3: {  	s0 =	sor.u32 s29, s30;
	v23 =	vshll.u32 @p1 v23, v1;
	v27 =	vnsel @p1 vm0, $0x0, v27;
	vm0 =	vgt.s32 @p1 v25, $0xFFFFFF  }
0xf4: {  	v20 =	vadd.f32 @p0 v20, v24;
	v18 =	vadd.s32 @p1 v19, v18;
	v29 =	vld [tilespmem:s0+$0x8180];
	v12 =	vsub.f32 @p1 v12, v16  }
0xf5: {  	v28 =	vld [tilespmem:s28+$0x1B0];
	v13 =	vadd.f32 @p1 v27, v13;
	v25 =	vand.u32 @p1 $0x7FFFFFFF, v26;
	vm1 =	vgt.s32 @p1 v22, $0xFFFFFF  }
0xf6: {  	v16 =	vld [tilespmem:s28+$0x41B0];
	v25 =	vnsel @p1 vm0, $0x0, v25;
	vm0 =	vgt.s32 @p1 v23, $0xFFFFFF;
	v12 =	vand.u32 @p1 $0x7FFFFFFF, v12  }
0xf7: {  	v22 =	vld [tilespmem:s28+$0x180];
	v14 =	vsub.f32 @p1 v14, v21;
	v15 =	vadd.f32 @p1 v25, v15;
	v12 =	vnsel @p1 vm1, $0x0, v12  }
0xf8: {  	v21 =	vld [tilespmem:s28+$0x4180];
	v9 =	vpsel p1, v13, v9;
	v13 =	vpsel p0, v20, v8;
	v12 =	vadd.f32 @p1 v12, v17  }
0xf9: {  	v24 =	vld [tilespmem:s28+$0x4190];
	v14 =	vand.u32 @p1 $0x7FFFFFFF, v14;
	v10 =	vpsel p1, v15, v10;
	v19 =	vperm.xlane v29, v0  }
0xfa: {  	v27 =	vld [tilespmem:s28+$0x1A0];
	v23 =	vperm.xlane v29, v4;
	v14 =	vnsel @p1 vm0, $0x0, v14;
	v25 =	vperm.xlane v29, v2  }
0xfb: {  	v17 =	vld [tilespmem:s28+$0x190];
	v16 =	vsub.f32 v28, v16;
	v26 =	vperm.xlane v29, v3;
	v14 =	vpsel p1, v14, v0  }
0xfc: {  	v28 =	vld [tilespmem:s28+$0x41A0];
	v11 =	vpsel p1, v12, v11;
	v19 =	vshll.u32 v19, v1;
	v23 =	vshll.u32 v23, v1  }
0xfd: {  	v21 =	vsub.f32 v22, v21;
	v16 =	vand.u32 $0x7FFFFFFF, v16;
	v12 =	vshll.u32 v25, v1  }
0xfe: {  	v15 =	vshll.u32 v26, v1;
	v13 =	vadd.f32 @p1 v14, v13;
	vm0 =	vgt.s32 v23, $0xFFFFFF  }
0xff: {  	vm1 =	vgt.s32 v12, $0xFFFFFF;
	vm2 =	vgt.s32 v15, $0xFFFFFF;
	v16 =	vnsel vm0, $0x0, v16  }
0x100: {  	vm0 =	vgt.s32 v19, $0xFFFFFF;
	v9 =	vadd.f32 v16, v9;
	v16 =	vand.u32 $0x7FFFFFFF, v21  }
0x101: {  	v17 =	vsub.f32 v17, v24;
	v12 =	vsub.f32 v27, v28;
	v15 =	vnsel vm0, $0x0, v16  }
0x102: {  	v13 =	vpsel p1, v13, v8;
	v10 =	vadd.f32 v15, v10;
	v15 =	vpsel p1, v18, v7;
	p1 =	por $0x1, $0x1  }
.Ltmp12:
0x103: {  	s0 =	simm.s32 $0x1;
	p0 =	por $0x0, $0x0;
	v14 =	vand.u32 $0x7FFFFFFF, v17;
	v12 =	vand.u32 $0x7FFFFFFF, v12;
	(pc) =	sbr.rel @!p1 .LBB2_26-.Ltmp12, $4  }
0x104: {  	s3 =	simm.s32 $0x0;
	p2 =	por $0x0, $0x0;
	s0 =	simm.s32 @!p0 $0x0;
	v14 =	vnsel vm1, $0x0, v14;
	v12 =	vnsel vm2, $0x0, v12  }
0x105: {  	p3 =	por $0x0, $0x0;
	s7 =	sshll.u32 s0, $0x6;
	v29 =	vand.u32 $0x1010101, v29;
	s28 =	simm.s32 $0x0;
	v8 =	vadd.f32 v14, v11;
	v7 =	vadd.f32 v12, v13  }
0x106: {  	s0 =	simm.s32 $0x10;
	s21 =	sand.u32 $0x70, s28;
	s10 =	sand.u32 $0x400, s28;
	v11 =	vadd.s32 v15, v29  }
0x107: {  	s30 =	smov.u32 s7;
	s31 =	smov.u32 s10;
	s29 =	smov.u32 s21;
	v16 =	vmovc v10;
	v17 =	vmovc v11;
	v22 =	vmov v8;
	v14 =	vmov v9;
	v24 =	vmov v7  }
0x108: {  	s3 =	sadd.s32 $0x0, s7;
	s8 =	sor.u32 s21, s10  }
0x109: {  	v27 =	vld [tilespmem:s8+$0x8200];
	s11 =	sor.u32 $0x230, s3  }
0x10a: {  	v14 =	vld [tilespmem:s11+$0x0]  }
0x10b: {  	s9 =	sor.u32 $0x200, s3;
	v16 =	vld [tilespmem:s11+$0x4000]  }
0x10c: {  	p4 =	por $0x1, $0x1;
	v12 =	vld [tilespmem:s9+$0x0]  }
.Ltmp13:
0x10d: {  	s12 =	sor.u32 $0x210, s3;
	v15 =	vld [tilespmem:s9+$0x4000];
	(pc) =	sbr.rel @!p4 .LBB2_21-.Ltmp13, $4  }
0x10e: {  	p3 =	por !p0, !p0;
	s29 =	sand.u32 $0x70, s0;
	v13 =	vld [tilespmem:s12+$0x0];
	v17 =	vperm.xlane v27, v0;
	v19 =	vperm.xlane v27, v2  }
0x10f: {  	s23 =	simm.s32 $0x80;
	s9 =	simm.s32 $0x1;
	s11 =	sor.u32 $0x220, s3;
	v18 =	vld [tilespmem:s12+$0x4000];
	v21 =	vperm.xlane v27, v3;
	v22 =	vperm.xlane v27, v4  }
0x110: {  	p2 =	por $0x1, $0x1;
	s31 =	sand.u32 $0x400, s23;
	s9 =	simm.s32 @!p3 $0x0;
	v25 =	vld [tilespmem:s11+$0x4000];
	v29 =	vsub.f32 v14, v16;
	v17 =	vshll.u32 v17, v1;
	v20 =	vshll.u32 v19, v1  }
0x111: {  	s8 =	simm.s32 $0x20;
	s3 =	simm.s32 $0x200;
	s30 =	sshll.u32 s9, $0x6;
	v19 =	vld [tilespmem:s11+$0x0];
	v26 =	vshll.u32 v21, v1;
	v30 =	vshll.u32 v22, v1;
	vm0 =	vgt.s32 v17, $0xFFFFFF  }
0x112: {  	s3 =	sadd.s32 $0x200, s30;
	s9 =	sor.u32 s29, s31;
	v12 =	vsub.f32 v12, v15;
	v14 =	vand.u32 $0x7FFFFFFF, v29;
	vm1 =	vgt.s32 v30, $0xFFFFFF  }
0x113: {  	v17 =	vand.u32 $0x1010101, v27;
	v23 =	vld [tilespmem:s9+$0x8200];
	s12 =	sor.u32 $0x230, s3  }
0x114: {  	v14 =	vnsel vm1, $0x0, v14;
	v22 =	vld [tilespmem:s12+$0x0];
	v12 =	vand.u32 $0x7FFFFFFF, v12;
	v13 =	vsub.f32 v13, v18  }
0x115: {  	s11 =	sor.u32 $0x200, s3;
	vm1 =	vgt.s32 v26, $0xFFFFFF;
	v17 =	vadd.s32 v11, v17;
	v24 =	vld [tilespmem:s12+$0x4000];
	v16 =	vnsel vm0, $0x0, v12  }
0x116: {  	p5 =	por $0x1, $0x1;
	v15 =	vld [tilespmem:s11+$0x4000];
	vm0 =	vgt.s32 v20, $0xFFFFFF;
	v13 =	vand.u32 $0x7FFFFFFF, v13;
	v18 =	vsub.f32 v19, v25  }
.Ltmp14:
0x117: {  	s23 =	sor.u32 $0x210, s3;
	v14 =	vadd.f32 v14, v9;
	v12 =	vld [tilespmem:s11+$0x0];
	v16 =	vadd.f32 v16, v10;
	v21 =	vnsel vm0, $0x0, v13;
	(pc) =	sbr.rel @!p5 .LBB2_23-.Ltmp14, $4  }
0x118: {  	p4 =	por !p3, !p3;
	s29 =	sand.u32 $0x70, s8;
	v13 =	vld [tilespmem:s23+$0x0];
	v19 =	vperm.xlane v23, v0;
	v20 =	vperm.xlane v23, v2;
	v25 =	vand.u32 $0x7FFFFFFF, v18  }
0x119: {  	s8 =	simm.s32 $0x30;
	s12 =	sor.u32 $0x220, s3;
	s11 =	simm.s32 $0x1;
	v18 =	vld [tilespmem:s23+$0x4000];
	v26 =	vperm.xlane v23, v3;
	v27 =	vperm.xlane v23, v4;
	v28 =	vnsel vm1, $0x0, v25  }
0x11a: {  	p3 =	por $0x1, $0x1;
	s11 =	simm.s32 @!p4 $0x0;
	s23 =	simm.s32 $0x100;
	v29 =	vsub.f32 v22, v24;
	v25 =	vshll.u32 v19, v1;
	v20 =	vshll.u32 v20, v1;
	v19 =	vld [tilespmem:s12+$0x0]  }
0x11b: {  	s3 =	simm.s32 $0x400;
	s30 =	sshll.u32 s11, $0x6;
	s31 =	sand.u32 $0x400, s23;
	v22 =	vmovc v8;
	v24 =	vmovc v7;
	v26 =	vshll.u32 v26, v1;
	v30 =	vshll.u32 v27, v1;
	vm0 =	vgt.s32 v25, $0xFFFFFF;
	v25 =	vld [tilespmem:s12+$0x4000]  }
.LBB2_24:
0x11c: {  	p5 =	sne.s32 s8, $0xF0;
	s9 =	sadd.s32 s30, s3;
	s11 =	sor.u32 s29, s31;
	v12 =	vsub.f32 v12, v15;
	v15 =	vand.u32 $0x7FFFFFFF, v29;
	vm1 =	vgt.s32 v30, $0xFFFFFF  }
0x11d: {  	v22 =	vadd.f32 v21, v22;
	v24 =	vadd.f32 v28, v24;
	v27 =	vld [tilespmem:s11+$0x8200];
	s11 =	sor.u32 $0x200, s9;
	s12 =	sor.u32 $0x210, s9;
	s29 =	sor.u32 $0x230, s9;
	v15 =	vnsel vm1, $0x0, v15  }
0x11e: {  	s9 =	sor.u32 $0x220, s9;
	v29 =	vld [tilespmem:s29+$0x0];
	v12 =	vand.u32 $0x7FFFFFFF, v12;
	v13 =	vsub.f32 v13, v18;
	v14 =	vadd.f32 v15, v14  }
0x11f: {  	vm1 =	vgt.s32 v26, $0xFFFFFF;
	v30 =	vld [tilespmem:s29+$0x4000];
	v18 =	vnsel vm0, $0x0, v12;
	vm0 =	vgt.s32 v20, $0xFFFFFF  }
0x120: {  	v20 =	vand.u32 $0x1010101, v23;
	v12 =	vld [tilespmem:s11+$0x0];
	v13 =	vand.u32 $0x7FFFFFFF, v13;
	v19 =	vsub.f32 v19, v25  }
.Ltmp15:
0x121: {  	v16 =	vadd.f32 v18, v16;
	v17 =	vadd.s32 v17, v20;
	v15 =	vld [tilespmem:s11+$0x4000];
	v21 =	vnsel vm0, $0x0, v13;
	(pc) =	sbr.rel @p5 .LBB2_24-.Ltmp15, $4  }
0x122: {  	v20 =	vperm.xlane v27, v0;
	v25 =	vperm.xlane v27, v2;
	v13 =	vld [tilespmem:s12+$0x0];
	v19 =	vand.u32 $0x7FFFFFFF, v19;
	v23 =	vmovc v27  }
0x123: {  	s3 =	sadd.s32 $0x200, s3;
	p4 =	por !p4, !p4;
	s11 =	simm.s32 $0x1;
	v18 =	vld [tilespmem:s12+$0x4000];
	v26 =	vperm.xlane v23, v3;
	v27 =	vperm.xlane v23, v4;
	v28 =	vnsel vm1, $0x0, v19  }
0x124: {  	s23 =	sadd.s32 $0x80, s23;
	s29 =	sand.u32 $0x70, s8;
	s11 =	simm.s32 @!p4 $0x0;
	v31 =	vshll.u32 v20, v1;
	v20 =	vshll.u32 v25, v1;
	v19 =	vld [tilespmem:s9+$0x0];
	v29 =	vsub.f32 v29, v30  }
0x125: {  	s31 =	sand.u32 $0x400, s23;
	s8 =	sadd.s32 $0x10, s8;
	s30 =	sshll.u32 s11, $0x6;
	vm0 =	vgt.s32 v31, $0xFFFFFF;
	v26 =	vshll.u32 v26, v1;
	v25 =	vld [tilespmem:s9+$0x4000];
	v30 =	vshll.u32 v27, v1  }
0x126: {  	v27 =	vmov v23  }
.LBB2_26:
0x127: {  	s8 =	sor.u32 s29, s31;
	s3 =	sadd.s32 s30, s3  }
0x128: {  	v23 =	vld [tilespmem:s8+$0x8200];
	s30 =	sor.u32 $0x230, s3  }
0x129: {  	v12 =	vsub.f32 @p2 v12, v15;
	v15 =	vand.u32 @p2 $0x7FFFFFFF, v29;
	v43 =	vld [tilespmem:s30+$0x0]  }
0x12a: {  	vm1 =	vgt.s32 @p2 v30, $0xFFFFFF;
	v21 =	vadd.f32 @p3 v21, v22;
	s31 =	sor.u32 $0x200, s3;
	v44 =	vld [tilespmem:s30+$0x4000]  }
0x12b: {  	v15 =	vnsel @p2 vm1, $0x0, v15;
	v13 =	vsub.f32 @p2 v13, v18;
	vm1 =	vgt.s32 @p2 v26, $0xFFFFFF;
	v45 =	vld [tilespmem:s31+$0x0]  }
0x12c: {  	v18 =	vadd.f32 @p3 v28, v24;
	s9 =	sor.u32 $0x210, s3;
	v12 =	vand.u32 @p2 $0x7FFFFFFF, v12;
	v14 =	vadd.f32 @p2 v15, v14;
	v47 =	vld [tilespmem:s31+$0x4000]  }
0x12d: {  	v50 =	vld [tilespmem:s9+$0x0];
	v21 =	vpsel p3, v21, v8;
	v12 =	vnsel @p2 vm0, $0x0, v12;
	vm0 =	vgt.s32 @p2 v20, $0xFFFFFF  }
0x12e: {  	s3 =	sor.u32 $0x220, s3;
	v52 =	vld [tilespmem:s9+$0x4000];
	v13 =	vand.u32 @p2 $0x7FFFFFFF, v13;
	v19 =	vsub.f32 @p2 v19, v25;
	v20 =	vand.u32 @p2 $0x1010101, v27  }
0x12f: {  	v53 =	vld [tilespmem:s3+$0x0];
	v18 =	vpsel p3, v18, v7;
	v12 =	vadd.f32 @p2 v12, v16;
	v13 =	vnsel @p2 vm0, $0x0, v13  }
0x130: {  	v56 =	vld [tilespmem:s3+$0x4000];
	v17 =	vadd.s32 @p2 v17, v20;
	v9 =	vpsel p2, v14, v9;
	v19 =	vand.u32 @p2 $0x7FFFFFFF, v19  }
0x131: {  	v13 =	vpsel p2, v13, v0;
	v46 =	vperm.xlane v23, v0;
	v48 =	vperm.xlane v23, v2  }
0x132: {  	v11 =	vpsel p2, v17, v11;
	v49 =	vperm.xlane v23, v3;
	v51 =	vperm.xlane v23, v4  }
0x133: {  	v19 =	vnsel @p2 vm1, $0x0, v19;
	v10 =	vpsel p2, v12, v10;
	v13 =	vadd.f32 @p2 v13, v21  }
0x134: {  	v61 =	vand.u32 $0x1010101, v23;
	v15 =	vsub.f32 v43, v44;
	v57 =	vsub.f32 v45, v47  }
0x135: {  	v19 =	vpsel p2, v19, v0;
	v59 =	vsub.f32 v50, v52;
	v60 =	vsub.f32 v53, v56  }
0x136: {  	v20 =	vshll.u32 v46, v1;
	v25 =	vshll.u32 v48, v1;
	v54 =	vshll.u32 v49, v1  }
0x137: {  	v55 =	vshll.u32 v51, v1;
	v8 =	vpsel p2, v13, v8;
	vm12 =	vgt.s32 v20, $0xFFFFFF  }
0x138: {  	v58 =	vand.u32 $0x7FFFFFFF, v15;
	vm13 =	vgt.s32 v55, $0xFFFFFF;
	v15 =	vadd.f32 @p2 v19, v18  }
.Ltmp16:
0x139: {  	v12 =	vand.u32 $0x7FFFFFFF, v57;
	vm14 =	vgt.s32 v25, $0xFFFFFF;
	vm15 =	vgt.s32 v54, $0xFFFFFF;
	(pc) =	sbr.rel @!p1 .LBB2_27-.Ltmp16, $4  }
0x13a: {  	v16 =	vand.u32 $0x7FFFFFFF, v59;
	v14 =	vnsel vm13, $0x0, v58;
	v12 =	vnsel vm12, $0x0, v12  }
0x13b: {  	v62 =	vnsel vm14, $0x0, v16;
	v9 =	vadd.f32 v14, v9;
	v14 =	vand.u32 $0x7FFFFFFF, v60  }
0x13c: {  	v10 =	vadd.f32 v12, v10;
	v63 =	vpsel p2, v15, v7;
	v14 =	vnsel vm15, $0x0, v14  }
0x13d: {  	v11 =	vadd.s32 v11, v61;
	v7 =	vadd.f32 v62, v8;
	v8 =	vadd.f32 v14, v63  }
0x13e: {  	s3 =	sadd.s32 $0x0, s7;
	s23 =	sor.u32 s21, s10  }
0x13f: {  	v27 =	vld [tilespmem:s23+$0x8280];
	s29 =	sor.u32 $0x2B0, s3  }
0x140: {  	v14 =	vld [tilespmem:s29+$0x0]  }
0x141: {  	s8 =	sor.u32 $0x280, s3;
	v16 =	vld [tilespmem:s29+$0x4000]  }
0x142: {  	p3 =	por $0x1, $0x1;
	v12 =	vld [tilespmem:s8+$0x0]  }
.Ltmp17:
0x143: {  	s30 =	sor.u32 $0x290, s3;
	v15 =	vld [tilespmem:s8+$0x4000];
	(pc) =	sbr.rel @!p3 .LBB2_29-.Ltmp17, $4  }
0x144: {  	p2 =	por !p0, !p0;
	s28 =	simm.s32 $0x200;
	v13 =	vld [tilespmem:s30+$0x0];
	v18 =	vperm.xlane v27, v0;
	v19 =	vperm.xlane v27, v2  }
0x145: {  	s21 =	sand.u32 $0x70, s0;
	s3 =	sor.u32 $0x2A0, s3;
	s8 =	simm.s32 $0x1;
	v17 =	vld [tilespmem:s30+$0x4000];
	v21 =	vperm.xlane v27, v3;
	v22 =	vperm.xlane v27, v4  }
0x146: {  	s31 =	simm.s32 $0x80;
	s0 =	simm.s32 $0x20;
	v24 =	vld [tilespmem:s3+$0x4000];
	s8 =	simm.s32 @!p2 $0x0;
	v29 =	vsub.f32 v14, v16;
	v18 =	vshll.u32 v18, v1;
	v20 =	vshll.u32 v19, v1  }
0x147: {  	p1 =	por $0x1, $0x1;
	s10 =	sand.u32 $0x400, s31;
	s7 =	sshll.u32 s8, $0x6;
	v19 =	vld [tilespmem:s3+$0x0];
	v26 =	vshll.u32 v21, v1;
	v30 =	vshll.u32 v22, v1;
	vm0 =	vgt.s32 v18, $0xFFFFFF  }
0x148: {  	s3 =	sadd.s32 $0x200, s7;
	s29 =	sor.u32 s21, s10;
	v12 =	vsub.f32 v12, v15;
	v14 =	vand.u32 $0x7FFFFFFF, v29;
	vm1 =	vgt.s32 v30, $0xFFFFFF  }
0x149: {  	v18 =	vand.u32 $0x1010101, v27;
	v22 =	vld [tilespmem:s29+$0x8280];
	s30 =	sor.u32 $0x2B0, s3  }
0x14a: {  	v14 =	vnsel vm1, $0x0, v14;
	v23 =	vld [tilespmem:s30+$0x0];
	v12 =	vand.u32 $0x7FFFFFFF, v12;
	v13 =	vsub.f32 v13, v17  }
0x14b: {  	s8 =	sor.u32 $0x280, s3;
	vm1 =	vgt.s32 v26, $0xFFFFFF;
	v18 =	vadd.s32 v11, v18;
	v25 =	vld [tilespmem:s30+$0x4000];
	v16 =	vnsel vm0, $0x0, v12  }
0x14c: {  	p3 =	por $0x1, $0x1;
	v15 =	vld [tilespmem:s8+$0x4000];
	vm0 =	vgt.s32 v20, $0xFFFFFF;
	v13 =	vand.u32 $0x7FFFFFFF, v13;
	v17 =	vsub.f32 v19, v24  }
.Ltmp18:
0x14d: {  	s31 =	sor.u32 $0x290, s3;
	v14 =	vadd.f32 v14, v9;
	v12 =	vld [tilespmem:s8+$0x0];
	v16 =	vadd.f32 v16, v10;
	v21 =	vnsel vm0, $0x0, v13;
	(pc) =	sbr.rel @!p3 .LBB2_31-.Ltmp18, $4  }
0x14e: {  	p2 =	por !p2, !p2;
	s28 =	simm.s32 $0x400;
	v13 =	vld [tilespmem:s31+$0x0];
	v19 =	vperm.xlane v22, v0;
	v20 =	vperm.xlane v22, v2;
	v24 =	vand.u32 $0x7FFFFFFF, v17  }
0x14f: {  	s21 =	sand.u32 $0x70, s0;
	s9 =	sor.u32 $0x2A0, s3;
	s8 =	simm.s32 $0x1;
	v17 =	vld [tilespmem:s31+$0x4000];
	v26 =	vperm.xlane v22, v3;
	v27 =	vperm.xlane v22, v4;
	v28 =	vnsel vm1, $0x0, v24  }
0x150: {  	s0 =	simm.s32 $0x100;
	p0 =	por $0x1, $0x1;
	s8 =	simm.s32 @!p2 $0x0;
	v29 =	vsub.f32 v23, v25;
	v24 =	vshll.u32 v19, v1;
	v20 =	vshll.u32 v20, v1;
	v19 =	vld [tilespmem:s9+$0x0]  }
0x151: {  	s10 =	sand.u32 $0x400, s0;
	s3 =	simm.s32 $0x30;
	s7 =	sshll.u32 s8, $0x6;
	v23 =	vmovc v7;
	v25 =	vmovc v8;
	v26 =	vshll.u32 v26, v1;
	v30 =	vshll.u32 v27, v1;
	vm0 =	vgt.s32 v24, $0xFFFFFF;
	v24 =	vld [tilespmem:s9+$0x4000]  }
.LBB2_32:
0x152: {  	p3 =	sne.s32 s3, $0xF0;
	s7 =	sadd.s32 s7, s28;
	s8 =	sor.u32 s21, s10;
	v12 =	vsub.f32 v12, v15;
	v15 =	vand.u32 $0x7FFFFFFF, v29;
	vm1 =	vgt.s32 v30, $0xFFFFFF  }
0x153: {  	v23 =	vadd.f32 v21, v23;
	v25 =	vadd.f32 v28, v25;
	v27 =	vld [tilespmem:s8+$0x8280];
	s8 =	sor.u32 $0x280, s7;
	s9 =	sor.u32 $0x290, s7;
	s10 =	sor.u32 $0x2B0, s7;
	v15 =	vnsel vm1, $0x0, v15  }
0x154: {  	s11 =	sor.u32 $0x2A0, s7;
	v29 =	vld [tilespmem:s10+$0x0];
	v12 =	vand.u32 $0x7FFFFFFF, v12;
	v13 =	vsub.f32 v13, v17;
	v14 =	vadd.f32 v15, v14  }
0x155: {  	vm1 =	vgt.s32 v26, $0xFFFFFF;
	v30 =	vld [tilespmem:s10+$0x4000];
	v17 =	vnsel vm0, $0x0, v12;
	vm0 =	vgt.s32 v20, $0xFFFFFF  }
0x156: {  	v20 =	vand.u32 $0x1010101, v22;
	v12 =	vld [tilespmem:s8+$0x0];
	v13 =	vand.u32 $0x7FFFFFFF, v13;
	v19 =	vsub.f32 v19, v24  }
.Ltmp19:
0x157: {  	v16 =	vadd.f32 v17, v16;
	v18 =	vadd.s32 v18, v20;
	v15 =	vld [tilespmem:s8+$0x4000];
	v21 =	vnsel vm0, $0x0, v13;
	(pc) =	sbr.rel @p3 .LBB2_32-.Ltmp19, $4  }
0x158: {  	v20 =	vperm.xlane v27, v0;
	v24 =	vperm.xlane v27, v2;
	v13 =	vld [tilespmem:s9+$0x0];
	v19 =	vand.u32 $0x7FFFFFFF, v19;
	v22 =	vmovc v27  }
0x159: {  	s28 =	sadd.s32 $0x200, s28;
	p2 =	por !p2, !p2;
	s7 =	simm.s32 $0x1;
	v17 =	vld [tilespmem:s9+$0x4000];
	v26 =	vperm.xlane v22, v3;
	v27 =	vperm.xlane v22, v4;
	v28 =	vnsel vm1, $0x0, v19  }
0x15a: {  	s21 =	sand.u32 $0x70, s3;
	s0 =	sadd.s32 $0x80, s0;
	s7 =	simm.s32 @!p2 $0x0;
	v31 =	vshll.u32 v20, v1;
	v20 =	vshll.u32 v24, v1;
	v19 =	vld [tilespmem:s11+$0x0];
	v29 =	vsub.f32 v29, v30  }
0x15b: {  	s3 =	sadd.s32 $0x10, s3;
	s7 =	sshll.u32 s7, $0x6;
	s10 =	sand.u32 $0x400, s0;
	vm0 =	vgt.s32 v31, $0xFFFFFF;
	v26 =	vshll.u32 v26, v1;
	v24 =	vld [tilespmem:s11+$0x4000];
	v30 =	vshll.u32 v27, v1  }
0x15c: {  	v27 =	vmov v22  }
.LBB2_34:
0x15d: {  	s0 =	sadd.s32 s7, s28;
	s3 =	sor.u32 s21, s10;
	v12 =	vsub.f32 @p1 v12, v15;
	v15 =	vand.u32 @p1 $0x7FFFFFFF, v29;
	vm1 =	vgt.s32 @p1 v30, $0xFFFFFF  }
0x15e: {  	v21 =	vadd.f32 @p0 v21, v23;
	v23 =	vadd.f32 @p0 v28, v25;
	v22 =	vld [tilespmem:s3+$0x8280];
	s11 =	sor.u32 $0x2B0, s0;
	v15 =	vnsel @p1 vm1, $0x0, v15  }
0x15f: {  	v13 =	vsub.f32 @p1 v13, v17;
	vm1 =	vgt.s32 @p1 v26, $0xFFFFFF;
	v25 =	vld [tilespmem:s11+$0x0];
	v12 =	vand.u32 @p1 $0x7FFFFFFF, v12  }
0x160: {  	s7 =	sor.u32 $0x290, s0;
	v14 =	vadd.f32 @p1 v15, v14;
	v15 =	vld [tilespmem:s11+$0x4000];
	v21 =	vpsel p0, v21, v7;
	v23 =	vpsel p0, v23, v8  }
0x161: {  	v26 =	vld [tilespmem:s7+$0x0];
	v12 =	vnsel @p1 vm0, $0x0, v12;
	vm0 =	vgt.s32 @p1 v20, $0xFFFFFF;
	v13 =	vand.u32 @p1 $0x7FFFFFFF, v13  }
0x162: {  	s12 =	sor.u32 $0x280, s0;
	v62 =	vld [tilespmem:s7+$0x4000];
	v17 =	vsub.f32 @p1 v19, v24;
	v19 =	vand.u32 @p1 $0x1010101, v27;
	v12 =	vadd.f32 @p1 v12, v16  }
0x163: {  	v20 =	vld [tilespmem:s12+$0x0];
	v13 =	vnsel @p1 vm0, $0x0, v13;
	v16 =	vadd.s32 @p1 v18, v19;
	v9 =	vpsel p1, v14, v9  }
0x164: {  	s0 =	sor.u32 $0x2A0, s0;
	v18 =	vld [tilespmem:s12+$0x4000];
	v17 =	vand.u32 @p1 $0x7FFFFFFF, v17;
	v13 =	vpsel p1, v13, v0;
	v19 =	vperm.xlane v22, v0  }
0x165: {  	v63 =	vld [tilespmem:s0+$0x4000];
	v11 =	vpsel p1, v16, v11;
	v24 =	vperm.xlane v22, v2;
	v27 =	vperm.xlane v22, v3  }
0x166: {  	s28 =	simm.s32 $0x0;
	p0 =	por $0x0, $0x0;
	v61 =	vperm.xlane v22, v4;
	v17 =	vnsel @p1 vm1, $0x0, v17;
	v15 =	vsub.f32 v25, v15;
	v25 =	vld [tilespmem:s0+$0x0];
	s0 =	simm.s32 $0x1  }
0x167: {  	s21 =	sand.u32 $0x70, s28;
	s23 =	sand.u32 $0x400, s28;
	v10 =	vpsel p1, v12, v10;
	v17 =	vpsel p1, v17, v0;
	v19 =	vshll.u32 v19, v1;
	s0 =	simm.s32 @!p0 $0x0  }
0x168: {  	s3 =	sor.u32 s21, s23;
	v13 =	vadd.f32 @p1 v13, v21;
	v17 =	vadd.f32 @p1 v17, v23;
	vm0 =	vgt.s32 v19, $0xFFFFFF;
	s0 =	sshll.u32 s0, $0x6  }
0x169: {  	v16 =	vld [tilespmem:s3+$0x8300];
	v19 =	vshll.u32 v27, v1;
	v27 =	vshll.u32 v61, v1;
	v14 =	vsub.f32 v20, v18;
	s0 =	sadd.s32 $0x0, s0  }
0x16a: {  	v12 =	vand.u32 $0x7FFFFFFF, v15;
	v15 =	vsub.f32 v26, v62;
	vm1 =	vgt.s32 v27, $0xFFFFFF;
	s7 =	sor.u32 $0x330, s0  }
0x16b: {  	v20 =	vand.u32 $0x1010101, v22;
	v12 =	vnsel vm1, $0x0, v12;
	vm1 =	vgt.s32 v19, $0xFFFFFF;
	v19 =	vld [tilespmem:s7+$0x0]  }
0x16c: {  	v24 =	vshll.u32 v24, v1;
	s8 =	sor.u32 $0x300, s0;
	v12 =	vadd.f32 v12, v9;
	v9 =	vand.u32 $0x7FFFFFFF, v15;
	v15 =	vld [tilespmem:s7+$0x4000]  }
0x16d: {  	v7 =	vpsel p1, v13, v7;
	v11 =	vadd.s32 v11, v20;
	v8 =	vpsel p1, v17, v8;
	s9 =	sor.u32 $0x310, s0;
	v20 =	vld [tilespmem:s8+$0x4000]  }
0x16e: {  	v13 =	vperm.xlane v16, v0;
	v14 =	vand.u32 $0x7FFFFFFF, v14;
	v18 =	vsub.f32 v25, v63;
	v17 =	vld [tilespmem:s9+$0x0]  }
0x16f: {  	v22 =	vperm.xlane v16, v4;
	v14 =	vnsel vm0, $0x0, v14;
	vm0 =	vgt.s32 v24, $0xFFFFFF;
	v21 =	vld [tilespmem:s9+$0x4000]  }
0x170: {  	s0 =	sor.u32 $0x320, s0;
	v14 =	vadd.f32 v14, v10;
	v9 =	vnsel vm0, $0x0, v9;
	v10 =	vand.u32 $0x7FFFFFFF, v18;
	v18 =	vld [tilespmem:s8+$0x0]  }
0x171: {  	s3 =	simm.s32 $0x1;
	p0 =	por !p0, !p0;
	v23 =	vld [tilespmem:s0+$0x0];
	v13 =	vshll.u32 v13, v1;
	v7 =	vadd.f32 v9, v7;
	v10 =	vnsel vm1, $0x0, v10  }
0x172: {  	s29 =	simm.s32 $0x10;
	s30 =	simm.s32 $0x80;
	s3 =	simm.s32 @!p0 $0x0;
	v24 =	vld [tilespmem:s0+$0x4000];
	v9 =	vperm.xlane v16, v2;
	vm1 =	vgt.s32 v13, $0xFFFFFF;
	v8 =	vadd.f32 v10, v8  }
0x173: {  	s10 =	sand.u32 $0x70, s29;
	s3 =	sshll.u32 s3, $0x6;
	s8 =	sand.u32 $0x400, s30;
	v10 =	vperm.xlane v16, v3;
	v16 =	vand.u32 $0x1010101, v16;
	v15 =	vsub.f32 v19, v15  }
0x174: {  	s3 =	sadd.s32 $0x200, s3;
	s11 =	sor.u32 s10, s8;
	v19 =	vshll.u32 v9, v1;
	v9 =	vshll.u32 v22, v1;
	v17 =	vsub.f32 v17, v21  }
0x175: {  	s12 =	sor.u32 $0x330, s3;
	vm0 =	vgt.s32 v9, $0xFFFFFF;
	v9 =	vld [tilespmem:s11+$0x8300];
	v18 =	vsub.f32 v18, v20;
	v15 =	vand.u32 $0x7FFFFFFF, v15  }
0x176: {  	v22 =	vld [tilespmem:s12+$0x0];
	v13 =	vshll.u32 v10, v1;
	v10 =	vnsel vm0, $0x0, v15;
	vm0 =	vgt.s32 v19, $0xFFFFFF  }
0x177: {  	s21 =	sor.u32 $0x300, s3;
	v21 =	vld [tilespmem:s12+$0x4000];
	v15 =	vand.u32 $0x7FFFFFFF, v18;
	v10 =	vadd.f32 v10, v12;
	v18 =	vsub.f32 v23, v24  }
0x178: {  	v12 =	vnsel vm1, $0x0, v15;
	vm1 =	vgt.s32 v13, $0xFFFFFF;
	v13 =	vld [tilespmem:s21+$0x0];
	v15 =	vand.u32 $0x7FFFFFFF, v17  }
0x179: {  	s23 =	sor.u32 $0x310, s3;
	v11 =	vadd.s32 v11, v16;
	v17 =	vld [tilespmem:s21+$0x4000];
	v12 =	vadd.f32 v12, v14;
	v14 =	vnsel vm0, $0x0, v15  }
0x17a: {  	s31 =	simm.s32 $0x200;
	p0 =	por !p0, !p0;
	s0 =	simm.s32 $0x20;
	v16 =	vld [tilespmem:s23+$0x4000];
	v19 =	vperm.xlane v9, v0;
	v23 =	vperm.xlane v9, v2;
	v18 =	vand.u32 $0x7FFFFFFF, v18  }
0x17b: {  	s9 =	sor.u32 $0x320, s3;
	s3 =	simm.s32 $0x400;
	s8 =	simm.s32 $0x1;
	v15 =	vld [tilespmem:s23+$0x0];
	v24 =	vperm.xlane v9, v3;
	v25 =	vperm.xlane v9, v4;
	v20 =	vnsel vm1, $0x0, v18  }
0x17c: {  	s7 =	simm.s32 $0x100;
	s10 =	sand.u32 $0x70, s0;
	s8 =	simm.s32 @!p0 $0x0;
	v18 =	vld [tilespmem:s9+$0x0];
	v26 =	vshll.u32 v19, v1;
	v19 =	vshll.u32 v23, v1;
	v23 =	vsub.f32 v22, v21  }
0x17d: {  	s21 =	sshll.u32 s8, $0x6;
	s8 =	simm.s32 $0x30;
	s23 =	sand.u32 $0x400, s7;
	v22 =	vshll.u32 v24, v1;
	v21 =	vld [tilespmem:s9+$0x4000];
	v24 =	vshll.u32 v25, v1;
	vm0 =	vgt.s32 v26, $0xFFFFFF  }
.LBB2_35:
0x17e: {  	p1 =	sne.s32 s8, $0xF0;
	s9 =	sadd.s32 s21, s3;
	s10 =	sor.u32 s10, s23;
	v13 =	vsub.f32 v13, v17;
	v17 =	vand.u32 $0x7FFFFFFF, v23;
	vm1 =	vgt.s32 v24, $0xFFFFFF  }
0x17f: {  	v7 =	vadd.f32 v14, v7;
	v8 =	vadd.f32 v20, v8;
	v23 =	vld [tilespmem:s10+$0x8300];
	s10 =	sor.u32 $0x300, s9;
	s11 =	sor.u32 $0x310, s9;
	s12 =	sor.u32 $0x330, s9;
	v17 =	vnsel vm1, $0x0, v17  }
0x180: {  	s9 =	sor.u32 $0x320, s9;
	v24 =	vld [tilespmem:s12+$0x0];
	v13 =	vand.u32 $0x7FFFFFFF, v13;
	v14 =	vsub.f32 v15, v16;
	v10 =	vadd.f32 v17, v10  }
0x181: {  	vm1 =	vgt.s32 v22, $0xFFFFFF;
	v25 =	vld [tilespmem:s12+$0x4000];
	v15 =	vnsel vm0, $0x0, v13;
	vm0 =	vgt.s32 v19, $0xFFFFFF  }
0x182: {  	v13 =	vld [tilespmem:s10+$0x0];
	v14 =	vand.u32 $0x7FFFFFFF, v14;
	v16 =	vsub.f32 v18, v21;
	v21 =	vand.u32 $0x1010101, v9  }
.Ltmp20:
0x183: {  	v12 =	vadd.f32 v15, v12;
	v17 =	vld [tilespmem:s10+$0x4000];
	v14 =	vnsel vm0, $0x0, v14;
	v11 =	vadd.s32 v11, v21;
	(pc) =	sbr.rel @p1 .LBB2_35-.Ltmp20, $4  }
0x184: {  	v18 =	vperm.xlane v23, v0;
	v19 =	vperm.xlane v23, v2;
	v15 =	vld [tilespmem:s11+$0x0];
	v20 =	vand.u32 $0x7FFFFFFF, v16;
	v9 =	vmovc v23  }
0x185: {  	s3 =	sadd.s32 $0x200, s3;
	p0 =	por !p0, !p0;
	v16 =	vld [tilespmem:s11+$0x4000];
	v21 =	vperm.xlane v9, v3;
	v26 =	vperm.xlane v9, v4;
	v20 =	vnsel vm1, $0x0, v20;
	s11 =	simm.s32 $0x1  }
0x186: {  	s7 =	sadd.s32 $0x80, s7;
	s10 =	sand.u32 $0x70, s8;
	s11 =	simm.s32 @!p0 $0x0;
	v22 =	vshll.u32 v18, v1;
	v19 =	vshll.u32 v19, v1;
	v18 =	vld [tilespmem:s9+$0x0];
	v23 =	vsub.f32 v24, v25  }
0x187: {  	s23 =	sand.u32 $0x400, s7;
	s8 =	sadd.s32 $0x10, s8;
	s21 =	sshll.u32 s11, $0x6;
	vm0 =	vgt.s32 v22, $0xFFFFFF;
	v22 =	vshll.u32 v21, v1;
	v21 =	vld [tilespmem:s9+$0x4000];
	v24 =	vshll.u32 v26, v1  }
0x188: {  	s3 =	sadd.s32 s21, s3;
	s7 =	sor.u32 s10, s23;
	v23 =	vand.u32 $0x7FFFFFFF, v23  }
0x189: {  	v13 =	vsub.f32 v13, v17;
	vm1 =	vgt.s32 v24, $0xFFFFFF;
	v17 =	vld [tilespmem:s7+$0x8300];
	s23 =	sor.u32 $0x330, s3  }
0x18a: {  	v7 =	vadd.f32 v14, v7;
	v8 =	vadd.f32 v20, v8;
	v9 =	vand.u32 $0x1010101, v9;
	v14 =	vld [tilespmem:s23+$0x0]  }
0x18b: {  	v23 =	vnsel vm1, $0x0, v23;
	s8 =	sor.u32 $0x300, s3;
	v13 =	vand.u32 $0x7FFFFFFF, v13;
	v15 =	vsub.f32 v15, v16;
	v16 =	vld [tilespmem:s23+$0x4000]  }
0x18c: {  	vm1 =	vgt.s32 v22, $0xFFFFFF;
	v9 =	vadd.s32 v11, v9;
	v20 =	vld [tilespmem:s8+$0x4000];
	v13 =	vnsel vm0, $0x0, v13  }
0x18d: {  	s9 =	sor.u32 $0x310, s3;
	s3 =	sor.u32 $0x320, s3;
	vm0 =	vgt.s32 v19, $0xFFFFFF;
	v19 =	vld [tilespmem:s8+$0x0];
	v15 =	vand.u32 $0x7FFFFFFF, v15;
	v18 =	vsub.f32 v18, v21  }
0x18e: {  	v10 =	vadd.f32 v23, v10;
	v61 =	vld [tilespmem:s3+$0x0];
	v12 =	vadd.f32 v13, v12;
	v13 =	vnsel vm0, $0x0, v15  }
0x18f: {  	v21 =	vld [tilespmem:s9+$0x4000];
	v11 =	vperm.xlane v17, v0;
	v18 =	vand.u32 $0x7FFFFFFF, v18;
	v22 =	vperm.xlane v17, v2  }
0x190: {  	v15 =	vld [tilespmem:s9+$0x0];
	v23 =	vperm.xlane v17, v4;
	v25 =	vperm.xlane v17, v3;
	v7 =	vadd.f32 v13, v7  }
0x191: {  	s10 =	sor.u32 s28, s28;
	v18 =	vnsel vm1, $0x0, v18;
	v14 =	vsub.f32 v14, v16;
	v16 =	vld [tilespmem:s3+$0x4000];
	v11 =	vshll.u32 v11, v1  }
0x192: {  	s11 =	sor.u32 $0x3B0, s10;
	v22 =	vshll.u32 v22, v1;
	v19 =	vsub.f32 v19, v20;
	v8 =	vadd.f32 v18, v8  }
0x193: {  	s12 =	sor.u32 $0x380, s10;
	s21 =	sor.u32 $0x390, s10;
	v13 =	vld [tilespmem:s11+$0x0];
	vm0 =	vgt.s32 v11, $0xFFFFFF;
	v11 =	vshll.u32 v23, v1;
	v14 =	vand.u32 $0x7FFFFFFF, v14  }
0x194: {  	vm1 =	vgt.s32 v11, $0xFFFFFF;
	v11 =	vshll.u32 v25, v1;
	v18 =	vand.u32 $0x7FFFFFFF, v19;
	v19 =	vld [tilespmem:s12+$0x8000]  }
0x195: {  	v15 =	vsub.f32 v15, v21;
	v21 =	vld [tilespmem:s21+$0x4000];
	v14 =	vnsel vm1, $0x0, v14;
	vm1 =	vgt.s32 v11, $0xFFFFFF  }
0x196: {  	v10 =	vadd.f32 v14, v10;
	v14 =	vnsel vm0, $0x0, v18;
	v16 =	vsub.f32 v61, v16;
	v18 =	vld [tilespmem:s11+$0x4000]  }
0x197: {  	v11 =	vand.u32 $0x1010101, v17;
	v17 =	vld [tilespmem:s12+$0x0];
	vm0 =	vgt.s32 v22, $0xFFFFFF;
	v15 =	vand.u32 $0x7FFFFFFF, v15  }
0x198: {  	v20 =	vadd.s32 v9, v11;
	v11 =	vld [tilespmem:s21+$0x0];
	v12 =	vadd.f32 v14, v12;
	v14 =	vand.u32 $0x7FFFFFFF, v16  }
0x199: {  	v15 =	vnsel vm0, $0x0, v15;
	v16 =	vld [tilespmem:s12+$0x4000];
	v9 =	vnsel vm1, $0x0, v14  }
0x19a: {  	s3 =	sor.u32 $0x3A0, s10;
	v14 =	vadd.f32 v15, v7;
	v15 =	vperm.xlane v19, v0;
	v22 =	vperm.xlane v19, v4  }
0x19b: {  	v23 =	vld [tilespmem:s3+$0x0];
	v7 =	vadd.f32 v9, v8;
	v8 =	vperm.xlane v19, v2;
	v9 =	vsub.f32 v13, v18  }
0x19c: {  	s28 =	sor.u32 s30, s29;
	s23 =	simm.s32 $0x40;
	v13 =	vperm.xlane v19, v3;
	v15 =	vshll.u32 v15, v1;
	v18 =	vld [tilespmem:s3+$0x4000];
	v22 =	vshll.u32 v22, v1  }
0x19d: {  	s7 =	sor.u32 s23, s31;
	v19 =	vand.u32 $0x1010101, v19;
	s3 =	sor.u32 $0x380, s28;
	v11 =	vsub.f32 v11, v21;
	vm0 =	vgt.s32 v22, $0xFFFFFF  }
0x19e: {  	s29 =	sor.u32 $0x3B0, s7;
	v8 =	vshll.u32 v8, v1;
	v62 =	vld [tilespmem:s3+$0x8000];
	v16 =	vsub.f32 v17, v16;
	v9 =	vand.u32 $0x7FFFFFFF, v9  }
0x19f: {  	v22 =	vld [tilespmem:s29+$0x0];
	v13 =	vshll.u32 v13, v1;
	vm1 =	vgt.s32 v8, $0xFFFFFF;
	v9 =	vnsel vm0, $0x0, v9  }
0x1a0: {  	s30 =	sor.u32 $0x380, s7;
	vm0 =	vgt.s32 v15, $0xFFFFFF;
	v15 =	vld [tilespmem:s29+$0x4000];
	v9 =	vadd.f32 v9, v10;
	v10 =	vand.u32 $0x7FFFFFFF, v16  }
0x1a1: {  	v21 =	vld [tilespmem:s30+$0x0];
	v8 =	vnsel vm0, $0x0, v10;
	v10 =	vand.u32 $0x7FFFFFFF, v11;
	v16 =	vsub.f32 v23, v18  }
0x1a2: {  	s31 =	sor.u32 $0x390, s7;
	vm0 =	vgt.s32 v13, $0xFFFFFF;
	v23 =	vld [tilespmem:s30+$0x4000];
	v11 =	vadd.f32 v8, v12;
	v8 =	vnsel vm1, $0x0, v10  }
0x1a3: {  	v17 =	vld [tilespmem:s31+$0x4000];
	v13 =	vperm.xlane v62, v0;
	v18 =	vperm.xlane v62, v4;
	v10 =	vadd.f32 v8, v14  }
0x1a4: {  	s9 =	sor.u32 $0x3A0, s7;
	v12 =	vand.u32 $0x7FFFFFFF, v16;
	v8 =	vadd.s32 v20, v19;
	v14 =	vld [tilespmem:s31+$0x0];
	v19 =	vperm.xlane v62, v2  }
0x1a5: {  	s7 =	simm.s32 $0x80;
	s3 =	simm.s32 $0x400;
	v16 =	vperm.xlane v62, v3;
	v12 =	vnsel vm0, $0x0, v12;
	v22 =	vsub.f32 v22, v15;
	v15 =	vld [tilespmem:s9+$0x0]  }
0x1a6: {  	s8 =	simm.s32 $0x100;
	s10 =	sor.u32 s7, s3;
	v20 =	vshll.u32 v13, v1;
	v63 =	vshll.u32 v18, v1;
	v13 =	vand.u32 $0x1010101, v62;
	v18 =	vld [tilespmem:s9+$0x4000]  }
0x1a7: {  	s11 =	sor.u32 s8, s0;
	s0 =	simm.s32 $0x30;
	s21 =	sor.u32 $0x3B0, s10;
	vm0 =	vgt.s32 v63, $0xFFFFFF;
	v21 =	vsub.f32 v21, v23;
	v22 =	vand.u32 $0x7FFFFFFF, v22  }
.LBB2_37:
0x1a8: {  	p0 =	sne.s32 s0, $0xF0;
	s9 =	sor.u32 $0x380, s11;
	s11 =	sor.u32 $0x380, s10;
	v23 =	vld [tilespmem:s21+$0x0];
	v19 =	vshll.u32 v19, v1;
	v16 =	vshll.u32 v16, v1;
	v22 =	vnsel vm0, $0x0, v22  }
0x1a9: {  	s12 =	sor.u32 $0x3A0, s10;
	vm0 =	vgt.s32 v20, $0xFFFFFF;
	v24 =	vld [tilespmem:s9+$0x8000];
	s9 =	sor.u32 $0x390, s10;
	v14 =	vsub.f32 v14, v17;
	v9 =	vadd.f32 v22, v9  }
0x1aa: {  	v17 =	vand.u32 $0x7FFFFFFF, v21;
	vm1 =	vgt.s32 v19, $0xFFFFFF;
	vm2 =	vgt.s32 v16, $0xFFFFFF;
	v20 =	vld [tilespmem:s21+$0x4000]  }
0x1ab: {  	v16 =	vnsel vm0, $0x0, v17;
	v21 =	vld [tilespmem:s11+$0x0];
	v14 =	vand.u32 $0x7FFFFFFF, v14;
	v15 =	vsub.f32 v15, v18  }
0x1ac: {  	v7 =	vadd.f32 v12, v7;
	v11 =	vadd.f32 v16, v11;
	v22 =	vld [tilespmem:s11+$0x4000];
	v16 =	vnsel vm1, $0x0, v14  }
.Ltmp21:
0x1ad: {  	v8 =	vadd.s32 v8, v13;
	v14 =	vld [tilespmem:s9+$0x0];
	v10 =	vadd.f32 v16, v10;
	v12 =	vand.u32 $0x7FFFFFFF, v15;
	(pc) =	sbr.rel @p0 .LBB2_37-.Ltmp21, $4  }
0x1ae: {  	v13 =	vperm.xlane v24, v0;
	v17 =	vld [tilespmem:s9+$0x4000];
	v25 =	vperm.xlane v24, v4;
	v12 =	vnsel vm2, $0x0, v12  }
0x1af: {  	s3 =	sadd.s32 $0x200, s3;
	s7 =	sadd.s32 $0x40, s7;
	v19 =	vperm.xlane v24, v2;
	v16 =	vperm.xlane v24, v3;
	v15 =	vld [tilespmem:s12+$0x0];
	v23 =	vsub.f32 v23, v20  }
0x1b0: {  	s8 =	sadd.s32 $0x80, s8;
	s10 =	sor.u32 s7, s3;
	v20 =	vshll.u32 v13, v1;
	v18 =	vld [tilespmem:s12+$0x4000];
	v25 =	vshll.u32 v25, v1;
	v13 =	vand.u32 $0x1010101, v24  }
0x1b1: {  	s21 =	sor.u32 $0x3B0, s10;
	s11 =	sor.u32 s8, s0;
	s0 =	sadd.s32 $0x10, s0;
	v21 =	vsub.f32 v21, v22;
	v22 =	vand.u32 $0x7FFFFFFF, v23;
	vm0 =	vgt.s32 v25, $0xFFFFFF  }
0x1b2: {  	v23 =	vld [tilespmem:s21+$0x0]  }
0x1b3: {  	s0 =	sor.u32 $0x380, s11;
	v25 =	vld [tilespmem:s21+$0x4000]  }
0x1b4: {  	s9 =	sor.u32 $0x380, s10;
	v24 =	vld [tilespmem:s0+$0x8000]  }
0x1b5: {  	v26 =	vld [tilespmem:s9+$0x0]  }
0x1b6: {  	s3 =	sor.u32 $0x390, s10;
	v27 =	vld [tilespmem:s9+$0x4000]  }
0x1b7: {  	v28 =	vld [tilespmem:s3+$0x0]  }
0x1b8: {  	s10 =	sor.u32 $0x3A0, s10;
	v29 =	vld [tilespmem:s3+$0x4000]  }
0x1b9: {  	v30 =	vld [tilespmem:s10+$0x0]  }
0x1ba: {  	v31 =	vld [tilespmem:s10+$0x4000];
	_ =	swait.ge [sflag:s20], $0x2000  }
0x1bb: {  	[sflag:s20] =	ssyncset.done $0x0  }
0x1bc: {  	[sflag:s20] =	ssyncadd.s32 $0xFFFFE000  }
0x1bd: {  	s11 =	sadd.s32 $0x2, s26;
	_ =	swait.ge [sflag:s20], $0x2000  }
0x1be: {  	vm1 =	vgt.s32 v20, $0xFFFFFF;
	v19 =	vshll.u32 v19, v1;
	s0 =	sand.u32 $0x3E, s11;
	[sflag:s20] =	ssyncset.done $0x0  }
0x1bf: {  	v16 =	vshll.u32 v16, v1;
	v7 =	vadd.f32 v12, v7;
	v14 =	vsub.f32 v14, v17;
	s0 =	sor.u32 s6, s0;
	[sflag:s20] =	ssyncadd.s32 $0xFFFFE000  }
0x1c0: {  	v8 =	vadd.s32 v8, v13;
	vm2 =	vgt.s32 v19, $0xFFFFFF;
	v17 =	vnsel vm0, $0x0, v22;
	s12 =	sshll.u32 s0, $0xA;
	_ =	swait.ge [sflag:s20], $0x800  }
0x1c1: {  	s8 =	simm.s32 $0x0;
	v9 =	vadd.f32 v17, v9;
	v17 =	vand.u32 $0x7FFFFFFF, v21;
	v14 =	vand.u32 $0x7FFFFFFF, v14;
	s3 =	sand.u32 $0x1FF800, s12;
	[sflag:s20] =	ssyncset.done $0x0  }
0x1c2: {  	v15 =	vsub.f32 v15, v18;
	v17 =	vnsel vm1, $0x0, v17;
	s0 =	sshll.u32 s0, $0x8;
	v14 =	vnsel vm2, $0x0, v14;
	s7 =	sadd.s32 s1, s3;
	[sflag:s20] =	ssyncadd.s32 $0xFFFFF800  }
0x1c3: {  	vm0 =	vgt.s32 v16, $0xFFFFFF;
	v11 =	vadd.f32 v17, v11;
	v10 =	vadd.f32 v14, v10;
	[tilespmem:s8], [sflag:$0x1] =	stream.linear.gather [hbm4b:s7+s8], $0x2000, $0x38;
	[tilespmem:$0x9080] =	vst v63  }
0x1c4: {  	s0 =	sand.u32 $0x7FE00, s0;
	s3 =	sadd.s32 s2, s3;
	v12 =	vand.u32 $0x7FFFFFFF, v15;
	v17 =	vsub.f32 v23, v25;
	v14 =	vperm.xlane v24, v4  }
0x1c5: {  	v13 =	vperm.xlane v24, v0;
	v12 =	vnsel vm0, $0x0, v12;
	v15 =	vperm.xlane v24, v2;
	[tilespmem:s14], [sflag:$0x1] =	stream.linear.gather [hbm4b:s3+s8], $0x2000, $0x38;
	[tilespmem:$0x9080] =	vst v63  }
0x1c6: {  	s21 =	sand.u32 $0x40, s8;
	s23 =	sand.u32 $0x1C00, s8;
	s0 =	sadd.s32 s5, s0;
	v16 =	vperm.xlane v24, v3;
	v17 =	vand.u32 $0x7FFFFFFF, v17;
	v14 =	vshll.u32 v14, v1  }
0x1c7: {  	v19 =	vsub.f32 v26, v27;
	v13 =	vshll.u32 v13, v1;
	vm0 =	vgt.s32 v14, $0xFFFFFF;
	[tilespmem:s15], [sflag:$0x1] =	stream.linear.gather [hbm4b:s0+s8], $0x800, $0x38;
	[tilespmem:$0x9080] =	vst v63  }
0x1c8: {  	v14 =	vshll.u32 v15, v1;
	v15 =	vshll.u32 v16, v1;
	v16 =	vnsel vm0, $0x0, v17;
	s0 =	sor.u32 s21, s23  }
0x1c9: {  	vm0 =	vgt.s32 v13, $0xFFFFFF;
	v9 =	vadd.f32 v16, v9;
	v16 =	vand.u32 $0x7FFFFFFF, v19;
	v13 =	vld [tilespmem:s0+$0x2030]  }
0x1ca: {  	v17 =	vsub.f32 v28, v29;
	vm1 =	vgt.s32 v14, $0xFFFFFF;
	v14 =	vnsel vm0, $0x0, v16;
	v20 =	vld [tilespmem:s0+$0x6030]  }
0x1cb: {  	s26 =	sand.u32 $0x70, s8;
	v14 =	vadd.f32 v14, v11;
	s8 =	sand.u32 $0x400, s8;
	v11 =	vld [tilespmem:s0+$0x2000]  }
0x1cc: {  	vm0 =	vgt.s32 v15, $0xFFFFFF;
	v15 =	vand.u32 $0x7FFFFFFF, v17;
	s28 =	sor.u32 s26, s8;
	v17 =	vld [tilespmem:s0+$0x6000]  }
0x1cd: {  	v16 =	vsub.f32 v30, v31;
	v19 =	vld [tilespmem:s28+$0x8800]  }
0x1ce: {  	v18 =	vand.u32 $0x1010101, v24  }
0x1cf: {  	v12 =	vadd.f32 v12, v7;
	v15 =	vnsel vm1, $0x0, v15;
	v16 =	vand.u32 $0x7FFFFFFF, v16  }
0x1d0: {  	v7 =	vadd.s32 v8, v18;
	v10 =	vadd.f32 v15, v10;
	v8 =	vnsel vm0, $0x0, v16;
	v15 =	vld [tilespmem:s0+$0x2010]  }
0x1d1: {  	v21 =	vimm.s32 $0x0;
	v16 =	vld [tilespmem:s0+$0x6010];
	v8 =	vadd.f32 v8, v12;
	v13 =	vsub.f32 v13, v20  }
0x1d2: {  	s31 =	simm.s32 $0x10;
	s10 =	simm.s32 $0x200;
	s9 =	simm.s32 $0x80;
	v23 =	vld [tilespmem:s0+$0x2020];
	v17 =	vsub.f32 v11, v17;
	v12 =	vperm.xlane v19, v0;
	v18 =	vperm.xlane v19, v4  }
0x1d3: {  	s11 =	simm.s32 $0x40;
	s9 =	sand.u32 $0x400, s9;
	s3 =	sand.u32 $0x70, s31;
	v60 =	vld [tilespmem:s0+$0x6020];
	v22 =	vperm.xlane v19, v2;
	v20 =	vperm.xlane v19, v3;
	v19 =	vand.u32 $0x1010101, v19  }
0x1d4: {  	s7 =	sand.u32 $0x1C00, s10;
	s30 =	sor.u32 s3, s9;
	s8 =	sand.u32 $0x40, s11;
	v11 =	vand.u32 $0x7FFFFFFF, v13;
	v12 =	vshll.u32 v12, v1;
	v18 =	vshll.u32 v18, v1  }
0x1d5: {  	s26 =	sor.u32 s8, s7;
	v13 =	vshll.u32 v22, v1;
	v20 =	vshll.u32 v20, v1;
	v22 =	vld [tilespmem:s30+$0x8800];
	vm0 =	vgt.s32 v18, $0xFFFFFF  }
0x1d6: {  	v18 =	vld [tilespmem:s26+$0x2030];
	v11 =	vnsel vm0, $0x0, v11;
	vm0 =	vgt.s32 v12, $0xFFFFFF;
	v12 =	vsub.f32 v15, v16  }
0x1d7: {  	vm1 =	vgt.s32 v13, $0xFFFFFF;
	v15 =	vld [tilespmem:s26+$0x6030];
	v11 =	vadd.f32 v11, v9;
	v9 =	vand.u32 $0x7FFFFFFF, v17  }
0x1d8: {  	v61 =	vld [tilespmem:s26+$0x2000];
	v16 =	vsub.f32 v23, v60;
	v9 =	vnsel vm0, $0x0, v9;
	v13 =	vand.u32 $0x7FFFFFFF, v12  }
0x1d9: {  	v23 =	vld [tilespmem:s26+$0x6000];
	vm0 =	vgt.s32 v20, $0xFFFFFF;
	v12 =	vadd.f32 v9, v14;
	v9 =	vnsel vm1, $0x0, v13  }
0x1da: {  	v17 =	vld [tilespmem:s26+$0x6010];
	v13 =	vand.u32 $0x7FFFFFFF, v16;
	v16 =	vperm.xlane v22, v0;
	v62 =	vperm.xlane v22, v4  }
0x1db: {  	s29 =	simm.s32 $0x20;
	v14 =	vld [tilespmem:s26+$0x2010];
	v20 =	vperm.xlane v22, v3;
	v9 =	vadd.f32 v9, v10;
	v10 =	vadd.s32 v21, v19  }
0x1dc: {  	s10 =	sand.u32 $0x70, s29;
	s21 =	simm.s32 $0x80;
	s7 =	simm.s32 $0x400;
	v13 =	vnsel vm0, $0x0, v13;
	v19 =	vperm.xlane v22, v2;
	v63 =	vsub.f32 v18, v15;
	v15 =	vld [tilespmem:s26+$0x2020]  }
0x1dd: {  	s23 =	simm.s32 $0x100;
	s12 =	sand.u32 $0x40, s21;
	s31 =	sand.u32 $0x1C00, s7;
	v21 =	vshll.u32 v16, v1;
	v24 =	vshll.u32 v62, v1;
	v16 =	vand.u32 $0x1010101, v22;
	v18 =	vld [tilespmem:s26+$0x6020]  }
0x1de: {  	s11 =	sand.u32 $0x400, s23;
	s8 =	simm.s32 $0x30;
	s3 =	sor.u32 s12, s31;
	v22 =	vsub.f32 v61, v23;
	vm0 =	vgt.s32 v24, $0xFFFFFF;
	v23 =	vand.u32 $0x7FFFFFFF, v63  }
.LBB2_39:
0x1df: {  	p0 =	sne.s32 s8, $0xF0;
	s9 =	sor.u32 s10, s11;
	v24 =	vld [tilespmem:s3+$0x2030];
	v19 =	vshll.u32 v19, v1;
	v20 =	vshll.u32 v20, v1;
	v23 =	vnsel vm0, $0x0, v23  }
0x1e0: {  	vm0 =	vgt.s32 v21, $0xFFFFFF;
	v25 =	vld [tilespmem:s9+$0x8800];
	v14 =	vsub.f32 v14, v17;
	v11 =	vadd.f32 v23, v11  }
0x1e1: {  	v17 =	vand.u32 $0x7FFFFFFF, v22;
	vm1 =	vgt.s32 v19, $0xFFFFFF;
	vm2 =	vgt.s32 v20, $0xFFFFFF;
	v21 =	vld [tilespmem:s3+$0x6030]  }
0x1e2: {  	v17 =	vnsel vm0, $0x0, v17;
	v22 =	vld [tilespmem:s3+$0x2000];
	v14 =	vand.u32 $0x7FFFFFFF, v14;
	v15 =	vsub.f32 v15, v18  }
0x1e3: {  	v8 =	vadd.f32 v13, v8;
	v12 =	vadd.f32 v17, v12;
	v23 =	vld [tilespmem:s3+$0x6000];
	v17 =	vnsel vm1, $0x0, v14  }
.Ltmp22:
0x1e4: {  	v10 =	vadd.s32 v10, v16;
	v14 =	vld [tilespmem:s3+$0x2010];
	v9 =	vadd.f32 v17, v9;
	v13 =	vand.u32 $0x7FFFFFFF, v15;
	(pc) =	sbr.rel @p0 .LBB2_39-.Ltmp22, $4  }
0x1e5: {  	v16 =	vperm.xlane v25, v0;
	v17 =	vld [tilespmem:s3+$0x6010];
	v26 =	vperm.xlane v25, v4;
	v13 =	vnsel vm2, $0x0, v13  }
0x1e6: {  	s7 =	sadd.s32 $0x200, s7;
	s21 =	sadd.s32 $0x40, s21;
	s23 =	sadd.s32 $0x80, s23;
	v19 =	vperm.xlane v25, v2;
	v20 =	vperm.xlane v25, v3;
	v15 =	vld [tilespmem:s3+$0x2020];
	v24 =	vsub.f32 v24, v21  }
0x1e7: {  	s10 =	sand.u32 $0x70, s8;
	s9 =	sand.u32 $0x40, s21;
	s12 =	sand.u32 $0x1C00, s7;
	v21 =	vshll.u32 v16, v1;
	v18 =	vld [tilespmem:s3+$0x6020];
	v26 =	vshll.u32 v26, v1;
	v16 =	vand.u32 $0x1010101, v25  }
0x1e8: {  	s8 =	sadd.s32 $0x10, s8;
	s11 =	sand.u32 $0x400, s23;
	s3 =	sor.u32 s9, s12;
	v22 =	vsub.f32 v22, v23;
	v23 =	vand.u32 $0x7FFFFFFF, v24;
	vm0 =	vgt.s32 v26, $0xFFFFFF  }
0x1e9: {  	v8 =	vadd.f32 v13, v8;
	v13 =	vld [tilespmem:s3+$0x2010]  }
0x1ea: {  	v10 =	vadd.s32 v10, v16;
	v16 =	vld [tilespmem:s3+$0x6010]  }
0x1eb: {  	s7 =	sor.u32 s10, s11;
	v19 =	vshll.u32 v19, v1;
	v62 =	vld [tilespmem:s30+$0x8880]  }
0x1ec: {  	v20 =	vshll.u32 v20, v1;
	v23 =	vnsel vm0, $0x0, v23;
	v25 =	vld [tilespmem:s7+$0x8800];
	v14 =	vsub.f32 v14, v17  }
0x1ed: {  	v24 =	vld [tilespmem:s3+$0x2030];
	vm0 =	vgt.s32 v21, $0xFFFFFF;
	v11 =	vadd.f32 v23, v11;
	v21 =	vand.u32 $0x7FFFFFFF, v22  }
0x1ee: {  	v17 =	vld [tilespmem:s3+$0x6030];
	vm1 =	vgt.s32 v19, $0xFFFFFF;
	v14 =	vand.u32 $0x7FFFFFFF, v14;
	v15 =	vsub.f32 v15, v18  }
0x1ef: {  	vm2 =	vgt.s32 v20, $0xFFFFFF;
	v19 =	vld [tilespmem:s3+$0x2000];
	v20 =	vnsel vm0, $0x0, v21;
	v14 =	vnsel vm1, $0x0, v14  }
0x1f0: {  	v18 =	vld [tilespmem:s3+$0x6000];
	v12 =	vadd.f32 v20, v12;
	v9 =	vadd.f32 v14, v9;
	v14 =	vand.u32 $0x7FFFFFFF, v15  }
0x1f1: {  	v13 =	vsub.f32 v13, v16;
	v63 =	vperm.xlane v62, v4;
	v15 =	vperm.xlane v25, v0  }
0x1f2: {  	v60 =	vld [tilespmem:s3+$0x6020];
	v20 =	vperm.xlane v25, v4;
	v14 =	vnsel vm2, $0x0, v14;
	v21 =	vperm.xlane v25, v2  }
0x1f3: {  	v23 =	vld [tilespmem:s3+$0x2020];
	v22 =	vperm.xlane v25, v3;
	v17 =	vsub.f32 v24, v17;
	v25 =	vand.u32 $0x1010101, v25  }
0x1f4: {  	v13 =	vand.u32 $0x7FFFFFFF, v13;
	v8 =	vadd.f32 v14, v8;
	v14 =	vld [tilespmem:s0+$0x6080];
	v15 =	vshll.u32 v15, v1  }
0x1f5: {  	v20 =	vshll.u32 v20, v1;
	v18 =	vsub.f32 v19, v18;
	v19 =	vshll.u32 v21, v1;
	v21 =	vld [tilespmem:s0+$0x20B0]  }
0x1f6: {  	v17 =	vand.u32 $0x7FFFFFFF, v17;
	vm0 =	vgt.s32 v20, $0xFFFFFF;
	vm1 =	vgt.s32 v19, $0xFFFFFF;
	v19 =	vld [tilespmem:s0+$0x2080]  }
0x1f7: {  	v20 =	vshll.u32 v22, v1;
	v17 =	vnsel vm0, $0x0, v17;
	vm0 =	vgt.s32 v15, $0xFFFFFF;
	v15 =	vld [tilespmem:s28+$0x8880]  }
0x1f8: {  	v16 =	vand.u32 $0x7FFFFFFF, v18;
	v18 =	vsub.f32 v23, v60;
	v11 =	vadd.f32 v17, v11;
	v17 =	vld [tilespmem:s0+$0x60B0]  }
0x1f9: {  	v24 =	vshll.u32 v63, v1;
	vm2 =	vgt.s32 v20, $0xFFFFFF;
	v13 =	vnsel vm1, $0x0, v13  }
0x1fa: {  	v20 =	vld [tilespmem:s0+$0x6090];
	v16 =	vnsel vm0, $0x0, v16;
	v9 =	vadd.f32 v13, v9;
	v13 =	vand.u32 $0x7FFFFFFF, v18  }
0x1fb: {  	v12 =	vadd.f32 v16, v12;
	v16 =	vadd.s32 v10, v25;
	v10 =	vld [tilespmem:s0+$0x2090];
	v13 =	vnsel vm2, $0x0, v13  }
0x1fc: {  	v8 =	vadd.f32 v13, v8;
	v14 =	vsub.f32 v19, v14;
	v18 =	vperm.xlane v15, v0  }
0x1fd: {  	v61 =	vld [tilespmem:s0+$0x60A0];
	v22 =	vperm.xlane v15, v4;
	v13 =	vperm.xlane v15, v2;
	v17 =	vsub.f32 v21, v17  }
0x1fe: {  	v23 =	vld [tilespmem:s0+$0x20A0];
	v21 =	vperm.xlane v15, v3;
	v15 =	vand.u32 $0x1010101, v15;
	v14 =	vand.u32 $0x7FFFFFFF, v14  }
0x1ff: {  	v18 =	vshll.u32 v18, v1;
	v22 =	vshll.u32 v22, v1;
	v13 =	vshll.u32 v13, v1  }
0x200: {  	v10 =	vsub.f32 v10, v20;
	v17 =	vand.u32 $0x7FFFFFFF, v17;
	vm0 =	vgt.s32 v22, $0xFFFFFF;
	v22 =	vld [tilespmem:s26+$0x20B0]  }
0x201: {  	v20 =	vperm.xlane v62, v2;
	v17 =	vnsel vm0, $0x0, v17;
	vm0 =	vgt.s32 v18, $0xFFFFFF;
	v18 =	vld [tilespmem:s26+$0x60B0]  }
0x202: {  	v26 =	vld [tilespmem:s26+$0x2080];
	vm1 =	vgt.s32 v13, $0xFFFFFF;
	v10 =	vand.u32 $0x7FFFFFFF, v10;
	v11 =	vadd.f32 v17, v11  }
0x203: {  	v13 =	vnsel vm0, $0x0, v14;
	v14 =	vsub.f32 v23, v61;
	v23 =	vld [tilespmem:s26+$0x6080];
	v10 =	vnsel vm1, $0x0, v10  }
0x204: {  	v19 =	vshll.u32 v21, v1;
	v17 =	vld [tilespmem:s26+$0x6090];
	v12 =	vadd.f32 v13, v12;
	v10 =	vadd.f32 v10, v9  }
0x205: {  	v9 =	vadd.s32 v16, v15;
	v15 =	vperm.xlane v62, v0;
	v13 =	vand.u32 $0x7FFFFFFF, v14;
	v14 =	vld [tilespmem:s26+$0x2090]  }
0x206: {  	s21 =	simm.s32 $0x100;
	s7 =	simm.s32 $0x80;
	s3 =	simm.s32 $0x400;
	vm0 =	vgt.s32 v19, $0xFFFFFF;
	v19 =	vperm.xlane v62, v3;
	v16 =	vld [tilespmem:s26+$0x20A0];
	v27 =	vsub.f32 v22, v18  }
0x207: {  	s10 =	sand.u32 $0x70, s29;
	s31 =	sand.u32 $0x40, s7;
	s8 =	sand.u32 $0x1C00, s3;
	v13 =	vnsel vm0, $0x0, v13;
	v21 =	vshll.u32 v15, v1;
	v15 =	vand.u32 $0x1010101, v62;
	v18 =	vld [tilespmem:s26+$0x60A0]  }
0x208: {  	s11 =	sand.u32 $0x400, s21;
	s0 =	sor.u32 s31, s8;
	s8 =	simm.s32 $0x30;
	vm0 =	vgt.s32 v24, $0xFFFFFF;
	v22 =	vsub.f32 v26, v23;
	v23 =	vand.u32 $0x7FFFFFFF, v27  }
.LBB2_41:
0x209: {  	p0 =	sne.s32 s8, $0xF0;
	s9 =	sor.u32 s10, s11;
	v24 =	vld [tilespmem:s0+$0x20B0];
	v20 =	vshll.u32 v20, v1;
	v19 =	vshll.u32 v19, v1;
	v23 =	vnsel vm0, $0x0, v23  }
0x20a: {  	vm0 =	vgt.s32 v21, $0xFFFFFF;
	v25 =	vld [tilespmem:s9+$0x8880];
	v14 =	vsub.f32 v14, v17;
	v11 =	vadd.f32 v23, v11  }
0x20b: {  	v17 =	vand.u32 $0x7FFFFFFF, v22;
	vm1 =	vgt.s32 v20, $0xFFFFFF;
	vm2 =	vgt.s32 v19, $0xFFFFFF;
	v21 =	vld [tilespmem:s0+$0x60B0]  }
0x20c: {  	v17 =	vnsel vm0, $0x0, v17;
	v22 =	vld [tilespmem:s0+$0x2080];
	v14 =	vand.u32 $0x7FFFFFFF, v14;
	v16 =	vsub.f32 v16, v18  }
0x20d: {  	v8 =	vadd.f32 v13, v8;
	v12 =	vadd.f32 v17, v12;
	v23 =	vld [tilespmem:s0+$0x6080];
	v17 =	vnsel vm1, $0x0, v14  }
.Ltmp23:
0x20e: {  	v9 =	vadd.s32 v9, v15;
	v14 =	vld [tilespmem:s0+$0x2090];
	v10 =	vadd.f32 v17, v10;
	v13 =	vand.u32 $0x7FFFFFFF, v16;
	(pc) =	sbr.rel @p0 .LBB2_41-.Ltmp23, $4  }
0x20f: {  	v15 =	vperm.xlane v25, v0;
	v17 =	vld [tilespmem:s0+$0x6090];
	v26 =	vperm.xlane v25, v4;
	v13 =	vnsel vm2, $0x0, v13  }
0x210: {  	s3 =	sadd.s32 $0x200, s3;
	s7 =	sadd.s32 $0x40, s7;
	s21 =	sadd.s32 $0x80, s21;
	v20 =	vperm.xlane v25, v2;
	v19 =	vperm.xlane v25, v3;
	v16 =	vld [tilespmem:s0+$0x20A0];
	v24 =	vsub.f32 v24, v21  }
0x211: {  	s10 =	sand.u32 $0x70, s8;
	s9 =	sand.u32 $0x40, s7;
	s12 =	sand.u32 $0x1C00, s3;
	v21 =	vshll.u32 v15, v1;
	v18 =	vld [tilespmem:s0+$0x60A0];
	v26 =	vshll.u32 v26, v1;
	v15 =	vand.u32 $0x1010101, v25  }
0x212: {  	s8 =	sadd.s32 $0x10, s8;
	s11 =	sand.u32 $0x400, s21;
	s0 =	sor.u32 s9, s12;
	v22 =	vsub.f32 v22, v23;
	v23 =	vand.u32 $0x7FFFFFFF, v24;
	vm0 =	vgt.s32 v26, $0xFFFFFF  }
0x213: {  	s3 =	sor.u32 s10, s11;
	v24 =	vld [tilespmem:s0+$0x20B0]  }
0x214: {  	v20 =	vshll.u32 v20, v1;
	v19 =	vshll.u32 v19, v1;
	v25 =	vld [tilespmem:s3+$0x8880]  }
0x215: {  	v23 =	vnsel vm0, $0x0, v23;
	vm0 =	vgt.s32 v21, $0xFFFFFF;
	v14 =	vsub.f32 v14, v17;
	v17 =	vld [tilespmem:s0+$0x60B0]  }
0x216: {  	v8 =	vadd.f32 v13, v8;
	v15 =	vadd.s32 v9, v15;
	v21 =	vand.u32 $0x7FFFFFFF, v22;
	v22 =	vld [tilespmem:s0+$0x2080]  }
0x217: {  	vm1 =	vgt.s32 v20, $0xFFFFFF;
	v20 =	vnsel vm0, $0x0, v21;
	v21 =	vld [tilespmem:s0+$0x6080];
	v14 =	vand.u32 $0x7FFFFFFF, v14  }
0x218: {  	v11 =	vadd.f32 v23, v11;
	v16 =	vsub.f32 v16, v18;
	v18 =	vld [tilespmem:s0+$0x2090];
	v14 =	vnsel vm1, $0x0, v14  }
0x219: {  	vm0 =	vgt.s32 v19, $0xFFFFFF;
	v12 =	vadd.f32 v20, v12;
	v20 =	vld [tilespmem:s0+$0x60A0];
	v13 =	vadd.f32 v14, v10  }
0x21a: {  	v10 =	vld [tilespmem:s0+$0x6090];
	v14 =	vand.u32 $0x7FFFFFFF, v16;
	v9 =	vperm.xlane v25, v0;
	v19 =	vperm.xlane v25, v4  }
0x21b: {  	v16 =	vld [tilespmem:s0+$0x20A0];
	v14 =	vnsel vm0, $0x0, v14;
	v17 =	vsub.f32 v24, v17;
	v23 =	vperm.xlane v25, v2  }
0x21c: {  	v24 =	vperm.xlane v25, v3;
	v21 =	vsub.f32 v22, v21;
	v8 =	vadd.f32 v14, v8  }
0x21d: {  	v9 =	vshll.u32 v9, v1;
	v19 =	vshll.u32 v19, v1;
	v17 =	vand.u32 $0x7FFFFFFF, v17  }
0x21e: {  	v22 =	vshll.u32 v24, v1;
	vm0 =	vgt.s32 v19, $0xFFFFFF;
	v19 =	vshll.u32 v23, v1  }
0x21f: {  	v17 =	vnsel vm0, $0x0, v17;
	vm0 =	vgt.s32 v9, $0xFFFFFF;
	v10 =	vsub.f32 v18, v10  }
0x220: {  	v16 =	vsub.f32 v16, v20;
	v9 =	vadd.f32 v17, v11;
	v11 =	vand.u32 $0x7FFFFFFF, v21  }
0x221: {  	p1 =	por $0x1, $0x1;
	vm2 =	vgt.s32 v22, $0xFFFFFF;
	vm1 =	vgt.s32 v19, $0xFFFFFF;
	v11 =	vnsel vm0, $0x0, v11  }
.Ltmp24:
0x222: {  	s26 =	simm.s32 $0x0;
	v17 =	vand.u32 $0x7FFFFFFF, v10;
	v14 =	vand.u32 $0x7FFFFFFF, v16;
	v10 =	vadd.f32 v11, v12;
	(pc) =	sbr.rel @!p1 .LBB2_48-.Ltmp24, $4  }
0x223: {  	p2 =	por $0x0, $0x0;
	p0 =	por $0x0, $0x0;
	p3 =	por $0x0, $0x0;
	v11 =	vnsel vm1, $0x0, v17;
	v12 =	vnsel vm2, $0x0, v14;
	v14 =	vand.u32 $0x1010101, v25  }
0x224: {  	s31 =	sand.u32 $0x40, s26;
	s7 =	sand.u32 $0x1C00, s26;
	s29 =	sand.u32 $0x400, s26;
	v11 =	vadd.f32 v11, v13;
	v8 =	vadd.f32 v12, v8  }
0x225: {  	s28 =	sand.u32 $0x70, s26;
	s26 =	sor.u32 s31, s7;
	s10 =	smov.u32 s29;
	v12 =	vadd.s32 v15, v14  }
0x226: {  	s3 =	smov.u32 s28;
	s30 =	smov.u32 s26;
	s0 =	simm.s32 $0x10;
	v16 =	vmovc v10;
	v20 =	vmovc v12;
	v14 =	vmov v9;
	v25 =	vmov v8;
	v18 =	vmov v11  }
0x227: {  	v14 =	vld [tilespmem:s26+$0x2130]  }
0x228: {  	v15 =	vld [tilespmem:s26+$0x6130]  }
0x229: {  	s3 =	sor.u32 s28, s29;
	v18 =	vld [tilespmem:s26+$0x2100]  }
0x22a: {  	v16 =	vld [tilespmem:s3+$0x8900]  }
0x22b: {  	v20 =	vld [tilespmem:s26+$0x6100];
	_ =	sdelay $0x1  }
0x22c: {  	p3 =	por $0x1, $0x1  }
.Ltmp25:
0x22d: {  	_ = 	snop;
	(pc) =	sbr.rel @!p3 .LBB2_44-.Ltmp25, $4  }
0x22e: {  	v13 =	vld [tilespmem:s26+$0x2110];
	s7 =	simm.s32 $0x200;
	v14 =	vsub.f32 v14, v15;
	v21 =	vperm.xlane v16, v4  }
0x22f: {  	v17 =	vld [tilespmem:s26+$0x6110];
	s8 =	simm.s32 $0x40;
	s9 =	simm.s32 $0x80;
	p2 =	por $0x1, $0x1;
	v27 =	vsub.f32 v18, v20;
	v19 =	vperm.xlane v16, v0;
	v22 =	vperm.xlane v16, v2  }
0x230: {  	v24 =	vld [tilespmem:s26+$0x6120];
	s3 =	sand.u32 $0x70, s0;
	s8 =	sand.u32 $0x40, s8;
	s7 =	sand.u32 $0x1C00, s7;
	v23 =	vperm.xlane v16, v3;
	v28 =	vand.u32 $0x7FFFFFFF, v14;
	v21 =	vshll.u32 v21, v1  }
0x231: {  	s10 =	sand.u32 $0x400, s9;
	s30 =	sor.u32 s8, s7;
	s8 =	simm.s32 $0x20;
	v15 =	vld [tilespmem:s26+$0x2120];
	v26 =	vshll.u32 v19, v1;
	v19 =	vand.u32 $0x1010101, v16;
	vm0 =	vgt.s32 v21, $0xFFFFFF  }
0x232: {  	v25 =	vld [tilespmem:s30+$0x2130]  }
0x233: {  	s3 =	sor.u32 s3, s10;
	v14 =	vnsel vm0, $0x0, v28;
	vm0 =	vgt.s32 v26, $0xFFFFFF;
	v26 =	vld [tilespmem:s30+$0x6130]  }
0x234: {  	v16 =	vshll.u32 v22, v1;
	v18 =	vshll.u32 v23, v1;
	v28 =	vld [tilespmem:s3+$0x8900];
	v13 =	vsub.f32 v13, v17  }
0x235: {  	v29 =	vld [tilespmem:s30+$0x6100];
	v20 =	vadd.s32 v12, v19;
	v14 =	vadd.f32 v14, v9;
	v17 =	vand.u32 $0x7FFFFFFF, v27  }
0x236: {  	vm1 =	vgt.s32 v16, $0xFFFFFF;
	v27 =	vld [tilespmem:s30+$0x2100];
	v16 =	vnsel vm0, $0x0, v17;
	v13 =	vand.u32 $0x7FFFFFFF, v13  }
0x237: {  	p4 =	por $0x1, $0x1;
	v15 =	vsub.f32 v15, v24;
	v16 =	vadd.f32 v16, v10;
	v17 =	vnsel vm1, $0x0, v13  }
.Ltmp26:
0x238: {  	vm0 =	vgt.s32 v18, $0xFFFFFF;
	v13 =	vld [tilespmem:s30+$0x2110];
	v25 =	vsub.f32 v25, v26;
	v18 =	vadd.f32 v17, v11;
	(pc) =	sbr.rel @!p4 .LBB2_46-.Ltmp26, $4  }
0x239: {  	s21 =	simm.s32 $0x400;
	v15 =	vand.u32 $0x7FFFFFFF, v15;
	v19 =	vperm.xlane v28, v0;
	v17 =	vld [tilespmem:s30+$0x6110];
	v30 =	vperm.xlane v28, v4  }
0x23a: {  	s7 =	simm.s32 $0x80;
	s23 =	simm.s32 $0x100;
	s3 =	sand.u32 $0x70, s8;
	v24 =	vld [tilespmem:s30+$0x6120];
	v22 =	vperm.xlane v28, v2;
	v23 =	vperm.xlane v28, v3;
	v21 =	vnsel vm0, $0x0, v15  }
0x23b: {  	s31 =	sand.u32 $0x40, s7;
	s9 =	sand.u32 $0x1C00, s21;
	s10 =	sand.u32 $0x400, s23;
	v15 =	vld [tilespmem:s30+$0x2120];
	v27 =	vsub.f32 v27, v29;
	v26 =	vshll.u32 v19, v1;
	v30 =	vshll.u32 v30, v1  }
0x23c: {  	p3 =	por $0x1, $0x1;
	s8 =	simm.s32 $0x30;
	s30 =	sor.u32 s31, s9;
	v19 =	vand.u32 $0x1010101, v28;
	v28 =	vand.u32 $0x7FFFFFFF, v25;
	vm0 =	vgt.s32 v30, $0xFFFFFF;
	v25 =	vmovc v8  }
.LBB2_47:
0x23d: {  	p4 =	sne.s32 s8, $0xF0;
	s3 =	sor.u32 s3, s10;
	v29 =	vld [tilespmem:s30+$0x2130];
	v22 =	vshll.u32 v22, v1;
	v23 =	vshll.u32 v23, v1;
	v28 =	vnsel vm0, $0x0, v28  }
0x23e: {  	vm0 =	vgt.s32 v26, $0xFFFFFF;
	v30 =	vld [tilespmem:s3+$0x8900];
	v13 =	vsub.f32 v13, v17;
	v14 =	vadd.f32 v28, v14  }
0x23f: {  	v17 =	vand.u32 $0x7FFFFFFF, v27;
	vm1 =	vgt.s32 v22, $0xFFFFFF;
	vm2 =	vgt.s32 v23, $0xFFFFFF;
	v26 =	vld [tilespmem:s30+$0x6130]  }
0x240: {  	v17 =	vnsel vm0, $0x0, v17;
	v27 =	vld [tilespmem:s30+$0x2100];
	v13 =	vand.u32 $0x7FFFFFFF, v13;
	v15 =	vsub.f32 v15, v24  }
0x241: {  	v25 =	vadd.f32 v21, v25;
	v16 =	vadd.f32 v17, v16;
	v28 =	vld [tilespmem:s30+$0x6100];
	v17 =	vnsel vm1, $0x0, v13  }
.Ltmp27:
0x242: {  	v20 =	vadd.s32 v20, v19;
	v13 =	vld [tilespmem:s30+$0x2110];
	v18 =	vadd.f32 v17, v18;
	v15 =	vand.u32 $0x7FFFFFFF, v15;
	(pc) =	sbr.rel @p4 .LBB2_47-.Ltmp27, $4  }
0x243: {  	v19 =	vperm.xlane v30, v0;
	v17 =	vld [tilespmem:s30+$0x6110];
	v31 =	vperm.xlane v30, v4;
	v21 =	vnsel vm2, $0x0, v15  }
0x244: {  	s21 =	sadd.s32 $0x200, s21;
	s7 =	sadd.s32 $0x40, s7;
	s23 =	sadd.s32 $0x80, s23;
	v22 =	vperm.xlane v30, v2;
	v23 =	vperm.xlane v30, v3;
	v15 =	vld [tilespmem:s30+$0x2120];
	v29 =	vsub.f32 v29, v26  }
0x245: {  	s3 =	sand.u32 $0x70, s8;
	s9 =	sand.u32 $0x40, s7;
	s11 =	sand.u32 $0x1C00, s21;
	v26 =	vshll.u32 v19, v1;
	v24 =	vld [tilespmem:s30+$0x6120];
	v31 =	vshll.u32 v31, v1;
	v19 =	vand.u32 $0x1010101, v30  }
0x246: {  	s10 =	sand.u32 $0x400, s23;
	s8 =	sadd.s32 $0x10, s8;
	s30 =	sor.u32 s9, s11;
	v27 =	vsub.f32 v27, v28;
	v28 =	vand.u32 $0x7FFFFFFF, v29;
	vm0 =	vgt.s32 v31, $0xFFFFFF  }
.LBB2_48:
0x247: {  	v29 =	vld [tilespmem:s30+$0x2130]  }
0x248: {  	v50 =	vld [tilespmem:s30+$0x6130]  }
0x249: {  	v51 =	vld [tilespmem:s30+$0x2100]  }
0x24a: {  	v52 =	vld [tilespmem:s30+$0x6100]  }
0x24b: {  	v53 =	vld [tilespmem:s30+$0x2110]  }
0x24c: {  	v22 =	vshll.u32 @p2 v22, v1;
	v23 =	vshll.u32 @p2 v23, v1;
	v28 =	vnsel @p2 vm0, $0x0, v28;
	v56 =	vld [tilespmem:s30+$0x6110]  }
0x24d: {  	vm0 =	vgt.s32 @p2 v26, $0xFFFFFF;
	v59 =	vld [tilespmem:s30+$0x2120];
	v13 =	vsub.f32 @p2 v13, v17;
	v14 =	vadd.f32 @p2 v28, v14  }
0x24e: {  	s3 =	sor.u32 s3, s10;
	v61 =	vld [tilespmem:s30+$0x6120];
	v26 =	vand.u32 @p2 $0x7FFFFFFF, v27;
	vm1 =	vgt.s32 @p2 v22, $0xFFFFFF;
	vm2 =	vgt.s32 @p2 v23, $0xFFFFFF  }
0x24f: {  	v30 =	vld [tilespmem:s3+$0x8900];
	v23 =	vnsel @p2 vm0, $0x0, v26;
	v13 =	vand.u32 @p2 $0x7FFFFFFF, v13;
	v15 =	vsub.f32 @p2 v15, v24  }
0x250: {  	v21 =	vadd.f32 @p3 v21, v25;
	v16 =	vadd.f32 @p2 v23, v16;
	v13 =	vnsel @p2 vm1, $0x0, v13  }
0x251: {  	v9 =	vpsel p2, v14, v9;
	v13 =	vadd.f32 @p2 v13, v18;
	v15 =	vand.u32 @p2 $0x7FFFFFFF, v15  }
0x252: {  	v18 =	vadd.s32 @p2 v20, v19;
	v17 =	vsub.f32 v29, v50;
	v22 =	vsub.f32 v51, v52  }
0x253: {  	v14 =	vpsel p2, v16, v10;
	v16 =	vpsel p3, v21, v8;
	v62 =	vsub.f32 v53, v56  }
0x254: {  	v63 =	vsub.f32 v59, v61;
	v54 =	vperm.xlane v30, v0;
	v55 =	vperm.xlane v30, v4  }
0x255: {  	v15 =	vnsel @p2 vm2, $0x0, v15;
	v57 =	vperm.xlane v30, v2;
	v58 =	vperm.xlane v30, v3  }
0x256: {  	v60 =	vand.u32 $0x1010101, v30;
	v18 =	vpsel p2, v18, v12;
	v17 =	vand.u32 $0x7FFFFFFF, v17  }
0x257: {  	v15 =	vpsel p2, v15, v0;
	v13 =	vpsel p2, v13, v11;
	v23 =	vshll.u32 v55, v1  }
0x258: {  	v20 =	vshll.u32 v54, v1;
	v11 =	vshll.u32 v57, v1;
	vm12 =	vgt.s32 v23, $0xFFFFFF  }
0x259: {  	v12 =	vshll.u32 v58, v1;
	vm13 =	vgt.s32 v20, $0xFFFFFF;
	v10 =	vnsel vm12, $0x0, v17  }
.Ltmp28:
0x25a: {  	vm14 =	vgt.s32 v11, $0xFFFFFF;
	v10 =	vadd.f32 v10, v9;
	v9 =	vand.u32 $0x7FFFFFFF, v22;
	(pc) =	sbr.rel @!p1 .LBB2_49-.Ltmp28, $4  }
0x25b: {  	vm15 =	vgt.s32 v12, $0xFFFFFF;
	v12 =	vadd.f32 @p2 v15, v16;
	v9 =	vnsel vm13, $0x0, v9  }
0x25c: {  	v15 =	vand.u32 $0x7FFFFFFF, v62;
	v11 =	vadd.f32 v9, v14;
	v9 =	vand.u32 $0x7FFFFFFF, v63  }
0x25d: {  	v14 =	vnsel vm14, $0x0, v15;
	v15 =	vpsel p2, v12, v8;
	v9 =	vnsel vm15, $0x0, v9  }
0x25e: {  	v8 =	vadd.s32 v18, v60;
	v12 =	vadd.f32 v14, v13;
	v9 =	vadd.f32 v9, v15  }
0x25f: {  	v14 =	vld [tilespmem:s26+$0x21B0]  }
0x260: {  	v18 =	vld [tilespmem:s26+$0x61B0]  }
0x261: {  	s3 =	sor.u32 s28, s29;
	v20 =	vld [tilespmem:s26+$0x2180]  }
0x262: {  	v16 =	vld [tilespmem:s3+$0x8980]  }
0x263: {  	v21 =	vld [tilespmem:s26+$0x6180];
	_ =	sdelay $0x1  }
0x264: {  	p2 =	por $0x1, $0x1  }
.Ltmp29:
0x265: {  	_ = 	snop;
	(pc) =	sbr.rel @!p2 .LBB2_51-.Ltmp29, $4  }
0x266: {  	v13 =	vld [tilespmem:s26+$0x2190];
	s30 =	simm.s32 $0x200;
	v14 =	vsub.f32 v14, v18;
	v25 =	vperm.xlane v16, v4  }
0x267: {  	v17 =	vld [tilespmem:s26+$0x6190];
	s7 =	simm.s32 $0x40;
	s8 =	simm.s32 $0x80;
	s28 =	sand.u32 $0x70, s0;
	v27 =	vsub.f32 v20, v21;
	v19 =	vperm.xlane v16, v0;
	v23 =	vperm.xlane v16, v2  }
0x268: {  	v15 =	vld [tilespmem:s26+$0x21A0];
	p1 =	por $0x1, $0x1;
	s31 =	sand.u32 $0x40, s7;
	s3 =	sand.u32 $0x1C00, s30;
	v24 =	vperm.xlane v16, v3;
	v28 =	vand.u32 $0x7FFFFFFF, v14;
	v18 =	vshll.u32 v25, v1  }
0x269: {  	v22 =	vld [tilespmem:s26+$0x61A0];
	s29 =	sand.u32 $0x400, s8;
	s8 =	simm.s32 $0x20;
	s26 =	sor.u32 s31, s3;
	v26 =	vshll.u32 v19, v1;
	v19 =	vand.u32 $0x1010101, v16;
	vm0 =	vgt.s32 v18, $0xFFFFFF  }
0x26a: {  	v25 =	vld [tilespmem:s26+$0x21B0]  }
0x26b: {  	s0 =	sor.u32 s28, s29;
	v14 =	vnsel vm0, $0x0, v28;
	vm0 =	vgt.s32 v26, $0xFFFFFF;
	v26 =	vld [tilespmem:s26+$0x61B0]  }
0x26c: {  	v16 =	vshll.u32 v23, v1;
	v18 =	vshll.u32 v24, v1;
	v28 =	vld [tilespmem:s0+$0x8980];
	v13 =	vsub.f32 v13, v17  }
0x26d: {  	v29 =	vld [tilespmem:s26+$0x6180];
	v20 =	vadd.s32 v8, v19;
	v14 =	vadd.f32 v14, v10;
	v17 =	vand.u32 $0x7FFFFFFF, v27  }
0x26e: {  	vm1 =	vgt.s32 v16, $0xFFFFFF;
	v27 =	vld [tilespmem:s26+$0x2180];
	v16 =	vnsel vm0, $0x0, v17;
	v13 =	vand.u32 $0x7FFFFFFF, v13  }
0x26f: {  	p2 =	por $0x1, $0x1;
	v15 =	vsub.f32 v15, v22;
	v16 =	vadd.f32 v16, v11;
	v17 =	vnsel vm1, $0x0, v13  }
.Ltmp30:
0x270: {  	vm0 =	vgt.s32 v18, $0xFFFFFF;
	v13 =	vld [tilespmem:s26+$0x2190];
	v25 =	vsub.f32 v25, v26;
	v18 =	vadd.f32 v17, v12;
	(pc) =	sbr.rel @!p2 .LBB2_53-.Ltmp30, $4  }
0x271: {  	s3 =	simm.s32 $0x80;
	v15 =	vand.u32 $0x7FFFFFFF, v15;
	v19 =	vperm.xlane v28, v0;
	v17 =	vld [tilespmem:s26+$0x6190];
	v30 =	vperm.xlane v28, v4  }
0x272: {  	s7 =	simm.s32 $0x100;
	s28 =	sand.u32 $0x70, s8;
	s0 =	simm.s32 $0x400;
	v22 =	vld [tilespmem:s26+$0x61A0];
	v23 =	vperm.xlane v28, v2;
	v24 =	vperm.xlane v28, v3;
	v21 =	vnsel vm0, $0x0, v15  }
0x273: {  	s31 =	sand.u32 $0x40, s3;
	s29 =	sand.u32 $0x400, s7;
	s9 =	sand.u32 $0x1C00, s0;
	v15 =	vld [tilespmem:s26+$0x21A0];
	v27 =	vsub.f32 v27, v29;
	v26 =	vshll.u32 v19, v1;
	v30 =	vshll.u32 v30, v1  }
0x274: {  	s8 =	simm.s32 $0x30;
	p0 =	por $0x1, $0x1;
	s26 =	sor.u32 s31, s9;
	v19 =	vand.u32 $0x1010101, v28;
	v28 =	vand.u32 $0x7FFFFFFF, v25;
	vm0 =	vgt.s32 v30, $0xFFFFFF;
	v25 =	vmovc v9  }
.LBB2_54:
0x275: {  	p2 =	sne.s32 s8, $0xF0;
	s9 =	sor.u32 s28, s29;
	v29 =	vld [tilespmem:s26+$0x21B0];
	v23 =	vshll.u32 v23, v1;
	v24 =	vshll.u32 v24, v1;
	v28 =	vnsel vm0, $0x0, v28  }
0x276: {  	vm0 =	vgt.s32 v26, $0xFFFFFF;
	v30 =	vld [tilespmem:s9+$0x8980];
	v13 =	vsub.f32 v13, v17;
	v14 =	vadd.f32 v28, v14  }
0x277: {  	v17 =	vand.u32 $0x7FFFFFFF, v27;
	vm1 =	vgt.s32 v23, $0xFFFFFF;
	vm2 =	vgt.s32 v24, $0xFFFFFF;
	v26 =	vld [tilespmem:s26+$0x61B0]  }
0x278: {  	v17 =	vnsel vm0, $0x0, v17;
	v27 =	vld [tilespmem:s26+$0x2180];
	v13 =	vand.u32 $0x7FFFFFFF, v13;
	v15 =	vsub.f32 v15, v22  }
0x279: {  	v25 =	vadd.f32 v21, v25;
	v16 =	vadd.f32 v17, v16;
	v28 =	vld [tilespmem:s26+$0x6180];
	v17 =	vnsel vm1, $0x0, v13  }
.Ltmp31:
0x27a: {  	v20 =	vadd.s32 v20, v19;
	v13 =	vld [tilespmem:s26+$0x2190];
	v18 =	vadd.f32 v17, v18;
	v15 =	vand.u32 $0x7FFFFFFF, v15;
	(pc) =	sbr.rel @p2 .LBB2_54-.Ltmp31, $4  }
0x27b: {  	v19 =	vperm.xlane v30, v0;
	v17 =	vld [tilespmem:s26+$0x6190];
	v31 =	vperm.xlane v30, v4;
	v21 =	vnsel vm2, $0x0, v15  }
0x27c: {  	s0 =	sadd.s32 $0x200, s0;
	s3 =	sadd.s32 $0x40, s3;
	s7 =	sadd.s32 $0x80, s7;
	v23 =	vperm.xlane v30, v2;
	v24 =	vperm.xlane v30, v3;
	v15 =	vld [tilespmem:s26+$0x21A0];
	v29 =	vsub.f32 v29, v26  }
0x27d: {  	s28 =	sand.u32 $0x70, s8;
	s9 =	sand.u32 $0x40, s3;
	s10 =	sand.u32 $0x1C00, s0;
	v26 =	vshll.u32 v19, v1;
	v22 =	vld [tilespmem:s26+$0x61A0];
	v31 =	vshll.u32 v31, v1;
	v19 =	vand.u32 $0x1010101, v30  }
0x27e: {  	s8 =	sadd.s32 $0x10, s8;
	s29 =	sand.u32 $0x400, s7;
	s26 =	sor.u32 s9, s10;
	v27 =	vsub.f32 v27, v28;
	v28 =	vand.u32 $0x7FFFFFFF, v29;
	vm0 =	vgt.s32 v31, $0xFFFFFF  }
.LBB2_55:
0x27f: {  	v23 =	vshll.u32 @p1 v23, v1  }
0x280: {  	s0 =	sor.u32 s28, s29;
	v24 =	vshll.u32 @p1 v24, v1;
	v28 =	vnsel @p1 vm0, $0x0, v28;
	vm0 =	vgt.s32 @p1 v26, $0xFFFFFF  }
0x281: {  	v21 =	vadd.f32 @p0 v21, v25;
	v19 =	vadd.s32 @p1 v20, v19;
	v30 =	vld [tilespmem:s0+$0x8980];
	v13 =	vsub.f32 @p1 v13, v17  }
0x282: {  	v29 =	vld [tilespmem:s26+$0x21B0];
	v14 =	vadd.f32 @p1 v28, v14;
	v26 =	vand.u32 @p1 $0x7FFFFFFF, v27;
	vm1 =	vgt.s32 @p1 v23, $0xFFFFFF  }
0x283: {  	v17 =	vld [tilespmem:s26+$0x61B0];
	v26 =	vnsel @p1 vm0, $0x0, v26;
	vm0 =	vgt.s32 @p1 v24, $0xFFFFFF;
	v13 =	vand.u32 @p1 $0x7FFFFFFF, v13  }
0x284: {  	v23 =	vld [tilespmem:s26+$0x2180];
	v15 =	vsub.f32 @p1 v15, v22;
	v16 =	vadd.f32 @p1 v26, v16;
	v13 =	vnsel @p1 vm1, $0x0, v13  }
0x285: {  	v22 =	vld [tilespmem:s26+$0x6180];
	v10 =	vpsel p1, v14, v10;
	v14 =	vpsel p0, v21, v9;
	v13 =	vadd.f32 @p1 v13, v18  }
0x286: {  	v25 =	vld [tilespmem:s26+$0x6190];
	v15 =	vand.u32 @p1 $0x7FFFFFFF, v15;
	v11 =	vpsel p1, v16, v11;
	v20 =	vperm.xlane v30, v0  }
0x287: {  	v28 =	vld [tilespmem:s26+$0x21A0];
	v24 =	vperm.xlane v30, v4;
	v15 =	vnsel @p1 vm0, $0x0, v15;
	v26 =	vperm.xlane v30, v2  }
0x288: {  	v18 =	vld [tilespmem:s26+$0x2190];
	v17 =	vsub.f32 v29, v17;
	v27 =	vperm.xlane v30, v3;
	v15 =	vpsel p1, v15, v0  }
0x289: {  	v29 =	vld [tilespmem:s26+$0x61A0];
	v12 =	vpsel p1, v13, v12;
	v20 =	vshll.u32 v20, v1;
	v24 =	vshll.u32 v24, v1  }
0x28a: {  	v22 =	vsub.f32 v23, v22;
	v17 =	vand.u32 $0x7FFFFFFF, v17;
	v13 =	vshll.u32 v26, v1  }
0x28b: {  	v16 =	vshll.u32 v27, v1;
	v14 =	vadd.f32 @p1 v15, v14;
	vm0 =	vgt.s32 v24, $0xFFFFFF  }
0x28c: {  	vm1 =	vgt.s32 v13, $0xFFFFFF;
	vm2 =	vgt.s32 v16, $0xFFFFFF;
	v17 =	vnsel vm0, $0x0, v17  }
0x28d: {  	vm0 =	vgt.s32 v20, $0xFFFFFF;
	v10 =	vadd.f32 v17, v10;
	v17 =	vand.u32 $0x7FFFFFFF, v22  }
0x28e: {  	v18 =	vsub.f32 v18, v25;
	v13 =	vsub.f32 v28, v29;
	v16 =	vnsel vm0, $0x0, v17  }
0x28f: {  	v14 =	vpsel p1, v14, v9;
	v11 =	vadd.f32 v16, v11;
	v16 =	vpsel p1, v19, v8;
	p1 =	por $0x1, $0x1  }
.Ltmp32:
0x290: {  	s0 =	simm.s32 $0x1;
	p0 =	por $0x0, $0x0;
	v15 =	vand.u32 $0x7FFFFFFF, v18;
	v13 =	vand.u32 $0x7FFFFFFF, v13;
	(pc) =	sbr.rel @!p1 .LBB2_62-.Ltmp32, $4  }
0x291: {  	s3 =	simm.s32 $0x0;
	p2 =	por $0x0, $0x0;
	s0 =	simm.s32 @!p0 $0x0;
	v15 =	vnsel vm1, $0x0, v15;
	v13 =	vnsel vm2, $0x0, v13  }
0x292: {  	p3 =	por $0x0, $0x0;
	s29 =	sshll.u32 s0, $0x6;
	v30 =	vand.u32 $0x1010101, v30;
	s26 =	simm.s32 $0x0;
	v9 =	vadd.f32 v15, v12;
	v8 =	vadd.f32 v13, v14  }
0x293: {  	s0 =	simm.s32 $0x10;
	s28 =	sand.u32 $0x70, s26;
	s30 =	sand.u32 $0x400, s26;
	v12 =	vadd.s32 v16, v30  }
0x294: {  	s23 =	smov.u32 s29;
	s10 =	smov.u32 s30;
	s21 =	smov.u32 s28;
	v17 =	vmovc v11;
	v18 =	vmovc v12;
	v23 =	vmov v9;
	v15 =	vmov v10;
	v25 =	vmov v8  }
0x295: {  	s3 =	sadd.s32 $0x0, s29;
	s7 =	sor.u32 s28, s30  }
0x296: {  	v28 =	vld [tilespmem:s7+$0x8A00];
	s21 =	sor.u32 $0x230, s3  }
0x297: {  	v15 =	vld [tilespmem:s21+$0x2000]  }
0x298: {  	s8 =	sor.u32 $0x200, s3;
	v17 =	vld [tilespmem:s21+$0x6000]  }
0x299: {  	p4 =	por $0x1, $0x1;
	v13 =	vld [tilespmem:s8+$0x2000]  }
.Ltmp33:
0x29a: {  	s23 =	sor.u32 $0x210, s3;
	v16 =	vld [tilespmem:s8+$0x6000];
	(pc) =	sbr.rel @!p4 .LBB2_57-.Ltmp33, $4  }
0x29b: {  	p3 =	por !p0, !p0;
	s31 =	simm.s32 $0x80;
	v14 =	vld [tilespmem:s23+$0x2000];
	v18 =	vperm.xlane v28, v0;
	v20 =	vperm.xlane v28, v2  }
0x29c: {  	p2 =	por $0x1, $0x1;
	s9 =	sor.u32 $0x220, s3;
	s8 =	simm.s32 $0x1;
	v19 =	vld [tilespmem:s23+$0x6000];
	v22 =	vperm.xlane v28, v3;
	v23 =	vperm.xlane v28, v4  }
0x29d: {  	s3 =	simm.s32 $0x200;
	s10 =	sand.u32 $0x400, s31;
	v26 =	vld [tilespmem:s9+$0x6000];
	s8 =	simm.s32 @!p3 $0x0;
	v30 =	vsub.f32 v15, v17;
	v18 =	vshll.u32 v18, v1;
	v21 =	vshll.u32 v20, v1  }
0x29e: {  	s7 =	simm.s32 $0x20;
	s21 =	sand.u32 $0x70, s0;
	s23 =	sshll.u32 s8, $0x6;
	v20 =	vld [tilespmem:s9+$0x2000];
	v27 =	vshll.u32 v22, v1;
	v31 =	vshll.u32 v23, v1;
	vm0 =	vgt.s32 v18, $0xFFFFFF  }
0x29f: {  	s3 =	sadd.s32 $0x200, s23;
	s8 =	sor.u32 s21, s10;
	v13 =	vsub.f32 v13, v16;
	v15 =	vand.u32 $0x7FFFFFFF, v30;
	vm1 =	vgt.s32 v31, $0xFFFFFF  }
0x2a0: {  	v18 =	vand.u32 $0x1010101, v28;
	v24 =	vld [tilespmem:s8+$0x8A00];
	s23 =	sor.u32 $0x230, s3  }
0x2a1: {  	v15 =	vnsel vm1, $0x0, v15;
	v23 =	vld [tilespmem:s23+$0x2000];
	v13 =	vand.u32 $0x7FFFFFFF, v13;
	v14 =	vsub.f32 v14, v19  }
0x2a2: {  	s9 =	sor.u32 $0x200, s3;
	vm1 =	vgt.s32 v27, $0xFFFFFF;
	v18 =	vadd.s32 v12, v18;
	v25 =	vld [tilespmem:s23+$0x6000];
	v17 =	vnsel vm0, $0x0, v13  }
0x2a3: {  	p5 =	por $0x1, $0x1;
	v16 =	vld [tilespmem:s9+$0x6000];
	vm0 =	vgt.s32 v21, $0xFFFFFF;
	v14 =	vand.u32 $0x7FFFFFFF, v14;
	v19 =	vsub.f32 v20, v26  }
.Ltmp34:
0x2a4: {  	s31 =	sor.u32 $0x210, s3;
	v15 =	vadd.f32 v15, v10;
	v13 =	vld [tilespmem:s9+$0x2000];
	v17 =	vadd.f32 v17, v11;
	v22 =	vnsel vm0, $0x0, v14;
	(pc) =	sbr.rel @!p5 .LBB2_59-.Ltmp34, $4  }
0x2a5: {  	p4 =	por !p3, !p3;
	s21 =	sand.u32 $0x70, s7;
	v14 =	vld [tilespmem:s31+$0x2000];
	v20 =	vperm.xlane v24, v0;
	v21 =	vperm.xlane v24, v2;
	v26 =	vand.u32 $0x7FFFFFFF, v19  }
0x2a6: {  	s7 =	simm.s32 $0x100;
	s11 =	sor.u32 $0x220, s3;
	s9 =	simm.s32 $0x1;
	v19 =	vld [tilespmem:s31+$0x6000];
	v27 =	vperm.xlane v24, v3;
	v28 =	vperm.xlane v24, v4;
	v29 =	vnsel vm1, $0x0, v26  }
0x2a7: {  	p3 =	por $0x1, $0x1;
	s3 =	simm.s32 $0x400;
	s9 =	simm.s32 @!p4 $0x0;
	v30 =	vsub.f32 v23, v25;
	v26 =	vshll.u32 v20, v1;
	v21 =	vshll.u32 v21, v1;
	v20 =	vld [tilespmem:s11+$0x2000]  }
0x2a8: {  	s10 =	sand.u32 $0x400, s7;
	s8 =	simm.s32 $0x30;
	s23 =	sshll.u32 s9, $0x6;
	v23 =	vmovc v9;
	v25 =	vmovc v8;
	v27 =	vshll.u32 v27, v1;
	v31 =	vshll.u32 v28, v1;
	vm0 =	vgt.s32 v26, $0xFFFFFF;
	v26 =	vld [tilespmem:s11+$0x6000]  }
.LBB2_60:
0x2a9: {  	p5 =	sne.s32 s8, $0xF0;
	s9 =	sadd.s32 s23, s3;
	s10 =	sor.u32 s21, s10;
	v13 =	vsub.f32 v13, v16;
	v16 =	vand.u32 $0x7FFFFFFF, v30;
	vm1 =	vgt.s32 v31, $0xFFFFFF  }
0x2aa: {  	v23 =	vadd.f32 v22, v23;
	v25 =	vadd.f32 v29, v25;
	v28 =	vld [tilespmem:s10+$0x8A00];
	s10 =	sor.u32 $0x200, s9;
	s11 =	sor.u32 $0x210, s9;
	s12 =	sor.u32 $0x230, s9;
	v16 =	vnsel vm1, $0x0, v16  }
0x2ab: {  	s9 =	sor.u32 $0x220, s9;
	v30 =	vld [tilespmem:s12+$0x2000];
	v13 =	vand.u32 $0x7FFFFFFF, v13;
	v14 =	vsub.f32 v14, v19;
	v15 =	vadd.f32 v16, v15  }
0x2ac: {  	vm1 =	vgt.s32 v27, $0xFFFFFF;
	v31 =	vld [tilespmem:s12+$0x6000];
	v19 =	vnsel vm0, $0x0, v13;
	vm0 =	vgt.s32 v21, $0xFFFFFF  }
0x2ad: {  	v21 =	vand.u32 $0x1010101, v24;
	v13 =	vld [tilespmem:s10+$0x2000];
	v14 =	vand.u32 $0x7FFFFFFF, v14;
	v20 =	vsub.f32 v20, v26  }
.Ltmp35:
0x2ae: {  	v17 =	vadd.f32 v19, v17;
	v18 =	vadd.s32 v18, v21;
	v16 =	vld [tilespmem:s10+$0x6000];
	v22 =	vnsel vm0, $0x0, v14;
	(pc) =	sbr.rel @p5 .LBB2_60-.Ltmp35, $4  }
0x2af: {  	v21 =	vperm.xlane v28, v0;
	v26 =	vperm.xlane v28, v2;
	v14 =	vld [tilespmem:s11+$0x2000];
	v20 =	vand.u32 $0x7FFFFFFF, v20;
	v24 =	vmovc v28  }
0x2b0: {  	s3 =	sadd.s32 $0x200, s3;
	p4 =	por !p4, !p4;
	s10 =	simm.s32 $0x1;
	v19 =	vld [tilespmem:s11+$0x6000];
	v27 =	vperm.xlane v24, v3;
	v28 =	vperm.xlane v24, v4;
	v29 =	vnsel vm1, $0x0, v20  }
0x2b1: {  	s21 =	sand.u32 $0x70, s8;
	s7 =	sadd.s32 $0x80, s7;
	s10 =	simm.s32 @!p4 $0x0;
	v32 =	vshll.u32 v21, v1;
	v21 =	vshll.u32 v26, v1;
	v20 =	vld [tilespmem:s9+$0x2000];
	v30 =	vsub.f32 v30, v31  }
0x2b2: {  	s8 =	sadd.s32 $0x10, s8;
	s23 =	sshll.u32 s10, $0x6;
	s10 =	sand.u32 $0x400, s7;
	vm0 =	vgt.s32 v32, $0xFFFFFF;
	v27 =	vshll.u32 v27, v1;
	v26 =	vld [tilespmem:s9+$0x6000];
	v31 =	vshll.u32 v28, v1  }
0x2b3: {  	v28 =	vmov v24  }
.LBB2_62:
0x2b4: {  	s7 =	sor.u32 s21, s10;
	v13 =	vsub.f32 @p2 v13, v16;
	v16 =	vand.u32 @p2 $0x7FFFFFFF, v30;
	s3 =	sadd.s32 s23, s3  }
0x2b5: {  	vm1 =	vgt.s32 @p2 v31, $0xFFFFFF;
	v22 =	vadd.f32 @p3 v22, v23;
	v24 =	vld [tilespmem:s7+$0x8A00];
	s23 =	sor.u32 $0x230, s3  }
0x2b6: {  	v16 =	vnsel @p2 vm1, $0x0, v16;
	v14 =	vsub.f32 @p2 v14, v19;
	vm1 =	vgt.s32 @p2 v27, $0xFFFFFF;
	v48 =	vld [tilespmem:s23+$0x2000]  }
0x2b7: {  	v19 =	vadd.f32 @p3 v29, v25;
	s31 =	sor.u32 $0x200, s3;
	v13 =	vand.u32 @p2 $0x7FFFFFFF, v13;
	v15 =	vadd.f32 @p2 v16, v15;
	v49 =	vld [tilespmem:s23+$0x6000]  }
0x2b8: {  	v50 =	vld [tilespmem:s31+$0x2000];
	v22 =	vpsel p3, v22, v9;
	v13 =	vnsel @p2 vm0, $0x0, v13;
	vm0 =	vgt.s32 @p2 v21, $0xFFFFFF  }
0x2b9: {  	s8 =	sor.u32 $0x210, s3;
	v52 =	vld [tilespmem:s31+$0x6000];
	v14 =	vand.u32 @p2 $0x7FFFFFFF, v14;
	v20 =	vsub.f32 @p2 v20, v26;
	v21 =	vand.u32 @p2 $0x1010101, v28  }
0x2ba: {  	v55 =	vld [tilespmem:s8+$0x2000];
	v19 =	vpsel p3, v19, v8;
	v13 =	vadd.f32 @p2 v13, v17;
	v14 =	vnsel @p2 vm0, $0x0, v14  }
0x2bb: {  	v57 =	vld [tilespmem:s8+$0x6000];
	v18 =	vadd.s32 @p2 v18, v21;
	v10 =	vpsel p2, v15, v10;
	v20 =	vand.u32 @p2 $0x7FFFFFFF, v20  }
0x2bc: {  	v14 =	vpsel p2, v14, v0;
	v51 =	vperm.xlane v24, v0;
	v53 =	vperm.xlane v24, v2  }
0x2bd: {  	s3 =	sor.u32 $0x220, s3;
	v12 =	vpsel p2, v18, v12;
	v54 =	vperm.xlane v24, v3;
	v56 =	vperm.xlane v24, v4  }
0x2be: {  	v58 =	vld [tilespmem:s3+$0x2000];
	v20 =	vnsel @p2 vm1, $0x0, v20;
	v11 =	vpsel p2, v13, v11;
	v14 =	vadd.f32 @p2 v14, v22  }
0x2bf: {  	v61 =	vld [tilespmem:s3+$0x6000];
	v63 =	vand.u32 $0x1010101, v24;
	v16 =	vsub.f32 v48, v49;
	v20 =	vpsel p2, v20, v0  }
0x2c0: {  	v13 =	vsub.f32 v50, v52;
	v62 =	vsub.f32 v55, v57;
	v21 =	vshll.u32 v51, v1  }
0x2c1: {  	v26 =	vshll.u32 v53, v1;
	v59 =	vshll.u32 v54, v1;
	v60 =	vshll.u32 v56, v1  }
0x2c2: {  	v9 =	vpsel p2, v14, v9;
	v15 =	vand.u32 $0x7FFFFFFF, v16;
	vm13 =	vgt.s32 v60, $0xFFFFFF  }
0x2c3: {  	vm12 =	vgt.s32 v21, $0xFFFFFF;
	v16 =	vadd.f32 @p2 v20, v19;
	v15 =	vnsel vm13, $0x0, v15  }
.Ltmp36:
0x2c4: {  	v13 =	vand.u32 $0x7FFFFFFF, v13;
	v10 =	vadd.f32 v15, v10;
	v15 =	vsub.f32 v58, v61;
	(pc) =	sbr.rel @!p1 .LBB2_63-.Ltmp36, $4  }
0x2c5: {  	vm14 =	vgt.s32 v26, $0xFFFFFF;
	vm15 =	vgt.s32 v59, $0xFFFFFF;
	v13 =	vnsel vm12, $0x0, v13  }
0x2c6: {  	v17 =	vand.u32 $0x7FFFFFFF, v62;
	v11 =	vadd.f32 v13, v11;
	v15 =	vand.u32 $0x7FFFFFFF, v15  }
0x2c7: {  	v13 =	vnsel vm14, $0x0, v17;
	v14 =	vpsel p2, v16, v8;
	v15 =	vnsel vm15, $0x0, v15  }
0x2c8: {  	v12 =	vadd.s32 v12, v63;
	v8 =	vadd.f32 v13, v9;
	v9 =	vadd.f32 v15, v14  }
0x2c9: {  	s3 =	sadd.s32 $0x0, s29;
	s7 =	sor.u32 s28, s30  }
0x2ca: {  	v28 =	vld [tilespmem:s7+$0x8A80];
	s23 =	sor.u32 $0x2B0, s3  }
0x2cb: {  	v15 =	vld [tilespmem:s23+$0x2000]  }
0x2cc: {  	s8 =	sor.u32 $0x280, s3;
	v17 =	vld [tilespmem:s23+$0x6000]  }
0x2cd: {  	p3 =	por $0x1, $0x1;
	v13 =	vld [tilespmem:s8+$0x2000]  }
.Ltmp37:
0x2ce: {  	s26 =	sor.u32 $0x290, s3;
	v16 =	vld [tilespmem:s8+$0x6000];
	(pc) =	sbr.rel @!p3 .LBB2_65-.Ltmp37, $4  }
0x2cf: {  	p2 =	por !p0, !p0;
	s28 =	sand.u32 $0x70, s0;
	v14 =	vld [tilespmem:s26+$0x2000];
	v19 =	vperm.xlane v28, v0;
	v20 =	vperm.xlane v28, v2  }
0x2d0: {  	s31 =	simm.s32 $0x80;
	s3 =	sor.u32 $0x2A0, s3;
	s8 =	simm.s32 $0x1;
	v18 =	vld [tilespmem:s26+$0x6000];
	v22 =	vperm.xlane v28, v3;
	v23 =	vperm.xlane v28, v4  }
0x2d1: {  	s0 =	simm.s32 $0x20;
	p1 =	por $0x1, $0x1;
	v25 =	vld [tilespmem:s3+$0x6000];
	s8 =	simm.s32 @!p2 $0x0;
	v30 =	vsub.f32 v15, v17;
	v19 =	vshll.u32 v19, v1;
	v21 =	vshll.u32 v20, v1  }
0x2d2: {  	s30 =	sand.u32 $0x400, s31;
	s26 =	simm.s32 $0x200;
	s29 =	sshll.u32 s8, $0x6;
	v20 =	vld [tilespmem:s3+$0x2000];
	v27 =	vshll.u32 v22, v1;
	v31 =	vshll.u32 v23, v1;
	vm0 =	vgt.s32 v19, $0xFFFFFF  }
0x2d3: {  	s3 =	sadd.s32 $0x200, s29;
	s7 =	sor.u32 s28, s30;
	v13 =	vsub.f32 v13, v16;
	v15 =	vand.u32 $0x7FFFFFFF, v30;
	vm1 =	vgt.s32 v31, $0xFFFFFF  }
0x2d4: {  	v19 =	vand.u32 $0x1010101, v28;
	v23 =	vld [tilespmem:s7+$0x8A80];
	s26 =	sor.u32 $0x2B0, s3  }
0x2d5: {  	v15 =	vnsel vm1, $0x0, v15;
	v24 =	vld [tilespmem:s26+$0x2000];
	v13 =	vand.u32 $0x7FFFFFFF, v13;
	v14 =	vsub.f32 v14, v18  }
0x2d6: {  	s8 =	sor.u32 $0x280, s3;
	vm1 =	vgt.s32 v27, $0xFFFFFF;
	v19 =	vadd.s32 v12, v19;
	v26 =	vld [tilespmem:s26+$0x6000];
	v17 =	vnsel vm0, $0x0, v13  }
0x2d7: {  	p3 =	por $0x1, $0x1;
	v16 =	vld [tilespmem:s8+$0x6000];
	vm0 =	vgt.s32 v21, $0xFFFFFF;
	v14 =	vand.u32 $0x7FFFFFFF, v14;
	v18 =	vsub.f32 v20, v25  }
.Ltmp38:
0x2d8: {  	s31 =	sor.u32 $0x290, s3;
	v15 =	vadd.f32 v15, v10;
	v13 =	vld [tilespmem:s8+$0x2000];
	v17 =	vadd.f32 v17, v11;
	v22 =	vnsel vm0, $0x0, v14;
	(pc) =	sbr.rel @!p3 .LBB2_67-.Ltmp38, $4  }
0x2d9: {  	p2 =	por !p2, !p2;
	s28 =	sand.u32 $0x70, s0;
	v14 =	vld [tilespmem:s31+$0x2000];
	v20 =	vperm.xlane v23, v0;
	v21 =	vperm.xlane v23, v2;
	v25 =	vand.u32 $0x7FFFFFFF, v18  }
0x2da: {  	s0 =	simm.s32 $0x100;
	s9 =	sor.u32 $0x2A0, s3;
	s8 =	simm.s32 $0x1;
	v18 =	vld [tilespmem:s31+$0x6000];
	v27 =	vperm.xlane v23, v3;
	v28 =	vperm.xlane v23, v4;
	v29 =	vnsel vm1, $0x0, v25  }
0x2db: {  	p0 =	por $0x1, $0x1;
	s30 =	sand.u32 $0x400, s0;
	s8 =	simm.s32 @!p2 $0x0;
	v30 =	vsub.f32 v24, v26;
	v25 =	vshll.u32 v20, v1;
	v21 =	vshll.u32 v21, v1;
	v20 =	vld [tilespmem:s9+$0x2000]  }
0x2dc: {  	s3 =	simm.s32 $0x30;
	s26 =	simm.s32 $0x400;
	s29 =	sshll.u32 s8, $0x6;
	v24 =	vmovc v8;
	v26 =	vmovc v9;
	v27 =	vshll.u32 v27, v1;
	v31 =	vshll.u32 v28, v1;
	vm0 =	vgt.s32 v25, $0xFFFFFF;
	v25 =	vld [tilespmem:s9+$0x6000]  }
.LBB2_68:
0x2dd: {  	p3 =	sne.s32 s3, $0xF0;
	s7 =	sadd.s32 s29, s26;
	s8 =	sor.u32 s28, s30;
	v13 =	vsub.f32 v13, v16;
	v16 =	vand.u32 $0x7FFFFFFF, v30;
	vm1 =	vgt.s32 v31, $0xFFFFFF  }
0x2de: {  	v24 =	vadd.f32 v22, v24;
	v26 =	vadd.f32 v29, v26;
	v28 =	vld [tilespmem:s8+$0x8A80];
	s8 =	sor.u32 $0x280, s7;
	s9 =	sor.u32 $0x290, s7;
	s10 =	sor.u32 $0x2B0, s7;
	v16 =	vnsel vm1, $0x0, v16  }
0x2df: {  	s7 =	sor.u32 $0x2A0, s7;
	v30 =	vld [tilespmem:s10+$0x2000];
	v13 =	vand.u32 $0x7FFFFFFF, v13;
	v14 =	vsub.f32 v14, v18;
	v15 =	vadd.f32 v16, v15  }
0x2e0: {  	vm1 =	vgt.s32 v27, $0xFFFFFF;
	v31 =	vld [tilespmem:s10+$0x6000];
	v18 =	vnsel vm0, $0x0, v13;
	vm0 =	vgt.s32 v21, $0xFFFFFF  }
0x2e1: {  	v21 =	vand.u32 $0x1010101, v23;
	v13 =	vld [tilespmem:s8+$0x2000];
	v14 =	vand.u32 $0x7FFFFFFF, v14;
	v20 =	vsub.f32 v20, v25  }
.Ltmp39:
0x2e2: {  	v17 =	vadd.f32 v18, v17;
	v19 =	vadd.s32 v19, v21;
	v16 =	vld [tilespmem:s8+$0x6000];
	v22 =	vnsel vm0, $0x0, v14;
	(pc) =	sbr.rel @p3 .LBB2_68-.Ltmp39, $4  }
0x2e3: {  	v21 =	vperm.xlane v28, v0;
	v25 =	vperm.xlane v28, v2;
	v14 =	vld [tilespmem:s9+$0x2000];
	v20 =	vand.u32 $0x7FFFFFFF, v20;
	v23 =	vmovc v28  }
0x2e4: {  	s26 =	sadd.s32 $0x200, s26;
	p2 =	por !p2, !p2;
	s8 =	simm.s32 $0x1;
	v18 =	vld [tilespmem:s9+$0x6000];
	v27 =	vperm.xlane v23, v3;
	v28 =	vperm.xlane v23, v4;
	v29 =	vnsel vm1, $0x0, v20  }
0x2e5: {  	s28 =	sand.u32 $0x70, s3;
	s0 =	sadd.s32 $0x80, s0;
	s8 =	simm.s32 @!p2 $0x0;
	v32 =	vshll.u32 v21, v1;
	v21 =	vshll.u32 v25, v1;
	v20 =	vld [tilespmem:s7+$0x2000];
	v30 =	vsub.f32 v30, v31  }
0x2e6: {  	s3 =	sadd.s32 $0x10, s3;
	s30 =	sand.u32 $0x400, s0;
	s29 =	sshll.u32 s8, $0x6;
	vm0 =	vgt.s32 v32, $0xFFFFFF;
	v27 =	vshll.u32 v27, v1;
	v25 =	vld [tilespmem:s7+$0x6000];
	v31 =	vshll.u32 v28, v1  }
0x2e7: {  	v28 =	vmov v23  }
.LBB2_70:
0x2e8: {  	s0 =	sadd.s32 s29, s26;
	s3 =	sor.u32 s28, s30;
	v13 =	vsub.f32 @p1 v13, v16;
	v16 =	vand.u32 @p1 $0x7FFFFFFF, v30;
	vm1 =	vgt.s32 @p1 v31, $0xFFFFFF  }
0x2e9: {  	v22 =	vadd.f32 @p0 v22, v24;
	v24 =	vadd.f32 @p0 v29, v26;
	v23 =	vld [tilespmem:s3+$0x8A80];
	s12 =	sor.u32 $0x2B0, s0;
	v16 =	vnsel @p1 vm1, $0x0, v16  }
0x2ea: {  	v14 =	vsub.f32 @p1 v14, v18;
	vm1 =	vgt.s32 @p1 v27, $0xFFFFFF;
	v26 =	vld [tilespmem:s12+$0x2000];
	v13 =	vand.u32 @p1 $0x7FFFFFFF, v13  }
0x2eb: {  	s7 =	sor.u32 $0x290, s0;
	v15 =	vadd.f32 @p1 v16, v15;
	v16 =	vld [tilespmem:s12+$0x6000];
	v22 =	vpsel p0, v22, v8;
	v24 =	vpsel p0, v24, v9  }
0x2ec: {  	v27 =	vld [tilespmem:s7+$0x2000];
	v13 =	vnsel @p1 vm0, $0x0, v13;
	vm0 =	vgt.s32 @p1 v21, $0xFFFFFF;
	v14 =	vand.u32 @p1 $0x7FFFFFFF, v14  }
0x2ed: {  	s21 =	sor.u32 $0x280, s0;
	v61 =	vld [tilespmem:s7+$0x6000];
	v18 =	vsub.f32 @p1 v20, v25;
	v20 =	vand.u32 @p1 $0x1010101, v28;
	v13 =	vadd.f32 @p1 v13, v17  }
0x2ee: {  	v21 =	vld [tilespmem:s21+$0x2000];
	v14 =	vnsel @p1 vm0, $0x0, v14;
	v17 =	vadd.s32 @p1 v19, v20;
	v10 =	vpsel p1, v15, v10  }
0x2ef: {  	s0 =	sor.u32 $0x2A0, s0;
	v19 =	vld [tilespmem:s21+$0x6000];
	v18 =	vand.u32 @p1 $0x7FFFFFFF, v18;
	v14 =	vpsel p1, v14, v0;
	v20 =	vperm.xlane v23, v0  }
0x2f0: {  	v63 =	vld [tilespmem:s0+$0x6000];
	v12 =	vpsel p1, v17, v12;
	v25 =	vperm.xlane v23, v2;
	v59 =	vperm.xlane v23, v3  }
0x2f1: {  	s26 =	simm.s32 $0x0;
	p0 =	por $0x0, $0x0;
	v60 =	vperm.xlane v23, v4;
	v18 =	vnsel @p1 vm1, $0x0, v18;
	v16 =	vsub.f32 v26, v16;
	v26 =	vld [tilespmem:s0+$0x2000];
	s0 =	simm.s32 $0x1  }
0x2f2: {  	s23 =	sand.u32 $0x70, s26;
	s31 =	sand.u32 $0x400, s26;
	v11 =	vpsel p1, v13, v11;
	v14 =	vadd.f32 @p1 v14, v22;
	v18 =	vpsel p1, v18, v0;
	s0 =	simm.s32 @!p0 $0x0  }
0x2f3: {  	s3 =	sor.u32 s23, s31;
	v20 =	vshll.u32 v20, v1;
	v62 =	vshll.u32 v60, v1;
	v18 =	vadd.f32 @p1 v18, v24;
	s0 =	sshll.u32 s0, $0x6  }
0x2f4: {  	v17 =	vld [tilespmem:s3+$0x8B00];
	vm0 =	vgt.s32 v20, $0xFFFFFF;
	v20 =	vshll.u32 v59, v1;
	v15 =	vsub.f32 v21, v19;
	s0 =	sadd.s32 $0x0, s0  }
0x2f5: {  	v13 =	vand.u32 $0x7FFFFFFF, v16;
	vm1 =	vgt.s32 v62, $0xFFFFFF;
	v16 =	vsub.f32 v27, v61;
	s8 =	sor.u32 $0x330, s0  }
0x2f6: {  	v21 =	vand.u32 $0x1010101, v23;
	v13 =	vnsel vm1, $0x0, v13;
	vm1 =	vgt.s32 v20, $0xFFFFFF;
	v20 =	vld [tilespmem:s8+$0x2000]  }
0x2f7: {  	v25 =	vshll.u32 v25, v1;
	v13 =	vadd.f32 v13, v10;
	v10 =	vand.u32 $0x7FFFFFFF, v16;
	s9 =	sor.u32 $0x300, s0;
	v16 =	vld [tilespmem:s8+$0x6000]  }
0x2f8: {  	v8 =	vpsel p1, v14, v8;
	v12 =	vadd.s32 v12, v21;
	v9 =	vpsel p1, v18, v9;
	s10 =	sor.u32 $0x310, s0;
	v21 =	vld [tilespmem:s9+$0x6000]  }
0x2f9: {  	v14 =	vperm.xlane v17, v0;
	v15 =	vand.u32 $0x7FFFFFFF, v15;
	v19 =	vsub.f32 v26, v63;
	v18 =	vld [tilespmem:s10+$0x2000]  }
0x2fa: {  	v23 =	vperm.xlane v17, v4;
	v15 =	vnsel vm0, $0x0, v15;
	vm0 =	vgt.s32 v25, $0xFFFFFF;
	v22 =	vld [tilespmem:s10+$0x6000]  }
0x2fb: {  	s0 =	sor.u32 $0x320, s0;
	v15 =	vadd.f32 v15, v11;
	v10 =	vnsel vm0, $0x0, v10;
	v11 =	vand.u32 $0x7FFFFFFF, v19;
	v19 =	vld [tilespmem:s9+$0x2000]  }
0x2fc: {  	s3 =	simm.s32 $0x1;
	p0 =	por !p0, !p0;
	v24 =	vld [tilespmem:s0+$0x2000];
	v14 =	vshll.u32 v14, v1;
	v8 =	vadd.f32 v10, v8;
	v11 =	vnsel vm1, $0x0, v11  }
0x2fd: {  	s28 =	simm.s32 $0x10;
	s29 =	simm.s32 $0x80;
	s3 =	simm.s32 @!p0 $0x0;
	v25 =	vld [tilespmem:s0+$0x6000];
	v10 =	vperm.xlane v17, v2;
	vm1 =	vgt.s32 v14, $0xFFFFFF;
	v9 =	vadd.f32 v11, v9  }
0x2fe: {  	s11 =	sand.u32 $0x70, s28;
	s3 =	sshll.u32 s3, $0x6;
	s8 =	sand.u32 $0x400, s29;
	v11 =	vperm.xlane v17, v3;
	v17 =	vand.u32 $0x1010101, v17;
	v16 =	vsub.f32 v20, v16  }
0x2ff: {  	s3 =	sadd.s32 $0x200, s3;
	s12 =	sor.u32 s11, s8;
	v20 =	vshll.u32 v10, v1;
	v10 =	vshll.u32 v23, v1;
	v18 =	vsub.f32 v18, v22  }
0x300: {  	s21 =	sor.u32 $0x330, s3;
	vm0 =	vgt.s32 v10, $0xFFFFFF;
	v10 =	vld [tilespmem:s12+$0x8B00];
	v19 =	vsub.f32 v19, v21;
	v16 =	vand.u32 $0x7FFFFFFF, v16  }
0x301: {  	v23 =	vld [tilespmem:s21+$0x2000];
	v14 =	vshll.u32 v11, v1;
	v11 =	vnsel vm0, $0x0, v16;
	vm0 =	vgt.s32 v20, $0xFFFFFF  }
0x302: {  	s23 =	sor.u32 $0x300, s3;
	v22 =	vld [tilespmem:s21+$0x6000];
	v16 =	vand.u32 $0x7FFFFFFF, v19;
	v11 =	vadd.f32 v11, v13;
	v19 =	vsub.f32 v24, v25  }
0x303: {  	v13 =	vnsel vm1, $0x0, v16;
	vm1 =	vgt.s32 v14, $0xFFFFFF;
	v14 =	vld [tilespmem:s23+$0x2000];
	v16 =	vand.u32 $0x7FFFFFFF, v18  }
0x304: {  	s31 =	sor.u32 $0x310, s3;
	v12 =	vadd.s32 v12, v17;
	v18 =	vld [tilespmem:s23+$0x6000];
	v13 =	vadd.f32 v13, v15;
	v15 =	vnsel vm0, $0x0, v16  }
0x305: {  	s30 =	simm.s32 $0x200;
	s7 =	simm.s32 $0x100;
	p0 =	por !p0, !p0;
	v17 =	vld [tilespmem:s31+$0x6000];
	v20 =	vperm.xlane v10, v0;
	v24 =	vperm.xlane v10, v2;
	v19 =	vand.u32 $0x7FFFFFFF, v19  }
0x306: {  	s0 =	simm.s32 $0x20;
	s8 =	simm.s32 $0x1;
	s9 =	sor.u32 $0x320, s3;
	v16 =	vld [tilespmem:s31+$0x2000];
	v25 =	vperm.xlane v10, v3;
	v26 =	vperm.xlane v10, v4;
	v21 =	vnsel vm1, $0x0, v19  }
0x307: {  	s10 =	sand.u32 $0x70, s0;
	s3 =	simm.s32 $0x400;
	s8 =	simm.s32 @!p0 $0x0;
	v19 =	vld [tilespmem:s9+$0x2000];
	v27 =	vshll.u32 v20, v1;
	v20 =	vshll.u32 v24, v1;
	v24 =	vsub.f32 v23, v22  }
0x308: {  	s21 =	sshll.u32 s8, $0x6;
	s8 =	simm.s32 $0x30;
	s23 =	sand.u32 $0x400, s7;
	v23 =	vshll.u32 v25, v1;
	v22 =	vld [tilespmem:s9+$0x6000];
	v25 =	vshll.u32 v26, v1;
	vm0 =	vgt.s32 v27, $0xFFFFFF  }
.LBB2_71:
0x309: {  	p1 =	sne.s32 s8, $0xF0;
	s9 =	sadd.s32 s21, s3;
	s10 =	sor.u32 s10, s23;
	v14 =	vsub.f32 v14, v18;
	v18 =	vand.u32 $0x7FFFFFFF, v24;
	vm1 =	vgt.s32 v25, $0xFFFFFF  }
0x30a: {  	v8 =	vadd.f32 v15, v8;
	v9 =	vadd.f32 v21, v9;
	v24 =	vld [tilespmem:s10+$0x8B00];
	s10 =	sor.u32 $0x300, s9;
	s11 =	sor.u32 $0x310, s9;
	s12 =	sor.u32 $0x330, s9;
	v18 =	vnsel vm1, $0x0, v18  }
0x30b: {  	s9 =	sor.u32 $0x320, s9;
	v25 =	vld [tilespmem:s12+$0x2000];
	v14 =	vand.u32 $0x7FFFFFFF, v14;
	v15 =	vsub.f32 v16, v17;
	v11 =	vadd.f32 v18, v11  }
0x30c: {  	vm1 =	vgt.s32 v23, $0xFFFFFF;
	v26 =	vld [tilespmem:s12+$0x6000];
	v16 =	vnsel vm0, $0x0, v14;
	vm0 =	vgt.s32 v20, $0xFFFFFF  }
0x30d: {  	v14 =	vld [tilespmem:s10+$0x2000];
	v15 =	vand.u32 $0x7FFFFFFF, v15;
	v17 =	vsub.f32 v19, v22;
	v22 =	vand.u32 $0x1010101, v10  }
.Ltmp40:
0x30e: {  	v13 =	vadd.f32 v16, v13;
	v18 =	vld [tilespmem:s10+$0x6000];
	v15 =	vnsel vm0, $0x0, v15;
	v12 =	vadd.s32 v12, v22;
	(pc) =	sbr.rel @p1 .LBB2_71-.Ltmp40, $4  }
0x30f: {  	v19 =	vperm.xlane v24, v0;
	v20 =	vperm.xlane v24, v2;
	v16 =	vld [tilespmem:s11+$0x2000];
	v21 =	vand.u32 $0x7FFFFFFF, v17;
	v10 =	vmovc v24  }
0x310: {  	s3 =	sadd.s32 $0x200, s3;
	p0 =	por !p0, !p0;
	v17 =	vld [tilespmem:s11+$0x6000];
	v22 =	vperm.xlane v10, v3;
	v27 =	vperm.xlane v10, v4;
	v21 =	vnsel vm1, $0x0, v21;
	s11 =	simm.s32 $0x1  }
0x311: {  	s7 =	sadd.s32 $0x80, s7;
	s10 =	sand.u32 $0x70, s8;
	s11 =	simm.s32 @!p0 $0x0;
	v23 =	vshll.u32 v19, v1;
	v20 =	vshll.u32 v20, v1;
	v19 =	vld [tilespmem:s9+$0x2000];
	v24 =	vsub.f32 v25, v26  }
0x312: {  	s23 =	sand.u32 $0x400, s7;
	s8 =	sadd.s32 $0x10, s8;
	s21 =	sshll.u32 s11, $0x6;
	vm0 =	vgt.s32 v23, $0xFFFFFF;
	v23 =	vshll.u32 v22, v1;
	v22 =	vld [tilespmem:s9+$0x6000];
	v25 =	vshll.u32 v27, v1  }
0x313: {  	s3 =	sadd.s32 s21, s3;
	s7 =	sor.u32 s10, s23;
	v24 =	vand.u32 $0x7FFFFFFF, v24  }
0x314: {  	v14 =	vsub.f32 v14, v18;
	vm1 =	vgt.s32 v25, $0xFFFFFF;
	v8 =	vadd.f32 v15, v8;
	v18 =	vld [tilespmem:s7+$0x8B00];
	s9 =	sor.u32 $0x330, s3  }
0x315: {  	v9 =	vadd.f32 v21, v9;
	v10 =	vand.u32 $0x1010101, v10;
	v24 =	vnsel vm1, $0x0, v24;
	s8 =	sor.u32 $0x300, s3;
	v15 =	vld [tilespmem:s9+$0x2000]  }
0x316: {  	vm1 =	vgt.s32 v23, $0xFFFFFF;
	v14 =	vand.u32 $0x7FFFFFFF, v14;
	v16 =	vsub.f32 v16, v17;
	v17 =	vld [tilespmem:s9+$0x6000]  }
0x317: {  	v10 =	vadd.s32 v12, v10;
	v11 =	vadd.f32 v24, v11;
	v21 =	vld [tilespmem:s8+$0x6000];
	v14 =	vnsel vm0, $0x0, v14  }
0x318: {  	s10 =	sor.u32 $0x310, s3;
	vm0 =	vgt.s32 v20, $0xFFFFFF;
	v20 =	vld [tilespmem:s8+$0x2000];
	v16 =	vand.u32 $0x7FFFFFFF, v16;
	v19 =	vsub.f32 v19, v22  }
0x319: {  	v13 =	vadd.f32 v14, v13;
	v22 =	vld [tilespmem:s10+$0x6000];
	v14 =	vnsel vm0, $0x0, v16;
	v12 =	vperm.xlane v18, v0  }
0x31a: {  	s3 =	sor.u32 $0x320, s3;
	v16 =	vld [tilespmem:s10+$0x2000];
	v19 =	vand.u32 $0x7FFFFFFF, v19;
	v23 =	vperm.xlane v18, v2;
	v58 =	vperm.xlane v18, v4  }
0x31b: {  	v59 =	vld [tilespmem:s3+$0x2000];
	v26 =	vperm.xlane v18, v3;
	v8 =	vadd.f32 v14, v8;
	v19 =	vnsel vm1, $0x0, v19  }
0x31c: {  	s11 =	sor.u32 s26, s26;
	v15 =	vsub.f32 v15, v17;
	v17 =	vld [tilespmem:s3+$0x6000];
	v12 =	vshll.u32 v12, v1;
	v23 =	vshll.u32 v23, v1  }
0x31d: {  	s12 =	sor.u32 $0x3B0, s11;
	v20 =	vsub.f32 v20, v21;
	vm0 =	vgt.s32 v12, $0xFFFFFF;
	v12 =	vshll.u32 v58, v1  }
0x31e: {  	s21 =	sor.u32 $0x380, s11;
	v14 =	vld [tilespmem:s12+$0x2000];
	v9 =	vadd.f32 v19, v9;
	v15 =	vand.u32 $0x7FFFFFFF, v15;
	vm1 =	vgt.s32 v12, $0xFFFFFF  }
0x31f: {  	s23 =	sor.u32 $0x390, s11;
	v12 =	vshll.u32 v26, v1;
	v19 =	vand.u32 $0x7FFFFFFF, v20;
	v16 =	vsub.f32 v16, v22;
	v20 =	vld [tilespmem:s21+$0x8800]  }
0x320: {  	v22 =	vld [tilespmem:s23+$0x6000];
	v15 =	vnsel vm1, $0x0, v15;
	vm1 =	vgt.s32 v12, $0xFFFFFF;
	v12 =	vand.u32 $0x1010101, v18  }
0x321: {  	v11 =	vadd.f32 v15, v11;
	v15 =	vnsel vm0, $0x0, v19;
	v17 =	vsub.f32 v59, v17;
	v19 =	vld [tilespmem:s12+$0x6000]  }
0x322: {  	s26 =	simm.s32 $0x40;
	v18 =	vld [tilespmem:s21+$0x2000];
	vm0 =	vgt.s32 v23, $0xFFFFFF;
	v16 =	vand.u32 $0x7FFFFFFF, v16  }
0x323: {  	s7 =	sor.u32 s26, s30;
	v21 =	vadd.s32 v10, v12;
	v12 =	vld [tilespmem:s23+$0x2000];
	v13 =	vadd.f32 v15, v13;
	v15 =	vand.u32 $0x7FFFFFFF, v17  }
0x324: {  	s30 =	sor.u32 $0x380, s7;
	v16 =	vnsel vm0, $0x0, v16;
	v17 =	vld [tilespmem:s21+$0x6000];
	v10 =	vnsel vm1, $0x0, v15  }
0x325: {  	v61 =	vld [tilespmem:s30+$0x6000];
	s3 =	sor.u32 $0x3A0, s11;
	v15 =	vadd.f32 v16, v8;
	v16 =	vperm.xlane v20, v0;
	v23 =	vperm.xlane v20, v4  }
0x326: {  	v60 =	vld [tilespmem:s3+$0x6000];
	v8 =	vadd.f32 v10, v9;
	v9 =	vperm.xlane v20, v2;
	v14 =	vsub.f32 v14, v19  }
0x327: {  	s28 =	sor.u32 s29, s28;
	v10 =	vld [tilespmem:s3+$0x2000];
	v19 =	vperm.xlane v20, v3;
	v16 =	vshll.u32 v16, v1;
	v23 =	vshll.u32 v23, v1  }
0x328: {  	s3 =	sor.u32 $0x380, s28;
	v20 =	vand.u32 $0x1010101, v20;
	v12 =	vsub.f32 v12, v22;
	v22 =	vld [tilespmem:s30+$0x2000];
	vm0 =	vgt.s32 v23, $0xFFFFFF  }
0x329: {  	s29 =	sor.u32 $0x3B0, s7;
	v9 =	vshll.u32 v9, v1;
	v23 =	vld [tilespmem:s3+$0x8800];
	v17 =	vsub.f32 v18, v17;
	v14 =	vand.u32 $0x7FFFFFFF, v14  }
0x32a: {  	v18 =	vld [tilespmem:s29+$0x2000];
	v19 =	vshll.u32 v19, v1;
	vm1 =	vgt.s32 v9, $0xFFFFFF;
	v14 =	vnsel vm0, $0x0, v14  }
0x32b: {  	vm0 =	vgt.s32 v16, $0xFFFFFF;
	v11 =	vadd.f32 v14, v11;
	v14 =	vld [tilespmem:s29+$0x6000];
	v16 =	vand.u32 $0x7FFFFFFF, v17  }
0x32c: {  	v17 =	vsub.f32 v10, v60;
	v9 =	vnsel vm0, $0x0, v16;
	v16 =	vand.u32 $0x7FFFFFFF, v12  }
0x32d: {  	s31 =	sor.u32 $0x390, s7;
	vm0 =	vgt.s32 v19, $0xFFFFFF;
	v22 =	vsub.f32 v22, v61;
	v12 =	vadd.f32 v9, v13  }
0x32e: {  	v9 =	vnsel vm1, $0x0, v16;
	v13 =	vand.u32 $0x7FFFFFFF, v17;
	v62 =	vperm.xlane v23, v4;
	v17 =	vld [tilespmem:s31+$0x6000]  }
0x32f: {  	s9 =	sor.u32 $0x3A0, s7;
	s7 =	simm.s32 $0x80;
	s3 =	simm.s32 $0x400;
	v10 =	vadd.f32 v9, v15;
	v9 =	vadd.s32 v21, v20;
	v15 =	vld [tilespmem:s31+$0x2000];
	v21 =	vperm.xlane v23, v0  }
0x330: {  	s10 =	sor.u32 s7, s3;
	v19 =	vperm.xlane v23, v2;
	v16 =	vld [tilespmem:s9+$0x2000];
	v13 =	vnsel vm0, $0x0, v13;
	v63 =	vsub.f32 v18, v14  }
0x331: {  	s8 =	simm.s32 $0x100;
	s21 =	sor.u32 $0x3B0, s10;
	v20 =	vperm.xlane v23, v3;
	v25 =	vshll.u32 v62, v1;
	v21 =	vshll.u32 v21, v1;
	v18 =	vld [tilespmem:s9+$0x6000]  }
0x332: {  	s11 =	sor.u32 s8, s0;
	s0 =	simm.s32 $0x30;
	v14 =	vand.u32 $0x1010101, v23;
	vm0 =	vgt.s32 v25, $0xFFFFFF;
	v23 =	vand.u32 $0x7FFFFFFF, v63  }
.LBB2_73:
0x333: {  	p0 =	sne.s32 s0, $0xF0;
	s9 =	sor.u32 $0x380, s11;
	s11 =	sor.u32 $0x380, s10;
	v24 =	vld [tilespmem:s21+$0x2000];
	v19 =	vshll.u32 v19, v1;
	v20 =	vshll.u32 v20, v1;
	v23 =	vnsel vm0, $0x0, v23  }
0x334: {  	s12 =	sor.u32 $0x3A0, s10;
	vm0 =	vgt.s32 v21, $0xFFFFFF;
	v25 =	vld [tilespmem:s9+$0x8800];
	s9 =	sor.u32 $0x390, s10;
	v15 =	vsub.f32 v15, v17;
	v11 =	vadd.f32 v23, v11  }
0x335: {  	v17 =	vand.u32 $0x7FFFFFFF, v22;
	vm1 =	vgt.s32 v19, $0xFFFFFF;
	vm2 =	vgt.s32 v20, $0xFFFFFF;
	v21 =	vld [tilespmem:s21+$0x6000]  }
0x336: {  	v17 =	vnsel vm0, $0x0, v17;
	v22 =	vld [tilespmem:s11+$0x2000];
	v15 =	vand.u32 $0x7FFFFFFF, v15;
	v16 =	vsub.f32 v16, v18  }
0x337: {  	v8 =	vadd.f32 v13, v8;
	v12 =	vadd.f32 v17, v12;
	v23 =	vld [tilespmem:s11+$0x6000];
	v17 =	vnsel vm1, $0x0, v15  }
.Ltmp41:
0x338: {  	v9 =	vadd.s32 v9, v14;
	v15 =	vld [tilespmem:s9+$0x2000];
	v10 =	vadd.f32 v17, v10;
	v13 =	vand.u32 $0x7FFFFFFF, v16;
	(pc) =	sbr.rel @p0 .LBB2_73-.Ltmp41, $4  }
0x339: {  	v14 =	vperm.xlane v25, v0;
	v17 =	vld [tilespmem:s9+$0x6000];
	v26 =	vperm.xlane v25, v4;
	v13 =	vnsel vm2, $0x0, v13  }
0x33a: {  	s3 =	sadd.s32 $0x200, s3;
	s7 =	sadd.s32 $0x40, s7;
	v19 =	vperm.xlane v25, v2;
	v20 =	vperm.xlane v25, v3;
	v16 =	vld [tilespmem:s12+$0x2000];
	v24 =	vsub.f32 v24, v21  }
0x33b: {  	s8 =	sadd.s32 $0x80, s8;
	s10 =	sor.u32 s7, s3;
	v21 =	vshll.u32 v14, v1;
	v18 =	vld [tilespmem:s12+$0x6000];
	v26 =	vshll.u32 v26, v1;
	v14 =	vand.u32 $0x1010101, v25  }
0x33c: {  	s21 =	sor.u32 $0x3B0, s10;
	s11 =	sor.u32 s8, s0;
	s0 =	sadd.s32 $0x10, s0;
	v22 =	vsub.f32 v22, v23;
	v23 =	vand.u32 $0x7FFFFFFF, v24;
	vm0 =	vgt.s32 v26, $0xFFFFFF  }
0x33d: {  	v24 =	vld [tilespmem:s21+$0x2000]  }
0x33e: {  	s0 =	sor.u32 $0x380, s11;
	v50 =	vld [tilespmem:s21+$0x6000]  }
0x33f: {  	v19 =	vshll.u32 v19, v1;
	s30 =	sor.u32 $0x380, s10;
	v25 =	vld [tilespmem:s0+$0x8800]  }
0x340: {  	v20 =	vshll.u32 v20, v1;
	v23 =	vnsel vm0, $0x0, v23;
	vm11 =	vgt.s32 v21, $0xFFFFFF;
	v52 =	vld [tilespmem:s30+$0x2000]  }
0x341: {  	v13 =	vadd.f32 v13, v8;
	v14 =	vadd.s32 v9, v14;
	s3 =	sor.u32 $0x3A0, s10;
	v15 =	vsub.f32 v15, v17;
	v53 =	vld [tilespmem:s30+$0x6000]  }
0x342: {  	v11 =	vadd.f32 v23, v11;
	v51 =	vand.u32 $0x7FFFFFFF, v22;
	vm1 =	vgt.s32 v19, $0xFFFFFF;
	v58 =	vld [tilespmem:s3+$0x2000]  }
0x343: {  	v59 =	vld [tilespmem:s3+$0x6000];
	v21 =	vnsel vm11, $0x0, v51;
	v15 =	vand.u32 $0x7FFFFFFF, v15;
	v16 =	vsub.f32 v16, v18  }
0x344: {  	vm12 =	vgt.s32 v20, $0xFFFFFF;
	v12 =	vadd.f32 v21, v12;
	v15 =	vnsel vm1, $0x0, v15  }
0x345: {  	s31 =	sor.u32 $0x390, s10;
	v10 =	vadd.f32 v15, v10;
	v15 =	vand.u32 $0x7FFFFFFF, v16;
	v17 =	vsub.f32 v24, v50  }
0x346: {  	v8 =	vld [tilespmem:s31+$0x2000];
	v9 =	vperm.xlane v25, v0;
	v55 =	vperm.xlane v25, v4;
	v15 =	vnsel vm12, $0x0, v15  }
0x347: {  	v54 =	vld [tilespmem:s31+$0x6000];
	v56 =	vperm.xlane v25, v2;
	v57 =	vperm.xlane v25, v3;
	v25 =	vand.u32 $0x1010101, v25  }
0x348: {  	v18 =	vsub.f32 v52, v53;
	v62 =	vsub.f32 v58, v59;
	v17 =	vand.u32 $0x7FFFFFFF, v17  }
0x349: {  	v13 =	vadd.f32 v15, v13;
	v15 =	vshrl.u32 v7, $0x18;
	v20 =	vshll.u32 v55, v1  }
0x34a: {  	v14 =	vadd.s32 v14, v25;
	v9 =	vshll.u32 v9, v1;
	vm13 =	vgt.s32 v20, $0xFFFFFF  }
0x34b: {  	v60 =	vshll.u32 v56, v1;
	vm14 =	vgt.s32 v9, $0xFFFFFF;
	v17 =	vnsel vm13, $0x0, v17  }
0x34c: {  	v9 =	vsub.f32 v8, v54;
	v8 =	vadd.f32 v17, v11;
	v11 =	vand.u32 $0x7FFFFFFF, v18  }
0x34d: {  	v61 =	vshll.u32 v57, v1;
	v63 =	vshrl.u32 v14, $0x18;
	v11 =	vnsel vm14, $0x0, v11  }
0x34e: {  	v16 =	vand.u32 $0x7FFFFFFF, v9;
	v9 =	vadd.f32 v11, v12;
	v12 =	vand.u32 $0xFF, v7  }
0x34f: {  	vm15 =	vgt.s32 v60, $0xFFFFFF;
	v6 =	vadd.s32 v6, v12;
	v12 =	vshrl.u32 v7, $0x8  }
0x350: {  	s25 =	sadd.s32 $0x1, s25;
	v7 =	vshrl.u32 v7, $0x10;
	v12 =	vand.u32 $0xFF, v12;
	v6 =	vadd.s32 v15, v6  }
0x351: {  	p0 =	sne.s32 s25, $0x20;
	vm2 =	vgt.s32 v61, $0xFFFFFF;
	v7 =	vand.u32 $0xFF, v7;
	v6 =	vadd.s32 v12, v6  }
.Ltmp42:
0x352: {  	v11 =	vnsel vm15, $0x0, v16;
	v15 =	vand.u32 $0xFF, v14;
	v6 =	vadd.s32 v7, v6;
	(pc) =	sbr.rel @p0 .LBB2_2-.Ltmp42, $4  }
.Ltmp43:
0x353: {  	v12 =	vand.u32 $0x7FFFFFFF, v62;
	v7 =	vshrl.u32 v14, $0x8;
	v6 =	vadd.s32 v15, v6;
	(pc) =	sbr.rel @!p0 .LBB2_75-.Ltmp43, $4  }
0x354: {  	v14 =	vshrl.u32 v14, $0x10;
	v7 =	vand.u32 $0xFF, v7;
	v6 =	vadd.s32 v63, v6  }
0x355: {  	v15 =	vnsel vm2, $0x0, v12;
	v14 =	vand.u32 $0xFF, v14;
	v6 =	vadd.s32 v7, v6  }
0x356: {  	v12 =	vadd.f32 v11, v10;
	v7 =	vadd.f32 v15, v13;
	v6 =	vadd.s32 v14, v6  }
0x357: {  	_ = 	snop  }
.LBB2_13:
.Ltmp44:
0x358: {  	(pc) =	sbr.rel .LBB2_19-.Ltmp44, $2  }
0x359: {  	_ =	sdelay $0x2  }
0x35a: {  	v13 =	vmovc v9;
	v15 =	vmovc v10;
	v19 =	vmov v7;
	p1 =	por $0x0, $0x0;
	v24 =	vmov v8;
	v17 =	vmov v11  }
.LBB2_27:
.Ltmp45:
0x35b: {  	(pc) =	sbr.rel .LBB2_34-.Ltmp45, $2  }
0x35c: {  	_ =	sdelay $0x2  }
0x35d: {  	v14 =	vmovc v9;
	v16 =	vmovc v10;
	v18 =	vmov v11;
	p1 =	por $0x0, $0x0;
	v23 =	vmov v7;
	v25 =	vmov v8  }
.LBB2_49:
.Ltmp46:
0x35e: {  	(pc) =	sbr.rel .LBB2_55-.Ltmp46, $2  }
0x35f: {  	_ =	sdelay $0x2  }
0x360: {  	v14 =	vmovc v10;
	v16 =	vmovc v11;
	v20 =	vmov v8;
	p1 =	por $0x0, $0x0;
	v25 =	vmov v9;
	v18 =	vmov v12  }
.LBB2_63:
.Ltmp47:
0x361: {  	(pc) =	sbr.rel .LBB2_70-.Ltmp47, $2  }
0x362: {  	_ =	sdelay $0x2  }
0x363: {  	v15 =	vmovc v10;
	v17 =	vmovc v11;
	v19 =	vmov v12;
	p1 =	por $0x0, $0x0;
	v24 =	vmov v8;
	v26 =	vmov v9  }
.LBB2_8:
.Ltmp48:
0x364: {  	(pc) =	sbr.rel .LBB2_12-.Ltmp48, $2  }
0x365: {  	_ =	sdelay $0x2  }
0x366: {  	v13 =	vmovc v8;
	v15 =	vmovc v9;
	v24 =	vmov v7;
	v17 =	vmov v10;
	v19 =	vmov v11;
	p3 =	por $0x0, $0x0  }
.LBB2_15:
.Ltmp49:
0x367: {  	(pc) =	sbr.rel .LBB2_19-.Ltmp49, $2  }
0x368: {  	_ =	sdelay $0x2  }
0x369: {  	v13 =	vmovc v9;
	v15 =	vmovc v10;
	v24 =	vmov v8;
	v17 =	vmov v11;
	v19 =	vmov v7  }
.LBB2_21:
.Ltmp50:
0x36a: {  	(pc) =	sbr.rel .LBB2_26-.Ltmp50, $2  }
0x36b: {  	_ =	sdelay $0x2  }
0x36c: {  	v22 =	vmovc v8;
	v24 =	vmovc v7;
	v14 =	vmov v9;
	v16 =	vmov v10;
	v17 =	vmov v11;
	p3 =	por $0x0, $0x0  }
.LBB2_29:
.Ltmp51:
0x36d: {  	(pc) =	sbr.rel .LBB2_34-.Ltmp51, $2  }
0x36e: {  	_ =	sdelay $0x2  }
0x36f: {  	v23 =	vmovc v7;
	v25 =	vmovc v8;
	v14 =	vmov v9;
	v16 =	vmov v10;
	v18 =	vmov v11  }
.LBB2_44:
.Ltmp52:
0x370: {  	(pc) =	sbr.rel .LBB2_48-.Ltmp52, $2  }
0x371: {  	_ =	sdelay $0x2  }
0x372: {  	v14 =	vmovc v9;
	v16 =	vmovc v10;
	v25 =	vmov v8;
	v18 =	vmov v11;
	v20 =	vmov v12;
	p3 =	por $0x0, $0x0  }
.LBB2_51:
.Ltmp53:
0x373: {  	(pc) =	sbr.rel .LBB2_55-.Ltmp53, $2  }
0x374: {  	_ =	sdelay $0x2  }
0x375: {  	v14 =	vmovc v10;
	v16 =	vmovc v11;
	v25 =	vmov v9;
	v18 =	vmov v12;
	v20 =	vmov v8  }
.LBB2_57:
.Ltmp54:
0x376: {  	(pc) =	sbr.rel .LBB2_62-.Ltmp54, $2  }
0x377: {  	_ =	sdelay $0x2  }
0x378: {  	v23 =	vmovc v9;
	v25 =	vmovc v8;
	v15 =	vmov v10;
	v17 =	vmov v11;
	v18 =	vmov v12;
	p3 =	por $0x0, $0x0  }
.LBB2_65:
.Ltmp55:
0x379: {  	(pc) =	sbr.rel .LBB2_70-.Ltmp55, $2  }
0x37a: {  	_ =	sdelay $0x2  }
0x37b: {  	v24 =	vmovc v8;
	v26 =	vmovc v9;
	v15 =	vmov v10;
	v17 =	vmov v11;
	v19 =	vmov v12  }
.LBB2_10:
.Ltmp56:
0x37c: {  	(pc) =	sbr.rel .LBB2_12-.Ltmp56, $2  }
0x37d: {  	_ =	sdelay $0x2  }
0x37e: {  	v24 =	vmov v7  }
.LBB2_17:
.Ltmp57:
0x37f: {  	(pc) =	sbr.rel .LBB2_19-.Ltmp57, $2  }
0x380: {  	_ =	sdelay $0x2  }
0x381: {  	v24 =	vmov v8  }
.LBB2_23:
.Ltmp58:
0x382: {  	(pc) =	sbr.rel .LBB2_26-.Ltmp58, $2  }
0x383: {  	_ =	sdelay $0x2  }
0x384: {  	v22 =	vmov v8;
	v24 =	vmov v7;
	v27 =	vmov v23  }
.LBB2_31:
.Ltmp59:
0x385: {  	(pc) =	sbr.rel .LBB2_34-.Ltmp59, $2  }
0x386: {  	_ =	sdelay $0x2  }
0x387: {  	v23 =	vmov v7;
	v25 =	vmov v8;
	v27 =	vmov v22  }
.LBB2_46:
.Ltmp60:
0x388: {  	(pc) =	sbr.rel .LBB2_48-.Ltmp60, $2  }
0x389: {  	_ =	sdelay $0x2  }
0x38a: {  	v25 =	vmov v8  }
.LBB2_53:
.Ltmp61:
0x38b: {  	(pc) =	sbr.rel .LBB2_55-.Ltmp61, $2  }
0x38c: {  	_ =	sdelay $0x2  }
0x38d: {  	v25 =	vmov v9  }
.LBB2_59:
.Ltmp62:
0x38e: {  	(pc) =	sbr.rel .LBB2_62-.Ltmp62, $2  }
0x38f: {  	_ =	sdelay $0x2  }
0x390: {  	v23 =	vmov v9;
	v25 =	vmov v8;
	v28 =	vmov v24  }
.LBB2_67:
.Ltmp63:
0x391: {  	(pc) =	sbr.rel .LBB2_70-.Ltmp63, $2  }
0x392: {  	_ =	sdelay $0x2  }
0x393: {  	v24 =	vmov v8;
	v26 =	vmov v9;
	v28 =	vmov v23  }
.LBB2_76:
0x394: {  	_ =	sfence.sel $0x180000  }
0x395: {  	[bflag:$0x0] =	sbarrier.arrive $0xFFFF  }
0x396: {  	_ =	strace $0x9000004A  }
0x397: {  	s0 =	stileid.u32;
	[bflag:$0x2] =	sbarrier.arrive $0xFFFF  }
0x398: {  	p0 =	sne.s32 s0, $0x0;
	s0 =	rddreg [dreg:$0x3]  }
0x399: {  	s0 =	sadd.s32 @!p0 $0x100000, s0  }
0x39a: {  	[sflag:s0] =	ssyncadd.tile.s32 @!p0 $0x1;
	_ =	shalt  }
.Lfunc_end2:
_tile_overlayer_lowered:
.L_overlay_start_2:
0x39b: {  	(tag) =	ssettag $0x2  }
0x39c: {  	s0 =	rddreg [dreg:$0x0];
	s2 =	stileid.u32  }
0x39d: {  	s1 =	rddreg [dreg:$0x1];
	p0 =	sne.s32 s2, $0x0  }
0x39e: {  	s3 =	rddreg [dreg:$0x2];
	[bflag:$0x3] =	sbarrier.arrive $0xFFFF;
	s2 =	simm.s32 @!p0 $0x1C03  }
0x39f: {  	[timem:s3], [sflag:s2] =	dma.local @!p0 [hbm:s0], s1  }
0x3a0: {  	s0 =	simm.s32 @!p0 $0x3  }
0x3a1: {  	_ =	swait.ge @!p0 [sflag:s0], s1  }
0x3a2: {  	s1 =	ssub.s32 @!p0 $0x0, s1;
	[sflag:s0] =	ssyncset.done @!p0 $0x0  }
0x3a3: {  	[sflag:s0] =	ssyncadd.s32 @!p0 s1  }
0x3a4: {  	[bflag:$0x3] =	sbarrier.arrive $0xFFFF  }
0x3a5: {  	_ =	shalt  }

// kernel: sparse-core-data-format-call.cloned.1.call-start
scs
called_computation_lowered:
.L_overlay_start_0:
0x0: {  	s1 =	sld [smem:$0x3FD9]  }
0x1: {  	s2 =	sld [smem:$0x3FFE];
	_ =	sdelay $0x1  }
0x2: {  	s3 =	srdreg.scid  }
0x3: {  	s0 =	sand.u32 $0x1, s3  }
0x4: {  	s17 =	sshll.u32 s0, $0xA;
	s1 =	sadd.s32 s2, s1  }
0x5: {  	s1 =	sadd.s32 s1, s17  }
0x6: {  	[smem:$0x3FC5] =	sst s1  }
0x7: {  	_ = 	snop  }
0x8: {  	(tm) =	ssettm $0x1  }
0x9: {  	s18 =	sld [smem:$0x3FFB];
	_ =	sdelay $0x3  }
0xa: {  	_ =	strace s18  }
0xb: {  	s1 =	sld [smem:$0x3FFC];
	_ =	sdelay $0x3  }
0xc: {  	_ =	strace s1  }
0xd: {  	s1 =	sld [smem:$0x3FFD];
	_ =	sdelay $0x3  }
0xe: {  	_ =	strace s1  }
0xf: {  	_ =	strace $0x8FFFFFFF  }
0x10: {  	s19 =	sld [smem:$0x3FDB];
	_ =	sdelay $0x1  }
0x11: {  	s20 =	simm.s32 $_scs_section_size  }
0x12: {  	s4 =	simm.s32 $_size__tile_overlayer_lowered;
	s5 =	simm.s32 $_tile_overlayer_lowered  }
0x13: {  	s23 =	simm.s32 $0x1BFF;
	s22 =	sshll.u32 s5, $0x1;
	s1 =	sadd.s32 s20, s19  }
0x14: {  	s6 =	simm.s32 $0x0;
	s21 =	sshll.u32 s4, $0x1;
	s4 =	sadd.s32 s22, s1  }
0x15: {  	[timem:s6], [sflag:s23] =	dma.local [hbm:s4], s21  }
0x16: {  	_ =	swait.ge [sflag:s23], s21  }
0x17: {  	s2 =	ssub.s32 $0x0, s21;
	[sflag:s23] =	ssyncset.done $0x0  }
0x18: {  	[sflag:s23] =	ssyncadd.s32 s2;
	_ =	sdelay $0x1  }
0x19: {  	s24 =	simm.s32 $0x1B8B  }
0x1a: {  	_ =	swait.ge [sflag:s24], $0x1  }
0x1b: {  	[sflag:s24] =	ssyncset.done $0x0  }
0x1c: {  	s26 =	simm.s32 $0x1B8E;
	s25 =	sld [smem:$0x3FFE];
	[sflag:s24] =	ssyncadd.s32 $0xFFFFFFFF  }
0x1d: {  	s27 =	simm.s32 $execute0_lowered;
	[smem:$0x3FD2] =	sst s26  }
0x1e: {  	s4 =	sshll.u32 s27, $0x1;
	_ =	strace $0x80000046;
	[dreg:$0x1] =	wrdreg $0xFFFFFFFF  }
0x1f: {  	s28 =	simm.s32 $_size_execute0_lowered;
	s1 =	sadd.s32 s1, s4;
	[dreg:$0x0] =	wrdreg $0x0  }
0x20: {  	s4 =	sshll.u32 s28, $0x1;
	[dreg:$0x2] =	wrdreg s1  }
0x21: {  	[dreg:$0x3] =	wrdreg s4  }
0x22: {  	[dreg:$0x4] =	wrdreg $0xC0  }
0x23: {  	_ =	task [dreg:s6], $0x5FFFF  }
0x24: {  	[dreg:$0x1] =	wrdreg $0xFFFFFFFF  }
0x25: {  	[dreg:$0x0] =	wrdreg $0x60  }
0x26: {  	[dreg:$0x2] =	wrdreg s25  }
0x27: {  	[dreg:$0x3] =	wrdreg $0x9  }
0x28: {  	_ =	task.clear_ibuf [dreg:s6], $0x4FFFF;
	_ =	strace $0x90000046  }
0x29: {  	s29 =	simm.s32 $0x9;
	_ =	strace $0x80000048  }
0x2a: {  	_ =	swait.ge [sflag:s29], $0x1  }
0x2b: {  	[sflag:s29] =	ssyncadd.s32 $0xFFFFFFFF  }
0x2c: {  	_ =	strace $0x90000048  }
0x2d: {  	_ =	sfence  }
0x2e: {  	s30 =	sld [smem:$0x0];
	_ =	sdelay $0x2  }
0x2f: {  	s31 =	sshll.u32 s3, $0xD;
	s3 =	sshrl.u32 s3, $0x2  }
0x30: {  	s2 =	sand.u32 $0x4000, s31;
	s1 =	sadd.s32 s3, s30  }
0x31: {  	s0 =	sor.u32 s2, s0;
	s1 =	sshll.u32 s1, $0x11  }
0x32: {  	s0 =	sor.u32 s1, s0  }
0x33: {  	s0 =	sadd.s32 $0x8F2B, s0  }
0x34: {  	[sflag:s0] =	ssyncadd.remote.s32 $0x1  }
0x35: {  	_ =	sfence.sel $0xFFFF  }
0x36: {  	[dreg:$0x0] =	wrdreg $0xFFFFFFFF;
	(pc) =	sbr.abs _section_cstart, $3  }
0x37: {  	[dreg:$0x1] =	wrdreg $0xFFFFFFFF  }
0x38: {  	_ =	task.clear_ibuf [dreg:s6], $0x2FFFF;
	_ =	strace $0x9FFFFFFF  }
0x39: {  	(tm) =	ssettm $0x7FFFFFFF  }
tec
execute0_lowered:
.L_overlay_start_1:
0x0: {  	(tag) =	ssettag $0x1  }
0x1: {  	s0 =	stileid.u32  }
0x2: {  	s1 =	srdreg.scid;
	s3 =	rddreg [dreg:$0x0];
	s7 =	simm.s32 $0x1  }
0x3: {  	s6 =	simm.s32 $0x1;
	s2 =	sshll.u32 s0, $0x5;
	s1 =	sshll.u32 s1, $0x9  }
0x4: {  	s31 =	simm.s32 $0x2;
	s15 =	simm.s32 $0x0;
	s1 =	sor.u32 s2, s1  }
0x5: {  	s9 =	simm.s32 $0x4000;
	s14 =	simm.s32 $0x0;
	s2 =	sand.u32 $0x380, s1  }
0x6: {  	s16 =	simm.s32 $0x0;
	s10 =	simm.s32 $0x0;
	s5 =	ssub.s32 $0x1000, s2  }
0x7: {  	s13 =	simm.s32 $0x0;
	s1 =	rddreg [dreg:$0x1];
	s4 =	sand.u32 $0x380, s5  }
.Ltmp0:
0x8: {  	_ =	strace $0x80000047;
	p0 =	sne.s32 s4, $0x0;
	(pc) =	sbr.rel .LBB1_1-.Ltmp0, $4  }
0x9: {  	[sflag:s6] =	ssyncpa.u1 $0x0;
	s8 =	sshrl.u32 s5, $0xA;
	s7 =	simm.s32 @!p0 $0x0  }
0xa: {  	s11 =	smov.u32 s2;
	s5 =	sand.u32 $0x3, s0;
	s7 =	sadd.s32 s7, s8  }
0xb: {  	[sflag:s31] =	ssyncpa.u1 $0x0;
	s4 =	sadd.s32 $0x200000, s3;
	s7 =	sshll.u32 s7, $0x3  }
0xc: {  	s12 =	smov.u32 s5;
	p0 =	por $0x0, $0x0;
	s8 =	sor.u32 $0x1, s7  }
.LBB1_4:
0xd: {  	v5 =	vld [tilespmem:s20+$0xFFFFFFD0];
	[tilespmem:s19+$0x2040 ss:$0x81] =	vst.msk $0xffff, v1  }
0xe: {  	v58 =	vld [tilespmem:s20+$0xFFFFFFE0];
	[tilespmem:s19+$0x2850 ss:$0x81] =	vst.msk $0xffff, v2  }
0xf: {  	s21 =	sshra.s32 s21, $0x2;
	v59 =	vld [tilespmem:s20+$0xFFFFFFF0];
	[tilespmem:s19+$0x3060 ss:$0x81] =	vst.msk $0xffff, v3  }
0x10: {  	v60 =	vld [tilespmem:s20+$0x0];
	[tilespmem:s19+$0x0 ss:$0x81] =	vst.msk $0xffff, v0;
	s18 =	sadd.s32 s21, s18  }
0x11: {  	v61 =	vld [tilespmem:s20+$0x10];
	[tilespmem:s18+$0x3870 ss:$0x81] =	vst.msk $0xffff, v4  }
0x12: {  	v62 =	vld [tilespmem:s20+$0x20];
	[tilespmem:s18+$0x810 ss:$0x81] =	vst.msk $0xffff, v5  }
0x13: {  	s16 =	sshll.u32 s16, $0x7;
	v63 =	vld [tilespmem:s20+$0xFFFFFFC0];
	s28 =	sand.u32 $0x78, s14;
	s29 =	sshll.u32 s14, $0x2;
	[tilespmem:s18+$0x1020 ss:$0x81] =	vst.msk $0xffff, v58  }
0x14: {  	s15 =	sshll.u32 s15, $0xB;
	s30 =	sshrl.u32 s14, $0x1;
	s16 =	sand.u32 $0x180, s16;
	[tilespmem:s18+$0x1830 ss:$0x81] =	vst.msk $0xffff, v59  }
0x15: {  	s31 =	sand.u32 $0x7, s14;
	s20 =	sand.u32 $0xE00, s29;
	s16 =	sor.u32 s16, s28;
	[tilespmem:s18+$0x2040 ss:$0x81] =	vst.msk $0xffff, v60  }
0x16: {  	s19 =	sand.u32 $0x600, s30;
	s15 =	sadd.s32 s4, s15;
	s16 =	sor.u32 s20, s16;
	[tilespmem:s18+$0x2850 ss:$0x81] =	vst.msk $0xffff, v61  }
0x17: {  	s14 =	sshll.u32 s31, $0x12;
	s15 =	sadd.s32 s19, s15;
	s16 =	sshrl.u32 s16, $0x3;
	[tilespmem:s18+$0x3060 ss:$0x81] =	vst.msk $0xffff, v62  }
0x18: {  	s14 =	sor.u32 $0x80, s14;
	[tilespmem:s18+$0x0 ss:$0x81] =	vst.msk $0xffff, v63;
	s15 =	sadd.s32 s16, s15  }
0x19: {  	[hbm4b:s15+s14] =	stream.strided.scatter [tilespmem:s17], [sflag:$0x2], $0x4000, s9, s14, $0x20;
	[tilespmem:$0x10100] =	vst v63  }
.LBB1_5:
0x1a: {  	s17 =	sadd.s32 $0x80, s10  }
0x1b: {  	s14 =	sadd.s32 $0x400, s11;
	s18 =	smov.u32 s11;
	p2 =	sgt.s32 s17, $0x3FF  }
0x1c: {  	s18 =	smov.u32 @p2 s14  }
0x1d: {  	s20 =	smov.u32 s12;
	s14 =	sadd.s32 $0x4, s12;
	p3 =	sgt.s32 s18, $0xFFF  }
0x1e: {  	s20 =	smov.u32 @p3 s14  }
0x1f: {  	s17 =	simm.s32 @p2 $0x0;
	p2 =	sgt.s32 s20, $0x3  }
0x20: {  	p1 =	slt.u32 s13, $0x2;
	s20 =	smov.u32 @p2 s5;
	p2 =	sne.s32 s13, s8  }
.Ltmp1:
0x21: {  	s19 =	simm.s32 @!p1 $0x2;
	(pc) =	sbr.rel @!p2 .LBB1_6-.Ltmp1, $4  }
0x22: {  	s15 =	smov.u32 s10;
	s16 =	smov.u32 s12;
	_ =	swait.ge @!p1 [sflag:s19], $0x4000  }
0x23: {  	p0 =	por !p0, !p0;
	[sflag:s19] =	ssyncset.done @!p1 $0x0;
	s10 =	smov.u32 s17  }
0x24: {  	s18 =	smov.u32 @p3 s2;
	s14 =	smov.u32 s11;
	[sflag:s19] =	ssyncadd.s32 @!p1 $0xFFFFC000  }
0x25: {  	s11 =	smov.u32 s18;
	s13 =	sadd.s32 $0x1, s13;
	s12 =	smov.u32 s20  }
.LBB1_1:
0x26: {  	p1 =	sge.u32 s13, s7  }
0x27: {  	s31 =	sadd.s32 $0xFFFFFFFF, s13;
	s17 =	sshll.u32 @!p1 s11, $0x7  }
0x28: {  	s18 =	sxor.u32 @!p1 $0xFFFFFFFF, s13;
	s19 =	sand.u32 @!p1 $0x78, s10;
	s20 =	sand.u32 @!p1 $0x380, s17  }
0x29: {  	s18 =	sshll.u32 @!p1 s18, $0xE;
	s19 =	sor.u32 @!p1 s19, s20;
	s20 =	sshll.u32 @!p1 s12, $0x13  }
0x2a: {  	s17 =	sand.u32 @!p1 $0x7FC00, s17;
	s19 =	sshrl.u32 @!p1 s19, $0x3;
	s20 =	sadd.s32 @!p1 s3, s20  }
0x2b: {  	s17 =	sadd.s32 @!p1 s10, s17;
	s19 =	sadd.s32 @!p1 s19, s20;
	s20 =	sand.u32 @!p1 $0x7, s10  }
0x2c: {  	s18 =	sand.u32 @!p1 $0x4000, s18;
	s17 =	sand.u32 @!p1 $0x7FF80, s17;
	s20 =	sshll.u32 @!p1 s20, $0x12  }
0x2d: {  	s17 =	sadd.s32 @!p1 s17, s19;
	s19 =	sor.u32 @!p1 $0x400, s20;
	s20 =	simm.s32 @!p1 $0x2000  }
0x2e: {  	[tilespmem:s18], [sflag:$0x1] =	stream.strided.gather @!p1 [hbm4b:s17+s19], $0x4000, s20, s19, $0x38;
	[tilespmem:$0x10100] =	vst v63  }
0x2f: {  	p1 =	sge.u32 s31, s7  }
.Ltmp2:
0x30: {  	_ = 	snop;
	(pc) =	sbr.rel @p1 .LBB1_5-.Ltmp2, $1  }
0x31: {  	_ =	sdelay $0x3  }
0x32: {  	s17 =	simm.s32 $0x1  }
0x33: {  	_ =	swait.ge [sflag:s6], $0x4000;
	s17 =	simm.s32 @!p0 $0x0  }
0x34: {  	[sflag:s6] =	ssyncset.done $0x0;
	s18 =	sshll.u32 s17, $0xE  }
0x35: {  	[sflag:s6] =	ssyncadd.s32 $0xFFFFC000;
	s20 =	sor.u32 $0x40, s18  }
0x36: {  	s17 =	smul.u32 $0x10200, s17;
	v0 =	vld [tilespmem:s20+$0x30]  }
0x37: {  	v3 =	vld [tilespmem:s20+$0xFFFFFFD0]  }
0x38: {  	s17 =	sshrl.u32 s17, $0x2;
	v4 =	vld [tilespmem:s20+$0xFFFFFFE0]  }
0x39: {  	v5 =	vld [tilespmem:s20+$0xFFFFFFF0];
	s18 =	sor.u32 $0x8000, s17  }
0x3a: {  	s31 =	sand.u32 $0x1, s13;
	v1 =	vld [tilespmem:s20+$0x0];
	s19 =	sadd.s32 $0x0, s18  }
0x3b: {  	v2 =	vld [tilespmem:s20+$0x10];
	s17 =	smul.u32 $0x10200, s31;
	[tilespmem:s19+$0x3870 ss:$0x81] =	vst.msk $0xffff, v0  }
0x3c: {  	[tilespmem:s19+$0x810 ss:$0x81] =	vst.msk $0xffff, v3;
	v3 =	vld [tilespmem:s20+$0x20]  }
0x3d: {  	s17 =	sshrl.u32 s17, $0x2;
	v0 =	vld [tilespmem:s20+$0xFFFFFFC0];
	[tilespmem:s19+$0x1020 ss:$0x81] =	vst.msk $0xffff, v4;
	s20 =	sadd.s32 $0x80, s20  }
0x3e: {  	s21 =	simm.s32 $0x4;
	s22 =	simm.s32 $0x8;
	s17 =	sor.u32 $0x8000, s17;
	[tilespmem:s19+$0x1830 ss:$0x81] =	vst.msk $0xffff, v5;
	v4 =	vld [tilespmem:s20+$0x30]  }
.LBB1_3:
0x3f: {  	p1 =	sne.s32 s22, $0x1FC;
	v5 =	vld [tilespmem:s20+$0xFFFFFFD0];
	[tilespmem:s19+$0x2040 ss:$0x81] =	vst.msk $0xffff, v1  }
0x40: {  	v6 =	vld [tilespmem:s20+$0xFFFFFFE0];
	[tilespmem:s19+$0x2850 ss:$0x81] =	vst.msk $0xffff, v2  }
0x41: {  	s23 =	sshra.s32 s21, $0x2;
	s21 =	smov.u32 s22;
	v7 =	vld [tilespmem:s20+$0xFFFFFFF0];
	[tilespmem:s19+$0x3060 ss:$0x81] =	vst.msk $0xffff, v3  }
.Ltmp3:
0x42: {  	v1 =	vld [tilespmem:s20+$0x0];
	[tilespmem:s19+$0x0 ss:$0x81] =	vst.msk $0xffff, v0;
	s19 =	sadd.s32 s23, s18;
	(pc) =	sbr.rel @p1 .LBB1_3-.Ltmp3, $4  }
0x43: {  	v2 =	vld [tilespmem:s20+$0x10];
	[tilespmem:s19+$0x3870 ss:$0x81] =	vst.msk $0xffff, v4  }
0x44: {  	[tilespmem:s19+$0x810 ss:$0x81] =	vst.msk $0xffff, v5;
	v3 =	vld [tilespmem:s20+$0x20]  }
0x45: {  	v0 =	vld [tilespmem:s20+$0xFFFFFFC0];
	[tilespmem:s19+$0x1020 ss:$0x81] =	vst.msk $0xffff, v6;
	s20 =	sadd.s32 $0x80, s20  }
0x46: {  	s22 =	sadd.s32 $0x4, s22;
	v4 =	vld [tilespmem:s20+$0x30];
	[tilespmem:s19+$0x1830 ss:$0x81] =	vst.msk $0xffff, v7  }
.Ltmp4:
0x47: {  	_ = 	snop;
	(pc) =	sbr.rel .LBB1_4-.Ltmp4, $1  }
0x48: {  	_ =	sdelay $0x3  }
.LBB1_6:
0x49: {  	_ =	sfence.sel $0x180000  }
0x4a: {  	s2 =	simm.s32 $0x1;
	[bflag:$0x0] =	sbarrier.arrive $0xFFFF  }
0x4b: {  	s31 =	simm.s32 $0x2;
	[sflag:s2] =	ssyncpa.u1 $0x1  }
0x4c: {  	[sflag:s31] =	ssyncpa.u1 $0x1  }
0x4d: {  	p0 =	sne.s32 s0, $0x0;
	_ =	strace $0x90000047  }
0x4e: {  	s0 =	sadd.s32 @!p0 $0x100000, s1;
	[bflag:$0x2] =	sbarrier.arrive $0xFFFF  }
0x4f: {  	[sflag:s0] =	ssyncadd.tile.s32 @!p0 $0x1;
	_ =	shalt  }
.Lfunc_end1:
_tile_overlayer_lowered:
.L_overlay_start_2:
0x50: {  	(tag) =	ssettag $0x2  }
0x51: {  	s0 =	rddreg [dreg:$0x0];
	s2 =	stileid.u32  }
0x52: {  	s1 =	rddreg [dreg:$0x1];
	p0 =	sne.s32 s2, $0x0  }
0x53: {  	s3 =	rddreg [dreg:$0x2];
	[bflag:$0x3] =	sbarrier.arrive $0xFFFF;
	s2 =	simm.s32 @!p0 $0x1C01  }
0x54: {  	[timem:s3], [sflag:s2] =	dma.local @!p0 [hbm:s0], s1  }
0x55: {  	s0 =	simm.s32 @!p0 $0x1  }
0x56: {  	_ =	swait.ge @!p0 [sflag:s0], s1  }
0x57: {  	s1 =	ssub.s32 @!p0 $0x0, s1;
	[sflag:s0] =	ssyncset.done @!p0 $0x0  }
0x58: {  	[sflag:s0] =	ssyncadd.s32 @!p0 s1  }
0x59: {  	[bflag:$0x3] =	sbarrier.arrive $0xFFFF  }
0x5a: {  	_ =	shalt  }

</sc_bundles>
